<compile_context>
chip_gen: v7x
topology: tpu7x:2x2x1
jax: 0.10.2.dev20260603
libtpu: 0.0.44.dev20260713+nightly
codegen_flags: <defaults>
</compile_context>

<pallas_src>
import jax
import jax.numpy as jnp
from jax import lax
from jax.experimental import pallas as pl
from jax.experimental.pallas import tpu as pltpu
from jax.experimental.pallas import tpu_sc as plsc

VOCAB = 1000000
DIM = 64
MAX_LEN = 200
BATCH = 4096
SCALE = 8.0

NC = 2
NS = 16
NW = NC * NS
SEQ_W = BATCH // NW
NCHUNK = SEQ_W // 2
NPAIR = NCHUNK // 2


def _positional_encoding():
    depth = DIM // 2
    positions = jnp.arange(MAX_LEN)[:, None]
    depths = jnp.arange(depth)[None, :] / depth
    angle_rates = 1.0 / (10000.0 ** depths)
    angle_rads = positions * angle_rates
    pos = jnp.concatenate([jnp.sin(angle_rads), jnp.cos(angle_rads)], axis=-1)
    return pos.astype(jnp.float32)


def _gather_descs(table_hbm, idx_all, chunk, buf, sem):
    descs = []
    for si in range(2):
        for lo, n in ((0, 128), (128, MAX_LEN - 128)):
            descs.append(pltpu.make_async_copy(
                table_hbm.at[idx_all.at[2 * chunk + si, pl.ds(lo, n)]],
                buf.at[si, pl.ds(lo, n)], sem))
    return descs


def _fire_gathers(table_hbm, idx_all, chunk, buf, sem):
    for d in _gather_descs(table_hbm, idx_all, chunk, buf, sem):
        d.start()


def _wait_gathers(table_hbm, idx_all, chunk, buf, sem):
    for d in _gather_descs(table_hbm, idx_all, chunk, buf, sem):
        d.wait()


def _tpe_body(x_hbm, pos_hbm, table_hbm, out_hbm,
              idx_all, pos_v, buf_a, buf_b,
              sem_ga, sem_gb, sem_wa, sem_wb):
    wid = lax.axis_index("s") * NC + lax.axis_index("c")
    seq_base = wid * SEQ_W
    pltpu.sync_copy(x_hbm.at[pl.ds(seq_base, SEQ_W)], idx_all)
    pltpu.sync_copy(pos_hbm, pos_v)

    def compute(buf):
        def row_body(r, carry):
            for j in range(DIM // 16):
                sl = pl.ds(j * 16, 16)
                pv = pos_v[r, sl]
                buf[0, r, sl] = buf[0, r, sl] * SCALE + pv
                buf[1, r, sl] = buf[1, r, sl] * SCALE + pv
            return carry
        lax.fori_loop(0, MAX_LEN, row_body, 0, unroll=8)

    def out_slice(chunk):
        return out_hbm.at[pl.ds(seq_base + 2 * chunk, 2)]

    _fire_gathers(table_hbm, idx_all, 0, buf_a, sem_ga)

    def pair_body(c2, carry):
        ca = 2 * c2
        cb = 2 * c2 + 1

        @pl.when(c2 > 0)
        def _():
            pltpu.make_async_copy(buf_b, out_slice(cb - 2), sem_wb).wait()
        _fire_gathers(table_hbm, idx_all, cb, buf_b, sem_gb)

        _wait_gathers(table_hbm, idx_all, ca, buf_a, sem_ga)
        compute(buf_a)
        pltpu.make_async_copy(buf_a, out_slice(ca), sem_wa).start()

        _wait_gathers(table_hbm, idx_all, cb, buf_b, sem_gb)
        compute(buf_b)
        pltpu.make_async_copy(buf_b, out_slice(cb), sem_wb).start()

        pltpu.make_async_copy(buf_a, out_slice(ca), sem_wa).wait()

        @pl.when(c2 + 1 < NPAIR)
        def _():
            _fire_gathers(table_hbm, idx_all, ca + 2, buf_a, sem_ga)
        return carry

    lax.fori_loop(0, NPAIR, pair_body, 0)

    pltpu.make_async_copy(buf_b, out_slice(NCHUNK - 1), sem_wb).wait()


@jax.jit
def kernel(x, token_table):
    pos = _positional_encoding()
    mesh = plsc.VectorSubcoreMesh(core_axis_name="c", subcore_axis_name="s")
    run = pl.kernel(
        _tpe_body,
        out_type=jax.ShapeDtypeStruct((BATCH, MAX_LEN, DIM), jnp.float32),
        mesh=mesh,
        scratch_types=[
            pltpu.VMEM((SEQ_W, MAX_LEN), jnp.int32),
            pltpu.VMEM((MAX_LEN, DIM), jnp.float32),
            pltpu.VMEM((2, MAX_LEN, DIM), jnp.float32),
            pltpu.VMEM((2, MAX_LEN, DIM), jnp.float32),
            pltpu.SemaphoreType.DMA,
            pltpu.SemaphoreType.DMA,
            pltpu.SemaphoreType.DMA,
            pltpu.SemaphoreType.DMA,
        ],
        compiler_params=pltpu.CompilerParams(use_tc_tiling_on_sc=False),
    )
    return run(x, pos, token_table)

# --- scband reference (transcript-rebuilt; emitter-appended) ---
"""Pipeline reference for scband-token-and-position-embedding-31095563223531 (READ-ONLY COPY).

The authoritative reference and input builder live on the scoring server;
editing this copy changes nothing except your own understanding.
"""

import jax, jax.numpy as jnp
import numpy as np

VOCAB = 1000000
DIM = 64
MAX_LEN = 200
BATCH = 4096
ANGLE_RATE_MULTIPLIER = 10000


def positional_encoding(length, depth_full):
    depth = depth_full // 2
    positions = jnp.arange(length)[:, jnp.newaxis]
    depths = jnp.arange(depth)[jnp.newaxis, :] / depth
    angle_rates = 1.0 / (ANGLE_RATE_MULTIPLIER ** depths)
    angle_rads = positions * angle_rates
    pos_encoding = jnp.concatenate([jnp.sin(angle_rads), jnp.cos(angle_rads)], axis=-1)
    return pos_encoding.astype(jnp.float32)


def setup_inputs(seed: int = 0) -> dict:
    key = jax.random.key(seed)
    k1, k2 = jax.random.split(key)
    x = jax.random.randint(k1, (BATCH, MAX_LEN), 0, VOCAB, dtype=jnp.int32)
    # token embedding table (Keras Embedding default init ~ uniform, use small normal)
    token_table = jax.random.normal(k2, (VOCAB, DIM), dtype=jnp.float32) * 0.02
    return {"x": x, "token_table": token_table}


def reference(x, token_table):
    # token embedding lookup (mask_zero only affects masking metadata, not values)
    token_embeddings = jnp.take(token_table, x, axis=0)
    # sinusoidal branch: scale by sqrt(d_model) then add fixed positional encoding
    token_embeddings = token_embeddings * jnp.sqrt(jnp.asarray(DIM, dtype=jnp.float32))
    pos = positional_encoding(MAX_LEN, DIM)[jnp.newaxis, :, :]
    return token_embeddings + pos

if __name__ == "__main__":
    import jax
    _d = setup_inputs()
    print(jax.jit(kernel)(*tuple(_d.values())))

</pallas_src>

<mosaic_0001>
#map = affine_map<(d0, d1) -> (0, 0)>
#map1 = affine_map<(d0, d1) -> (0, 0, 0)>
module attributes {stable_mosaic.version = 14 : i64} {
  func.func @_tpe_body(%arg0: i32, %arg1: i32, %arg2: memref<4096x200xi32, #tpu.memory_space<hbm>>, %arg3: memref<200x64xf32, #tpu.memory_space<hbm>>, %arg4: memref<1000000x64xf32, #tpu.memory_space<hbm>>, %arg5: memref<4096x200x64xf32, #tpu.memory_space<hbm>>, %arg6: memref<128x200xi32, #tpu.memory_space<vmem>>, %arg7: memref<200x64xf32, #tpu.memory_space<vmem>>, %arg8: memref<2x200x64xf32, #tpu.memory_space<vmem>>, %arg9: memref<2x200x64xf32, #tpu.memory_space<vmem>>, %arg10: memref<!tpu.dma_semaphore, #tpu.memory_space<semaphore_mem>>, %arg11: memref<!tpu.dma_semaphore, #tpu.memory_space<semaphore_mem>>, %arg12: memref<!tpu.dma_semaphore, #tpu.memory_space<semaphore_mem>>, %arg13: memref<!tpu.dma_semaphore, #tpu.memory_space<semaphore_mem>>) attributes {dimension_semantics = [#tpu.dimension_semantics<core_parallel>, #tpu.dimension_semantics<subcore_parallel>], iteration_bounds = array<i64: 2, 16>, scalar_prefetch = 0 : i64, scratch_operands = 8 : i64, tpu.core_type = #tpu.core_type<sc_vector_subcore>, window_params = [{transform_indices = #map}, {transform_indices = #map}, {transform_indices = #map}, {transform_indices = #map1}]} {
    %mul3A = arith.constant 2 : i32
    %mul3A_0 = arith.muli %arg1, %mul3A : i32
    %add3A = arith.addi %mul3A_0, %arg0 : i32
    %mul3A_1 = arith.constant 128 : i32
    %mul3A_2 = arith.muli %add3A, %mul3A_1 : i32
    "tpu.region"() ({
      %run_scoped3A = tpu.sem_alloc : memref<!tpu.dma_semaphore, #tpu.memory_space<semaphore_mem>>
      %dma_start3A_62 = arith.constant 0 : i32
      %dma_start3A_63 = tpu.memref_slice %arg2[%mul3A_2, %dma_start3A_62] : memref<4096x200xi32, #tpu.memory_space<hbm>> -> memref<128x200xi32, #tpu.memory_space<hbm>>
      %dma_start3A_64 = arith.constant 0 : i32
      %dma_start3A_65 = tpu.memref_slice %arg2[%mul3A_2, %dma_start3A_64] : memref<4096x200xi32, #tpu.memory_space<hbm>> -> memref<128x200xi32, #tpu.memory_space<hbm>>
      tpu.enqueue_dma source(%dma_start3A_65 : memref<128x200xi32, #tpu.memory_space<hbm>>) target(%arg6 : memref<128x200xi32, #tpu.memory_space<vmem>>) target_semaphore(%run_scoped3A : memref<!tpu.dma_semaphore, #tpu.memory_space<semaphore_mem>>)
      %dma_wait3A_66 = arith.constant 0 : i32
      %dma_wait3A_67 = tpu.memref_slice %arg2[%mul3A_2, %dma_wait3A_66] : memref<4096x200xi32, #tpu.memory_space<hbm>> -> memref<128x200xi32, #tpu.memory_space<hbm>>
      %dma_wait3A_68 = arith.constant 0 : i32
      %dma_wait3A_69 = tpu.memref_slice %arg2[%mul3A_2, %dma_wait3A_68] : memref<4096x200xi32, #tpu.memory_space<hbm>> -> memref<128x200xi32, #tpu.memory_space<hbm>>
      tpu.wait_dma2 semaphore(%run_scoped3A : memref<!tpu.dma_semaphore, #tpu.memory_space<semaphore_mem>>) src(%dma_wait3A_69 : memref<128x200xi32, #tpu.memory_space<hbm>>) dst(%arg6 : memref<128x200xi32, #tpu.memory_space<vmem>>)
      tpu.yield
    }) : () -> ()
    "tpu.region"() ({
      %run_scoped3A = tpu.sem_alloc : memref<!tpu.dma_semaphore, #tpu.memory_space<semaphore_mem>>
      tpu.enqueue_dma source(%arg3 : memref<200x64xf32, #tpu.memory_space<hbm>>) target(%arg7 : memref<200x64xf32, #tpu.memory_space<vmem>>) target_semaphore(%run_scoped3A : memref<!tpu.dma_semaphore, #tpu.memory_space<semaphore_mem>>)
      tpu.wait_dma2 semaphore(%run_scoped3A : memref<!tpu.dma_semaphore, #tpu.memory_space<semaphore_mem>>) src(%arg3 : memref<200x64xf32, #tpu.memory_space<hbm>>) dst(%arg7 : memref<200x64xf32, #tpu.memory_space<vmem>>)
      tpu.yield
    }) : () -> ()
    %dma_start3A = arith.constant 0 : i32
    %dma_start3A_3 = arith.constant 0 : i32
    %dma_start3A_4 = arith.constant 0 : i32
    %dma_start3A_5 = arith.constant 0 : i32
    %dma_start3A_6 = tpu.memref_slice %arg8[%dma_start3A_3, %dma_start3A_4, %dma_start3A_5] : memref<2x200x64xf32, #tpu.memory_space<vmem>> -> memref<1x128x64xf32, #tpu.memory_space<vmem>>
    %dma_start3A_7 = tpu.memref_squeeze %dma_start3A_6 : memref<1x128x64xf32, #tpu.memory_space<vmem>> -> memref<128x64xf32, #tpu.memory_space<vmem>>
    %dma_start3A_8 = arith.constant 0 : i32
    %dma_start3A_9 = tpu.memref_slice %arg6[%dma_start3A, %dma_start3A_8] : memref<128x200xi32, #tpu.memory_space<vmem>> -> memref<1x128xi32, #tpu.memory_space<vmem>>
    %dma_start3A_10 = tpu.memref_squeeze %dma_start3A_9 : memref<1x128xi32, #tpu.memory_space<vmem>> -> memref<128xi32, #tpu.memory_space<vmem>>
    %dma_start3A_11 = arith.constant 0 : i32
    %dma_start3A_12 = arith.constant 0 : i32
    %dma_start3A_13 = tpu.memref_slice %arg4[%dma_start3A_11, %dma_start3A_12] : memref<1000000x64xf32, #tpu.memory_space<hbm>> -> memref<1000000x64xf32, #tpu.memory_space<hbm>>
    tpu.enqueue_indirect_dma source(%dma_start3A_13 : memref<1000000x64xf32, #tpu.memory_space<hbm>>) target(%dma_start3A_7 : memref<128x64xf32, #tpu.memory_space<vmem>>) offsets(%dma_start3A_10 : memref<128xi32, #tpu.memory_space<vmem>>) semaphore(%arg10 : memref<!tpu.dma_semaphore, #tpu.memory_space<semaphore_mem>>)
    %dma_start3A_14 = arith.constant 0 : i32
    %dma_start3A_15 = arith.constant 0 : i32
    %dma_start3A_16 = arith.constant 128 : i32
    %dma_start3A_17 = arith.constant 0 : i32
    %dma_start3A_18 = tpu.memref_slice %arg8[%dma_start3A_15, %dma_start3A_16, %dma_start3A_17] : memref<2x200x64xf32, #tpu.memory_space<vmem>> -> memref<1x72x64xf32, #tpu.memory_space<vmem>>
    %dma_start3A_19 = tpu.memref_squeeze %dma_start3A_18 : memref<1x72x64xf32, #tpu.memory_space<vmem>> -> memref<72x64xf32, #tpu.memory_space<vmem>>
    %dma_start3A_20 = arith.constant 128 : i32
    %dma_start3A_21 = tpu.memref_slice %arg6[%dma_start3A_14, %dma_start3A_20] : memref<128x200xi32, #tpu.memory_space<vmem>> -> memref<1x72xi32, #tpu.memory_space<vmem>>
    %dma_start3A_22 = tpu.memref_squeeze %dma_start3A_21 : memref<1x72xi32, #tpu.memory_space<vmem>> -> memref<72xi32, #tpu.memory_space<vmem>>
    %dma_start3A_23 = arith.constant 0 : i32
    %dma_start3A_24 = arith.constant 0 : i32
    %dma_start3A_25 = tpu.memref_slice %arg4[%dma_start3A_23, %dma_start3A_24] : memref<1000000x64xf32, #tpu.memory_space<hbm>> -> memref<1000000x64xf32, #tpu.memory_space<hbm>>
    tpu.enqueue_indirect_dma source(%dma_start3A_25 : memref<1000000x64xf32, #tpu.memory_space<hbm>>) target(%dma_start3A_19 : memref<72x64xf32, #tpu.memory_space<vmem>>) offsets(%dma_start3A_22 : memref<72xi32, #tpu.memory_space<vmem>>) semaphore(%arg10 : memref<!tpu.dma_semaphore, #tpu.memory_space<semaphore_mem>>)
    %dma_start3A_26 = arith.constant 1 : i32
    %dma_start3A_27 = arith.constant 1 : i32
    %dma_start3A_28 = arith.constant 0 : i32
    %dma_start3A_29 = arith.constant 0 : i32
    %dma_start3A_30 = tpu.memref_slice %arg8[%dma_start3A_27, %dma_start3A_28, %dma_start3A_29] : memref<2x200x64xf32, #tpu.memory_space<vmem>> -> memref<1x128x64xf32, #tpu.memory_space<vmem>>
    %dma_start3A_31 = tpu.memref_squeeze %dma_start3A_30 : memref<1x128x64xf32, #tpu.memory_space<vmem>> -> memref<128x64xf32, #tpu.memory_space<vmem>>
    %dma_start3A_32 = arith.constant 0 : i32
    %dma_start3A_33 = tpu.memref_slice %arg6[%dma_start3A_26, %dma_start3A_32] : memref<128x200xi32, #tpu.memory_space<vmem>> -> memref<1x128xi32, #tpu.memory_space<vmem>>
    %dma_start3A_34 = tpu.memref_squeeze %dma_start3A_33 : memref<1x128xi32, #tpu.memory_space<vmem>> -> memref<128xi32, #tpu.memory_space<vmem>>
    %dma_start3A_35 = arith.constant 0 : i32
    %dma_start3A_36 = arith.constant 0 : i32
    %dma_start3A_37 = tpu.memref_slice %arg4[%dma_start3A_35, %dma_start3A_36] : memref<1000000x64xf32, #tpu.memory_space<hbm>> -> memref<1000000x64xf32, #tpu.memory_space<hbm>>
    tpu.enqueue_indirect_dma source(%dma_start3A_37 : memref<1000000x64xf32, #tpu.memory_space<hbm>>) target(%dma_start3A_31 : memref<128x64xf32, #tpu.memory_space<vmem>>) offsets(%dma_start3A_34 : memref<128xi32, #tpu.memory_space<vmem>>) semaphore(%arg10 : memref<!tpu.dma_semaphore, #tpu.memory_space<semaphore_mem>>)
    %dma_start3A_38 = arith.constant 1 : i32
    %dma_start3A_39 = arith.constant 1 : i32
    %dma_start3A_40 = arith.constant 128 : i32
    %dma_start3A_41 = arith.constant 0 : i32
    %dma_start3A_42 = tpu.memref_slice %arg8[%dma_start3A_39, %dma_start3A_40, %dma_start3A_41] : memref<2x200x64xf32, #tpu.memory_space<vmem>> -> memref<1x72x64xf32, #tpu.memory_space<vmem>>
    %dma_start3A_43 = tpu.memref_squeeze %dma_start3A_42 : memref<1x72x64xf32, #tpu.memory_space<vmem>> -> memref<72x64xf32, #tpu.memory_space<vmem>>
    %dma_start3A_44 = arith.constant 128 : i32
    %dma_start3A_45 = tpu.memref_slice %arg6[%dma_start3A_38, %dma_start3A_44] : memref<128x200xi32, #tpu.memory_space<vmem>> -> memref<1x72xi32, #tpu.memory_space<vmem>>
    %dma_start3A_46 = tpu.memref_squeeze %dma_start3A_45 : memref<1x72xi32, #tpu.memory_space<vmem>> -> memref<72xi32, #tpu.memory_space<vmem>>
    %dma_start3A_47 = arith.constant 0 : i32
    %dma_start3A_48 = arith.constant 0 : i32
    %dma_start3A_49 = tpu.memref_slice %arg4[%dma_start3A_47, %dma_start3A_48] : memref<1000000x64xf32, #tpu.memory_space<hbm>> -> memref<1000000x64xf32, #tpu.memory_space<hbm>>
    tpu.enqueue_indirect_dma source(%dma_start3A_49 : memref<1000000x64xf32, #tpu.memory_space<hbm>>) target(%dma_start3A_43 : memref<72x64xf32, #tpu.memory_space<vmem>>) offsets(%dma_start3A_46 : memref<72xi32, #tpu.memory_space<vmem>>) semaphore(%arg10 : memref<!tpu.dma_semaphore, #tpu.memory_space<semaphore_mem>>)
    %scan3A = arith.constant 0 : i32
    %scan3A_50 = arith.constant 0 : i32
    %scan3A_51 = arith.constant 32 : i32
    %scan3A_52 = arith.addi %scan3A_50, %scan3A_51 : i32
    %scan3A_53 = arith.constant 1 : i32
    scf.for %scan3A_62 = %scan3A_50 to %scan3A_52 step %scan3A_53  : i32 {
      %mul3A_63 = arith.constant 2 : i32
      %mul3A_64 = arith.muli %mul3A_63, %scan3A_62 : i32
      %mul3A_65 = arith.constant 2 : i32
      %mul3A_66 = arith.muli %mul3A_65, %scan3A_62 : i32
      %add3A_67 = arith.constant 1 : i32
      %add3A_68 = arith.addi %mul3A_66, %add3A_67 : i32
      %gt3A = arith.constant 0 : i32
      %gt3A_69 = arith.cmpi sgt, %scan3A_62, %gt3A : i32
      %convert_element_type3A = arith.extui %gt3A_69 : i1 to i32
      %cond3A = arith.constant 0 : i32
      %cond3A_70 = arith.cmpi ne, %convert_element_type3A, %cond3A : i32
      scf.if %cond3A_70 {
        %sub3A = arith.constant 2 : i32
        %sub3A_296 = arith.subi %add3A_68, %sub3A : i32
        %mul3A_297 = arith.constant 2 : i32
        %mul3A_298 = arith.muli %mul3A_297, %sub3A_296 : i32
        %add3A_299 = arith.addi %mul3A_2, %mul3A_298 : i32
        %dma_wait3A_300 = arith.constant 0 : i32
        %dma_wait3A_301 = arith.constant 0 : i32
        %dma_wait3A_302 = tpu.memref_slice %arg5[%add3A_299, %dma_wait3A_300, %dma_wait3A_301] : memref<4096x200x64xf32, #tpu.memory_space<hbm>> -> memref<2x200x64xf32, #tpu.memory_space<hbm>>
        %dma_wait3A_303 = arith.constant 0 : i32
        %dma_wait3A_304 = arith.constant 0 : i32
        %dma_wait3A_305 = tpu.memref_slice %arg5[%add3A_299, %dma_wait3A_303, %dma_wait3A_304] : memref<4096x200x64xf32, #tpu.memory_space<hbm>> -> memref<2x200x64xf32, #tpu.memory_space<hbm>>
        tpu.wait_dma2 semaphore(%arg13 : memref<!tpu.dma_semaphore, #tpu.memory_space<semaphore_mem>>) src(%arg9 : memref<2x200x64xf32, #tpu.memory_space<vmem>>) dst(%dma_wait3A_305 : memref<2x200x64xf32, #tpu.memory_space<hbm>>)
      } else {
      }
      %mul3A_71 = arith.constant 2 : i32
      %mul3A_72 = arith.muli %mul3A_71, %add3A_68 : i32
      %add3A_73 = arith.constant 0 : i32
      %add3A_74 = arith.addi %mul3A_72, %add3A_73 : i32
      %mul3A_75 = arith.constant 2 : i32
      %mul3A_76 = arith.muli %mul3A_75, %add3A_68 : i32
      %add3A_77 = arith.constant 0 : i32
      %add3A_78 = arith.addi %mul3A_76, %add3A_77 : i32
      %mul3A_79 = arith.constant 2 : i32
      %mul3A_80 = arith.muli %mul3A_79, %add3A_68 : i32
      %add3A_81 = arith.constant 1 : i32
      %add3A_82 = arith.addi %mul3A_80, %add3A_81 : i32
      %mul3A_83 = arith.constant 2 : i32
      %mul3A_84 = arith.muli %mul3A_83, %add3A_68 : i32
      %add3A_85 = arith.constant 1 : i32
      %add3A_86 = arith.addi %mul3A_84, %add3A_85 : i32
      %dma_start3A_87 = arith.constant 0 : i32
      %dma_start3A_88 = arith.constant 0 : i32
      %dma_start3A_89 = arith.constant 0 : i32
      %dma_start3A_90 = tpu.memref_slice %arg9[%dma_start3A_87, %dma_start3A_88, %dma_start3A_89] : memref<2x200x64xf32, #tpu.memory_space<vmem>> -> memref<1x128x64xf32, #tpu.memory_space<vmem>>
      %dma_start3A_91 = tpu.memref_squeeze %dma_start3A_90 : memref<1x128x64xf32, #tpu.memory_space<vmem>> -> memref<128x64xf32, #tpu.memory_space<vmem>>
      %dma_start3A_92 = arith.constant 0 : i32
      %dma_start3A_93 = tpu.memref_slice %arg6[%add3A_74, %dma_start3A_92] : memref<128x200xi32, #tpu.memory_space<vmem>> -> memref<1x128xi32, #tpu.memory_space<vmem>>
      %dma_start3A_94 = tpu.memref_squeeze %dma_start3A_93 : memref<1x128xi32, #tpu.memory_space<vmem>> -> memref<128xi32, #tpu.memory_space<vmem>>
      %dma_start3A_95 = arith.constant 0 : i32
      %dma_start3A_96 = arith.constant 0 : i32
      %dma_start3A_97 = tpu.memref_slice %arg4[%dma_start3A_95, %dma_start3A_96] : memref<1000000x64xf32, #tpu.memory_space<hbm>> -> memref<1000000x64xf32, #tpu.memory_space<hbm>>
      tpu.enqueue_indirect_dma source(%dma_start3A_97 : memref<1000000x64xf32, #tpu.memory_space<hbm>>) target(%dma_start3A_91 : memref<128x64xf32, #tpu.memory_space<vmem>>) offsets(%dma_start3A_94 : memref<128xi32, #tpu.memory_space<vmem>>) semaphore(%arg11 : memref<!tpu.dma_semaphore, #tpu.memory_space<semaphore_mem>>)
      %dma_start3A_98 = arith.constant 0 : i32
      %dma_start3A_99 = arith.constant 128 : i32
      %dma_start3A_100 = arith.constant 0 : i32
      %dma_start3A_101 = tpu.memref_slice %arg9[%dma_start3A_98, %dma_start3A_99, %dma_start3A_100] : memref<2x200x64xf32, #tpu.memory_space<vmem>> -> memref<1x72x64xf32, #tpu.memory_space<vmem>>
      %dma_start3A_102 = tpu.memref_squeeze %dma_start3A_101 : memref<1x72x64xf32, #tpu.memory_space<vmem>> -> memref<72x64xf32, #tpu.memory_space<vmem>>
      %dma_start3A_103 = arith.constant 128 : i32
      %dma_start3A_104 = tpu.memref_slice %arg6[%add3A_78, %dma_start3A_103] : memref<128x200xi32, #tpu.memory_space<vmem>> -> memref<1x72xi32, #tpu.memory_space<vmem>>
      %dma_start3A_105 = tpu.memref_squeeze %dma_start3A_104 : memref<1x72xi32, #tpu.memory_space<vmem>> -> memref<72xi32, #tpu.memory_space<vmem>>
      %dma_start3A_106 = arith.constant 0 : i32
      %dma_start3A_107 = arith.constant 0 : i32
      %dma_start3A_108 = tpu.memref_slice %arg4[%dma_start3A_106, %dma_start3A_107] : memref<1000000x64xf32, #tpu.memory_space<hbm>> -> memref<1000000x64xf32, #tpu.memory_space<hbm>>
      tpu.enqueue_indirect_dma source(%dma_start3A_108 : memref<1000000x64xf32, #tpu.memory_space<hbm>>) target(%dma_start3A_102 : memref<72x64xf32, #tpu.memory_space<vmem>>) offsets(%dma_start3A_105 : memref<72xi32, #tpu.memory_space<vmem>>) semaphore(%arg11 : memref<!tpu.dma_semaphore, #tpu.memory_space<semaphore_mem>>)
      %dma_start3A_109 = arith.constant 1 : i32
      %dma_start3A_110 = arith.constant 0 : i32
      %dma_start3A_111 = arith.constant 0 : i32
      %dma_start3A_112 = tpu.memref_slice %arg9[%dma_start3A_109, %dma_start3A_110, %dma_start3A_111] : memref<2x200x64xf32, #tpu.memory_space<vmem>> -> memref<1x128x64xf32, #tpu.memory_space<vmem>>
      %dma_start3A_113 = tpu.memref_squeeze %dma_start3A_112 : memref<1x128x64xf32, #tpu.memory_space<vmem>> -> memref<128x64xf32, #tpu.memory_space<vmem>>
      %dma_start3A_114 = arith.constant 0 : i32
      %dma_start3A_115 = tpu.memref_slice %arg6[%add3A_82, %dma_start3A_114] : memref<128x200xi32, #tpu.memory_space<vmem>> -> memref<1x128xi32, #tpu.memory_space<vmem>>
      %dma_start3A_116 = tpu.memref_squeeze %dma_start3A_115 : memref<1x128xi32, #tpu.memory_space<vmem>> -> memref<128xi32, #tpu.memory_space<vmem>>
      %dma_start3A_117 = arith.constant 0 : i32
      %dma_start3A_118 = arith.constant 0 : i32
      %dma_start3A_119 = tpu.memref_slice %arg4[%dma_start3A_117, %dma_start3A_118] : memref<1000000x64xf32, #tpu.memory_space<hbm>> -> memref<1000000x64xf32, #tpu.memory_space<hbm>>
      tpu.enqueue_indirect_dma source(%dma_start3A_119 : memref<1000000x64xf32, #tpu.memory_space<hbm>>) target(%dma_start3A_113 : memref<128x64xf32, #tpu.memory_space<vmem>>) offsets(%dma_start3A_116 : memref<128xi32, #tpu.memory_space<vmem>>) semaphore(%arg11 : memref<!tpu.dma_semaphore, #tpu.memory_space<semaphore_mem>>)
      %dma_start3A_120 = arith.constant 1 : i32
      %dma_start3A_121 = arith.constant 128 : i32
      %dma_start3A_122 = arith.constant 0 : i32
      %dma_start3A_123 = tpu.memref_slice %arg9[%dma_start3A_120, %dma_start3A_121, %dma_start3A_122] : memref<2x200x64xf32, #tpu.memory_space<vmem>> -> memref<1x72x64xf32, #tpu.memory_space<vmem>>
      %dma_start3A_124 = tpu.memref_squeeze %dma_start3A_123 : memref<1x72x64xf32, #tpu.memory_space<vmem>> -> memref<72x64xf32, #tpu.memory_space<vmem>>
      %dma_start3A_125 = arith.constant 128 : i32
      %dma_start3A_126 = tpu.memref_slice %arg6[%add3A_86, %dma_start3A_125] : memref<128x200xi32, #tpu.memory_space<vmem>> -> memref<1x72xi32, #tpu.memory_space<vmem>>
      %dma_start3A_127 = tpu.memref_squeeze %dma_start3A_126 : memref<1x72xi32, #tpu.memory_space<vmem>> -> memref<72xi32, #tpu.memory_space<vmem>>
      %dma_start3A_128 = arith.constant 0 : i32
      %dma_start3A_129 = arith.constant 0 : i32
      %dma_start3A_130 = tpu.memref_slice %arg4[%dma_start3A_128, %dma_start3A_129] : memref<1000000x64xf32, #tpu.memory_space<hbm>> -> memref<1000000x64xf32, #tpu.memory_space<hbm>>
      tpu.enqueue_indirect_dma source(%dma_start3A_130 : memref<1000000x64xf32, #tpu.memory_space<hbm>>) target(%dma_start3A_124 : memref<72x64xf32, #tpu.memory_space<vmem>>) offsets(%dma_start3A_127 : memref<72xi32, #tpu.memory_space<vmem>>) semaphore(%arg11 : memref<!tpu.dma_semaphore, #tpu.memory_space<semaphore_mem>>)
      %mul3A_131 = arith.constant 2 : i32
      %mul3A_132 = arith.muli %mul3A_131, %mul3A_64 : i32
      %add3A_133 = arith.constant 0 : i32
      %add3A_134 = arith.addi %mul3A_132, %add3A_133 : i32
      %mul3A_135 = arith.constant 2 : i32
      %mul3A_136 = arith.muli %mul3A_135, %mul3A_64 : i32
      %add3A_137 = arith.constant 0 : i32
      %add3A_138 = arith.addi %mul3A_136, %add3A_137 : i32
      %mul3A_139 = arith.constant 2 : i32
      %mul3A_140 = arith.muli %mul3A_139, %mul3A_64 : i32
      %add3A_141 = arith.constant 1 : i32
      %add3A_142 = arith.addi %mul3A_140, %add3A_141 : i32
      %mul3A_143 = arith.constant 2 : i32
      %mul3A_144 = arith.muli %mul3A_143, %mul3A_64 : i32
      %add3A_145 = arith.constant 1 : i32
      %add3A_146 = arith.addi %mul3A_144, %add3A_145 : i32
      %dma_wait3A_147 = arith.constant 0 : i32
      %dma_wait3A_148 = arith.constant 0 : i32
      %dma_wait3A_149 = arith.constant 0 : i32
      %dma_wait3A_150 = tpu.memref_slice %arg8[%dma_wait3A_147, %dma_wait3A_148, %dma_wait3A_149] : memref<2x200x64xf32, #tpu.memory_space<vmem>> -> memref<1x128x64xf32, #tpu.memory_space<vmem>>
      %dma_wait3A_151 = tpu.memref_squeeze %dma_wait3A_150 : memref<1x128x64xf32, #tpu.memory_space<vmem>> -> memref<128x64xf32, #tpu.memory_space<vmem>>
      %dma_wait3A_152 = arith.constant 0 : i32
      %dma_wait3A_153 = tpu.memref_slice %arg6[%add3A_134, %dma_wait3A_152] : memref<128x200xi32, #tpu.memory_space<vmem>> -> memref<1x128xi32, #tpu.memory_space<vmem>>
      %dma_wait3A_154 = tpu.memref_squeeze %dma_wait3A_153 : memref<1x128xi32, #tpu.memory_space<vmem>> -> memref<128xi32, #tpu.memory_space<vmem>>
      %dma_wait3A_155 = arith.constant 0 : i32
      %dma_wait3A_156 = arith.constant 0 : i32
      %dma_wait3A_157 = tpu.memref_slice %arg4[%dma_wait3A_155, %dma_wait3A_156] : memref<1000000x64xf32, #tpu.memory_space<hbm>> -> memref<1000000x64xf32, #tpu.memory_space<hbm>>
      tpu.wait_indirect_dma semaphore(%arg10 : memref<!tpu.dma_semaphore, #tpu.memory_space<semaphore_mem>>) src(%dma_wait3A_157 : memref<1000000x64xf32, #tpu.memory_space<hbm>>) dst(%dma_wait3A_151 : memref<128x64xf32, #tpu.memory_space<vmem>>)
      %dma_wait3A_158 = arith.constant 0 : i32
      %dma_wait3A_159 = arith.constant 128 : i32
      %dma_wait3A_160 = arith.constant 0 : i32
      %dma_wait3A_161 = tpu.memref_slice %arg8[%dma_wait3A_158, %dma_wait3A_159, %dma_wait3A_160] : memref<2x200x64xf32, #tpu.memory_space<vmem>> -> memref<1x72x64xf32, #tpu.memory_space<vmem>>
      %dma_wait3A_162 = tpu.memref_squeeze %dma_wait3A_161 : memref<1x72x64xf32, #tpu.memory_space<vmem>> -> memref<72x64xf32, #tpu.memory_space<vmem>>
      %dma_wait3A_163 = arith.constant 128 : i32
      %dma_wait3A_164 = tpu.memref_slice %arg6[%add3A_138, %dma_wait3A_163] : memref<128x200xi32, #tpu.memory_space<vmem>> -> memref<1x72xi32, #tpu.memory_space<vmem>>
      %dma_wait3A_165 = tpu.memref_squeeze %dma_wait3A_164 : memref<1x72xi32, #tpu.memory_space<vmem>> -> memref<72xi32, #tpu.memory_space<vmem>>
      %dma_wait3A_166 = arith.constant 0 : i32
      %dma_wait3A_167 = arith.constant 0 : i32
      %dma_wait3A_168 = tpu.memref_slice %arg4[%dma_wait3A_166, %dma_wait3A_167] : memref<1000000x64xf32, #tpu.memory_space<hbm>> -> memref<1000000x64xf32, #tpu.memory_space<hbm>>
      tpu.wait_indirect_dma semaphore(%arg10 : memref<!tpu.dma_semaphore, #tpu.memory_space<semaphore_mem>>) src(%dma_wait3A_168 : memref<1000000x64xf32, #tpu.memory_space<hbm>>) dst(%dma_wait3A_162 : memref<72x64xf32, #tpu.memory_space<vmem>>)
      %dma_wait3A_169 = arith.constant 1 : i32
      %dma_wait3A_170 = arith.constant 0 : i32
      %dma_wait3A_171 = arith.constant 0 : i32
      %dma_wait3A_172 = tpu.memref_slice %arg8[%dma_wait3A_169, %dma_wait3A_170, %dma_wait3A_171] : memref<2x200x64xf32, #tpu.memory_space<vmem>> -> memref<1x128x64xf32, #tpu.memory_space<vmem>>
      %dma_wait3A_173 = tpu.memref_squeeze %dma_wait3A_172 : memref<1x128x64xf32, #tpu.memory_space<vmem>> -> memref<128x64xf32, #tpu.memory_space<vmem>>
      %dma_wait3A_174 = arith.constant 0 : i32
      %dma_wait3A_175 = tpu.memref_slice %arg6[%add3A_142, %dma_wait3A_174] : memref<128x200xi32, #tpu.memory_space<vmem>> -> memref<1x128xi32, #tpu.memory_space<vmem>>
      %dma_wait3A_176 = tpu.memref_squeeze %dma_wait3A_175 : memref<1x128xi32, #tpu.memory_space<vmem>> -> memref<128xi32, #tpu.memory_space<vmem>>
      %dma_wait3A_177 = arith.constant 0 : i32
      %dma_wait3A_178 = arith.constant 0 : i32
      %dma_wait3A_179 = tpu.memref_slice %arg4[%dma_wait3A_177, %dma_wait3A_178] : memref<1000000x64xf32, #tpu.memory_space<hbm>> -> memref<1000000x64xf32, #tpu.memory_space<hbm>>
      tpu.wait_indirect_dma semaphore(%arg10 : memref<!tpu.dma_semaphore, #tpu.memory_space<semaphore_mem>>) src(%dma_wait3A_179 : memref<1000000x64xf32, #tpu.memory_space<hbm>>) dst(%dma_wait3A_173 : memref<128x64xf32, #tpu.memory_space<vmem>>)
      %dma_wait3A_180 = arith.constant 1 : i32
      %dma_wait3A_181 = arith.constant 128 : i32
      %dma_wait3A_182 = arith.constant 0 : i32
      %dma_wait3A_183 = tpu.memref_slice %arg8[%dma_wait3A_180, %dma_wait3A_181, %dma_wait3A_182] : memref<2x200x64xf32, #tpu.memory_space<vmem>> -> memref<1x72x64xf32, #tpu.memory_space<vmem>>
      %dma_wait3A_184 = tpu.memref_squeeze %dma_wait3A_183 : memref<1x72x64xf32, #tpu.memory_space<vmem>> -> memref<72x64xf32, #tpu.memory_space<vmem>>
      %dma_wait3A_185 = arith.constant 128 : i32
      %dma_wait3A_186 = tpu.memref_slice %arg6[%add3A_146, %dma_wait3A_185] : memref<128x200xi32, #tpu.memory_space<vmem>> -> memref<1x72xi32, #tpu.memory_space<vmem>>
      %dma_wait3A_187 = tpu.memref_squeeze %dma_wait3A_186 : memref<1x72xi32, #tpu.memory_space<vmem>> -> memref<72xi32, #tpu.memory_space<vmem>>
      %dma_wait3A_188 = arith.constant 0 : i32
      %dma_wait3A_189 = arith.constant 0 : i32
      %dma_wait3A_190 = tpu.memref_slice %arg4[%dma_wait3A_188, %dma_wait3A_189] : memref<1000000x64xf32, #tpu.memory_space<hbm>> -> memref<1000000x64xf32, #tpu.memory_space<hbm>>
      tpu.wait_indirect_dma semaphore(%arg10 : memref<!tpu.dma_semaphore, #tpu.memory_space<semaphore_mem>>) src(%dma_wait3A_190 : memref<1000000x64xf32, #tpu.memory_space<hbm>>) dst(%dma_wait3A_184 : memref<72x64xf32, #tpu.memory_space<vmem>>)
      %scan3A_191 = arith.constant 0 : i32
      %scan3A_192 = arith.constant 0 : i32
      %scan3A_193 = arith.constant 200 : i32
      %scan3A_194 = arith.addi %scan3A_192, %scan3A_193 : i32
      %scan3A_195 = arith.constant 8 : i32
      scf.for %scan3A_296 = %scan3A_192 to %scan3A_194 step %scan3A_195  : i32 {
        %get3A = arith.index_cast %scan3A_296 : i32 to index
        %get3A_297 = arith.constant 0 : index
        %get3A_298 = tpu.vector_load %arg7[%get3A, %get3A_297] {strides = array<i32>} : memref<200x64xf32, #tpu.memory_space<vmem>>, vector<1x16xf32>,
        %get3A_299 = vector.shape_cast %get3A_298 : vector<1x16xf32> to vector<16xf32>
        %get3A_300 = arith.constant 0 : i32
        %get3A_301 = arith.index_cast %get3A_300 : i32 to index
        %get3A_302 = arith.index_cast %scan3A_296 : i32 to index
        %get3A_303 = arith.constant 0 : index
        %get3A_304 = tpu.vector_load %arg8[%get3A_301, %get3A_302, %get3A_303] {strides = array<i32>} : memref<2x200x64xf32, #tpu.memory_space<vmem>>, vector<1x1x16xf32>,
        %get3A_305 = vector.shape_cast %get3A_304 : vector<1x1x16xf32> to vector<16xf32>
        %mul3A_306 = arith.constant 8.000000e+00 : f32
        %mul3A_307 = vector.broadcast %mul3A_306 : f32 to vector<16xf32>
        %mul3A_308 = arith.mulf %get3A_305, %mul3A_307 : vector<16xf32>
        %add3A_309 = arith.addf %mul3A_308, %get3A_299 : vector<16xf32>
        %swap3A = arith.constant 0 : i32
        %swap3A_310 = arith.index_cast %swap3A : i32 to index
        %swap3A_311 = arith.index_cast %scan3A_296 : i32 to index
        %swap3A_312 = arith.constant 0 : index
        %swap3A_313 = tpu.vector_load %arg8[%swap3A_310, %swap3A_311, %swap3A_312] {strides = array<i32>} : memref<2x200x64xf32, #tpu.memory_space<vmem>>, vector<1x1x16xf32>,
        %swap3A_314 = vector.shape_cast %swap3A_313 : vector<1x1x16xf32> to vector<16xf32>
        %swap3A_315 = vector.shape_cast %add3A_309 : vector<16xf32> to vector<1x1x16xf32>
        tpu.vector_store %arg8[%swap3A_310, %swap3A_311, %swap3A_312], %swap3A_315 {strides = array<i32>} : memref<2x200x64xf32, #tpu.memory_space<vmem>>, vector<1x1x16xf32>,
        %get3A_316 = arith.constant 1 : i32
        %get3A_317 = arith.index_cast %get3A_316 : i32 to index
        %get3A_318 = arith.index_cast %scan3A_296 : i32 to index
        %get3A_319 = arith.constant 0 : index
        %get3A_320 = tpu.vector_load %arg8[%get3A_317, %get3A_318, %get3A_319] {strides = array<i32>} : memref<2x200x64xf32, #tpu.memory_space<vmem>>, vector<1x1x16xf32>,
        %get3A_321 = vector.shape_cast %get3A_320 : vector<1x1x16xf32> to vector<16xf32>
        %mul3A_322 = arith.constant 8.000000e+00 : f32
        %mul3A_323 = vector.broadcast %mul3A_322 : f32 to vector<16xf32>
        %mul3A_324 = arith.mulf %get3A_321, %mul3A_323 : vector<16xf32>
        %add3A_325 = arith.addf %mul3A_324, %get3A_299 : vector<16xf32>
        %swap3A_326 = arith.constant 1 : i32
        %swap3A_327 = arith.index_cast %swap3A_326 : i32 to index
        %swap3A_328 = arith.index_cast %scan3A_296 : i32 to index
        %swap3A_329 = arith.constant 0 : index
        %swap3A_330 = tpu.vector_load %arg8[%swap3A_327, %swap3A_328, %swap3A_329] {strides = array<i32>} : memref<2x200x64xf32, #tpu.memory_space<vmem>>, vector<1x1x16xf32>,
        %swap3A_331 = vector.shape_cast %swap3A_330 : vector<1x1x16xf32> to vector<16xf32>
        %swap3A_332 = vector.shape_cast %add3A_325 : vector<16xf32> to vector<1x1x16xf32>
        tpu.vector_store %arg8[%swap3A_327, %swap3A_328, %swap3A_329], %swap3A_332 {strides = array<i32>} : memref<2x200x64xf32, #tpu.memory_space<vmem>>, vector<1x1x16xf32>,
        %get3A_333 = arith.index_cast %scan3A_296 : i32 to index
        %get3A_334 = arith.constant 16 : index
        %get3A_335 = tpu.vector_load %arg7[%get3A_333, %get3A_334] {strides = array<i32>} : memref<200x64xf32, #tpu.memory_space<vmem>>, vector<1x16xf32>,
        %get3A_336 = vector.shape_cast %get3A_335 : vector<1x16xf32> to vector<16xf32>
        %get3A_337 = arith.constant 0 : i32
        %get3A_338 = arith.index_cast %get3A_337 : i32 to index
        %get3A_339 = arith.index_cast %scan3A_296 : i32 to index
        %get3A_340 = arith.constant 16 : index
        %get3A_341 = tpu.vector_load %arg8[%get3A_338, %get3A_339, %get3A_340] {strides = array<i32>} : memref<2x200x64xf32, #tpu.memory_space<vmem>>, vector<1x1x16xf32>,
        %get3A_342 = vector.shape_cast %get3A_341 : vector<1x1x16xf32> to vector<16xf32>
        %mul3A_343 = arith.constant 8.000000e+00 : f32
        %mul3A_344 = vector.broadcast %mul3A_343 : f32 to vector<16xf32>
        %mul3A_345 = arith.mulf %get3A_342, %mul3A_344 : vector<16xf32>
        %add3A_346 = arith.addf %mul3A_345, %get3A_336 : vector<16xf32>
        %swap3A_347 = arith.constant 0 : i32
        %swap3A_348 = arith.index_cast %swap3A_347 : i32 to index
        %swap3A_349 = arith.index_cast %scan3A_296 : i32 to index
        %swap3A_350 = arith.constant 16 : index
        %swap3A_351 = tpu.vector_load %arg8[%swap3A_348, %swap3A_349, %swap3A_350] {strides = array<i32>} : memref<2x200x64xf32, #tpu.memory_space<vmem>>, vector<1x1x16xf32>,
        %swap3A_352 = vector.shape_cast %swap3A_351 : vector<1x1x16xf32> to vector<16xf32>
        %swap3A_353 = vector.shape_cast %add3A_346 : vector<16xf32> to vector<1x1x16xf32>
        tpu.vector_store %arg8[%swap3A_348, %swap3A_349, %swap3A_350], %swap3A_353 {strides = array<i32>} : memref<2x200x64xf32, #tpu.memory_space<vmem>>, vector<1x1x16xf32>,
        %get3A_354 = arith.constant 1 : i32
        %get3A_355 = arith.index_cast %get3A_354 : i32 to index
        %get3A_356 = arith.index_cast %scan3A_296 : i32 to index
        %get3A_357 = arith.constant 16 : index
        %get3A_358 = tpu.vector_load %arg8[%get3A_355, %get3A_356, %get3A_357] {strides = array<i32>} : memref<2x200x64xf32, #tpu.memory_space<vmem>>, vector<1x1x16xf32>,
        %get3A_359 = vector.shape_cast %get3A_358 : vector<1x1x16xf32> to vector<16xf32>
        %mul3A_360 = arith.constant 8.000000e+00 : f32
        %mul3A_361 = vector.broadcast %mul3A_360 : f32 to vector<16xf32>
        %mul3A_362 = arith.mulf %get3A_359, %mul3A_361 : vector<16xf32>
        %add3A_363 = arith.addf %mul3A_362, %get3A_336 : vector<16xf32>
        %swap3A_364 = arith.constant 1 : i32
        %swap3A_365 = arith.index_cast %swap3A_364 : i32 to index
        %swap3A_366 = arith.index_cast %scan3A_296 : i32 to index
        %swap3A_367 = arith.constant 16 : index
        %swap3A_368 = tpu.vector_load %arg8[%swap3A_365, %swap3A_366, %swap3A_367] {strides = array<i32>} : memref<2x200x64xf32, #tpu.memory_space<vmem>>, vector<1x1x16xf32>,
        %swap3A_369 = vector.shape_cast %swap3A_368 : vector<1x1x16xf32> to vector<16xf32>
        %swap3A_370 = vector.shape_cast %add3A_363 : vector<16xf32> to vector<1x1x16xf32>
        tpu.vector_store %arg8[%swap3A_365, %swap3A_366, %swap3A_367], %swap3A_370 {strides = array<i32>} : memref<2x200x64xf32, #tpu.memory_space<vmem>>, vector<1x1x16xf32>,
        %get3A_371 = arith.index_cast %scan3A_296 : i32 to index
        %get3A_372 = arith.constant 32 : index
        %get3A_373 = tpu.vector_load %arg7[%get3A_371, %get3A_372] {strides = array<i32>} : memref<200x64xf32, #tpu.memory_space<vmem>>, vector<1x16xf32>,
        %get3A_374 = vector.shape_cast %get3A_373 : vector<1x16xf32> to vector<16xf32>
        %get3A_375 = arith.constant 0 : i32
        %get3A_376 = arith.index_cast %get3A_375 : i32 to index
        %get3A_377 = arith.index_cast %scan3A_296 : i32 to index
        %get3A_378 = arith.constant 32 : index
        %get3A_379 = tpu.vector_load %arg8[%get3A_376, %get3A_377, %get3A_378] {strides = array<i32>} : memref<2x200x64xf32, #tpu.memory_space<vmem>>, vector<1x1x16xf32>,
        %get3A_380 = vector.shape_cast %get3A_379 : vector<1x1x16xf32> to vector<16xf32>
        %mul3A_381 = arith.constant 8.000000e+00 : f32
        %mul3A_382 = vector.broadcast %mul3A_381 : f32 to vector<16xf32>
        %mul3A_383 = arith.mulf %get3A_380, %mul3A_382 : vector<16xf32>
        %add3A_384 = arith.addf %mul3A_383, %get3A_374 : vector<16xf32>
        %swap3A_385 = arith.constant 0 : i32
        %swap3A_386 = arith.index_cast %swap3A_385 : i32 to index
        %swap3A_387 = arith.index_cast %scan3A_296 : i32 to index
        %swap3A_388 = arith.constant 32 : index
        %swap3A_389 = tpu.vector_load %arg8[%swap3A_386, %swap3A_387, %swap3A_388] {strides = array<i32>} : memref<2x200x64xf32, #tpu.memory_space<vmem>>, vector<1x1x16xf32>,
        %swap3A_390 = vector.shape_cast %swap3A_389 : vector<1x1x16xf32> to vector<16xf32>
        %swap3A_391 = vector.shape_cast %add3A_384 : vector<16xf32> to vector<1x1x16xf32>
        tpu.vector_store %arg8[%swap3A_386, %swap3A_387, %swap3A_388], %swap3A_391 {strides = array<i32>} : memref<2x200x64xf32, #tpu.memory_space<vmem>>, vector<1x1x16xf32>,
        %get3A_392 = arith.constant 1 : i32
        %get3A_393 = arith.index_cast %get3A_392 : i32 to index
        %get3A_394 = arith.index_cast %scan3A_296 : i32 to index
        %get3A_395 = arith.constant 32 : index
        %get3A_396 = tpu.vector_load %arg8[%get3A_393, %get3A_394, %get3A_395] {strides = array<i32>} : memref<2x200x64xf32, #tpu.memory_space<vmem>>, vector<1x1x16xf32>,
        %get3A_397 = vector.shape_cast %get3A_396 : vector<1x1x16xf32> to vector<16xf32>
        %mul3A_398 = arith.constant 8.000000e+00 : f32
        %mul3A_399 = vector.broadcast %mul3A_398 : f32 to vector<16xf32>
        %mul3A_400 = arith.mulf %get3A_397, %mul3A_399 : vector<16xf32>
        %add3A_401 = arith.addf %mul3A_400, %get3A_374 : vector<16xf32>
        %swap3A_402 = arith.constant 1 : i32
        %swap3A_403 = arith.index_cast %swap3A_402 : i32 to index
        %swap3A_404 = arith.index_cast %scan3A_296 : i32 to index
        %swap3A_405 = arith.constant 32 : index
        %swap3A_406 = tpu.vector_load %arg8[%swap3A_403, %swap3A_404, %swap3A_405] {strides = array<i32>} : memref<2x200x64xf32, #tpu.memory_space<vmem>>, vector<1x1x16xf32>,
        %swap3A_407 = vector.shape_cast %swap3A_406 : vector<1x1x16xf32> to vector<16xf32>
        %swap3A_408 = vector.shape_cast %add3A_401 : vector<16xf32> to vector<1x1x16xf32>
        tpu.vector_store %arg8[%swap3A_403, %swap3A_404, %swap3A_405], %swap3A_408 {strides = array<i32>} : memref<2x200x64xf32, #tpu.memory_space<vmem>>, vector<1x1x16xf32>,
        %get3A_409 = arith.index_cast %scan3A_296 : i32 to index
        %get3A_410 = arith.constant 48 : index
        %get3A_411 = tpu.vector_load %arg7[%get3A_409, %get3A_410] {strides = array<i32>} : memref<200x64xf32, #tpu.memory_space<vmem>>, vector<1x16xf32>,
        %get3A_412 = vector.shape_cast %get3A_411 : vector<1x16xf32> to vector<16xf32>
        %get3A_413 = arith.constant 0 : i32
        %get3A_414 = arith.index_cast %get3A_413 : i32 to index
        %get3A_415 = arith.index_cast %scan3A_296 : i32 to index
        %get3A_416 = arith.constant 48 : index
        %get3A_417 = tpu.vector_load %arg8[%get3A_414, %get3A_415, %get3A_416] {strides = array<i32>} : memref<2x200x64xf32, #tpu.memory_space<vmem>>, vector<1x1x16xf32>,
        %get3A_418 = vector.shape_cast %get3A_417 : vector<1x1x16xf32> to vector<16xf32>
        %mul3A_419 = arith.constant 8.000000e+00 : f32
        %mul3A_420 = vector.broadcast %mul3A_419 : f32 to vector<16xf32>
        %mul3A_421 = arith.mulf %get3A_418, %mul3A_420 : vector<16xf32>
        %add3A_422 = arith.addf %mul3A_421, %get3A_412 : vector<16xf32>
        %swap3A_423 = arith.constant 0 : i32
        %swap3A_424 = arith.index_cast %swap3A_423 : i32 to index
        %swap3A_425 = arith.index_cast %scan3A_296 : i32 to index
        %swap3A_426 = arith.constant 48 : index
        %swap3A_427 = tpu.vector_load %arg8[%swap3A_424, %swap3A_425, %swap3A_426] {strides = array<i32>} : memref<2x200x64xf32, #tpu.memory_space<vmem>>, vector<1x1x16xf32>,
        %swap3A_428 = vector.shape_cast %swap3A_427 : vector<1x1x16xf32> to vector<16xf32>
        %swap3A_429 = vector.shape_cast %add3A_422 : vector<16xf32> to vector<1x1x16xf32>
        tpu.vector_store %arg8[%swap3A_424, %swap3A_425, %swap3A_426], %swap3A_429 {strides = array<i32>} : memref<2x200x64xf32, #tpu.memory_space<vmem>>, vector<1x1x16xf32>,
        %get3A_430 = arith.constant 1 : i32
        %get3A_431 = arith.index_cast %get3A_430 : i32 to index
        %get3A_432 = arith.index_cast %scan3A_296 : i32 to index
        %get3A_433 = arith.constant 48 : index
        %get3A_434 = tpu.vector_load %arg8[%get3A_431, %get3A_432, %get3A_433] {strides = array<i32>} : memref<2x200x64xf32, #tpu.memory_space<vmem>>, vector<1x1x16xf32>,
        %get3A_435 = vector.shape_cast %get3A_434 : vector<1x1x16xf32> to vector<16xf32>
        %mul3A_436 = arith.constant 8.000000e+00 : f32
        %mul3A_437 = vector.broadcast %mul3A_436 : f32 to vector<16xf32>
        %mul3A_438 = arith.mulf %get3A_435, %mul3A_437 : vector<16xf32>
        %add3A_439 = arith.addf %mul3A_438, %get3A_412 : vector<16xf32>
        %swap3A_440 = arith.constant 1 : i32
        %swap3A_441 = arith.index_cast %swap3A_440 : i32 to index
        %swap3A_442 = arith.index_cast %scan3A_296 : i32 to index
        %swap3A_443 = arith.constant 48 : index
        %swap3A_444 = tpu.vector_load %arg8[%swap3A_441, %swap3A_442, %swap3A_443] {strides = array<i32>} : memref<2x200x64xf32, #tpu.memory_space<vmem>>, vector<1x1x16xf32>,
        %swap3A_445 = vector.shape_cast %swap3A_444 : vector<1x1x16xf32> to vector<16xf32>
        %swap3A_446 = vector.shape_cast %add3A_439 : vector<16xf32> to vector<1x1x16xf32>
        tpu.vector_store %arg8[%swap3A_441, %swap3A_442, %swap3A_443], %swap3A_446 {strides = array<i32>} : memref<2x200x64xf32, #tpu.memory_space<vmem>>, vector<1x1x16xf32>,
        %scan3A_447 = arith.constant 1 : i32
        %scan3A_448 = arith.addi %scan3A_296, %scan3A_447 : i32
        %get3A_449 = arith.index_cast %scan3A_448 : i32 to index
        %get3A_450 = arith.constant 0 : index
        %get3A_451 = tpu.vector_load %arg7[%get3A_449, %get3A_450] {strides = array<i32>} : memref<200x64xf32, #tpu.memory_space<vmem>>, vector<1x16xf32>,
        %get3A_452 = vector.shape_cast %get3A_451 : vector<1x16xf32> to vector<16xf32>
        %get3A_453 = arith.constant 0 : i32
        %get3A_454 = arith.index_cast %get3A_453 : i32 to index
        %get3A_455 = arith.index_cast %scan3A_448 : i32 to index
        %get3A_456 = arith.constant 0 : index
        %get3A_457 = tpu.vector_load %arg8[%get3A_454, %get3A_455, %get3A_456] {strides = array<i32>} : memref<2x200x64xf32, #tpu.memory_space<vmem>>, vector<1x1x16xf32>,
        %get3A_458 = vector.shape_cast %get3A_457 : vector<1x1x16xf32> to vector<16xf32>
        %mul3A_459 = arith.constant 8.000000e+00 : f32
        %mul3A_460 = vector.broadcast %mul3A_459 : f32 to vector<16xf32>
        %mul3A_461 = arith.mulf %get3A_458, %mul3A_460 : vector<16xf32>
        %add3A_462 = arith.addf %mul3A_461, %get3A_452 : vector<16xf32>
        %swap3A_463 = arith.constant 0 : i32
        %swap3A_464 = arith.index_cast %swap3A_463 : i32 to index
        %swap3A_465 = arith.index_cast %scan3A_448 : i32 to index
        %swap3A_466 = arith.constant 0 : index
        %swap3A_467 = tpu.vector_load %arg8[%swap3A_464, %swap3A_465, %swap3A_466] {strides = array<i32>} : memref<2x200x64xf32, #tpu.memory_space<vmem>>, vector<1x1x16xf32>,
        %swap3A_468 = vector.shape_cast %swap3A_467 : vector<1x1x16xf32> to vector<16xf32>
        %swap3A_469 = vector.shape_cast %add3A_462 : vector<16xf32> to vector<1x1x16xf32>
        tpu.vector_store %arg8[%swap3A_464, %swap3A_465, %swap3A_466], %swap3A_469 {strides = array<i32>} : memref<2x200x64xf32, #tpu.memory_space<vmem>>, vector<1x1x16xf32>,
        %get3A_470 = arith.constant 1 : i32
        %get3A_471 = arith.index_cast %get3A_470 : i32 to index
        %get3A_472 = arith.index_cast %scan3A_448 : i32 to index
        %get3A_473 = arith.constant 0 : index
        %get3A_474 = tpu.vector_load %arg8[%get3A_471, %get3A_472, %get3A_473] {strides = array<i32>} : memref<2x200x64xf32, #tpu.memory_space<vmem>>, vector<1x1x16xf32>,
        %get3A_475 = vector.shape_cast %get3A_474 : vector<1x1x16xf32> to vector<16xf32>
        %mul3A_476 = arith.constant 8.000000e+00 : f32
        %mul3A_477 = vector.broadcast %mul3A_476 : f32 to vector<16xf32>
        %mul3A_478 = arith.mulf %get3A_475, %mul3A_477 : vector<16xf32>
        %add3A_479 = arith.addf %mul3A_478, %get3A_452 : vector<16xf32>
        %swap3A_480 = arith.constant 1 : i32
        %swap3A_481 = arith.index_cast %swap3A_480 : i32 to index
        %swap3A_482 = arith.index_cast %scan3A_448 : i32 to index
        %swap3A_483 = arith.constant 0 : index
        %swap3A_484 = tpu.vector_load %arg8[%swap3A_481, %swap3A_482, %swap3A_483] {strides = array<i32>} : memref<2x200x64xf32, #tpu.memory_space<vmem>>, vector<1x1x16xf32>,
        %swap3A_485 = vector.shape_cast %swap3A_484 : vector<1x1x16xf32> to vector<16xf32>
        %swap3A_486 = vector.shape_cast %add3A_479 : vector<16xf32> to vector<1x1x16xf32>
        tpu.vector_store %arg8[%swap3A_481, %swap3A_482, %swap3A_483], %swap3A_486 {strides = array<i32>} : memref<2x200x64xf32, #tpu.memory_space<vmem>>, vector<1x1x16xf32>,
        %get3A_487 = arith.index_cast %scan3A_448 : i32 to index
        %get3A_488 = arith.constant 16 : index
        %get3A_489 = tpu.vector_load %arg7[%get3A_487, %get3A_488] {strides = array<i32>} : memref<200x64xf32, #tpu.memory_space<vmem>>, vector<1x16xf32>,
        %get3A_490 = vector.shape_cast %get3A_489 : vector<1x16xf32> to vector<16xf32>
        %get3A_491 = arith.constant 0 : i32
        %get3A_492 = arith.index_cast %get3A_491 : i32 to index
        %get3A_493 = arith.index_cast %scan3A_448 : i32 to index
        %get3A_494 = arith.constant 16 : index
        %get3A_495 = tpu.vector_load %arg8[%get3A_492, %get3A_493, %get3A_494] {strides = array<i32>} : memref<2x200x64xf32, #tpu.memory_space<vmem>>, vector<1x1x16xf32>,
        %get3A_496 = vector.shape_cast %get3A_495 : vector<1x1x16xf32> to vector<16xf32>
        %mul3A_497 = arith.constant 8.000000e+00 : f32
        %mul3A_498 = vector.broadcast %mul3A_497 : f32 to vector<16xf32>
        %mul3A_499 = arith.mulf %get3A_496, %mul3A_498 : vector<16xf32>
        %add3A_500 = arith.addf %mul3A_499, %get3A_490 : vector<16xf32>
        %swap3A_501 = arith.constant 0 : i32
        %swap3A_502 = arith.index_cast %swap3A_501 : i32 to index
        %swap3A_503 = arith.index_cast %scan3A_448 : i32 to index
        %swap3A_504 = arith.constant 16 : index
        %swap3A_505 = tpu.vector_load %arg8[%swap3A_502, %swap3A_503, %swap3A_504] {strides = array<i32>} : memref<2x200x64xf32, #tpu.memory_space<vmem>>, vector<1x1x16xf32>,
        %swap3A_506 = vector.shape_cast %swap3A_505 : vector<1x1x16xf32> to vector<16xf32>
        %swap3A_507 = vector.shape_cast %add3A_500 : vector<16xf32> to vector<1x1x16xf32>
        tpu.vector_store %arg8[%swap3A_502, %swap3A_503, %swap3A_504], %swap3A_507 {strides = array<i32>} : memref<2x200x64xf32, #tpu.memory_space<vmem>>, vector<1x1x16xf32>,
        %get3A_508 = arith.constant 1 : i32
        %get3A_509 = arith.index_cast %get3A_508 : i32 to index
        %get3A_510 = arith.index_cast %scan3A_448 : i32 to index
        %get3A_511 = arith.constant 16 : index
        %get3A_512 = tpu.vector_load %arg8[%get3A_509, %get3A_510, %get3A_511] {strides = array<i32>} : memref<2x200x64xf32, #tpu.memory_space<vmem>>, vector<1x1x16xf32>,
        %get3A_513 = vector.shape_cast %get3A_512 : vector<1x1x16xf32> to vector<16xf32>
        %mul3A_514 = arith.constant 8.000000e+00 : f32
        %mul3A_515 = vector.broadcast %mul3A_514 : f32 to vector<16xf32>
        %mul3A_516 = arith.mulf %get3A_513, %mul3A_515 : vector<16xf32>
        %add3A_517 = arith.addf %mul3A_516, %get3A_490 : vector<16xf32>
        %swap3A_518 = arith.constant 1 : i32
        %swap3A_519 = arith.index_cast %swap3A_518 : i32 to index
        %swap3A_520 = arith.index_cast %scan3A_448 : i32 to index
        %swap3A_521 = arith.constant 16 : index
        %swap3A_522 = tpu.vector_load %arg8[%swap3A_519, %swap3A_520, %swap3A_521] {strides = array<i32>} : memref<2x200x64xf32, #tpu.memory_space<vmem>>, vector<1x1x16xf32>,
        %swap3A_523 = vector.shape_cast %swap3A_522 : vector<1x1x16xf32> to vector<16xf32>
        %swap3A_524 = vector.shape_cast %add3A_517 : vector<16xf32> to vector<1x1x16xf32>
        tpu.vector_store %arg8[%swap3A_519, %swap3A_520, %swap3A_521], %swap3A_524 {strides = array<i32>} : memref<2x200x64xf32, #tpu.memory_space<vmem>>, vector<1x1x16xf32>,
        %get3A_525 = arith.index_cast %scan3A_448 : i32 to index
        %get3A_526 = arith.constant 32 : index
        %get3A_527 = tpu.vector_load %arg7[%get3A_525, %get3A_526] {strides = array<i32>} : memref<200x64xf32, #tpu.memory_space<vmem>>, vector<1x16xf32>,
        %get3A_528 = vector.shape_cast %get3A_527 : vector<1x16xf32> to vector<16xf32>
        %get3A_529 = arith.constant 0 : i32
        %get3A_530 = arith.index_cast %get3A_529 : i32 to index
        %get3A_531 = arith.index_cast %scan3A_448 : i32 to index
        %get3A_532 = arith.constant 32 : index
        %get3A_533 = tpu.vector_load %arg8[%get3A_530, %get3A_531, %get3A_532] {strides = array<i32>} : memref<2x200x64xf32, #tpu.memory_space<vmem>>, vector<1x1x16xf32>,
        %get3A_534 = vector.shape_cast %get3A_533 : vector<1x1x16xf32> to vector<16xf32>
        %mul3A_535 = arith.constant 8.000000e+00 : f32
        %mul3A_536 = vector.broadcast %mul3A_535 : f32 to vector<16xf32>
        %mul3A_537 = arith.mulf %get3A_534, %mul3A_536 : vector<16xf32>
        %add3A_538 = arith.addf %mul3A_537, %get3A_528 : vector<16xf32>
        %swap3A_539 = arith.constant 0 : i32
        %swap3A_540 = arith.index_cast %swap3A_539 : i32 to index
        %swap3A_541 = arith.index_cast %scan3A_448 : i32 to index
        %swap3A_542 = arith.constant 32 : index
        %swap3A_543 = tpu.vector_load %arg8[%swap3A_540, %swap3A_541, %swap3A_542] {strides = array<i32>} : memref<2x200x64xf32, #tpu.memory_space<vmem>>, vector<1x1x16xf32>,
        %swap3A_544 = vector.shape_cast %swap3A_543 : vector<1x1x16xf32> to vector<16xf32>
        %swap3A_545 = vector.shape_cast %add3A_538 : vector<16xf32> to vector<1x1x16xf32>
        tpu.vector_store %arg8[%swap3A_540, %swap3A_541, %swap3A_542], %swap3A_545 {strides = array<i32>} : memref<2x200x64xf32, #tpu.memory_space<vmem>>, vector<1x1x16xf32>,
        %get3A_546 = arith.constant 1 : i32
        %get3A_547 = arith.index_cast %get3A_546 : i32 to index
        %get3A_548 = arith.index_cast %scan3A_448 : i32 to index
        %get3A_549 = arith.constant 32 : index
        %get3A_550 = tpu.vector_load %arg8[%get3A_547, %get3A_548, %get3A_549] {strides = array<i32>} : memref<2x200x64xf32, #tpu.memory_space<vmem>>, vector<1x1x16xf32>,
        %get3A_551 = vector.shape_cast %get3A_550 : vector<1x1x16xf32> to vector<16xf32>
        %mul3A_552 = arith.constant 8.000000e+00 : f32
        %mul3A_553 = vector.broadcast %mul3A_552 : f32 to vector<16xf32>
        %mul3A_554 = arith.mulf %get3A_551, %mul3A_553 : vector<16xf32>
        %add3A_555 = arith.addf %mul3A_554, %get3A_528 : vector<16xf32>
        %swap3A_556 = arith.constant 1 : i32
        %swap3A_557 = arith.index_cast %swap3A_556 : i32 to index
        %swap3A_558 = arith.index_cast %scan3A_448 : i32 to index
        %swap3A_559 = arith.constant 32 : index
        %swap3A_560 = tpu.vector_load %arg8[%swap3A_557, %swap3A_558, %swap3A_559] {strides = array<i32>} : memref<2x200x64xf32, #tpu.memory_space<vmem>>, vector<1x1x16xf32>,
        %swap3A_561 = vector.shape_cast %swap3A_560 : vector<1x1x16xf32> to vector<16xf32>
        %swap3A_562 = vector.shape_cast %add3A_555 : vector<16xf32> to vector<1x1x16xf32>
        tpu.vector_store %arg8[%swap3A_557, %swap3A_558, %swap3A_559], %swap3A_562 {strides = array<i32>} : memref<2x200x64xf32, #tpu.memory_space<vmem>>, vector<1x1x16xf32>,
        %get3A_563 = arith.index_cast %scan3A_448 : i32 to index
        %get3A_564 = arith.constant 48 : index
        %get3A_565 = tpu.vector_load %arg7[%get3A_563, %get3A_564] {strides = array<i32>} : memref<200x64xf32, #tpu.memory_space<vmem>>, vector<1x16xf32>,
        %get3A_566 = vector.shape_cast %get3A_565 : vector<1x16xf32> to vector<16xf32>
        %get3A_567 = arith.constant 0 : i32
        %get3A_568 = arith.index_cast %get3A_567 : i32 to index
        %get3A_569 = arith.index_cast %scan3A_448 : i32 to index
        %get3A_570 = arith.constant 48 : index
        %get3A_571 = tpu.vector_load %arg8[%get3A_568, %get3A_569, %get3A_570] {strides = array<i32>} : memref<2x200x64xf32, #tpu.memory_space<vmem>>, vector<1x1x16xf32>,
        %get3A_572 = vector.shape_cast %get3A_571 : vector<1x1x16xf32> to vector<16xf32>
        %mul3A_573 = arith.constant 8.000000e+00 : f32
        %mul3A_574 = vector.broadcast %mul3A_573 : f32 to vector<16xf32>
        %mul3A_575 = arith.mulf %get3A_572, %mul3A_574 : vector<16xf32>
        %add3A_576 = arith.addf %mul3A_575, %get3A_566 : vector<16xf32>
        %swap3A_577 = arith.constant 0 : i32
        %swap3A_578 = arith.index_cast %swap3A_577 : i32 to index
        %swap3A_579 = arith.index_cast %scan3A_448 : i32 to index
        %swap3A_580 = arith.constant 48 : index
        %swap3A_581 = tpu.vector_load %arg8[%swap3A_578, %swap3A_579, %swap3A_580] {strides = array<i32>} : memref<2x200x64xf32, #tpu.memory_space<vmem>>, vector<1x1x16xf32>,
        %swap3A_582 = vector.shape_cast %swap3A_581 : vector<1x1x16xf32> to vector<16xf32>
        %swap3A_583 = vector.shape_cast %add3A_576 : vector<16xf32> to vector<1x1x16xf32>
        tpu.vector_store %arg8[%swap3A_578, %swap3A_579, %swap3A_580], %swap3A_583 {strides = array<i32>} : memref<2x200x64xf32, #tpu.memory_space<vmem>>, vector<1x1x16xf32>,
        %get3A_584 = arith.constant 1 : i32
        %get3A_585 = arith.index_cast %get3A_584 : i32 to index
        %get3A_586 = arith.index_cast %scan3A_448 : i32 to index
        %get3A_587 = arith.constant 48 : index
        %get3A_588 = tpu.vector_load %arg8[%get3A_585, %get3A_586, %get3A_587] {strides = array<i32>} : memref<2x200x64xf32, #tpu.memory_space<vmem>>, vector<1x1x16xf32>,
        %get3A_589 = vector.shape_cast %get3A_588 : vector<1x1x16xf32> to vector<16xf32>
        %mul3A_590 = arith.constant 8.000000e+00 : f32
        %mul3A_591 = vector.broadcast %mul3A_590 : f32 to vector<16xf32>
        %mul3A_592 = arith.mulf %get3A_589, %mul3A_591 : vector<16xf32>
        %add3A_593 = arith.addf %mul3A_592, %get3A_566 : vector<16xf32>
        %swap3A_594 = arith.constant 1 : i32
        %swap3A_595 = arith.index_cast %swap3A_594 : i32 to index
        %swap3A_596 = arith.index_cast %scan3A_448 : i32 to index
        %swap3A_597 = arith.constant 48 : index
        %swap3A_598 = tpu.vector_load %arg8[%swap3A_595, %swap3A_596, %swap3A_597] {strides = array<i32>} : memref<2x200x64xf32, #tpu.memory_space<vmem>>, vector<1x1x16xf32>,
        %swap3A_599 = vector.shape_cast %swap3A_598 : vector<1x1x16xf32> to vector<16xf32>
        %swap3A_600 = vector.shape_cast %add3A_593 : vector<16xf32> to vector<1x1x16xf32>
        tpu.vector_store %arg8[%swap3A_595, %swap3A_596, %swap3A_597], %swap3A_600 {strides = array<i32>} : memref<2x200x64xf32, #tpu.memory_space<vmem>>, vector<1x1x16xf32>,
        %scan3A_601 = arith.constant 2 : i32
        %scan3A_602 = arith.addi %scan3A_296, %scan3A_601 : i32
        %get3A_603 = arith.index_cast %scan3A_602 : i32 to index
        %get3A_604 = arith.constant 0 : index
        %get3A_605 = tpu.vector_load %arg7[%get3A_603, %get3A_604] {strides = array<i32>} : memref<200x64xf32, #tpu.memory_space<vmem>>, vector<1x16xf32>,
        %get3A_606 = vector.shape_cast %get3A_605 : vector<1x16xf32> to vector<16xf32>
        %get3A_607 = arith.constant 0 : i32
        %get3A_608 = arith.index_cast %get3A_607 : i32 to index
        %get3A_609 = arith.index_cast %scan3A_602 : i32 to index
        %get3A_610 = arith.constant 0 : index
        %get3A_611 = tpu.vector_load %arg8[%get3A_608, %get3A_609, %get3A_610] {strides = array<i32>} : memref<2x200x64xf32, #tpu.memory_space<vmem>>, vector<1x1x16xf32>,
        %get3A_612 = vector.shape_cast %get3A_611 : vector<1x1x16xf32> to vector<16xf32>
        %mul3A_613 = arith.constant 8.000000e+00 : f32
        %mul3A_614 = vector.broadcast %mul3A_613 : f32 to vector<16xf32>
        %mul3A_615 = arith.mulf %get3A_612, %mul3A_614 : vector<16xf32>
        %add3A_616 = arith.addf %mul3A_615, %get3A_606 : vector<16xf32>
        %swap3A_617 = arith.constant 0 : i32
        %swap3A_618 = arith.index_cast %swap3A_617 : i32 to index
        %swap3A_619 = arith.index_cast %scan3A_602 : i32 to index
        %swap3A_620 = arith.constant 0 : index
        %swap3A_621 = tpu.vector_load %arg8[%swap3A_618, %swap3A_619, %swap3A_620] {strides = array<i32>} : memref<2x200x64xf32, #tpu.memory_space<vmem>>, vector<1x1x16xf32>,
        %swap3A_622 = vector.shape_cast %swap3A_621 : vector<1x1x16xf32> to vector<16xf32>
        %swap3A_623 = vector.shape_cast %add3A_616 : vector<16xf32> to vector<1x1x16xf32>
        tpu.vector_store %arg8[%swap3A_618, %swap3A_619, %swap3A_620], %swap3A_623 {strides = array<i32>} : memref<2x200x64xf32, #tpu.memory_space<vmem>>, vector<1x1x16xf32>,
        %get3A_624 = arith.constant 1 : i32
        %get3A_625 = arith.index_cast %get3A_624 : i32 to index
        %get3A_626 = arith.index_cast %scan3A_602 : i32 to index
        %get3A_627 = arith.constant 0 : index
        %get3A_628 = tpu.vector_load %arg8[%get3A_625, %get3A_626, %get3A_627] {strides = array<i32>} : memref<2x200x64xf32, #tpu.memory_space<vmem>>, vector<1x1x16xf32>,
        %get3A_629 = vector.shape_cast %get3A_628 : vector<1x1x16xf32> to vector<16xf32>
        %mul3A_630 = arith.constant 8.000000e+00 : f32
        %mul3A_631 = vector.broadcast %mul3A_630 : f32 to vector<16xf32>
        %mul3A_632 = arith.mulf %get3A_629, %mul3A_631 : vector<16xf32>
        %add3A_633 = arith.addf %mul3A_632, %get3A_606 : vector<16xf32>
        %swap3A_634 = arith.constant 1 : i32
        %swap3A_635 = arith.index_cast %swap3A_634 : i32 to index
        %swap3A_636 = arith.index_cast %scan3A_602 : i32 to index
        %swap3A_637 = arith.constant 0 : index
        %swap3A_638 = tpu.vector_load %arg8[%swap3A_635, %swap3A_636, %swap3A_637] {strides = array<i32>} : memref<2x200x64xf32, #tpu.memory_space<vmem>>, vector<1x1x16xf32>,
        %swap3A_639 = vector.shape_cast %swap3A_638 : vector<1x1x16xf32> to vector<16xf32>
        %swap3A_640 = vector.shape_cast %add3A_633 : vector<16xf32> to vector<1x1x16xf32>
        tpu.vector_store %arg8[%swap3A_635, %swap3A_636, %swap3A_637], %swap3A_640 {strides = array<i32>} : memref<2x200x64xf32, #tpu.memory_space<vmem>>, vector<1x1x16xf32>,
        %get3A_641 = arith.index_cast %scan3A_602 : i32 to index
        %get3A_642 = arith.constant 16 : index
        %get3A_643 = tpu.vector_load %arg7[%get3A_641, %get3A_642] {strides = array<i32>} : memref<200x64xf32, #tpu.memory_space<vmem>>, vector<1x16xf32>,
        %get3A_644 = vector.shape_cast %get3A_643 : vector<1x16xf32> to vector<16xf32>
        %get3A_645 = arith.constant 0 : i32
        %get3A_646 = arith.index_cast %get3A_645 : i32 to index
        %get3A_647 = arith.index_cast %scan3A_602 : i32 to index
        %get3A_648 = arith.constant 16 : index
        %get3A_649 = tpu.vector_load %arg8[%get3A_646, %get3A_647, %get3A_648] {strides = array<i32>} : memref<2x200x64xf32, #tpu.memory_space<vmem>>, vector<1x1x16xf32>,
        %get3A_650 = vector.shape_cast %get3A_649 : vector<1x1x16xf32> to vector<16xf32>
        %mul3A_651 = arith.constant 8.000000e+00 : f32
        %mul3A_652 = vector.broadcast %mul3A_651 : f32 to vector<16xf32>
        %mul3A_653 = arith.mulf %get3A_650, %mul3A_652 : vector<16xf32>
        %add3A_654 = arith.addf %mul3A_653, %get3A_644 : vector<16xf32>
        %swap3A_655 = arith.constant 0 : i32
        %swap3A_656 = arith.index_cast %swap3A_655 : i32 to index
        %swap3A_657 = arith.index_cast %scan3A_602 : i32 to index
        %swap3A_658 = arith.constant 16 : index
        %swap3A_659 = tpu.vector_load %arg8[%swap3A_656, %swap3A_657, %swap3A_658] {strides = array<i32>} : memref<2x200x64xf32, #tpu.memory_space<vmem>>, vector<1x1x16xf32>,
        %swap3A_660 = vector.shape_cast %swap3A_659 : vector<1x1x16xf32> to vector<16xf32>
        %swap3A_661 = vector.shape_cast %add3A_654 : vector<16xf32> to vector<1x1x16xf32>
        tpu.vector_store %arg8[%swap3A_656, %swap3A_657, %swap3A_658], %swap3A_661 {strides = array<i32>} : memref<2x200x64xf32, #tpu.memory_space<vmem>>, vector<1x1x16xf32>,
        %get3A_662 = arith.constant 1 : i32
        %get3A_663 = arith.index_cast %get3A_662 : i32 to index
        %get3A_664 = arith.index_cast %scan3A_602 : i32 to index
        %get3A_665 = arith.constant 16 : index
        %get3A_666 = tpu.vector_load %arg8[%get3A_663, %get3A_664, %get3A_665] {strides = array<i32>} : memref<2x200x64xf32, #tpu.memory_space<vmem>>, vector<1x1x16xf32>,
        %get3A_667 = vector.shape_cast %get3A_666 : vector<1x1x16xf32> to vector<16xf32>
        %mul3A_668 = arith.constant 8.000000e+00 : f32
        %mul3A_669 = vector.broadcast %mul3A_668 : f32 to vector<16xf32>
        %mul3A_670 = arith.mulf %get3A_667, %mul3A_669 : vector<16xf32>
        %add3A_671 = arith.addf %mul3A_670, %get3A_644 : vector<16xf32>
        %swap3A_672 = arith.constant 1 : i32
        %swap3A_673 = arith.index_cast %swap3A_672 : i32 to index
        %swap3A_674 = arith.index_cast %scan3A_602 : i32 to index
        %swap3A_675 = arith.constant 16 : index
        %swap3A_676 = tpu.vector_load %arg8[%swap3A_673, %swap3A_674, %swap3A_675] {strides = array<i32>} : memref<2x200x64xf32, #tpu.memory_space<vmem>>, vector<1x1x16xf32>,
        %swap3A_677 = vector.shape_cast %swap3A_676 : vector<1x1x16xf32> to vector<16xf32>
        %swap3A_678 = vector.shape_cast %add3A_671 : vector<16xf32> to vector<1x1x16xf32>
        tpu.vector_store %arg8[%swap3A_673, %swap3A_674, %swap3A_675], %swap3A_678 {strides = array<i32>} : memref<2x200x64xf32, #tpu.memory_space<vmem>>, vector<1x1x16xf32>,
        %get3A_679 = arith.index_cast %scan3A_602 : i32 to index
        %get3A_680 = arith.constant 32 : index
        %get3A_681 = tpu.vector_load %arg7[%get3A_679, %get3A_680] {strides = array<i32>} : memref<200x64xf32, #tpu.memory_space<vmem>>, vector<1x16xf32>,
        %get3A_682 = vector.shape_cast %get3A_681 : vector<1x16xf32> to vector<16xf32>
        %get3A_683 = arith.constant 0 : i32
        %get3A_684 = arith.index_cast %get3A_683 : i32 to index
        %get3A_685 = arith.index_cast %scan3A_602 : i32 to index
        %get3A_686 = arith.constant 32 : index
        %get3A_687 = tpu.vector_load %arg8[%get3A_684, %get3A_685, %get3A_686] {strides = array<i32>} : memref<2x200x64xf32, #tpu.memory_space<vmem>>, vector<1x1x16xf32>,
        %get3A_688 = vector.shape_cast %get3A_687 : vector<1x1x16xf32> to vector<16xf32>
        %mul3A_689 = arith.constant 8.000000e+00 : f32
        %mul3A_690 = vector.broadcast %mul3A_689 : f32 to vector<16xf32>
        %mul3A_691 = arith.mulf %get3A_688, %mul3A_690 : vector<16xf32>
        %add3A_692 = arith.addf %mul3A_691, %get3A_682 : vector<16xf32>
        %swap3A_693 = arith.constant 0 : i32
        %swap3A_694 = arith.index_cast %swap3A_693 : i32 to index
        %swap3A_695 = arith.index_cast %scan3A_602 : i32 to index
        %swap3A_696 = arith.constant 32 : index
        %swap3A_697 = tpu.vector_load %arg8[%swap3A_694, %swap3A_695, %swap3A_696] {strides = array<i32>} : memref<2x200x64xf32, #tpu.memory_space<vmem>>, vector<1x1x16xf32>,
        %swap3A_698 = vector.shape_cast %swap3A_697 : vector<1x1x16xf32> to vector<16xf32>
        %swap3A_699 = vector.shape_cast %add3A_692 : vector<16xf32> to vector<1x1x16xf32>
        tpu.vector_store %arg8[%swap3A_694, %swap3A_695, %swap3A_696], %swap3A_699 {strides = array<i32>} : memref<2x200x64xf32, #tpu.memory_space<vmem>>, vector<1x1x16xf32>,
        %get3A_700 = arith.constant 1 : i32
        %get3A_701 = arith.index_cast %get3A_700 : i32 to index
        %get3A_702 = arith.index_cast %scan3A_602 : i32 to index
        %get3A_703 = arith.constant 32 : index
        %get3A_704 = tpu.vector_load %arg8[%get3A_701, %get3A_702, %get3A_703] {strides = array<i32>} : memref<2x200x64xf32, #tpu.memory_space<vmem>>, vector<1x1x16xf32>,
        %get3A_705 = vector.shape_cast %get3A_704 : vector<1x1x16xf32> to vector<16xf32>
        %mul3A_706 = arith.constant 8.000000e+00 : f32
        %mul3A_707 = vector.broadcast %mul3A_706 : f32 to vector<16xf32>
        %mul3A_708 = arith.mulf %get3A_705, %mul3A_707 : vector<16xf32>
        %add3A_709 = arith.addf %mul3A_708, %get3A_682 : vector<16xf32>
        %swap3A_710 = arith.constant 1 : i32
        %swap3A_711 = arith.index_cast %swap3A_710 : i32 to index
        %swap3A_712 = arith.index_cast %scan3A_602 : i32 to index
        %swap3A_713 = arith.constant 32 : index
        %swap3A_714 = tpu.vector_load %arg8[%swap3A_711, %swap3A_712, %swap3A_713] {strides = array<i32>} : memref<2x200x64xf32, #tpu.memory_space<vmem>>, vector<1x1x16xf32>,
        %swap3A_715 = vector.shape_cast %swap3A_714 : vector<1x1x16xf32> to vector<16xf32>
        %swap3A_716 = vector.shape_cast %add3A_709 : vector<16xf32> to vector<1x1x16xf32>
        tpu.vector_store %arg8[%swap3A_711, %swap3A_712, %swap3A_713], %swap3A_716 {strides = array<i32>} : memref<2x200x64xf32, #tpu.memory_space<vmem>>, vector<1x1x16xf32>,
        %get3A_717 = arith.index_cast %scan3A_602 : i32 to index
        %get3A_718 = arith.constant 48 : index
        %get3A_719 = tpu.vector_load %arg7[%get3A_717, %get3A_718] {strides = array<i32>} : memref<200x64xf32, #tpu.memory_space<vmem>>, vector<1x16xf32>,
        %get3A_720 = vector.shape_cast %get3A_719 : vector<1x16xf32> to vector<16xf32>
        %get3A_721 = arith.constant 0 : i32
        %get3A_722 = arith.index_cast %get3A_721 : i32 to index
        %get3A_723 = arith.index_cast %scan3A_602 : i32 to index
        %get3A_724 = arith.constant 48 : index
        %get3A_725 = tpu.vector_load %arg8[%get3A_722, %get3A_723, %get3A_724] {strides = array<i32>} : memref<2x200x64xf32, #tpu.memory_space<vmem>>, vector<1x1x16xf32>,
        %get3A_726 = vector.shape_cast %get3A_725 : vector<1x1x16xf32> to vector<16xf32>
        %mul3A_727 = arith.constant 8.000000e+00 : f32
        %mul3A_728 = vector.broadcast %mul3A_727 : f32 to vector<16xf32>
        %mul3A_729 = arith.mulf %get3A_726, %mul3A_728 : vector<16xf32>
        %add3A_730 = arith.addf %mul3A_729, %get3A_720 : vector<16xf32>
        %swap3A_731 = arith.constant 0 : i32
        %swap3A_732 = arith.index_cast %swap3A_731 : i32 to index
        %swap3A_733 = arith.index_cast %scan3A_602 : i32 to index
        %swap3A_734 = arith.constant 48 : index
        %swap3A_735 = tpu.vector_load %arg8[%swap3A_732, %swap3A_733, %swap3A_734] {strides = array<i32>} : memref<2x200x64xf32, #tpu.memory_space<vmem>>, vector<1x1x16xf32>,
        %swap3A_736 = vector.shape_cast %swap3A_735 : vector<1x1x16xf32> to vector<16xf32>
        %swap3A_737 = vector.shape_cast %add3A_730 : vector<16xf32> to vector<1x1x16xf32>
        tpu.vector_store %arg8[%swap3A_732, %swap3A_733, %swap3A_734], %swap3A_737 {strides = array<i32>} : memref<2x200x64xf32, #tpu.memory_space<vmem>>, vector<1x1x16xf32>,
        %get3A_738 = arith.constant 1 : i32
        %get3A_739 = arith.index_cast %get3A_738 : i32 to index
        %get3A_740 = arith.index_cast %scan3A_602 : i32 to index
        %get3A_741 = arith.constant 48 : index
        %get3A_742 = tpu.vector_load %arg8[%get3A_739, %get3A_740, %get3A_741] {strides = array<i32>} : memref<2x200x64xf32, #tpu.memory_space<vmem>>, vector<1x1x16xf32>,
        %get3A_743 = vector.shape_cast %get3A_742 : vector<1x1x16xf32> to vector<16xf32>
        %mul3A_744 = arith.constant 8.000000e+00 : f32
        %mul3A_745 = vector.broadcast %mul3A_744 : f32 to vector<16xf32>
        %mul3A_746 = arith.mulf %get3A_743, %mul3A_745 : vector<16xf32>
        %add3A_747 = arith.addf %mul3A_746, %get3A_720 : vector<16xf32>
        %swap3A_748 = arith.constant 1 : i32
        %swap3A_749 = arith.index_cast %swap3A_748 : i32 to index
        %swap3A_750 = arith.index_cast %scan3A_602 : i32 to index
        %swap3A_751 = arith.constant 48 : index
        %swap3A_752 = tpu.vector_load %arg8[%swap3A_749, %swap3A_750, %swap3A_751] {strides = array<i32>} : memref<2x200x64xf32, #tpu.memory_space<vmem>>, vector<1x1x16xf32>,
        %swap3A_753 = vector.shape_cast %swap3A_752 : vector<1x1x16xf32> to vector<16xf32>
        %swap3A_754 = vector.shape_cast %add3A_747 : vector<16xf32> to vector<1x1x16xf32>
        tpu.vector_store %arg8[%swap3A_749, %swap3A_750, %swap3A_751], %swap3A_754 {strides = array<i32>} : memref<2x200x64xf32, #tpu.memory_space<vmem>>, vector<1x1x16xf32>,
        %scan3A_755 = arith.constant 3 : i32
        %scan3A_756 = arith.addi %scan3A_296, %scan3A_755 : i32
        %get3A_757 = arith.index_cast %scan3A_756 : i32 to index
        %get3A_758 = arith.constant 0 : index
        %get3A_759 = tpu.vector_load %arg7[%get3A_757, %get3A_758] {strides = array<i32>} : memref<200x64xf32, #tpu.memory_space<vmem>>, vector<1x16xf32>,
        %get3A_760 = vector.shape_cast %get3A_759 : vector<1x16xf32> to vector<16xf32>
        %get3A_761 = arith.constant 0 : i32
        %get3A_762 = arith.index_cast %get3A_761 : i32 to index
        %get3A_763 = arith.index_cast %scan3A_756 : i32 to index
        %get3A_764 = arith.constant 0 : index
        %get3A_765 = tpu.vector_load %arg8[%get3A_762, %get3A_763, %get3A_764] {strides = array<i32>} : memref<2x200x64xf32, #tpu.memory_space<vmem>>, vector<1x1x16xf32>,
        %get3A_766 = vector.shape_cast %get3A_765 : vector<1x1x16xf32> to vector<16xf32>
        %mul3A_767 = arith.constant 8.000000e+00 : f32
        %mul3A_768 = vector.broadcast %mul3A_767 : f32 to vector<16xf32>
        %mul3A_769 = arith.mulf %get3A_766, %mul3A_768 : vector<16xf32>
        %add3A_770 = arith.addf %mul3A_769, %get3A_760 : vector<16xf32>
        %swap3A_771 = arith.constant 0 : i32
        %swap3A_772 = arith.index_cast %swap3A_771 : i32 to index
        %swap3A_773 = arith.index_cast %scan3A_756 : i32 to index
        %swap3A_774 = arith.constant 0 : index
        %swap3A_775 = tpu.vector_load %arg8[%swap3A_772, %swap3A_773, %swap3A_774] {strides = array<i32>} : memref<2x200x64xf32, #tpu.memory_space<vmem>>, vector<1x1x16xf32>,
        %swap3A_776 = vector.shape_cast %swap3A_775 : vector<1x1x16xf32> to vector<16xf32>
        %swap3A_777 = vector.shape_cast %add3A_770 : vector<16xf32> to vector<1x1x16xf32>
        tpu.vector_store %arg8[%swap3A_772, %swap3A_773, %swap3A_774], %swap3A_777 {strides = array<i32>} : memref<2x200x64xf32, #tpu.memory_space<vmem>>, vector<1x1x16xf32>,
        %get3A_778 = arith.constant 1 : i32
        %get3A_779 = arith.index_cast %get3A_778 : i32 to index
        %get3A_780 = arith.index_cast %scan3A_756 : i32 to index
        %get3A_781 = arith.constant 0 : index
        %get3A_782 = tpu.vector_load %arg8[%get3A_779, %get3A_780, %get3A_781] {strides = array<i32>} : memref<2x200x64xf32, #tpu.memory_space<vmem>>, vector<1x1x16xf32>,
        %get3A_783 = vector.shape_cast %get3A_782 : vector<1x1x16xf32> to vector<16xf32>
        %mul3A_784 = arith.constant 8.000000e+00 : f32
        %mul3A_785 = vector.broadcast %mul3A_784 : f32 to vector<16xf32>
        %mul3A_786 = arith.mulf %get3A_783, %mul3A_785 : vector<16xf32>
        %add3A_787 = arith.addf %mul3A_786, %get3A_760 : vector<16xf32>
        %swap3A_788 = arith.constant 1 : i32
        %swap3A_789 = arith.index_cast %swap3A_788 : i32 to index
        %swap3A_790 = arith.index_cast %scan3A_756 : i32 to index
        %swap3A_791 = arith.constant 0 : index
        %swap3A_792 = tpu.vector_load %arg8[%swap3A_789, %swap3A_790, %swap3A_791] {strides = array<i32>} : memref<2x200x64xf32, #tpu.memory_space<vmem>>, vector<1x1x16xf32>,
        %swap3A_793 = vector.shape_cast %swap3A_792 : vector<1x1x16xf32> to vector<16xf32>
        %swap3A_794 = vector.shape_cast %add3A_787 : vector<16xf32> to vector<1x1x16xf32>
        tpu.vector_store %arg8[%swap3A_789, %swap3A_790, %swap3A_791], %swap3A_794 {strides = array<i32>} : memref<2x200x64xf32, #tpu.memory_space<vmem>>, vector<1x1x16xf32>,
        %get3A_795 = arith.index_cast %scan3A_756 : i32 to index
        %get3A_796 = arith.constant 16 : index
        %get3A_797 = tpu.vector_load %arg7[%get3A_795, %get3A_796] {strides = array<i32>} : memref<200x64xf32, #tpu.memory_space<vmem>>, vector<1x16xf32>,
        %get3A_798 = vector.shape_cast %get3A_797 : vector<1x16xf32> to vector<16xf32>
        %get3A_799 = arith.constant 0 : i32
        %get3A_800 = arith.index_cast %get3A_799 : i32 to index
        %get3A_801 = arith.index_cast %scan3A_756 : i32 to index
        %get3A_802 = arith.constant 16 : index
        %get3A_803 = tpu.vector_load %arg8[%get3A_800, %get3A_801, %get3A_802] {strides = array<i32>} : memref<2x200x64xf32, #tpu.memory_space<vmem>>, vector<1x1x16xf32>,
        %get3A_804 = vector.shape_cast %get3A_803 : vector<1x1x16xf32> to vector<16xf32>
        %mul3A_805 = arith.constant 8.000000e+00 : f32
        %mul3A_806 = vector.broadcast %mul3A_805 : f32 to vector<16xf32>
        %mul3A_807 = arith.mulf %get3A_804, %mul3A_806 : vector<16xf32>
        %add3A_808 = arith.addf %mul3A_807, %get3A_798 : vector<16xf32>
        %swap3A_809 = arith.constant 0 : i32
        %swap3A_810 = arith.index_cast %swap3A_809 : i32 to index
        %swap3A_811 = arith.index_cast %scan3A_756 : i32 to index
        %swap3A_812 = arith.constant 16 : index
        %swap3A_813 = tpu.vector_load %arg8[%swap3A_810, %swap3A_811, %swap3A_812] {strides = array<i32>} : memref<2x200x64xf32, #tpu.memory_space<vmem>>, vector<1x1x16xf32>,
        %swap3A_814 = vector.shape_cast %swap3A_813 : vector<1x1x16xf32> to vector<16xf32>
        %swap3A_815 = vector.shape_cast %add3A_808 : vector<16xf32> to vector<1x1x16xf32>
        tpu.vector_store %arg8[%swap3A_810, %swap3A_811, %swap3A_812], %swap3A_815 {strides = array<i32>} : memref<2x200x64xf32, #tpu.memory_space<vmem>>, vector<1x1x16xf32>,
        %get3A_816 = arith.constant 1 : i32
        %get3A_817 = arith.index_cast %get3A_816 : i32 to index
        %get3A_818 = arith.index_cast %scan3A_756 : i32 to index
        %get3A_819 = arith.constant 16 : index
        %get3A_820 = tpu.vector_load %arg8[%get3A_817, %get3A_818, %get3A_819] {strides = array<i32>} : memref<2x200x64xf32, #tpu.memory_space<vmem>>, vector<1x1x16xf32>,
        %get3A_821 = vector.shape_cast %get3A_820 : vector<1x1x16xf32> to vector<16xf32>
        %mul3A_822 = arith.constant 8.000000e+00 : f32
        %mul3A_823 = vector.broadcast %mul3A_822 : f32 to vector<16xf32>
        %mul3A_824 = arith.mulf %get3A_821, %mul3A_823 : vector<16xf32>
        %add3A_825 = arith.addf %mul3A_824, %get3A_798 : vector<16xf32>
        %swap3A_826 = arith.constant 1 : i32
        %swap3A_827 = arith.index_cast %swap3A_826 : i32 to index
        %swap3A_828 = arith.index_cast %scan3A_756 : i32 to index
        %swap3A_829 = arith.constant 16 : index
        %swap3A_830 = tpu.vector_load %arg8[%swap3A_827, %swap3A_828, %swap3A_829] {strides = array<i32>} : memref<2x200x64xf32, #tpu.memory_space<vmem>>, vector<1x1x16xf32>,
        %swap3A_831 = vector.shape_cast %swap3A_830 : vector<1x1x16xf32> to vector<16xf32>
        %swap3A_832 = vector.shape_cast %add3A_825 : vector<16xf32> to vector<1x1x16xf32>
        tpu.vector_store %arg8[%swap3A_827, %swap3A_828, %swap3A_829], %swap3A_832 {strides = array<i32>} : memref<2x200x64xf32, #tpu.memory_space<vmem>>, vector<1x1x16xf32>,
        %get3A_833 = arith.index_cast %scan3A_756 : i32 to index
        %get3A_834 = arith.constant 32 : index
        %get3A_835 = tpu.vector_load %arg7[%get3A_833, %get3A_834] {strides = array<i32>} : memref<200x64xf32, #tpu.memory_space<vmem>>, vector<1x16xf32>,
        %get3A_836 = vector.shape_cast %get3A_835 : vector<1x16xf32> to vector<16xf32>
        %get3A_837 = arith.constant 0 : i32
        %get3A_838 = arith.index_cast %get3A_837 : i32 to index
        %get3A_839 = arith.index_cast %scan3A_756 : i32 to index
        %get3A_840 = arith.constant 32 : index
        %get3A_841 = tpu.vector_load %arg8[%get3A_838, %get3A_839, %get3A_840] {strides = array<i32>} : memref<2x200x64xf32, #tpu.memory_space<vmem>>, vector<1x1x16xf32>,
        %get3A_842 = vector.shape_cast %get3A_841 : vector<1x1x16xf32> to vector<16xf32>
        %mul3A_843 = arith.constant 8.000000e+00 : f32
        %mul3A_844 = vector.broadcast %mul3A_843 : f32 to vector<16xf32>
        %mul3A_845 = arith.mulf %get3A_842, %mul3A_844 : vector<16xf32>
        %add3A_846 = arith.addf %mul3A_845, %get3A_836 : vector<16xf32>
        %swap3A_847 = arith.constant 0 : i32
        %swap3A_848 = arith.index_cast %swap3A_847 : i32 to index
        %swap3A_849 = arith.index_cast %scan3A_756 : i32 to index
        %swap3A_850 = arith.constant 32 : index
        %swap3A_851 = tpu.vector_load %arg8[%swap3A_848, %swap3A_849, %swap3A_850] {strides = array<i32>} : memref<2x200x64xf32, #tpu.memory_space<vmem>>, vector<1x1x16xf32>,
        %swap3A_852 = vector.shape_cast %swap3A_851 : vector<1x1x16xf32> to vector<16xf32>
        %swap3A_853 = vector.shape_cast %add3A_846 : vector<16xf32> to vector<1x1x16xf32>
        tpu.vector_store %arg8[%swap3A_848, %swap3A_849, %swap3A_850], %swap3A_853 {strides = array<i32>} : memref<2x200x64xf32, #tpu.memory_space<vmem>>, vector<1x1x16xf32>,
        %get3A_854 = arith.constant 1 : i32
        %get3A_855 = arith.index_cast %get3A_854 : i32 to index
        %get3A_856 = arith.index_cast %scan3A_756 : i32 to index
        %get3A_857 = arith.constant 32 : index
        %get3A_858 = tpu.vector_load %arg8[%get3A_855, %get3A_856, %get3A_857] {strides = array<i32>} : memref<2x200x64xf32, #tpu.memory_space<vmem>>, vector<1x1x16xf32>,
        %get3A_859 = vector.shape_cast %get3A_858 : vector<1x1x16xf32> to vector<16xf32>
        %mul3A_860 = arith.constant 8.000000e+00 : f32
        %mul3A_861 = vector.broadcast %mul3A_860 : f32 to vector<16xf32>
        %mul3A_862 = arith.mulf %get3A_859, %mul3A_861 : vector<16xf32>
        %add3A_863 = arith.addf %mul3A_862, %get3A_836 : vector<16xf32>
        %swap3A_864 = arith.constant 1 : i32
        %swap3A_865 = arith.index_cast %swap3A_864 : i32 to index
        %swap3A_866 = arith.index_cast %scan3A_756 : i32 to index
        %swap3A_867 = arith.constant 32 : index
        %swap3A_868 = tpu.vector_load %arg8[%swap3A_865, %swap3A_866, %swap3A_867] {strides = array<i32>} : memref<2x200x64xf32, #tpu.memory_space<vmem>>, vector<1x1x16xf32>,
        %swap3A_869 = vector.shape_cast %swap3A_868 : vector<1x1x16xf32> to vector<16xf32>
        %swap3A_870 = vector.shape_cast %add3A_863 : vector<16xf32> to vector<1x1x16xf32>
        tpu.vector_store %arg8[%swap3A_865, %swap3A_866, %swap3A_867], %swap3A_870 {strides = array<i32>} : memref<2x200x64xf32, #tpu.memory_space<vmem>>, vector<1x1x16xf32>,
        %get3A_871 = arith.index_cast %scan3A_756 : i32 to index
        %get3A_872 = arith.constant 48 : index
        %get3A_873 = tpu.vector_load %arg7[%get3A_871, %get3A_872] {strides = array<i32>} : memref<200x64xf32, #tpu.memory_space<vmem>>, vector<1x16xf32>,
        %get3A_874 = vector.shape_cast %get3A_873 : vector<1x16xf32> to vector<16xf32>
        %get3A_875 = arith.constant 0 : i32
        %get3A_876 = arith.index_cast %get3A_875 : i32 to index
        %get3A_877 = arith.index_cast %scan3A_756 : i32 to index
        %get3A_878 = arith.constant 48 : index
        %get3A_879 = tpu.vector_load %arg8[%get3A_876, %get3A_877, %get3A_878] {strides = array<i32>} : memref<2x200x64xf32, #tpu.memory_space<vmem>>, vector<1x1x16xf32>,
        %get3A_880 = vector.shape_cast %get3A_879 : vector<1x1x16xf32> to vector<16xf32>
        %mul3A_881 = arith.constant 8.000000e+00 : f32
        %mul3A_882 = vector.broadcast %mul3A_881 : f32 to vector<16xf32>
        %mul3A_883 = arith.mulf %get3A_880, %mul3A_882 : vector<16xf32>
        %add3A_884 = arith.addf %mul3A_883, %get3A_874 : vector<16xf32>
        %swap3A_885 = arith.constant 0 : i32
        %swap3A_886 = arith.index_cast %swap3A_885 : i32 to index
        %swap3A_887 = arith.index_cast %scan3A_756 : i32 to index
        %swap3A_888 = arith.constant 48 : index
        %swap3A_889 = tpu.vector_load %arg8[%swap3A_886, %swap3A_887, %swap3A_888] {strides = array<i32>} : memref<2x200x64xf32, #tpu.memory_space<vmem>>, vector<1x1x16xf32>,
        %swap3A_890 = vector.shape_cast %swap3A_889 : vector<1x1x16xf32> to vector<16xf32>
        %swap3A_891 = vector.shape_cast %add3A_884 : vector<16xf32> to vector<1x1x16xf32>
        tpu.vector_store %arg8[%swap3A_886, %swap3A_887, %swap3A_888], %swap3A_891 {strides = array<i32>} : memref<2x200x64xf32, #tpu.memory_space<vmem>>, vector<1x1x16xf32>,
        %get3A_892 = arith.constant 1 : i32
        %get3A_893 = arith.index_cast %get3A_892 : i32 to index
        %get3A_894 = arith.index_cast %scan3A_756 : i32 to index
        %get3A_895 = arith.constant 48 : index
        %get3A_896 = tpu.vector_load %arg8[%get3A_893, %get3A_894, %get3A_895] {strides = array<i32>} : memref<2x200x64xf32, #tpu.memory_space<vmem>>, vector<1x1x16xf32>,
        %get3A_897 = vector.shape_cast %get3A_896 : vector<1x1x16xf32> to vector<16xf32>
        %mul3A_898 = arith.constant 8.000000e+00 : f32
        %mul3A_899 = vector.broadcast %mul3A_898 : f32 to vector<16xf32>
        %mul3A_900 = arith.mulf %get3A_897, %mul3A_899 : vector<16xf32>
        %add3A_901 = arith.addf %mul3A_900, %get3A_874 : vector<16xf32>
        %swap3A_902 = arith.constant 1 : i32
        %swap3A_903 = arith.index_cast %swap3A_902 : i32 to index
        %swap3A_904 = arith.index_cast %scan3A_756 : i32 to index
        %swap3A_905 = arith.constant 48 : index
        %swap3A_906 = tpu.vector_load %arg8[%swap3A_903, %swap3A_904, %swap3A_905] {strides = array<i32>} : memref<2x200x64xf32, #tpu.memory_space<vmem>>, vector<1x1x16xf32>,
        %swap3A_907 = vector.shape_cast %swap3A_906 : vector<1x1x16xf32> to vector<16xf32>
        %swap3A_908 = vector.shape_cast %add3A_901 : vector<16xf32> to vector<1x1x16xf32>
        tpu.vector_store %arg8[%swap3A_903, %swap3A_904, %swap3A_905], %swap3A_908 {strides = array<i32>} : memref<2x200x64xf32, #tpu.memory_space<vmem>>, vector<1x1x16xf32>,
        %scan3A_909 = arith.constant 4 : i32
        %scan3A_910 = arith.addi %scan3A_296, %scan3A_909 : i32
        %get3A_911 = arith.index_cast %scan3A_910 : i32 to index
        %get3A_912 = arith.constant 0 : index
        %get3A_913 = tpu.vector_load %arg7[%get3A_911, %get3A_912] {strides = array<i32>} : memref<200x64xf32, #tpu.memory_space<vmem>>, vector<1x16xf32>,
        %get3A_914 = vector.shape_cast %get3A_913 : vector<1x16xf32> to vector<16xf32>
        %get3A_915 = arith.constant 0 : i32
        %get3A_916 = arith.index_cast %get3A_915 : i32 to index
        %get3A_917 = arith.index_cast %scan3A_910 : i32 to index
        %get3A_918 = arith.constant 0 : index
        %get3A_919 = tpu.vector_load %arg8[%get3A_916, %get3A_917, %get3A_918] {strides = array<i32>} : memref<2x200x64xf32, #tpu.memory_space<vmem>>, vector<1x1x16xf32>,
        %get3A_920 = vector.shape_cast %get3A_919 : vector<1x1x16xf32> to vector<16xf32>
        %mul3A_921 = arith.constant 8.000000e+00 : f32
        %mul3A_922 = vector.broadcast %mul3A_921 : f32 to vector<16xf32>
        %mul3A_923 = arith.mulf %get3A_920, %mul3A_922 : vector<16xf32>
        %add3A_924 = arith.addf %mul3A_923, %get3A_914 : vector<16xf32>
        %swap3A_925 = arith.constant 0 : i32
        %swap3A_926 = arith.index_cast %swap3A_925 : i32 to index
        %swap3A_927 = arith.index_cast %scan3A_910 : i32 to index
        %swap3A_928 = arith.constant 0 : index
        %swap3A_929 = tpu.vector_load %arg8[%swap3A_926, %swap3A_927, %swap3A_928] {strides = array<i32>} : memref<2x200x64xf32, #tpu.memory_space<vmem>>, vector<1x1x16xf32>,
        %swap3A_930 = vector.shape_cast %swap3A_929 : vector<1x1x16xf32> to vector<16xf32>
        %swap3A_931 = vector.shape_cast %add3A_924 : vector<16xf32> to vector<1x1x16xf32>
        tpu.vector_store %arg8[%swap3A_926, %swap3A_927, %swap3A_928], %swap3A_931 {strides = array<i32>} : memref<2x200x64xf32, #tpu.memory_space<vmem>>, vector<1x1x16xf32>,
        %get3A_932 = arith.constant 1 : i32
        %get3A_933 = arith.index_cast %get3A_932 : i32 to index
        %get3A_934 = arith.index_cast %scan3A_910 : i32 to index
        %get3A_935 = arith.constant 0 : index
        %get3A_936 = tpu.vector_load %arg8[%get3A_933, %get3A_934, %get3A_935] {strides = array<i32>} : memref<2x200x64xf32, #tpu.memory_space<vmem>>, vector<1x1x16xf32>,
        %get3A_937 = vector.shape_cast %get3A_936 : vector<1x1x16xf32> to vector<16xf32>
        %mul3A_938 = arith.constant 8.000000e+00 : f32
        %mul3A_939 = vector.broadcast %mul3A_938 : f32 to vector<16xf32>
        %mul3A_940 = arith.mulf %get3A_937, %mul3A_939 : vector<16xf32>
        %add3A_941 = arith.addf %mul3A_940, %get3A_914 : vector<16xf32>
        %swap3A_942 = arith.constant 1 : i32
        %swap3A_943 = arith.index_cast %swap3A_942 : i32 to index
        %swap3A_944 = arith.index_cast %scan3A_910 : i32 to index
        %swap3A_945 = arith.constant 0 : index
        %swap3A_946 = tpu.vector_load %arg8[%swap3A_943, %swap3A_944, %swap3A_945] {strides = array<i32>} : memref<2x200x64xf32, #tpu.memory_space<vmem>>, vector<1x1x16xf32>,
        %swap3A_947 = vector.shape_cast %swap3A_946 : vector<1x1x16xf32> to vector<16xf32>
        %swap3A_948 = vector.shape_cast %add3A_941 : vector<16xf32> to vector<1x1x16xf32>
        tpu.vector_store %arg8[%swap3A_943, %swap3A_944, %swap3A_945], %swap3A_948 {strides = array<i32>} : memref<2x200x64xf32, #tpu.memory_space<vmem>>, vector<1x1x16xf32>,
        %get3A_949 = arith.index_cast %scan3A_910 : i32 to index
        %get3A_950 = arith.constant 16 : index
        %get3A_951 = tpu.vector_load %arg7[%get3A_949, %get3A_950] {strides = array<i32>} : memref<200x64xf32, #tpu.memory_space<vmem>>, vector<1x16xf32>,
        %get3A_952 = vector.shape_cast %get3A_951 : vector<1x16xf32> to vector<16xf32>
        %get3A_953 = arith.constant 0 : i32
        %get3A_954 = arith.index_cast %get3A_953 : i32 to index
        %get3A_955 = arith.index_cast %scan3A_910 : i32 to index
        %get3A_956 = arith.constant 16 : index
        %get3A_957 = tpu.vector_load %arg8[%get3A_954, %get3A_955, %get3A_956] {strides = array<i32>} : memref<2x200x64xf32, #tpu.memory_space<vmem>>, vector<1x1x16xf32>,
        %get3A_958 = vector.shape_cast %get3A_957 : vector<1x1x16xf32> to vector<16xf32>
        %mul3A_959 = arith.constant 8.000000e+00 : f32
        %mul3A_960 = vector.broadcast %mul3A_959 : f32 to vector<16xf32>
        %mul3A_961 = arith.mulf %get3A_958, %mul3A_960 : vector<16xf32>
        %add3A_962 = arith.addf %mul3A_961, %get3A_952 : vector<16xf32>
        %swap3A_963 = arith.constant 0 : i32
        %swap3A_964 = arith.index_cast %swap3A_963 : i32 to index
        %swap3A_965 = arith.index_cast %scan3A_910 : i32 to index
        %swap3A_966 = arith.constant 16 : index
        %swap3A_967 = tpu.vector_load %arg8[%swap3A_964, %swap3A_965, %swap3A_966] {strides = array<i32>} : memref<2x200x64xf32, #tpu.memory_space<vmem>>, vector<1x1x16xf32>,
        %swap3A_968 = vector.shape_cast %swap3A_967 : vector<1x1x16xf32> to vector<16xf32>
        %swap3A_969 = vector.shape_cast %add3A_962 : vector<16xf32> to vector<1x1x16xf32>
        tpu.vector_store %arg8[%swap3A_964, %swap3A_965, %swap3A_966], %swap3A_969 {strides = array<i32>} : memref<2x200x64xf32, #tpu.memory_space<vmem>>, vector<1x1x16xf32>,
        %get3A_970 = arith.constant 1 : i32
        %get3A_971 = arith.index_cast %get3A_970 : i32 to index
        %get3A_972 = arith.index_cast %scan3A_910 : i32 to index
        %get3A_973 = arith.constant 16 : index
        %get3A_974 = tpu.vector_load %arg8[%get3A_971, %get3A_972, %get3A_973] {strides = array<i32>} : memref<2x200x64xf32, #tpu.memory_space<vmem>>, vector<1x1x16xf32>,
        %get3A_975 = vector.shape_cast %get3A_974 : vector<1x1x16xf32> to vector<16xf32>
        %mul3A_976 = arith.constant 8.000000e+00 : f32
        %mul3A_977 = vector.broadcast %mul3A_976 : f32 to vector<16xf32>
        %mul3A_978 = arith.mulf %get3A_975, %mul3A_977 : vector<16xf32>
        %add3A_979 = arith.addf %mul3A_978, %get3A_952 : vector<16xf32>
        %swap3A_980 = arith.constant 1 : i32
        %swap3A_981 = arith.index_cast %swap3A_980 : i32 to index
        %swap3A_982 = arith.index_cast %scan3A_910 : i32 to index
        %swap3A_983 = arith.constant 16 : index
        %swap3A_984 = tpu.vector_load %arg8[%swap3A_981, %swap3A_982, %swap3A_983] {strides = array<i32>} : memref<2x200x64xf32, #tpu.memory_space<vmem>>, vector<1x1x16xf32>,
        %swap3A_985 = vector.shape_cast %swap3A_984 : vector<1x1x16xf32> to vector<16xf32>
        %swap3A_986 = vector.shape_cast %add3A_979 : vector<16xf32> to vector<1x1x16xf32>
        tpu.vector_store %arg8[%swap3A_981, %swap3A_982, %swap3A_983], %swap3A_986 {strides = array<i32>} : memref<2x200x64xf32, #tpu.memory_space<vmem>>, vector<1x1x16xf32>,
        %get3A_987 = arith.index_cast %scan3A_910 : i32 to index
        %get3A_988 = arith.constant 32 : index
        %get3A_989 = tpu.vector_load %arg7[%get3A_987, %get3A_988] {strides = array<i32>} : memref<200x64xf32, #tpu.memory_space<vmem>>, vector<1x16xf32>,
        %get3A_990 = vector.shape_cast %get3A_989 : vector<1x16xf32> to vector<16xf32>
        %get3A_991 = arith.constant 0 : i32
        %get3A_992 = arith.index_cast %get3A_991 : i32 to index
        %get3A_993 = arith.index_cast %scan3A_910 : i32 to index
        %get3A_994 = arith.constant 32 : index
        %get3A_995 = tpu.vector_load %arg8[%get3A_992, %get3A_993, %get3A_994] {strides = array<i32>} : memref<2x200x64xf32, #tpu.memory_space<vmem>>, vector<1x1x16xf32>,
        %get3A_996 = vector.shape_cast %get3A_995 : vector<1x1x16xf32> to vector<16xf32>
        %mul3A_997 = arith.constant 8.000000e+00 : f32
        %mul3A_998 = vector.broadcast %mul3A_997 : f32 to vector<16xf32>
        %mul3A_999 = arith.mulf %get3A_996, %mul3A_998 : vector<16xf32>
        %add3A_1000 = arith.addf %mul3A_999, %get3A_990 : vector<16xf32>
        %swap3A_1001 = arith.constant 0 : i32
        %swap3A_1002 = arith.index_cast %swap3A_1001 : i32 to index
        %swap3A_1003 = arith.index_cast %scan3A_910 : i32 to index
        %swap3A_1004 = arith.constant 32 : index
        %swap3A_1005 = tpu.vector_load %arg8[%swap3A_1002, %swap3A_1003, %swap3A_1004] {strides = array<i32>} : memref<2x200x64xf32, #tpu.memory_space<vmem>>, vector<1x1x16xf32>,
        %swap3A_1006 = vector.shape_cast %swap3A_1005 : vector<1x1x16xf32> to vector<16xf32>
        %swap3A_1007 = vector.shape_cast %add3A_1000 : vector<16xf32> to vector<1x1x16xf32>
        tpu.vector_store %arg8[%swap3A_1002, %swap3A_1003, %swap3A_1004], %swap3A_1007 {strides = array<i32>} : memref<2x200x64xf32, #tpu.memory_space<vmem>>, vector<1x1x16xf32>,
        %get3A_1008 = arith.constant 1 : i32
        %get3A_1009 = arith.index_cast %get3A_1008 : i32 to index
        %get3A_1010 = arith.index_cast %scan3A_910 : i32 to index
        %get3A_1011 = arith.constant 32 : index
        %get3A_1012 = tpu.vector_load %arg8[%get3A_1009, %get3A_1010, %get3A_1011] {strides = array<i32>} : memref<2x200x64xf32, #tpu.memory_space<vmem>>, vector<1x1x16xf32>,
        %get3A_1013 = vector.shape_cast %get3A_1012 : vector<1x1x16xf32> to vector<16xf32>
        %mul3A_1014 = arith.constant 8.000000e+00 : f32
        %mul3A_1015 = vector.broadcast %mul3A_1014 : f32 to vector<16xf32>
        %mul3A_1016 = arith.mulf %get3A_1013, %mul3A_1015 : vector<16xf32>
        %add3A_1017 = arith.addf %mul3A_1016, %get3A_990 : vector<16xf32>
        %swap3A_1018 = arith.constant 1 : i32
        %swap3A_1019 = arith.index_cast %swap3A_1018 : i32 to index
        %swap3A_1020 = arith.index_cast %scan3A_910 : i32 to index
        %swap3A_1021 = arith.constant 32 : index
        %swap3A_1022 = tpu.vector_load %arg8[%swap3A_1019, %swap3A_1020, %swap3A_1021] {strides = array<i32>} : memref<2x200x64xf32, #tpu.memory_space<vmem>>, vector<1x1x16xf32>,
        %swap3A_1023 = vector.shape_cast %swap3A_1022 : vector<1x1x16xf32> to vector<16xf32>
        %swap3A_1024 = vector.shape_cast %add3A_1017 : vector<16xf32> to vector<1x1x16xf32>
        tpu.vector_store %arg8[%swap3A_1019, %swap3A_1020, %swap3A_1021], %swap3A_1024 {strides = array<i32>} : memref<2x200x64xf32, #tpu.memory_space<vmem>>, vector<1x1x16xf32>,
        %get3A_1025 = arith.index_cast %scan3A_910 : i32 to index
        %get3A_1026 = arith.constant 48 : index
        %get3A_1027 = tpu.vector_load %arg7[%get3A_1025, %get3A_1026] {strides = array<i32>} : memref<200x64xf32, #tpu.memory_space<vmem>>, vector<1x16xf32>,
        %get3A_1028 = vector.shape_cast %get3A_1027 : vector<1x16xf32> to vector<16xf32>
        %get3A_1029 = arith.constant 0 : i32
        %get3A_1030 = arith.index_cast %get3A_1029 : i32 to index
        %get3A_1031 = arith.index_cast %scan3A_910 : i32 to index
        %get3A_1032 = arith.constant 48 : index
        %get3A_1033 = tpu.vector_load %arg8[%get3A_1030, %get3A_1031, %get3A_1032] {strides = array<i32>} : memref<2x200x64xf32, #tpu.memory_space<vmem>>, vector<1x1x16xf32>,
        %get3A_1034 = vector.shape_cast %get3A_1033 : vector<1x1x16xf32> to vector<16xf32>
        %mul3A_1035 = arith.constant 8.000000e+00 : f32
        %mul3A_1036 = vector.broadcast %mul3A_1035 : f32 to vector<16xf32>
        %mul3A_1037 = arith.mulf %get3A_1034, %mul3A_1036 : vector<16xf32>
        %add3A_1038 = arith.addf %mul3A_1037, %get3A_1028 : vector<16xf32>
        %swap3A_1039 = arith.constant 0 : i32
        %swap3A_1040 = arith.index_cast %swap3A_1039 : i32 to index
        %swap3A_1041 = arith.index_cast %scan3A_910 : i32 to index
        %swap3A_1042 = arith.constant 48 : index
        %swap3A_1043 = tpu.vector_load %arg8[%swap3A_1040, %swap3A_1041, %swap3A_1042] {strides = array<i32>} : memref<2x200x64xf32, #tpu.memory_space<vmem>>, vector<1x1x16xf32>,
        %swap3A_1044 = vector.shape_cast %swap3A_1043 : vector<1x1x16xf32> to vector<16xf32>
        %swap3A_1045 = vector.shape_cast %add3A_1038 : vector<16xf32> to vector<1x1x16xf32>
        tpu.vector_store %arg8[%swap3A_1040, %swap3A_1041, %swap3A_1042], %swap3A_1045 {strides = array<i32>} : memref<2x200x64xf32, #tpu.memory_space<vmem>>, vector<1x1x16xf32>,
        %get3A_1046 = arith.constant 1 : i32
        %get3A_1047 = arith.index_cast %get3A_1046 : i32 to index
        %get3A_1048 = arith.index_cast %scan3A_910 : i32 to index
        %get3A_1049 = arith.constant 48 : index
        %get3A_1050 = tpu.vector_load %arg8[%get3A_1047, %get3A_1048, %get3A_1049] {strides = array<i32>} : memref<2x200x64xf32, #tpu.memory_space<vmem>>, vector<1x1x16xf32>,
        %get3A_1051 = vector.shape_cast %get3A_1050 : vector<1x1x16xf32> to vector<16xf32>
        %mul3A_1052 = arith.constant 8.000000e+00 : f32
        %mul3A_1053 = vector.broadcast %mul3A_1052 : f32 to vector<16xf32>
        %mul3A_1054 = arith.mulf %get3A_1051, %mul3A_1053 : vector<16xf32>
        %add3A_1055 = arith.addf %mul3A_1054, %get3A_1028 : vector<16xf32>
        %swap3A_1056 = arith.constant 1 : i32
        %swap3A_1057 = arith.index_cast %swap3A_1056 : i32 to index
        %swap3A_1058 = arith.index_cast %scan3A_910 : i32 to index
        %swap3A_1059 = arith.constant 48 : index
        %swap3A_1060 = tpu.vector_load %arg8[%swap3A_1057, %swap3A_1058, %swap3A_1059] {strides = array<i32>} : memref<2x200x64xf32, #tpu.memory_space<vmem>>, vector<1x1x16xf32>,
        %swap3A_1061 = vector.shape_cast %swap3A_1060 : vector<1x1x16xf32> to vector<16xf32>
        %swap3A_1062 = vector.shape_cast %add3A_1055 : vector<16xf32> to vector<1x1x16xf32>
        tpu.vector_store %arg8[%swap3A_1057, %swap3A_1058, %swap3A_1059], %swap3A_1062 {strides = array<i32>} : memref<2x200x64xf32, #tpu.memory_space<vmem>>, vector<1x1x16xf32>,
        %scan3A_1063 = arith.constant 5 : i32
        %scan3A_1064 = arith.addi %scan3A_296, %scan3A_1063 : i32
        %get3A_1065 = arith.index_cast %scan3A_1064 : i32 to index
        %get3A_1066 = arith.constant 0 : index
        %get3A_1067 = tpu.vector_load %arg7[%get3A_1065, %get3A_1066] {strides = array<i32>} : memref<200x64xf32, #tpu.memory_space<vmem>>, vector<1x16xf32>,
        %get3A_1068 = vector.shape_cast %get3A_1067 : vector<1x16xf32> to vector<16xf32>
        %get3A_1069 = arith.constant 0 : i32
        %get3A_1070 = arith.index_cast %get3A_1069 : i32 to index
        %get3A_1071 = arith.index_cast %scan3A_1064 : i32 to index
        %get3A_1072 = arith.constant 0 : index
        %get3A_1073 = tpu.vector_load %arg8[%get3A_1070, %get3A_1071, %get3A_1072] {strides = array<i32>} : memref<2x200x64xf32, #tpu.memory_space<vmem>>, vector<1x1x16xf32>,
        %get3A_1074 = vector.shape_cast %get3A_1073 : vector<1x1x16xf32> to vector<16xf32>
        %mul3A_1075 = arith.constant 8.000000e+00 : f32
        %mul3A_1076 = vector.broadcast %mul3A_1075 : f32 to vector<16xf32>
        %mul3A_1077 = arith.mulf %get3A_1074, %mul3A_1076 : vector<16xf32>
        %add3A_1078 = arith.addf %mul3A_1077, %get3A_1068 : vector<16xf32>
        %swap3A_1079 = arith.constant 0 : i32
        %swap3A_1080 = arith.index_cast %swap3A_1079 : i32 to index
        %swap3A_1081 = arith.index_cast %scan3A_1064 : i32 to index
        %swap3A_1082 = arith.constant 0 : index
        %swap3A_1083 = tpu.vector_load %arg8[%swap3A_1080, %swap3A_1081, %swap3A_1082] {strides = array<i32>} : memref<2x200x64xf32, #tpu.memory_space<vmem>>, vector<1x1x16xf32>,
        %swap3A_1084 = vector.shape_cast %swap3A_1083 : vector<1x1x16xf32> to vector<16xf32>
        %swap3A_1085 = vector.shape_cast %add3A_1078 : vector<16xf32> to vector<1x1x16xf32>
        tpu.vector_store %arg8[%swap3A_1080, %swap3A_1081, %swap3A_1082], %swap3A_1085 {strides = array<i32>} : memref<2x200x64xf32, #tpu.memory_space<vmem>>, vector<1x1x16xf32>,
        %get3A_1086 = arith.constant 1 : i32
        %get3A_1087 = arith.index_cast %get3A_1086 : i32 to index
        %get3A_1088 = arith.index_cast %scan3A_1064 : i32 to index
        %get3A_1089 = arith.constant 0 : index
        %get3A_1090 = tpu.vector_load %arg8[%get3A_1087, %get3A_1088, %get3A_1089] {strides = array<i32>} : memref<2x200x64xf32, #tpu.memory_space<vmem>>, vector<1x1x16xf32>,
        %get3A_1091 = vector.shape_cast %get3A_1090 : vector<1x1x16xf32> to vector<16xf32>
        %mul3A_1092 = arith.constant 8.000000e+00 : f32
        %mul3A_1093 = vector.broadcast %mul3A_1092 : f32 to vector<16xf32>
        %mul3A_1094 = arith.mulf %get3A_1091, %mul3A_1093 : vector<16xf32>
        %add3A_1095 = arith.addf %mul3A_1094, %get3A_1068 : vector<16xf32>
        %swap3A_1096 = arith.constant 1 : i32
        %swap3A_1097 = arith.index_cast %swap3A_1096 : i32 to index
        %swap3A_1098 = arith.index_cast %scan3A_1064 : i32 to index
        %swap3A_1099 = arith.constant 0 : index
        %swap3A_1100 = tpu.vector_load %arg8[%swap3A_1097, %swap3A_1098, %swap3A_1099] {strides = array<i32>} : memref<2x200x64xf32, #tpu.memory_space<vmem>>, vector<1x1x16xf32>,
        %swap3A_1101 = vector.shape_cast %swap3A_1100 : vector<1x1x16xf32> to vector<16xf32>
        %swap3A_1102 = vector.shape_cast %add3A_1095 : vector<16xf32> to vector<1x1x16xf32>
        tpu.vector_store %arg8[%swap3A_1097, %swap3A_1098, %swap3A_1099], %swap3A_1102 {strides = array<i32>} : memref<2x200x64xf32, #tpu.memory_space<vmem>>, vector<1x1x16xf32>,
        %get3A_1103 = arith.index_cast %scan3A_1064 : i32 to index
        %get3A_1104 = arith.constant 16 : index
        %get3A_1105 = tpu.vector_load %arg7[%get3A_1103, %get3A_1104] {strides = array<i32>} : memref<200x64xf32, #tpu.memory_space<vmem>>, vector<1x16xf32>,
        %get3A_1106 = vector.shape_cast %get3A_1105 : vector<1x16xf32> to vector<16xf32>
        %get3A_1107 = arith.constant 0 : i32
        %get3A_1108 = arith.index_cast %get3A_1107 : i32 to index
        %get3A_1109 = arith.index_cast %scan3A_1064 : i32 to index
        %get3A_1110 = arith.constant 16 : index
        %get3A_1111 = tpu.vector_load %arg8[%get3A_1108, %get3A_1109, %get3A_1110] {strides = array<i32>} : memref<2x200x64xf32, #tpu.memory_space<vmem>>, vector<1x1x16xf32>,
        %get3A_1112 = vector.shape_cast %get3A_1111 : vector<1x1x16xf32> to vector<16xf32>
        %mul3A_1113 = arith.constant 8.000000e+00 : f32
        %mul3A_1114 = vector.broadcast %mul3A_1113 : f32 to vector<16xf32>
        %mul3A_1115 = arith.mulf %get3A_1112, %mul3A_1114 : vector<16xf32>
        %add3A_1116 = arith.addf %mul3A_1115, %get3A_1106 : vector<16xf32>
        %swap3A_1117 = arith.constant 0 : i32
        %swap3A_1118 = arith.index_cast %swap3A_1117 : i32 to index
        %swap3A_1119 = arith.index_cast %scan3A_1064 : i32 to index
        %swap3A_1120 = arith.constant 16 : index
        %swap3A_1121 = tpu.vector_load %arg8[%swap3A_1118, %swap3A_1119, %swap3A_1120] {strides = array<i32>} : memref<2x200x64xf32, #tpu.memory_space<vmem>>, vector<1x1x16xf32>,
        %swap3A_1122 = vector.shape_cast %swap3A_1121 : vector<1x1x16xf32> to vector<16xf32>
        %swap3A_1123 = vector.shape_cast %add3A_1116 : vector<16xf32> to vector<1x1x16xf32>
        tpu.vector_store %arg8[%swap3A_1118, %swap3A_1119, %swap3A_1120], %swap3A_1123 {strides = array<i32>} : memref<2x200x64xf32, #tpu.memory_space<vmem>>, vector<1x1x16xf32>,
        %get3A_1124 = arith.constant 1 : i32
        %get3A_1125 = arith.index_cast %get3A_1124 : i32 to index
        %get3A_1126 = arith.index_cast %scan3A_1064 : i32 to index
        %get3A_1127 = arith.constant 16 : index
        %get3A_1128 = tpu.vector_load %arg8[%get3A_1125, %get3A_1126, %get3A_1127] {strides = array<i32>} : memref<2x200x64xf32, #tpu.memory_space<vmem>>, vector<1x1x16xf32>,
        %get3A_1129 = vector.shape_cast %get3A_1128 : vector<1x1x16xf32> to vector<16xf32>
        %mul3A_1130 = arith.constant 8.000000e+00 : f32
        %mul3A_1131 = vector.broadcast %mul3A_1130 : f32 to vector<16xf32>
        %mul3A_1132 = arith.mulf %get3A_1129, %mul3A_1131 : vector<16xf32>
        %add3A_1133 = arith.addf %mul3A_1132, %get3A_1106 : vector<16xf32>
        %swap3A_1134 = arith.constant 1 : i32
        %swap3A_1135 = arith.index_cast %swap3A_1134 : i32 to index
        %swap3A_1136 = arith.index_cast %scan3A_1064 : i32 to index
        %swap3A_1137 = arith.constant 16 : index
        %swap3A_1138 = tpu.vector_load %arg8[%swap3A_1135, %swap3A_1136, %swap3A_1137] {strides = array<i32>} : memref<2x200x64xf32, #tpu.memory_space<vmem>>, vector<1x1x16xf32>,
        %swap3A_1139 = vector.shape_cast %swap3A_1138 : vector<1x1x16xf32> to vector<16xf32>
        %swap3A_1140 = vector.shape_cast %add3A_1133 : vector<16xf32> to vector<1x1x16xf32>
        tpu.vector_store %arg8[%swap3A_1135, %swap3A_1136, %swap3A_1137], %swap3A_1140 {strides = array<i32>} : memref<2x200x64xf32, #tpu.memory_space<vmem>>, vector<1x1x16xf32>,
        %get3A_1141 = arith.index_cast %scan3A_1064 : i32 to index
        %get3A_1142 = arith.constant 32 : index
        %get3A_1143 = tpu.vector_load %arg7[%get3A_1141, %get3A_1142] {strides = array<i32>} : memref<200x64xf32, #tpu.memory_space<vmem>>, vector<1x16xf32>,
        %get3A_1144 = vector.shape_cast %get3A_1143 : vector<1x16xf32> to vector<16xf32>
        %get3A_1145 = arith.constant 0 : i32
        %get3A_1146 = arith.index_cast %get3A_1145 : i32 to index
        %get3A_1147 = arith.index_cast %scan3A_1064 : i32 to index
        %get3A_1148 = arith.constant 32 : index
        %get3A_1149 = tpu.vector_load %arg8[%get3A_1146, %get3A_1147, %get3A_1148] {strides = array<i32>} : memref<2x200x64xf32, #tpu.memory_space<vmem>>, vector<1x1x16xf32>,
        %get3A_1150 = vector.shape_cast %get3A_1149 : vector<1x1x16xf32> to vector<16xf32>
        %mul3A_1151 = arith.constant 8.000000e+00 : f32
        %mul3A_1152 = vector.broadcast %mul3A_1151 : f32 to vector<16xf32>
        %mul3A_1153 = arith.mulf %get3A_1150, %mul3A_1152 : vector<16xf32>
        %add3A_1154 = arith.addf %mul3A_1153, %get3A_1144 : vector<16xf32>
        %swap3A_1155 = arith.constant 0 : i32
        %swap3A_1156 = arith.index_cast %swap3A_1155 : i32 to index
        %swap3A_1157 = arith.index_cast %scan3A_1064 : i32 to index
        %swap3A_1158 = arith.constant 32 : index
        %swap3A_1159 = tpu.vector_load %arg8[%swap3A_1156, %swap3A_1157, %swap3A_1158] {strides = array<i32>} : memref<2x200x64xf32, #tpu.memory_space<vmem>>, vector<1x1x16xf32>,
        %swap3A_1160 = vector.shape_cast %swap3A_1159 : vector<1x1x16xf32> to vector<16xf32>
        %swap3A_1161 = vector.shape_cast %add3A_1154 : vector<16xf32> to vector<1x1x16xf32>
        tpu.vector_store %arg8[%swap3A_1156, %swap3A_1157, %swap3A_1158], %swap3A_1161 {strides = array<i32>} : memref<2x200x64xf32, #tpu.memory_space<vmem>>, vector<1x1x16xf32>,
        %get3A_1162 = arith.constant 1 : i32
        %get3A_1163 = arith.index_cast %get3A_1162 : i32 to index
        %get3A_1164 = arith.index_cast %scan3A_1064 : i32 to index
        %get3A_1165 = arith.constant 32 : index
        %get3A_1166 = tpu.vector_load %arg8[%get3A_1163, %get3A_1164, %get3A_1165] {strides = array<i32>} : memref<2x200x64xf32, #tpu.memory_space<vmem>>, vector<1x1x16xf32>,
        %get3A_1167 = vector.shape_cast %get3A_1166 : vector<1x1x16xf32> to vector<16xf32>
        %mul3A_1168 = arith.constant 8.000000e+00 : f32
        %mul3A_1169 = vector.broadcast %mul3A_1168 : f32 to vector<16xf32>
        %mul3A_1170 = arith.mulf %get3A_1167, %mul3A_1169 : vector<16xf32>
        %add3A_1171 = arith.addf %mul3A_1170, %get3A_1144 : vector<16xf32>
        %swap3A_1172 = arith.constant 1 : i32
        %swap3A_1173 = arith.index_cast %swap3A_1172 : i32 to index
        %swap3A_1174 = arith.index_cast %scan3A_1064 : i32 to index
        %swap3A_1175 = arith.constant 32 : index
        %swap3A_1176 = tpu.vector_load %arg8[%swap3A_1173, %swap3A_1174, %swap3A_1175] {strides = array<i32>} : memref<2x200x64xf32, #tpu.memory_space<vmem>>, vector<1x1x16xf32>,
        %swap3A_1177 = vector.shape_cast %swap3A_1176 : vector<1x1x16xf32> to vector<16xf32>
        %swap3A_1178 = vector.shape_cast %add3A_1171 : vector<16xf32> to vector<1x1x16xf32>
        tpu.vector_store %arg8[%swap3A_1173, %swap3A_1174, %swap3A_1175], %swap3A_1178 {strides = array<i32>} : memref<2x200x64xf32, #tpu.memory_space<vmem>>, vector<1x1x16xf32>,
        %get3A_1179 = arith.index_cast %scan3A_1064 : i32 to index
        %get3A_1180 = arith.constant 48 : index
        %get3A_1181 = tpu.vector_load %arg7[%get3A_1179, %get3A_1180] {strides = array<i32>} : memref<200x64xf32, #tpu.memory_space<vmem>>, vector<1x16xf32>,
        %get3A_1182 = vector.shape_cast %get3A_1181 : vector<1x16xf32> to vector<16xf32>
        %get3A_1183 = arith.constant 0 : i32
        %get3A_1184 = arith.index_cast %get3A_1183 : i32 to index
        %get3A_1185 = arith.index_cast %scan3A_1064 : i32 to index
        %get3A_1186 = arith.constant 48 : index
        %get3A_1187 = tpu.vector_load %arg8[%get3A_1184, %get3A_1185, %get3A_1186] {strides = array<i32>} : memref<2x200x64xf32, #tpu.memory_space<vmem>>, vector<1x1x16xf32>,
        %get3A_1188 = vector.shape_cast %get3A_1187 : vector<1x1x16xf32> to vector<16xf32>
        %mul3A_1189 = arith.constant 8.000000e+00 : f32
        %mul3A_1190 = vector.broadcast %mul3A_1189 : f32 to vector<16xf32>
        %mul3A_1191 = arith.mulf %get3A_1188, %mul3A_1190 : vector<16xf32>
        %add3A_1192 = arith.addf %mul3A_1191, %get3A_1182 : vector<16xf32>
        %swap3A_1193 = arith.constant 0 : i32
        %swap3A_1194 = arith.index_cast %swap3A_1193 : i32 to index
        %swap3A_1195 = arith.index_cast %scan3A_1064 : i32 to index
        %swap3A_1196 = arith.constant 48 : index
        %swap3A_1197 = tpu.vector_load %arg8[%swap3A_1194, %swap3A_1195, %swap3A_1196] {strides = array<i32>} : memref<2x200x64xf32, #tpu.memory_space<vmem>>, vector<1x1x16xf32>,
        %swap3A_1198 = vector.shape_cast %swap3A_1197 : vector<1x1x16xf32> to vector<16xf32>
        %swap3A_1199 = vector.shape_cast %add3A_1192 : vector<16xf32> to vector<1x1x16xf32>
        tpu.vector_store %arg8[%swap3A_1194, %swap3A_1195, %swap3A_1196], %swap3A_1199 {strides = array<i32>} : memref<2x200x64xf32, #tpu.memory_space<vmem>>, vector<1x1x16xf32>,
        %get3A_1200 = arith.constant 1 : i32
        %get3A_1201 = arith.index_cast %get3A_1200 : i32 to index
        %get3A_1202 = arith.index_cast %scan3A_1064 : i32 to index
        %get3A_1203 = arith.constant 48 : index
        %get3A_1204 = tpu.vector_load %arg8[%get3A_1201, %get3A_1202, %get3A_1203] {strides = array<i32>} : memref<2x200x64xf32, #tpu.memory_space<vmem>>, vector<1x1x16xf32>,
        %get3A_1205 = vector.shape_cast %get3A_1204 : vector<1x1x16xf32> to vector<16xf32>
        %mul3A_1206 = arith.constant 8.000000e+00 : f32
        %mul3A_1207 = vector.broadcast %mul3A_1206 : f32 to vector<16xf32>
        %mul3A_1208 = arith.mulf %get3A_1205, %mul3A_1207 : vector<16xf32>
        %add3A_1209 = arith.addf %mul3A_1208, %get3A_1182 : vector<16xf32>
        %swap3A_1210 = arith.constant 1 : i32
        %swap3A_1211 = arith.index_cast %swap3A_1210 : i32 to index
        %swap3A_1212 = arith.index_cast %scan3A_1064 : i32 to index
        %swap3A_1213 = arith.constant 48 : index
        %swap3A_1214 = tpu.vector_load %arg8[%swap3A_1211, %swap3A_1212, %swap3A_1213] {strides = array<i32>} : memref<2x200x64xf32, #tpu.memory_space<vmem>>, vector<1x1x16xf32>,
        %swap3A_1215 = vector.shape_cast %swap3A_1214 : vector<1x1x16xf32> to vector<16xf32>
        %swap3A_1216 = vector.shape_cast %add3A_1209 : vector<16xf32> to vector<1x1x16xf32>
        tpu.vector_store %arg8[%swap3A_1211, %swap3A_1212, %swap3A_1213], %swap3A_1216 {strides = array<i32>} : memref<2x200x64xf32, #tpu.memory_space<vmem>>, vector<1x1x16xf32>,
        %scan3A_1217 = arith.constant 6 : i32
        %scan3A_1218 = arith.addi %scan3A_296, %scan3A_1217 : i32
        %get3A_1219 = arith.index_cast %scan3A_1218 : i32 to index
        %get3A_1220 = arith.constant 0 : index
        %get3A_1221 = tpu.vector_load %arg7[%get3A_1219, %get3A_1220] {strides = array<i32>} : memref<200x64xf32, #tpu.memory_space<vmem>>, vector<1x16xf32>,
        %get3A_1222 = vector.shape_cast %get3A_1221 : vector<1x16xf32> to vector<16xf32>
        %get3A_1223 = arith.constant 0 : i32
        %get3A_1224 = arith.index_cast %get3A_1223 : i32 to index
        %get3A_1225 = arith.index_cast %scan3A_1218 : i32 to index
        %get3A_1226 = arith.constant 0 : index
        %get3A_1227 = tpu.vector_load %arg8[%get3A_1224, %get3A_1225, %get3A_1226] {strides = array<i32>} : memref<2x200x64xf32, #tpu.memory_space<vmem>>, vector<1x1x16xf32>,
        %get3A_1228 = vector.shape_cast %get3A_1227 : vector<1x1x16xf32> to vector<16xf32>
        %mul3A_1229 = arith.constant 8.000000e+00 : f32
        %mul3A_1230 = vector.broadcast %mul3A_1229 : f32 to vector<16xf32>
        %mul3A_1231 = arith.mulf %get3A_1228, %mul3A_1230 : vector<16xf32>
        %add3A_1232 = arith.addf %mul3A_1231, %get3A_1222 : vector<16xf32>
        %swap3A_1233 = arith.constant 0 : i32
        %swap3A_1234 = arith.index_cast %swap3A_1233 : i32 to index
        %swap3A_1235 = arith.index_cast %scan3A_1218 : i32 to index
        %swap3A_1236 = arith.constant 0 : index
        %swap3A_1237 = tpu.vector_load %arg8[%swap3A_1234, %swap3A_1235, %swap3A_1236] {strides = array<i32>} : memref<2x200x64xf32, #tpu.memory_space<vmem>>, vector<1x1x16xf32>,
        %swap3A_1238 = vector.shape_cast %swap3A_1237 : vector<1x1x16xf32> to vector<16xf32>
        %swap3A_1239 = vector.shape_cast %add3A_1232 : vector<16xf32> to vector<1x1x16xf32>
        tpu.vector_store %arg8[%swap3A_1234, %swap3A_1235, %swap3A_1236], %swap3A_1239 {strides = array<i32>} : memref<2x200x64xf32, #tpu.memory_space<vmem>>, vector<1x1x16xf32>,
        %get3A_1240 = arith.constant 1 : i32
        %get3A_1241 = arith.index_cast %get3A_1240 : i32 to index
        %get3A_1242 = arith.index_cast %scan3A_1218 : i32 to index
        %get3A_1243 = arith.constant 0 : index
        %get3A_1244 = tpu.vector_load %arg8[%get3A_1241, %get3A_1242, %get3A_1243] {strides = array<i32>} : memref<2x200x64xf32, #tpu.memory_space<vmem>>, vector<1x1x16xf32>,
        %get3A_1245 = vector.shape_cast %get3A_1244 : vector<1x1x16xf32> to vector<16xf32>
        %mul3A_1246 = arith.constant 8.000000e+00 : f32
        %mul3A_1247 = vector.broadcast %mul3A_1246 : f32 to vector<16xf32>
        %mul3A_1248 = arith.mulf %get3A_1245, %mul3A_1247 : vector<16xf32>
        %add3A_1249 = arith.addf %mul3A_1248, %get3A_1222 : vector<16xf32>
        %swap3A_1250 = arith.constant 1 : i32
        %swap3A_1251 = arith.index_cast %swap3A_1250 : i32 to index
        %swap3A_1252 = arith.index_cast %scan3A_1218 : i32 to index
        %swap3A_1253 = arith.constant 0 : index
        %swap3A_1254 = tpu.vector_load %arg8[%swap3A_1251, %swap3A_1252, %swap3A_1253] {strides = array<i32>} : memref<2x200x64xf32, #tpu.memory_space<vmem>>, vector<1x1x16xf32>,
        %swap3A_1255 = vector.shape_cast %swap3A_1254 : vector<1x1x16xf32> to vector<16xf32>
        %swap3A_1256 = vector.shape_cast %add3A_1249 : vector<16xf32> to vector<1x1x16xf32>
        tpu.vector_store %arg8[%swap3A_1251, %swap3A_1252, %swap3A_1253], %swap3A_1256 {strides = array<i32>} : memref<2x200x64xf32, #tpu.memory_space<vmem>>, vector<1x1x16xf32>,
        %get3A_1257 = arith.index_cast %scan3A_1218 : i32 to index
        %get3A_1258 = arith.constant 16 : index
        %get3A_1259 = tpu.vector_load %arg7[%get3A_1257, %get3A_1258] {strides = array<i32>} : memref<200x64xf32, #tpu.memory_space<vmem>>, vector<1x16xf32>,
        %get3A_1260 = vector.shape_cast %get3A_1259 : vector<1x16xf32> to vector<16xf32>
        %get3A_1261 = arith.constant 0 : i32
        %get3A_1262 = arith.index_cast %get3A_1261 : i32 to index
        %get3A_1263 = arith.index_cast %scan3A_1218 : i32 to index
        %get3A_1264 = arith.constant 16 : index
        %get3A_1265 = tpu.vector_load %arg8[%get3A_1262, %get3A_1263, %get3A_1264] {strides = array<i32>} : memref<2x200x64xf32, #tpu.memory_space<vmem>>, vector<1x1x16xf32>,
        %get3A_1266 = vector.shape_cast %get3A_1265 : vector<1x1x16xf32> to vector<16xf32>
        %mul3A_1267 = arith.constant 8.000000e+00 : f32
        %mul3A_1268 = vector.broadcast %mul3A_1267 : f32 to vector<16xf32>
        %mul3A_1269 = arith.mulf %get3A_1266, %mul3A_1268 : vector<16xf32>
        %add3A_1270 = arith.addf %mul3A_1269, %get3A_1260 : vector<16xf32>
        %swap3A_1271 = arith.constant 0 : i32
        %swap3A_1272 = arith.index_cast %swap3A_1271 : i32 to index
        %swap3A_1273 = arith.index_cast %scan3A_1218 : i32 to index
        %swap3A_1274 = arith.constant 16 : index
        %swap3A_1275 = tpu.vector_load %arg8[%swap3A_1272, %swap3A_1273, %swap3A_1274] {strides = array<i32>} : memref<2x200x64xf32, #tpu.memory_space<vmem>>, vector<1x1x16xf32>,
        %swap3A_1276 = vector.shape_cast %swap3A_1275 : vector<1x1x16xf32> to vector<16xf32>
        %swap3A_1277 = vector.shape_cast %add3A_1270 : vector<16xf32> to vector<1x1x16xf32>
        tpu.vector_store %arg8[%swap3A_1272, %swap3A_1273, %swap3A_1274], %swap3A_1277 {strides = array<i32>} : memref<2x200x64xf32, #tpu.memory_space<vmem>>, vector<1x1x16xf32>,
        %get3A_1278 = arith.constant 1 : i32
        %get3A_1279 = arith.index_cast %get3A_1278 : i32 to index
        %get3A_1280 = arith.index_cast %scan3A_1218 : i32 to index
        %get3A_1281 = arith.constant 16 : index
        %get3A_1282 = tpu.vector_load %arg8[%get3A_1279, %get3A_1280, %get3A_1281] {strides = array<i32>} : memref<2x200x64xf32, #tpu.memory_space<vmem>>, vector<1x1x16xf32>,
        %get3A_1283 = vector.shape_cast %get3A_1282 : vector<1x1x16xf32> to vector<16xf32>
        %mul3A_1284 = arith.constant 8.000000e+00 : f32
        %mul3A_1285 = vector.broadcast %mul3A_1284 : f32 to vector<16xf32>
        %mul3A_1286 = arith.mulf %get3A_1283, %mul3A_1285 : vector<16xf32>
        %add3A_1287 = arith.addf %mul3A_1286, %get3A_1260 : vector<16xf32>
        %swap3A_1288 = arith.constant 1 : i32
        %swap3A_1289 = arith.index_cast %swap3A_1288 : i32 to index
        %swap3A_1290 = arith.index_cast %scan3A_1218 : i32 to index
        %swap3A_1291 = arith.constant 16 : index
        %swap3A_1292 = tpu.vector_load %arg8[%swap3A_1289, %swap3A_1290, %swap3A_1291] {strides = array<i32>} : memref<2x200x64xf32, #tpu.memory_space<vmem>>, vector<1x1x16xf32>,
        %swap3A_1293 = vector.shape_cast %swap3A_1292 : vector<1x1x16xf32> to vector<16xf32>
        %swap3A_1294 = vector.shape_cast %add3A_1287 : vector<16xf32> to vector<1x1x16xf32>
        tpu.vector_store %arg8[%swap3A_1289, %swap3A_1290, %swap3A_1291], %swap3A_1294 {strides = array<i32>} : memref<2x200x64xf32, #tpu.memory_space<vmem>>, vector<1x1x16xf32>,
        %get3A_1295 = arith.index_cast %scan3A_1218 : i32 to index
        %get3A_1296 = arith.constant 32 : index
        %get3A_1297 = tpu.vector_load %arg7[%get3A_1295, %get3A_1296] {strides = array<i32>} : memref<200x64xf32, #tpu.memory_space<vmem>>, vector<1x16xf32>,
        %get3A_1298 = vector.shape_cast %get3A_1297 : vector<1x16xf32> to vector<16xf32>
        %get3A_1299 = arith.constant 0 : i32
        %get3A_1300 = arith.index_cast %get3A_1299 : i32 to index
        %get3A_1301 = arith.index_cast %scan3A_1218 : i32 to index
        %get3A_1302 = arith.constant 32 : index
        %get3A_1303 = tpu.vector_load %arg8[%get3A_1300, %get3A_1301, %get3A_1302] {strides = array<i32>} : memref<2x200x64xf32, #tpu.memory_space<vmem>>, vector<1x1x16xf32>,
        %get3A_1304 = vector.shape_cast %get3A_1303 : vector<1x1x16xf32> to vector<16xf32>
        %mul3A_1305 = arith.constant 8.000000e+00 : f32
        %mul3A_1306 = vector.broadcast %mul3A_1305 : f32 to vector<16xf32>
        %mul3A_1307 = arith.mulf %get3A_1304, %mul3A_1306 : vector<16xf32>
        %add3A_1308 = arith.addf %mul3A_1307, %get3A_1298 : vector<16xf32>
        %swap3A_1309 = arith.constant 0 : i32
        %swap3A_1310 = arith.index_cast %swap3A_1309 : i32 to index
        %swap3A_1311 = arith.index_cast %scan3A_1218 : i32 to index
        %swap3A_1312 = arith.constant 32 : index
        %swap3A_1313 = tpu.vector_load %arg8[%swap3A_1310, %swap3A_1311, %swap3A_1312] {strides = array<i32>} : memref<2x200x64xf32, #tpu.memory_space<vmem>>, vector<1x1x16xf32>,
        %swap3A_1314 = vector.shape_cast %swap3A_1313 : vector<1x1x16xf32> to vector<16xf32>
        %swap3A_1315 = vector.shape_cast %add3A_1308 : vector<16xf32> to vector<1x1x16xf32>
        tpu.vector_store %arg8[%swap3A_1310, %swap3A_1311, %swap3A_1312], %swap3A_1315 {strides = array<i32>} : memref<2x200x64xf32, #tpu.memory_space<vmem>>, vector<1x1x16xf32>,
        %get3A_1316 = arith.constant 1 : i32
        %get3A_1317 = arith.index_cast %get3A_1316 : i32 to index
        %get3A_1318 = arith.index_cast %scan3A_1218 : i32 to index
        %get3A_1319 = arith.constant 32 : index
        %get3A_1320 = tpu.vector_load %arg8[%get3A_1317, %get3A_1318, %get3A_1319] {strides = array<i32>} : memref<2x200x64xf32, #tpu.memory_space<vmem>>, vector<1x1x16xf32>,
        %get3A_1321 = vector.shape_cast %get3A_1320 : vector<1x1x16xf32> to vector<16xf32>
        %mul3A_1322 = arith.constant 8.000000e+00 : f32
        %mul3A_1323 = vector.broadcast %mul3A_1322 : f32 to vector<16xf32>
        %mul3A_1324 = arith.mulf %get3A_1321, %mul3A_1323 : vector<16xf32>
        %add3A_1325 = arith.addf %mul3A_1324, %get3A_1298 : vector<16xf32>
        %swap3A_1326 = arith.constant 1 : i32
        %swap3A_1327 = arith.index_cast %swap3A_1326 : i32 to index
        %swap3A_1328 = arith.index_cast %scan3A_1218 : i32 to index
        %swap3A_1329 = arith.constant 32 : index
        %swap3A_1330 = tpu.vector_load %arg8[%swap3A_1327, %swap3A_1328, %swap3A_1329] {strides = array<i32>} : memref<2x200x64xf32, #tpu.memory_space<vmem>>, vector<1x1x16xf32>,
        %swap3A_1331 = vector.shape_cast %swap3A_1330 : vector<1x1x16xf32> to vector<16xf32>
        %swap3A_1332 = vector.shape_cast %add3A_1325 : vector<16xf32> to vector<1x1x16xf32>
        tpu.vector_store %arg8[%swap3A_1327, %swap3A_1328, %swap3A_1329], %swap3A_1332 {strides = array<i32>} : memref<2x200x64xf32, #tpu.memory_space<vmem>>, vector<1x1x16xf32>,
        %get3A_1333 = arith.index_cast %scan3A_1218 : i32 to index
        %get3A_1334 = arith.constant 48 : index
        %get3A_1335 = tpu.vector_load %arg7[%get3A_1333, %get3A_1334] {strides = array<i32>} : memref<200x64xf32, #tpu.memory_space<vmem>>, vector<1x16xf32>,
        %get3A_1336 = vector.shape_cast %get3A_1335 : vector<1x16xf32> to vector<16xf32>
        %get3A_1337 = arith.constant 0 : i32
        %get3A_1338 = arith.index_cast %get3A_1337 : i32 to index
        %get3A_1339 = arith.index_cast %scan3A_1218 : i32 to index
        %get3A_1340 = arith.constant 48 : index
        %get3A_1341 = tpu.vector_load %arg8[%get3A_1338, %get3A_1339, %get3A_1340] {strides = array<i32>} : memref<2x200x64xf32, #tpu.memory_space<vmem>>, vector<1x1x16xf32>,
        %get3A_1342 = vector.shape_cast %get3A_1341 : vector<1x1x16xf32> to vector<16xf32>
        %mul3A_1343 = arith.constant 8.000000e+00 : f32
        %mul3A_1344 = vector.broadcast %mul3A_1343 : f32 to vector<16xf32>
        %mul3A_1345 = arith.mulf %get3A_1342, %mul3A_1344 : vector<16xf32>
        %add3A_1346 = arith.addf %mul3A_1345, %get3A_1336 : vector<16xf32>
        %swap3A_1347 = arith.constant 0 : i32
        %swap3A_1348 = arith.index_cast %swap3A_1347 : i32 to index
        %swap3A_1349 = arith.index_cast %scan3A_1218 : i32 to index
        %swap3A_1350 = arith.constant 48 : index
        %swap3A_1351 = tpu.vector_load %arg8[%swap3A_1348, %swap3A_1349, %swap3A_1350] {strides = array<i32>} : memref<2x200x64xf32, #tpu.memory_space<vmem>>, vector<1x1x16xf32>,
        %swap3A_1352 = vector.shape_cast %swap3A_1351 : vector<1x1x16xf32> to vector<16xf32>
        %swap3A_1353 = vector.shape_cast %add3A_1346 : vector<16xf32> to vector<1x1x16xf32>
        tpu.vector_store %arg8[%swap3A_1348, %swap3A_1349, %swap3A_1350], %swap3A_1353 {strides = array<i32>} : memref<2x200x64xf32, #tpu.memory_space<vmem>>, vector<1x1x16xf32>,
        %get3A_1354 = arith.constant 1 : i32
        %get3A_1355 = arith.index_cast %get3A_1354 : i32 to index
        %get3A_1356 = arith.index_cast %scan3A_1218 : i32 to index
        %get3A_1357 = arith.constant 48 : index
        %get3A_1358 = tpu.vector_load %arg8[%get3A_1355, %get3A_1356, %get3A_1357] {strides = array<i32>} : memref<2x200x64xf32, #tpu.memory_space<vmem>>, vector<1x1x16xf32>,
        %get3A_1359 = vector.shape_cast %get3A_1358 : vector<1x1x16xf32> to vector<16xf32>
        %mul3A_1360 = arith.constant 8.000000e+00 : f32
        %mul3A_1361 = vector.broadcast %mul3A_1360 : f32 to vector<16xf32>
        %mul3A_1362 = arith.mulf %get3A_1359, %mul3A_1361 : vector<16xf32>
        %add3A_1363 = arith.addf %mul3A_1362, %get3A_1336 : vector<16xf32>
        %swap3A_1364 = arith.constant 1 : i32
        %swap3A_1365 = arith.index_cast %swap3A_1364 : i32 to index
        %swap3A_1366 = arith.index_cast %scan3A_1218 : i32 to index
        %swap3A_1367 = arith.constant 48 : index
        %swap3A_1368 = tpu.vector_load %arg8[%swap3A_1365, %swap3A_1366, %swap3A_1367] {strides = array<i32>} : memref<2x200x64xf32, #tpu.memory_space<vmem>>, vector<1x1x16xf32>,
        %swap3A_1369 = vector.shape_cast %swap3A_1368 : vector<1x1x16xf32> to vector<16xf32>
        %swap3A_1370 = vector.shape_cast %add3A_1363 : vector<16xf32> to vector<1x1x16xf32>
        tpu.vector_store %arg8[%swap3A_1365, %swap3A_1366, %swap3A_1367], %swap3A_1370 {strides = array<i32>} : memref<2x200x64xf32, #tpu.memory_space<vmem>>, vector<1x1x16xf32>,
        %scan3A_1371 = arith.constant 7 : i32
        %scan3A_1372 = arith.addi %scan3A_296, %scan3A_1371 : i32
        %get3A_1373 = arith.index_cast %scan3A_1372 : i32 to index
        %get3A_1374 = arith.constant 0 : index
        %get3A_1375 = tpu.vector_load %arg7[%get3A_1373, %get3A_1374] {strides = array<i32>} : memref<200x64xf32, #tpu.memory_space<vmem>>, vector<1x16xf32>,
        %get3A_1376 = vector.shape_cast %get3A_1375 : vector<1x16xf32> to vector<16xf32>
        %get3A_1377 = arith.constant 0 : i32
        %get3A_1378 = arith.index_cast %get3A_1377 : i32 to index
        %get3A_1379 = arith.index_cast %scan3A_1372 : i32 to index
        %get3A_1380 = arith.constant 0 : index
        %get3A_1381 = tpu.vector_load %arg8[%get3A_1378, %get3A_1379, %get3A_1380] {strides = array<i32>} : memref<2x200x64xf32, #tpu.memory_space<vmem>>, vector<1x1x16xf32>,
        %get3A_1382 = vector.shape_cast %get3A_1381 : vector<1x1x16xf32> to vector<16xf32>
        %mul3A_1383 = arith.constant 8.000000e+00 : f32
        %mul3A_1384 = vector.broadcast %mul3A_1383 : f32 to vector<16xf32>
        %mul3A_1385 = arith.mulf %get3A_1382, %mul3A_1384 : vector<16xf32>
        %add3A_1386 = arith.addf %mul3A_1385, %get3A_1376 : vector<16xf32>
        %swap3A_1387 = arith.constant 0 : i32
        %swap3A_1388 = arith.index_cast %swap3A_1387 : i32 to index
        %swap3A_1389 = arith.index_cast %scan3A_1372 : i32 to index
        %swap3A_1390 = arith.constant 0 : index
        %swap3A_1391 = tpu.vector_load %arg8[%swap3A_1388, %swap3A_1389, %swap3A_1390] {strides = array<i32>} : memref<2x200x64xf32, #tpu.memory_space<vmem>>, vector<1x1x16xf32>,
        %swap3A_1392 = vector.shape_cast %swap3A_1391 : vector<1x1x16xf32> to vector<16xf32>
        %swap3A_1393 = vector.shape_cast %add3A_1386 : vector<16xf32> to vector<1x1x16xf32>
        tpu.vector_store %arg8[%swap3A_1388, %swap3A_1389, %swap3A_1390], %swap3A_1393 {strides = array<i32>} : memref<2x200x64xf32, #tpu.memory_space<vmem>>, vector<1x1x16xf32>,
        %get3A_1394 = arith.constant 1 : i32
        %get3A_1395 = arith.index_cast %get3A_1394 : i32 to index
        %get3A_1396 = arith.index_cast %scan3A_1372 : i32 to index
        %get3A_1397 = arith.constant 0 : index
        %get3A_1398 = tpu.vector_load %arg8[%get3A_1395, %get3A_1396, %get3A_1397] {strides = array<i32>} : memref<2x200x64xf32, #tpu.memory_space<vmem>>, vector<1x1x16xf32>,
        %get3A_1399 = vector.shape_cast %get3A_1398 : vector<1x1x16xf32> to vector<16xf32>
        %mul3A_1400 = arith.constant 8.000000e+00 : f32
        %mul3A_1401 = vector.broadcast %mul3A_1400 : f32 to vector<16xf32>
        %mul3A_1402 = arith.mulf %get3A_1399, %mul3A_1401 : vector<16xf32>
        %add3A_1403 = arith.addf %mul3A_1402, %get3A_1376 : vector<16xf32>
        %swap3A_1404 = arith.constant 1 : i32
        %swap3A_1405 = arith.index_cast %swap3A_1404 : i32 to index
        %swap3A_1406 = arith.index_cast %scan3A_1372 : i32 to index
        %swap3A_1407 = arith.constant 0 : index
        %swap3A_1408 = tpu.vector_load %arg8[%swap3A_1405, %swap3A_1406, %swap3A_1407] {strides = array<i32>} : memref<2x200x64xf32, #tpu.memory_space<vmem>>, vector<1x1x16xf32>,
        %swap3A_1409 = vector.shape_cast %swap3A_1408 : vector<1x1x16xf32> to vector<16xf32>
        %swap3A_1410 = vector.shape_cast %add3A_1403 : vector<16xf32> to vector<1x1x16xf32>
        tpu.vector_store %arg8[%swap3A_1405, %swap3A_1406, %swap3A_1407], %swap3A_1410 {strides = array<i32>} : memref<2x200x64xf32, #tpu.memory_space<vmem>>, vector<1x1x16xf32>,
        %get3A_1411 = arith.index_cast %scan3A_1372 : i32 to index
        %get3A_1412 = arith.constant 16 : index
        %get3A_1413 = tpu.vector_load %arg7[%get3A_1411, %get3A_1412] {strides = array<i32>} : memref<200x64xf32, #tpu.memory_space<vmem>>, vector<1x16xf32>,
        %get3A_1414 = vector.shape_cast %get3A_1413 : vector<1x16xf32> to vector<16xf32>
        %get3A_1415 = arith.constant 0 : i32
        %get3A_1416 = arith.index_cast %get3A_1415 : i32 to index
        %get3A_1417 = arith.index_cast %scan3A_1372 : i32 to index
        %get3A_1418 = arith.constant 16 : index
        %get3A_1419 = tpu.vector_load %arg8[%get3A_1416, %get3A_1417, %get3A_1418] {strides = array<i32>} : memref<2x200x64xf32, #tpu.memory_space<vmem>>, vector<1x1x16xf32>,
        %get3A_1420 = vector.shape_cast %get3A_1419 : vector<1x1x16xf32> to vector<16xf32>
        %mul3A_1421 = arith.constant 8.000000e+00 : f32
        %mul3A_1422 = vector.broadcast %mul3A_1421 : f32 to vector<16xf32>
        %mul3A_1423 = arith.mulf %get3A_1420, %mul3A_1422 : vector<16xf32>
        %add3A_1424 = arith.addf %mul3A_1423, %get3A_1414 : vector<16xf32>
        %swap3A_1425 = arith.constant 0 : i32
        %swap3A_1426 = arith.index_cast %swap3A_1425 : i32 to index
        %swap3A_1427 = arith.index_cast %scan3A_1372 : i32 to index
        %swap3A_1428 = arith.constant 16 : index
        %swap3A_1429 = tpu.vector_load %arg8[%swap3A_1426, %swap3A_1427, %swap3A_1428] {strides = array<i32>} : memref<2x200x64xf32, #tpu.memory_space<vmem>>, vector<1x1x16xf32>,
        %swap3A_1430 = vector.shape_cast %swap3A_1429 : vector<1x1x16xf32> to vector<16xf32>
        %swap3A_1431 = vector.shape_cast %add3A_1424 : vector<16xf32> to vector<1x1x16xf32>
        tpu.vector_store %arg8[%swap3A_1426, %swap3A_1427, %swap3A_1428], %swap3A_1431 {strides = array<i32>} : memref<2x200x64xf32, #tpu.memory_space<vmem>>, vector<1x1x16xf32>,
        %get3A_1432 = arith.constant 1 : i32
        %get3A_1433 = arith.index_cast %get3A_1432 : i32 to index
        %get3A_1434 = arith.index_cast %scan3A_1372 : i32 to index
        %get3A_1435 = arith.constant 16 : index
        %get3A_1436 = tpu.vector_load %arg8[%get3A_1433, %get3A_1434, %get3A_1435] {strides = array<i32>} : memref<2x200x64xf32, #tpu.memory_space<vmem>>, vector<1x1x16xf32>,
        %get3A_1437 = vector.shape_cast %get3A_1436 : vector<1x1x16xf32> to vector<16xf32>
        %mul3A_1438 = arith.constant 8.000000e+00 : f32
        %mul3A_1439 = vector.broadcast %mul3A_1438 : f32 to vector<16xf32>
        %mul3A_1440 = arith.mulf %get3A_1437, %mul3A_1439 : vector<16xf32>
        %add3A_1441 = arith.addf %mul3A_1440, %get3A_1414 : vector<16xf32>
        %swap3A_1442 = arith.constant 1 : i32
        %swap3A_1443 = arith.index_cast %swap3A_1442 : i32 to index
        %swap3A_1444 = arith.index_cast %scan3A_1372 : i32 to index
        %swap3A_1445 = arith.constant 16 : index
        %swap3A_1446 = tpu.vector_load %arg8[%swap3A_1443, %swap3A_1444, %swap3A_1445] {strides = array<i32>} : memref<2x200x64xf32, #tpu.memory_space<vmem>>, vector<1x1x16xf32>,
        %swap3A_1447 = vector.shape_cast %swap3A_1446 : vector<1x1x16xf32> to vector<16xf32>
        %swap3A_1448 = vector.shape_cast %add3A_1441 : vector<16xf32> to vector<1x1x16xf32>
        tpu.vector_store %arg8[%swap3A_1443, %swap3A_1444, %swap3A_1445], %swap3A_1448 {strides = array<i32>} : memref<2x200x64xf32, #tpu.memory_space<vmem>>, vector<1x1x16xf32>,
        %get3A_1449 = arith.index_cast %scan3A_1372 : i32 to index
        %get3A_1450 = arith.constant 32 : index
        %get3A_1451 = tpu.vector_load %arg7[%get3A_1449, %get3A_1450] {strides = array<i32>} : memref<200x64xf32, #tpu.memory_space<vmem>>, vector<1x16xf32>,
        %get3A_1452 = vector.shape_cast %get3A_1451 : vector<1x16xf32> to vector<16xf32>
        %get3A_1453 = arith.constant 0 : i32
        %get3A_1454 = arith.index_cast %get3A_1453 : i32 to index
        %get3A_1455 = arith.index_cast %scan3A_1372 : i32 to index
        %get3A_1456 = arith.constant 32 : index
        %get3A_1457 = tpu.vector_load %arg8[%get3A_1454, %get3A_1455, %get3A_1456] {strides = array<i32>} : memref<2x200x64xf32, #tpu.memory_space<vmem>>, vector<1x1x16xf32>,
        %get3A_1458 = vector.shape_cast %get3A_1457 : vector<1x1x16xf32> to vector<16xf32>
        %mul3A_1459 = arith.constant 8.000000e+00 : f32
        %mul3A_1460 = vector.broadcast %mul3A_1459 : f32 to vector<16xf32>
        %mul3A_1461 = arith.mulf %get3A_1458, %mul3A_1460 : vector<16xf32>
        %add3A_1462 = arith.addf %mul3A_1461, %get3A_1452 : vector<16xf32>
        %swap3A_1463 = arith.constant 0 : i32
        %swap3A_1464 = arith.index_cast %swap3A_1463 : i32 to index
        %swap3A_1465 = arith.index_cast %scan3A_1372 : i32 to index
        %swap3A_1466 = arith.constant 32 : index
        %swap3A_1467 = tpu.vector_load %arg8[%swap3A_1464, %swap3A_1465, %swap3A_1466] {strides = array<i32>} : memref<2x200x64xf32, #tpu.memory_space<vmem>>, vector<1x1x16xf32>,
        %swap3A_1468 = vector.shape_cast %swap3A_1467 : vector<1x1x16xf32> to vector<16xf32>
        %swap3A_1469 = vector.shape_cast %add3A_1462 : vector<16xf32> to vector<1x1x16xf32>
        tpu.vector_store %arg8[%swap3A_1464, %swap3A_1465, %swap3A_1466], %swap3A_1469 {strides = array<i32>} : memref<2x200x64xf32, #tpu.memory_space<vmem>>, vector<1x1x16xf32>,
        %get3A_1470 = arith.constant 1 : i32
        %get3A_1471 = arith.index_cast %get3A_1470 : i32 to index
        %get3A_1472 = arith.index_cast %scan3A_1372 : i32 to index
        %get3A_1473 = arith.constant 32 : index
        %get3A_1474 = tpu.vector_load %arg8[%get3A_1471, %get3A_1472, %get3A_1473] {strides = array<i32>} : memref<2x200x64xf32, #tpu.memory_space<vmem>>, vector<1x1x16xf32>,
        %get3A_1475 = vector.shape_cast %get3A_1474 : vector<1x1x16xf32> to vector<16xf32>
        %mul3A_1476 = arith.constant 8.000000e+00 : f32
        %mul3A_1477 = vector.broadcast %mul3A_1476 : f32 to vector<16xf32>
        %mul3A_1478 = arith.mulf %get3A_1475, %mul3A_1477 : vector<16xf32>
        %add3A_1479 = arith.addf %mul3A_1478, %get3A_1452 : vector<16xf32>
        %swap3A_1480 = arith.constant 1 : i32
        %swap3A_1481 = arith.index_cast %swap3A_1480 : i32 to index
        %swap3A_1482 = arith.index_cast %scan3A_1372 : i32 to index
        %swap3A_1483 = arith.constant 32 : index
        %swap3A_1484 = tpu.vector_load %arg8[%swap3A_1481, %swap3A_1482, %swap3A_1483] {strides = array<i32>} : memref<2x200x64xf32, #tpu.memory_space<vmem>>, vector<1x1x16xf32>,
        %swap3A_1485 = vector.shape_cast %swap3A_1484 : vector<1x1x16xf32> to vector<16xf32>
        %swap3A_1486 = vector.shape_cast %add3A_1479 : vector<16xf32> to vector<1x1x16xf32>
        tpu.vector_store %arg8[%swap3A_1481, %swap3A_1482, %swap3A_1483], %swap3A_1486 {strides = array<i32>} : memref<2x200x64xf32, #tpu.memory_space<vmem>>, vector<1x1x16xf32>,
        %get3A_1487 = arith.index_cast %scan3A_1372 : i32 to index
        %get3A_1488 = arith.constant 48 : index
        %get3A_1489 = tpu.vector_load %arg7[%get3A_1487, %get3A_1488] {strides = array<i32>} : memref<200x64xf32, #tpu.memory_space<vmem>>, vector<1x16xf32>,
        %get3A_1490 = vector.shape_cast %get3A_1489 : vector<1x16xf32> to vector<16xf32>
        %get3A_1491 = arith.constant 0 : i32
        %get3A_1492 = arith.index_cast %get3A_1491 : i32 to index
        %get3A_1493 = arith.index_cast %scan3A_1372 : i32 to index
        %get3A_1494 = arith.constant 48 : index
        %get3A_1495 = tpu.vector_load %arg8[%get3A_1492, %get3A_1493, %get3A_1494] {strides = array<i32>} : memref<2x200x64xf32, #tpu.memory_space<vmem>>, vector<1x1x16xf32>,
        %get3A_1496 = vector.shape_cast %get3A_1495 : vector<1x1x16xf32> to vector<16xf32>
        %mul3A_1497 = arith.constant 8.000000e+00 : f32
        %mul3A_1498 = vector.broadcast %mul3A_1497 : f32 to vector<16xf32>
        %mul3A_1499 = arith.mulf %get3A_1496, %mul3A_1498 : vector<16xf32>
        %add3A_1500 = arith.addf %mul3A_1499, %get3A_1490 : vector<16xf32>
        %swap3A_1501 = arith.constant 0 : i32
        %swap3A_1502 = arith.index_cast %swap3A_1501 : i32 to index
        %swap3A_1503 = arith.index_cast %scan3A_1372 : i32 to index
        %swap3A_1504 = arith.constant 48 : index
        %swap3A_1505 = tpu.vector_load %arg8[%swap3A_1502, %swap3A_1503, %swap3A_1504] {strides = array<i32>} : memref<2x200x64xf32, #tpu.memory_space<vmem>>, vector<1x1x16xf32>,
        %swap3A_1506 = vector.shape_cast %swap3A_1505 : vector<1x1x16xf32> to vector<16xf32>
        %swap3A_1507 = vector.shape_cast %add3A_1500 : vector<16xf32> to vector<1x1x16xf32>
        tpu.vector_store %arg8[%swap3A_1502, %swap3A_1503, %swap3A_1504], %swap3A_1507 {strides = array<i32>} : memref<2x200x64xf32, #tpu.memory_space<vmem>>, vector<1x1x16xf32>,
        %get3A_1508 = arith.constant 1 : i32
        %get3A_1509 = arith.index_cast %get3A_1508 : i32 to index
        %get3A_1510 = arith.index_cast %scan3A_1372 : i32 to index
        %get3A_1511 = arith.constant 48 : index
        %get3A_1512 = tpu.vector_load %arg8[%get3A_1509, %get3A_1510, %get3A_1511] {strides = array<i32>} : memref<2x200x64xf32, #tpu.memory_space<vmem>>, vector<1x1x16xf32>,
        %get3A_1513 = vector.shape_cast %get3A_1512 : vector<1x1x16xf32> to vector<16xf32>
        %mul3A_1514 = arith.constant 8.000000e+00 : f32
        %mul3A_1515 = vector.broadcast %mul3A_1514 : f32 to vector<16xf32>
        %mul3A_1516 = arith.mulf %get3A_1513, %mul3A_1515 : vector<16xf32>
        %add3A_1517 = arith.addf %mul3A_1516, %get3A_1490 : vector<16xf32>
        %swap3A_1518 = arith.constant 1 : i32
        %swap3A_1519 = arith.index_cast %swap3A_1518 : i32 to index
        %swap3A_1520 = arith.index_cast %scan3A_1372 : i32 to index
        %swap3A_1521 = arith.constant 48 : index
        %swap3A_1522 = tpu.vector_load %arg8[%swap3A_1519, %swap3A_1520, %swap3A_1521] {strides = array<i32>} : memref<2x200x64xf32, #tpu.memory_space<vmem>>, vector<1x1x16xf32>,
        %swap3A_1523 = vector.shape_cast %swap3A_1522 : vector<1x1x16xf32> to vector<16xf32>
        %swap3A_1524 = vector.shape_cast %add3A_1517 : vector<16xf32> to vector<1x1x16xf32>
        tpu.vector_store %arg8[%swap3A_1519, %swap3A_1520, %swap3A_1521], %swap3A_1524 {strides = array<i32>} : memref<2x200x64xf32, #tpu.memory_space<vmem>>, vector<1x1x16xf32>,
      }
      %scan3A_196 = arith.constant 200 : i32
      %mul3A_197 = arith.constant 2 : i32
      %mul3A_198 = arith.muli %mul3A_197, %mul3A_64 : i32
      %add3A_199 = arith.addi %mul3A_2, %mul3A_198 : i32
      %dma_start3A_200 = arith.constant 0 : i32
      %dma_start3A_201 = arith.constant 0 : i32
      %dma_start3A_202 = tpu.memref_slice %arg5[%add3A_199, %dma_start3A_200, %dma_start3A_201] : memref<4096x200x64xf32, #tpu.memory_space<hbm>> -> memref<2x200x64xf32, #tpu.memory_space<hbm>>
      %dma_start3A_203 = arith.constant 0 : i32
      %dma_start3A_204 = arith.constant 0 : i32
      %dma_start3A_205 = tpu.memref_slice %arg5[%add3A_199, %dma_start3A_203, %dma_start3A_204] : memref<4096x200x64xf32, #tpu.memory_space<hbm>> -> memref<2x200x64xf32, #tpu.memory_space<hbm>>
      tpu.enqueue_dma source(%arg8 : memref<2x200x64xf32, #tpu.memory_space<vmem>>) target(%dma_start3A_205 : memref<2x200x64xf32, #tpu.memory_space<hbm>>) target_semaphore(%arg12 : memref<!tpu.dma_semaphore, #tpu.memory_space<semaphore_mem>>)
      %mul3A_206 = arith.constant 2 : i32
      %mul3A_207 = arith.muli %mul3A_206, %add3A_68 : i32
      %add3A_208 = arith.constant 0 : i32
      %add3A_209 = arith.addi %mul3A_207, %add3A_208 : i32
      %mul3A_210 = arith.constant 2 : i32
      %mul3A_211 = arith.muli %mul3A_210, %add3A_68 : i32
      %add3A_212 = arith.constant 0 : i32
      %add3A_213 = arith.addi %mul3A_211, %add3A_212 : i32
      %mul3A_214 = arith.constant 2 : i32
      %mul3A_215 = arith.muli %mul3A_214, %add3A_68 : i32
      %add3A_216 = arith.constant 1 : i32
      %add3A_217 = arith.addi %mul3A_215, %add3A_216 : i32
      %mul3A_218 = arith.constant 2 : i32
      %mul3A_219 = arith.muli %mul3A_218, %add3A_68 : i32
      %add3A_220 = arith.constant 1 : i32
      %add3A_221 = arith.addi %mul3A_219, %add3A_220 : i32
      %dma_wait3A_222 = arith.constant 0 : i32
      %dma_wait3A_223 = arith.constant 0 : i32
      %dma_wait3A_224 = arith.constant 0 : i32
      %dma_wait3A_225 = tpu.memref_slice %arg9[%dma_wait3A_222, %dma_wait3A_223, %dma_wait3A_224] : memref<2x200x64xf32, #tpu.memory_space<vmem>> -> memref<1x128x64xf32, #tpu.memory_space<vmem>>
      %dma_wait3A_226 = tpu.memref_squeeze %dma_wait3A_225 : memref<1x128x64xf32, #tpu.memory_space<vmem>> -> memref<128x64xf32, #tpu.memory_space<vmem>>
      %dma_wait3A_227 = arith.constant 0 : i32
      %dma_wait3A_228 = tpu.memref_slice %arg6[%add3A_209, %dma_wait3A_227] : memref<128x200xi32, #tpu.memory_space<vmem>> -> memref<1x128xi32, #tpu.memory_space<vmem>>
      %dma_wait3A_229 = tpu.memref_squeeze %dma_wait3A_228 : memref<1x128xi32, #tpu.memory_space<vmem>> -> memref<128xi32, #tpu.memory_space<vmem>>
      %dma_wait3A_230 = arith.constant 0 : i32
      %dma_wait3A_231 = arith.constant 0 : i32
      %dma_wait3A_232 = tpu.memref_slice %arg4[%dma_wait3A_230, %dma_wait3A_231] : memref<1000000x64xf32, #tpu.memory_space<hbm>> -> memref<1000000x64xf32, #tpu.memory_space<hbm>>
      tpu.wait_indirect_dma semaphore(%arg11 : memref<!tpu.dma_semaphore, #tpu.memory_space<semaphore_mem>>) src(%dma_wait3A_232 : memref<1000000x64xf32, #tpu.memory_space<hbm>>) dst(%dma_wait3A_226 : memref<128x64xf32, #tpu.memory_space<vmem>>)
      %dma_wait3A_233 = arith.constant 0 : i32
      %dma_wait3A_234 = arith.constant 128 : i32
      %dma_wait3A_235 = arith.constant 0 : i32
      %dma_wait3A_236 = tpu.memref_slice %arg9[%dma_wait3A_233, %dma_wait3A_234, %dma_wait3A_235] : memref<2x200x64xf32, #tpu.memory_space<vmem>> -> memref<1x72x64xf32, #tpu.memory_space<vmem>>
      %dma_wait3A_237 = tpu.memref_squeeze %dma_wait3A_236 : memref<1x72x64xf32, #tpu.memory_space<vmem>> -> memref<72x64xf32, #tpu.memory_space<vmem>>
      %dma_wait3A_238 = arith.constant 128 : i32
      %dma_wait3A_239 = tpu.memref_slice %arg6[%add3A_213, %dma_wait3A_238] : memref<128x200xi32, #tpu.memory_space<vmem>> -> memref<1x72xi32, #tpu.memory_space<vmem>>
      %dma_wait3A_240 = tpu.memref_squeeze %dma_wait3A_239 : memref<1x72xi32, #tpu.memory_space<vmem>> -> memref<72xi32, #tpu.memory_space<vmem>>
      %dma_wait3A_241 = arith.constant 0 : i32
      %dma_wait3A_242 = arith.constant 0 : i32
      %dma_wait3A_243 = tpu.memref_slice %arg4[%dma_wait3A_241, %dma_wait3A_242] : memref<1000000x64xf32, #tpu.memory_space<hbm>> -> memref<1000000x64xf32, #tpu.memory_space<hbm>>
      tpu.wait_indirect_dma semaphore(%arg11 : memref<!tpu.dma_semaphore, #tpu.memory_space<semaphore_mem>>) src(%dma_wait3A_243 : memref<1000000x64xf32, #tpu.memory_space<hbm>>) dst(%dma_wait3A_237 : memref<72x64xf32, #tpu.memory_space<vmem>>)
      %dma_wait3A_244 = arith.constant 1 : i32
      %dma_wait3A_245 = arith.constant 0 : i32
      %dma_wait3A_246 = arith.constant 0 : i32
      %dma_wait3A_247 = tpu.memref_slice %arg9[%dma_wait3A_244, %dma_wait3A_245, %dma_wait3A_246] : memref<2x200x64xf32, #tpu.memory_space<vmem>> -> memref<1x128x64xf32, #tpu.memory_space<vmem>>
      %dma_wait3A_248 = tpu.memref_squeeze %dma_wait3A_247 : memref<1x128x64xf32, #tpu.memory_space<vmem>> -> memref<128x64xf32, #tpu.memory_space<vmem>>
      %dma_wait3A_249 = arith.constant 0 : i32
      %dma_wait3A_250 = tpu.memref_slice %arg6[%add3A_217, %dma_wait3A_249] : memref<128x200xi32, #tpu.memory_space<vmem>> -> memref<1x128xi32, #tpu.memory_space<vmem>>
      %dma_wait3A_251 = tpu.memref_squeeze %dma_wait3A_250 : memref<1x128xi32, #tpu.memory_space<vmem>> -> memref<128xi32, #tpu.memory_space<vmem>>
      %dma_wait3A_252 = arith.constant 0 : i32
      %dma_wait3A_253 = arith.constant 0 : i32
      %dma_wait3A_254 = tpu.memref_slice %arg4[%dma_wait3A_252, %dma_wait3A_253] : memref<1000000x64xf32, #tpu.memory_space<hbm>> -> memref<1000000x64xf32, #tpu.memory_space<hbm>>
      tpu.wait_indirect_dma semaphore(%arg11 : memref<!tpu.dma_semaphore, #tpu.memory_space<semaphore_mem>>) src(%dma_wait3A_254 : memref<1000000x64xf32, #tpu.memory_space<hbm>>) dst(%dma_wait3A_248 : memref<128x64xf32, #tpu.memory_space<vmem>>)
      %dma_wait3A_255 = arith.constant 1 : i32
      %dma_wait3A_256 = arith.constant 128 : i32
      %dma_wait3A_257 = arith.constant 0 : i32
      %dma_wait3A_258 = tpu.memref_slice %arg9[%dma_wait3A_255, %dma_wait3A_256, %dma_wait3A_257] : memref<2x200x64xf32, #tpu.memory_space<vmem>> -> memref<1x72x64xf32, #tpu.memory_space<vmem>>
      %dma_wait3A_259 = tpu.memref_squeeze %dma_wait3A_258 : memref<1x72x64xf32, #tpu.memory_space<vmem>> -> memref<72x64xf32, #tpu.memory_space<vmem>>
      %dma_wait3A_260 = arith.constant 128 : i32
      %dma_wait3A_261 = tpu.memref_slice %arg6[%add3A_221, %dma_wait3A_260] : memref<128x200xi32, #tpu.memory_space<vmem>> -> memref<1x72xi32, #tpu.memory_space<vmem>>
      %dma_wait3A_262 = tpu.memref_squeeze %dma_wait3A_261 : memref<1x72xi32, #tpu.memory_space<vmem>> -> memref<72xi32, #tpu.memory_space<vmem>>
      %dma_wait3A_263 = arith.constant 0 : i32
      %dma_wait3A_264 = arith.constant 0 : i32
      %dma_wait3A_265 = tpu.memref_slice %arg4[%dma_wait3A_263, %dma_wait3A_264] : memref<1000000x64xf32, #tpu.memory_space<hbm>> -> memref<1000000x64xf32, #tpu.memory_space<hbm>>
      tpu.wait_indirect_dma semaphore(%arg11 : memref<!tpu.dma_semaphore, #tpu.memory_space<semaphore_mem>>) src(%dma_wait3A_265 : memref<1000000x64xf32, #tpu.memory_space<hbm>>) dst(%dma_wait3A_259 : memref<72x64xf32, #tpu.memory_space<vmem>>)
      %scan3A_266 = arith.constant 0 : i32
      %scan3A_267 = arith.constant 0 : i32
      %scan3A_268 = arith.constant 200 : i32
      %scan3A_269 = arith.addi %scan3A_267, %scan3A_268 : i32
      %scan3A_270 = arith.constant 8 : i32
      scf.for %scan3A_296 = %scan3A_267 to %scan3A_269 step %scan3A_270  : i32 {
        %get3A = arith.index_cast %scan3A_296 : i32 to index
        %get3A_297 = arith.constant 0 : index
        %get3A_298 = tpu.vector_load %arg7[%get3A, %get3A_297] {strides = array<i32>} : memref<200x64xf32, #tpu.memory_space<vmem>>, vector<1x16xf32>,
        %get3A_299 = vector.shape_cast %get3A_298 : vector<1x16xf32> to vector<16xf32>
        %get3A_300 = arith.constant 0 : i32
        %get3A_301 = arith.index_cast %get3A_300 : i32 to index
        %get3A_302 = arith.index_cast %scan3A_296 : i32 to index
        %get3A_303 = arith.constant 0 : index
        %get3A_304 = tpu.vector_load %arg9[%get3A_301, %get3A_302, %get3A_303] {strides = array<i32>} : memref<2x200x64xf32, #tpu.memory_space<vmem>>, vector<1x1x16xf32>,
        %get3A_305 = vector.shape_cast %get3A_304 : vector<1x1x16xf32> to vector<16xf32>
        %mul3A_306 = arith.constant 8.000000e+00 : f32
        %mul3A_307 = vector.broadcast %mul3A_306 : f32 to vector<16xf32>
        %mul3A_308 = arith.mulf %get3A_305, %mul3A_307 : vector<16xf32>
        %add3A_309 = arith.addf %mul3A_308, %get3A_299 : vector<16xf32>
        %swap3A = arith.constant 0 : i32
        %swap3A_310 = arith.index_cast %swap3A : i32 to index
        %swap3A_311 = arith.index_cast %scan3A_296 : i32 to index
        %swap3A_312 = arith.constant 0 : index
        %swap3A_313 = tpu.vector_load %arg9[%swap3A_310, %swap3A_311, %swap3A_312] {strides = array<i32>} : memref<2x200x64xf32, #tpu.memory_space<vmem>>, vector<1x1x16xf32>,
        %swap3A_314 = vector.shape_cast %swap3A_313 : vector<1x1x16xf32> to vector<16xf32>
        %swap3A_315 = vector.shape_cast %add3A_309 : vector<16xf32> to vector<1x1x16xf32>
        tpu.vector_store %arg9[%swap3A_310, %swap3A_311, %swap3A_312], %swap3A_315 {strides = array<i32>} : memref<2x200x64xf32, #tpu.memory_space<vmem>>, vector<1x1x16xf32>,
        %get3A_316 = arith.constant 1 : i32
        %get3A_317 = arith.index_cast %get3A_316 : i32 to index
        %get3A_318 = arith.index_cast %scan3A_296 : i32 to index
        %get3A_319 = arith.constant 0 : index
        %get3A_320 = tpu.vector_load %arg9[%get3A_317, %get3A_318, %get3A_319] {strides = array<i32>} : memref<2x200x64xf32, #tpu.memory_space<vmem>>, vector<1x1x16xf32>,
        %get3A_321 = vector.shape_cast %get3A_320 : vector<1x1x16xf32> to vector<16xf32>
        %mul3A_322 = arith.constant 8.000000e+00 : f32
        %mul3A_323 = vector.broadcast %mul3A_322 : f32 to vector<16xf32>
        %mul3A_324 = arith.mulf %get3A_321, %mul3A_323 : vector<16xf32>
        %add3A_325 = arith.addf %mul3A_324, %get3A_299 : vector<16xf32>
        %swap3A_326 = arith.constant 1 : i32
        %swap3A_327 = arith.index_cast %swap3A_326 : i32 to index
        %swap3A_328 = arith.index_cast %scan3A_296 : i32 to index
        %swap3A_329 = arith.constant 0 : index
        %swap3A_330 = tpu.vector_load %arg9[%swap3A_327, %swap3A_328, %swap3A_329] {strides = array<i32>} : memref<2x200x64xf32, #tpu.memory_space<vmem>>, vector<1x1x16xf32>,
        %swap3A_331 = vector.shape_cast %swap3A_330 : vector<1x1x16xf32> to vector<16xf32>
        %swap3A_332 = vector.shape_cast %add3A_325 : vector<16xf32> to vector<1x1x16xf32>
        tpu.vector_store %arg9[%swap3A_327, %swap3A_328, %swap3A_329], %swap3A_332 {strides = array<i32>} : memref<2x200x64xf32, #tpu.memory_space<vmem>>, vector<1x1x16xf32>,
        %get3A_333 = arith.index_cast %scan3A_296 : i32 to index
        %get3A_334 = arith.constant 16 : index
        %get3A_335 = tpu.vector_load %arg7[%get3A_333, %get3A_334] {strides = array<i32>} : memref<200x64xf32, #tpu.memory_space<vmem>>, vector<1x16xf32>,
        %get3A_336 = vector.shape_cast %get3A_335 : vector<1x16xf32> to vector<16xf32>
        %get3A_337 = arith.constant 0 : i32
        %get3A_338 = arith.index_cast %get3A_337 : i32 to index
        %get3A_339 = arith.index_cast %scan3A_296 : i32 to index
        %get3A_340 = arith.constant 16 : index
        %get3A_341 = tpu.vector_load %arg9[%get3A_338, %get3A_339, %get3A_340] {strides = array<i32>} : memref<2x200x64xf32, #tpu.memory_space<vmem>>, vector<1x1x16xf32>,
        %get3A_342 = vector.shape_cast %get3A_341 : vector<1x1x16xf32> to vector<16xf32>
        %mul3A_343 = arith.constant 8.000000e+00 : f32
        %mul3A_344 = vector.broadcast %mul3A_343 : f32 to vector<16xf32>
        %mul3A_345 = arith.mulf %get3A_342, %mul3A_344 : vector<16xf32>
        %add3A_346 = arith.addf %mul3A_345, %get3A_336 : vector<16xf32>
        %swap3A_347 = arith.constant 0 : i32
        %swap3A_348 = arith.index_cast %swap3A_347 : i32 to index
        %swap3A_349 = arith.index_cast %scan3A_296 : i32 to index
        %swap3A_350 = arith.constant 16 : index
        %swap3A_351 = tpu.vector_load %arg9[%swap3A_348, %swap3A_349, %swap3A_350] {strides = array<i32>} : memref<2x200x64xf32, #tpu.memory_space<vmem>>, vector<1x1x16xf32>,
        %swap3A_352 = vector.shape_cast %swap3A_351 : vector<1x1x16xf32> to vector<16xf32>
        %swap3A_353 = vector.shape_cast %add3A_346 : vector<16xf32> to vector<1x1x16xf32>
        tpu.vector_store %arg9[%swap3A_348, %swap3A_349, %swap3A_350], %swap3A_353 {strides = array<i32>} : memref<2x200x64xf32, #tpu.memory_space<vmem>>, vector<1x1x16xf32>,
        %get3A_354 = arith.constant 1 : i32
        %get3A_355 = arith.index_cast %get3A_354 : i32 to index
        %get3A_356 = arith.index_cast %scan3A_296 : i32 to index
        %get3A_357 = arith.constant 16 : index
        %get3A_358 = tpu.vector_load %arg9[%get3A_355, %get3A_356, %get3A_357] {strides = array<i32>} : memref<2x200x64xf32, #tpu.memory_space<vmem>>, vector<1x1x16xf32>,
        %get3A_359 = vector.shape_cast %get3A_358 : vector<1x1x16xf32> to vector<16xf32>
        %mul3A_360 = arith.constant 8.000000e+00 : f32
        %mul3A_361 = vector.broadcast %mul3A_360 : f32 to vector<16xf32>
        %mul3A_362 = arith.mulf %get3A_359, %mul3A_361 : vector<16xf32>
        %add3A_363 = arith.addf %mul3A_362, %get3A_336 : vector<16xf32>
        %swap3A_364 = arith.constant 1 : i32
        %swap3A_365 = arith.index_cast %swap3A_364 : i32 to index
        %swap3A_366 = arith.index_cast %scan3A_296 : i32 to index
        %swap3A_367 = arith.constant 16 : index
        %swap3A_368 = tpu.vector_load %arg9[%swap3A_365, %swap3A_366, %swap3A_367] {strides = array<i32>} : memref<2x200x64xf32, #tpu.memory_space<vmem>>, vector<1x1x16xf32>,
        %swap3A_369 = vector.shape_cast %swap3A_368 : vector<1x1x16xf32> to vector<16xf32>
        %swap3A_370 = vector.shape_cast %add3A_363 : vector<16xf32> to vector<1x1x16xf32>
        tpu.vector_store %arg9[%swap3A_365, %swap3A_366, %swap3A_367], %swap3A_370 {strides = array<i32>} : memref<2x200x64xf32, #tpu.memory_space<vmem>>, vector<1x1x16xf32>,
        %get3A_371 = arith.index_cast %scan3A_296 : i32 to index
        %get3A_372 = arith.constant 32 : index
        %get3A_373 = tpu.vector_load %arg7[%get3A_371, %get3A_372] {strides = array<i32>} : memref<200x64xf32, #tpu.memory_space<vmem>>, vector<1x16xf32>,
        %get3A_374 = vector.shape_cast %get3A_373 : vector<1x16xf32> to vector<16xf32>
        %get3A_375 = arith.constant 0 : i32
        %get3A_376 = arith.index_cast %get3A_375 : i32 to index
        %get3A_377 = arith.index_cast %scan3A_296 : i32 to index
        %get3A_378 = arith.constant 32 : index
        %get3A_379 = tpu.vector_load %arg9[%get3A_376, %get3A_377, %get3A_378] {strides = array<i32>} : memref<2x200x64xf32, #tpu.memory_space<vmem>>, vector<1x1x16xf32>,
        %get3A_380 = vector.shape_cast %get3A_379 : vector<1x1x16xf32> to vector<16xf32>
        %mul3A_381 = arith.constant 8.000000e+00 : f32
        %mul3A_382 = vector.broadcast %mul3A_381 : f32 to vector<16xf32>
        %mul3A_383 = arith.mulf %get3A_380, %mul3A_382 : vector<16xf32>
        %add3A_384 = arith.addf %mul3A_383, %get3A_374 : vector<16xf32>
        %swap3A_385 = arith.constant 0 : i32
        %swap3A_386 = arith.index_cast %swap3A_385 : i32 to index
        %swap3A_387 = arith.index_cast %scan3A_296 : i32 to index
        %swap3A_388 = arith.constant 32 : index
        %swap3A_389 = tpu.vector_load %arg9[%swap3A_386, %swap3A_387, %swap3A_388] {strides = array<i32>} : memref<2x200x64xf32, #tpu.memory_space<vmem>>, vector<1x1x16xf32>,
        %swap3A_390 = vector.shape_cast %swap3A_389 : vector<1x1x16xf32> to vector<16xf32>
        %swap3A_391 = vector.shape_cast %add3A_384 : vector<16xf32> to vector<1x1x16xf32>
        tpu.vector_store %arg9[%swap3A_386, %swap3A_387, %swap3A_388], %swap3A_391 {strides = array<i32>} : memref<2x200x64xf32, #tpu.memory_space<vmem>>, vector<1x1x16xf32>,
        %get3A_392 = arith.constant 1 : i32
        %get3A_393 = arith.index_cast %get3A_392 : i32 to index
        %get3A_394 = arith.index_cast %scan3A_296 : i32 to index
        %get3A_395 = arith.constant 32 : index
        %get3A_396 = tpu.vector_load %arg9[%get3A_393, %get3A_394, %get3A_395] {strides = array<i32>} : memref<2x200x64xf32, #tpu.memory_space<vmem>>, vector<1x1x16xf32>,
        %get3A_397 = vector.shape_cast %get3A_396 : vector<1x1x16xf32> to vector<16xf32>
        %mul3A_398 = arith.constant 8.000000e+00 : f32
        %mul3A_399 = vector.broadcast %mul3A_398 : f32 to vector<16xf32>
        %mul3A_400 = arith.mulf %get3A_397, %mul3A_399 : vector<16xf32>
        %add3A_401 = arith.addf %mul3A_400, %get3A_374 : vector<16xf32>
        %swap3A_402 = arith.constant 1 : i32
        %swap3A_403 = arith.index_cast %swap3A_402 : i32 to index
        %swap3A_404 = arith.index_cast %scan3A_296 : i32 to index
        %swap3A_405 = arith.constant 32 : index
        %swap3A_406 = tpu.vector_load %arg9[%swap3A_403, %swap3A_404, %swap3A_405] {strides = array<i32>} : memref<2x200x64xf32, #tpu.memory_space<vmem>>, vector<1x1x16xf32>,
        %swap3A_407 = vector.shape_cast %swap3A_406 : vector<1x1x16xf32> to vector<16xf32>
        %swap3A_408 = vector.shape_cast %add3A_401 : vector<16xf32> to vector<1x1x16xf32>
        tpu.vector_store %arg9[%swap3A_403, %swap3A_404, %swap3A_405], %swap3A_408 {strides = array<i32>} : memref<2x200x64xf32, #tpu.memory_space<vmem>>, vector<1x1x16xf32>,
        %get3A_409 = arith.index_cast %scan3A_296 : i32 to index
        %get3A_410 = arith.constant 48 : index
        %get3A_411 = tpu.vector_load %arg7[%get3A_409, %get3A_410] {strides = array<i32>} : memref<200x64xf32, #tpu.memory_space<vmem>>, vector<1x16xf32>,
        %get3A_412 = vector.shape_cast %get3A_411 : vector<1x16xf32> to vector<16xf32>
        %get3A_413 = arith.constant 0 : i32
        %get3A_414 = arith.index_cast %get3A_413 : i32 to index
        %get3A_415 = arith.index_cast %scan3A_296 : i32 to index
        %get3A_416 = arith.constant 48 : index
        %get3A_417 = tpu.vector_load %arg9[%get3A_414, %get3A_415, %get3A_416] {strides = array<i32>} : memref<2x200x64xf32, #tpu.memory_space<vmem>>, vector<1x1x16xf32>,
        %get3A_418 = vector.shape_cast %get3A_417 : vector<1x1x16xf32> to vector<16xf32>
        %mul3A_419 = arith.constant 8.000000e+00 : f32
        %mul3A_420 = vector.broadcast %mul3A_419 : f32 to vector<16xf32>
        %mul3A_421 = arith.mulf %get3A_418, %mul3A_420 : vector<16xf32>
        %add3A_422 = arith.addf %mul3A_421, %get3A_412 : vector<16xf32>
        %swap3A_423 = arith.constant 0 : i32
        %swap3A_424 = arith.index_cast %swap3A_423 : i32 to index
        %swap3A_425 = arith.index_cast %scan3A_296 : i32 to index
        %swap3A_426 = arith.constant 48 : index
        %swap3A_427 = tpu.vector_load %arg9[%swap3A_424, %swap3A_425, %swap3A_426] {strides = array<i32>} : memref<2x200x64xf32, #tpu.memory_space<vmem>>, vector<1x1x16xf32>,
        %swap3A_428 = vector.shape_cast %swap3A_427 : vector<1x1x16xf32> to vector<16xf32>
        %swap3A_429 = vector.shape_cast %add3A_422 : vector<16xf32> to vector<1x1x16xf32>
        tpu.vector_store %arg9[%swap3A_424, %swap3A_425, %swap3A_426], %swap3A_429 {strides = array<i32>} : memref<2x200x64xf32, #tpu.memory_space<vmem>>, vector<1x1x16xf32>,
        %get3A_430 = arith.constant 1 : i32
        %get3A_431 = arith.index_cast %get3A_430 : i32 to index
        %get3A_432 = arith.index_cast %scan3A_296 : i32 to index
        %get3A_433 = arith.constant 48 : index
        %get3A_434 = tpu.vector_load %arg9[%get3A_431, %get3A_432, %get3A_433] {strides = array<i32>} : memref<2x200x64xf32, #tpu.memory_space<vmem>>, vector<1x1x16xf32>,
        %get3A_435 = vector.shape_cast %get3A_434 : vector<1x1x16xf32> to vector<16xf32>
        %mul3A_436 = arith.constant 8.000000e+00 : f32
        %mul3A_437 = vector.broadcast %mul3A_436 : f32 to vector<16xf32>
        %mul3A_438 = arith.mulf %get3A_435, %mul3A_437 : vector<16xf32>
        %add3A_439 = arith.addf %mul3A_438, %get3A_412 : vector<16xf32>
        %swap3A_440 = arith.constant 1 : i32
        %swap3A_441 = arith.index_cast %swap3A_440 : i32 to index
        %swap3A_442 = arith.index_cast %scan3A_296 : i32 to index
        %swap3A_443 = arith.constant 48 : index
        %swap3A_444 = tpu.vector_load %arg9[%swap3A_441, %swap3A_442, %swap3A_443] {strides = array<i32>} : memref<2x200x64xf32, #tpu.memory_space<vmem>>, vector<1x1x16xf32>,
        %swap3A_445 = vector.shape_cast %swap3A_444 : vector<1x1x16xf32> to vector<16xf32>
        %swap3A_446 = vector.shape_cast %add3A_439 : vector<16xf32> to vector<1x1x16xf32>
        tpu.vector_store %arg9[%swap3A_441, %swap3A_442, %swap3A_443], %swap3A_446 {strides = array<i32>} : memref<2x200x64xf32, #tpu.memory_space<vmem>>, vector<1x1x16xf32>,
        %scan3A_447 = arith.constant 1 : i32
        %scan3A_448 = arith.addi %scan3A_296, %scan3A_447 : i32
        %get3A_449 = arith.index_cast %scan3A_448 : i32 to index
        %get3A_450 = arith.constant 0 : index
        %get3A_451 = tpu.vector_load %arg7[%get3A_449, %get3A_450] {strides = array<i32>} : memref<200x64xf32, #tpu.memory_space<vmem>>, vector<1x16xf32>,
        %get3A_452 = vector.shape_cast %get3A_451 : vector<1x16xf32> to vector<16xf32>
        %get3A_453 = arith.constant 0 : i32
        %get3A_454 = arith.index_cast %get3A_453 : i32 to index
        %get3A_455 = arith.index_cast %scan3A_448 : i32 to index
        %get3A_456 = arith.constant 0 : index
        %get3A_457 = tpu.vector_load %arg9[%get3A_454, %get3A_455, %get3A_456] {strides = array<i32>} : memref<2x200x64xf32, #tpu.memory_space<vmem>>, vector<1x1x16xf32>,
        %get3A_458 = vector.shape_cast %get3A_457 : vector<1x1x16xf32> to vector<16xf32>
        %mul3A_459 = arith.constant 8.000000e+00 : f32
        %mul3A_460 = vector.broadcast %mul3A_459 : f32 to vector<16xf32>
        %mul3A_461 = arith.mulf %get3A_458, %mul3A_460 : vector<16xf32>
        %add3A_462 = arith.addf %mul3A_461, %get3A_452 : vector<16xf32>
        %swap3A_463 = arith.constant 0 : i32
        %swap3A_464 = arith.index_cast %swap3A_463 : i32 to index
        %swap3A_465 = arith.index_cast %scan3A_448 : i32 to index
        %swap3A_466 = arith.constant 0 : index
        %swap3A_467 = tpu.vector_load %arg9[%swap3A_464, %swap3A_465, %swap3A_466] {strides = array<i32>} : memref<2x200x64xf32, #tpu.memory_space<vmem>>, vector<1x1x16xf32>,
        %swap3A_468 = vector.shape_cast %swap3A_467 : vector<1x1x16xf32> to vector<16xf32>
        %swap3A_469 = vector.shape_cast %add3A_462 : vector<16xf32> to vector<1x1x16xf32>
        tpu.vector_store %arg9[%swap3A_464, %swap3A_465, %swap3A_466], %swap3A_469 {strides = array<i32>} : memref<2x200x64xf32, #tpu.memory_space<vmem>>, vector<1x1x16xf32>,
        %get3A_470 = arith.constant 1 : i32
        %get3A_471 = arith.index_cast %get3A_470 : i32 to index
        %get3A_472 = arith.index_cast %scan3A_448 : i32 to index
        %get3A_473 = arith.constant 0 : index
        %get3A_474 = tpu.vector_load %arg9[%get3A_471, %get3A_472, %get3A_473] {strides = array<i32>} : memref<2x200x64xf32, #tpu.memory_space<vmem>>, vector<1x1x16xf32>,
        %get3A_475 = vector.shape_cast %get3A_474 : vector<1x1x16xf32> to vector<16xf32>
        %mul3A_476 = arith.constant 8.000000e+00 : f32
        %mul3A_477 = vector.broadcast %mul3A_476 : f32 to vector<16xf32>
        %mul3A_478 = arith.mulf %get3A_475, %mul3A_477 : vector<16xf32>
        %add3A_479 = arith.addf %mul3A_478, %get3A_452 : vector<16xf32>
        %swap3A_480 = arith.constant 1 : i32
        %swap3A_481 = arith.index_cast %swap3A_480 : i32 to index
        %swap3A_482 = arith.index_cast %scan3A_448 : i32 to index
        %swap3A_483 = arith.constant 0 : index
        %swap3A_484 = tpu.vector_load %arg9[%swap3A_481, %swap3A_482, %swap3A_483] {strides = array<i32>} : memref<2x200x64xf32, #tpu.memory_space<vmem>>, vector<1x1x16xf32>,
        %swap3A_485 = vector.shape_cast %swap3A_484 : vector<1x1x16xf32> to vector<16xf32>
        %swap3A_486 = vector.shape_cast %add3A_479 : vector<16xf32> to vector<1x1x16xf32>
        tpu.vector_store %arg9[%swap3A_481, %swap3A_482, %swap3A_483], %swap3A_486 {strides = array<i32>} : memref<2x200x64xf32, #tpu.memory_space<vmem>>, vector<1x1x16xf32>,
        %get3A_487 = arith.index_cast %scan3A_448 : i32 to index
        %get3A_488 = arith.constant 16 : index
        %get3A_489 = tpu.vector_load %arg7[%get3A_487, %get3A_488] {strides = array<i32>} : memref<200x64xf32, #tpu.memory_space<vmem>>, vector<1x16xf32>,
        %get3A_490 = vector.shape_cast %get3A_489 : vector<1x16xf32> to vector<16xf32>
        %get3A_491 = arith.constant 0 : i32
        %get3A_492 = arith.index_cast %get3A_491 : i32 to index
        %get3A_493 = arith.index_cast %scan3A_448 : i32 to index
        %get3A_494 = arith.constant 16 : index
        %get3A_495 = tpu.vector_load %arg9[%get3A_492, %get3A_493, %get3A_494] {strides = array<i32>} : memref<2x200x64xf32, #tpu.memory_space<vmem>>, vector<1x1x16xf32>,
        %get3A_496 = vector.shape_cast %get3A_495 : vector<1x1x16xf32> to vector<16xf32>
        %mul3A_497 = arith.constant 8.000000e+00 : f32
        %mul3A_498 = vector.broadcast %mul3A_497 : f32 to vector<16xf32>
        %mul3A_499 = arith.mulf %get3A_496, %mul3A_498 : vector<16xf32>
        %add3A_500 = arith.addf %mul3A_499, %get3A_490 : vector<16xf32>
        %swap3A_501 = arith.constant 0 : i32
        %swap3A_502 = arith.index_cast %swap3A_501 : i32 to index
        %swap3A_503 = arith.index_cast %scan3A_448 : i32 to index
        %swap3A_504 = arith.constant 16 : index
        %swap3A_505 = tpu.vector_load %arg9[%swap3A_502, %swap3A_503, %swap3A_504] {strides = array<i32>} : memref<2x200x64xf32, #tpu.memory_space<vmem>>, vector<1x1x16xf32>,
        %swap3A_506 = vector.shape_cast %swap3A_505 : vector<1x1x16xf32> to vector<16xf32>
        %swap3A_507 = vector.shape_cast %add3A_500 : vector<16xf32> to vector<1x1x16xf32>
        tpu.vector_store %arg9[%swap3A_502, %swap3A_503, %swap3A_504], %swap3A_507 {strides = array<i32>} : memref<2x200x64xf32, #tpu.memory_space<vmem>>, vector<1x1x16xf32>,
        %get3A_508 = arith.constant 1 : i32
        %get3A_509 = arith.index_cast %get3A_508 : i32 to index
        %get3A_510 = arith.index_cast %scan3A_448 : i32 to index
        %get3A_511 = arith.constant 16 : index
        %get3A_512 = tpu.vector_load %arg9[%get3A_509, %get3A_510, %get3A_511] {strides = array<i32>} : memref<2x200x64xf32, #tpu.memory_space<vmem>>, vector<1x1x16xf32>,
        %get3A_513 = vector.shape_cast %get3A_512 : vector<1x1x16xf32> to vector<16xf32>
        %mul3A_514 = arith.constant 8.000000e+00 : f32
        %mul3A_515 = vector.broadcast %mul3A_514 : f32 to vector<16xf32>
        %mul3A_516 = arith.mulf %get3A_513, %mul3A_515 : vector<16xf32>
        %add3A_517 = arith.addf %mul3A_516, %get3A_490 : vector<16xf32>
        %swap3A_518 = arith.constant 1 : i32
        %swap3A_519 = arith.index_cast %swap3A_518 : i32 to index
        %swap3A_520 = arith.index_cast %scan3A_448 : i32 to index
        %swap3A_521 = arith.constant 16 : index
        %swap3A_522 = tpu.vector_load %arg9[%swap3A_519, %swap3A_520, %swap3A_521] {strides = array<i32>} : memref<2x200x64xf32, #tpu.memory_space<vmem>>, vector<1x1x16xf32>,
        %swap3A_523 = vector.shape_cast %swap3A_522 : vector<1x1x16xf32> to vector<16xf32>
        %swap3A_524 = vector.shape_cast %add3A_517 : vector<16xf32> to vector<1x1x16xf32>
        tpu.vector_store %arg9[%swap3A_519, %swap3A_520, %swap3A_521], %swap3A_524 {strides = array<i32>} : memref<2x200x64xf32, #tpu.memory_space<vmem>>, vector<1x1x16xf32>,
        %get3A_525 = arith.index_cast %scan3A_448 : i32 to index
        %get3A_526 = arith.constant 32 : index
        %get3A_527 = tpu.vector_load %arg7[%get3A_525, %get3A_526] {strides = array<i32>} : memref<200x64xf32, #tpu.memory_space<vmem>>, vector<1x16xf32>,
        %get3A_528 = vector.shape_cast %get3A_527 : vector<1x16xf32> to vector<16xf32>
        %get3A_529 = arith.constant 0 : i32
        %get3A_530 = arith.index_cast %get3A_529 : i32 to index
        %get3A_531 = arith.index_cast %scan3A_448 : i32 to index
        %get3A_532 = arith.constant 32 : index
        %get3A_533 = tpu.vector_load %arg9[%get3A_530, %get3A_531, %get3A_532] {strides = array<i32>} : memref<2x200x64xf32, #tpu.memory_space<vmem>>, vector<1x1x16xf32>,
        %get3A_534 = vector.shape_cast %get3A_533 : vector<1x1x16xf32> to vector<16xf32>
        %mul3A_535 = arith.constant 8.000000e+00 : f32
        %mul3A_536 = vector.broadcast %mul3A_535 : f32 to vector<16xf32>
        %mul3A_537 = arith.mulf %get3A_534, %mul3A_536 : vector<16xf32>
        %add3A_538 = arith.addf %mul3A_537, %get3A_528 : vector<16xf32>
        %swap3A_539 = arith.constant 0 : i32
        %swap3A_540 = arith.index_cast %swap3A_539 : i32 to index
        %swap3A_541 = arith.index_cast %scan3A_448 : i32 to index
        %swap3A_542 = arith.constant 32 : index
        %swap3A_543 = tpu.vector_load %arg9[%swap3A_540, %swap3A_541, %swap3A_542] {strides = array<i32>} : memref<2x200x64xf32, #tpu.memory_space<vmem>>, vector<1x1x16xf32>,
        %swap3A_544 = vector.shape_cast %swap3A_543 : vector<1x1x16xf32> to vector<16xf32>
        %swap3A_545 = vector.shape_cast %add3A_538 : vector<16xf32> to vector<1x1x16xf32>
        tpu.vector_store %arg9[%swap3A_540, %swap3A_541, %swap3A_542], %swap3A_545 {strides = array<i32>} : memref<2x200x64xf32, #tpu.memory_space<vmem>>, vector<1x1x16xf32>,
        %get3A_546 = arith.constant 1 : i32
        %get3A_547 = arith.index_cast %get3A_546 : i32 to index
        %get3A_548 = arith.index_cast %scan3A_448 : i32 to index
        %get3A_549 = arith.constant 32 : index
        %get3A_550 = tpu.vector_load %arg9[%get3A_547, %get3A_548, %get3A_549] {strides = array<i32>} : memref<2x200x64xf32, #tpu.memory_space<vmem>>, vector<1x1x16xf32>,
        %get3A_551 = vector.shape_cast %get3A_550 : vector<1x1x16xf32> to vector<16xf32>
        %mul3A_552 = arith.constant 8.000000e+00 : f32
        %mul3A_553 = vector.broadcast %mul3A_552 : f32 to vector<16xf32>
        %mul3A_554 = arith.mulf %get3A_551, %mul3A_553 : vector<16xf32>
        %add3A_555 = arith.addf %mul3A_554, %get3A_528 : vector<16xf32>
        %swap3A_556 = arith.constant 1 : i32
        %swap3A_557 = arith.index_cast %swap3A_556 : i32 to index
        %swap3A_558 = arith.index_cast %scan3A_448 : i32 to index
        %swap3A_559 = arith.constant 32 : index
        %swap3A_560 = tpu.vector_load %arg9[%swap3A_557, %swap3A_558, %swap3A_559] {strides = array<i32>} : memref<2x200x64xf32, #tpu.memory_space<vmem>>, vector<1x1x16xf32>,
        %swap3A_561 = vector.shape_cast %swap3A_560 : vector<1x1x16xf32> to vector<16xf32>
        %swap3A_562 = vector.shape_cast %add3A_555 : vector<16xf32> to vector<1x1x16xf32>
        tpu.vector_store %arg9[%swap3A_557, %swap3A_558, %swap3A_559], %swap3A_562 {strides = array<i32>} : memref<2x200x64xf32, #tpu.memory_space<vmem>>, vector<1x1x16xf32>,
        %get3A_563 = arith.index_cast %scan3A_448 : i32 to index
        %get3A_564 = arith.constant 48 : index
        %get3A_565 = tpu.vector_load %arg7[%get3A_563, %get3A_564] {strides = array<i32>} : memref<200x64xf32, #tpu.memory_space<vmem>>, vector<1x16xf32>,
        %get3A_566 = vector.shape_cast %get3A_565 : vector<1x16xf32> to vector<16xf32>
        %get3A_567 = arith.constant 0 : i32
        %get3A_568 = arith.index_cast %get3A_567 : i32 to index
        %get3A_569 = arith.index_cast %scan3A_448 : i32 to index
        %get3A_570 = arith.constant 48 : index
        %get3A_571 = tpu.vector_load %arg9[%get3A_568, %get3A_569, %get3A_570] {strides = array<i32>} : memref<2x200x64xf32, #tpu.memory_space<vmem>>, vector<1x1x16xf32>,
        %get3A_572 = vector.shape_cast %get3A_571 : vector<1x1x16xf32> to vector<16xf32>
        %mul3A_573 = arith.constant 8.000000e+00 : f32
        %mul3A_574 = vector.broadcast %mul3A_573 : f32 to vector<16xf32>
        %mul3A_575 = arith.mulf %get3A_572, %mul3A_574 : vector<16xf32>
        %add3A_576 = arith.addf %mul3A_575, %get3A_566 : vector<16xf32>
        %swap3A_577 = arith.constant 0 : i32
        %swap3A_578 = arith.index_cast %swap3A_577 : i32 to index
        %swap3A_579 = arith.index_cast %scan3A_448 : i32 to index
        %swap3A_580 = arith.constant 48 : index
        %swap3A_581 = tpu.vector_load %arg9[%swap3A_578, %swap3A_579, %swap3A_580] {strides = array<i32>} : memref<2x200x64xf32, #tpu.memory_space<vmem>>, vector<1x1x16xf32>,
        %swap3A_582 = vector.shape_cast %swap3A_581 : vector<1x1x16xf32> to vector<16xf32>
        %swap3A_583 = vector.shape_cast %add3A_576 : vector<16xf32> to vector<1x1x16xf32>
        tpu.vector_store %arg9[%swap3A_578, %swap3A_579, %swap3A_580], %swap3A_583 {strides = array<i32>} : memref<2x200x64xf32, #tpu.memory_space<vmem>>, vector<1x1x16xf32>,
        %get3A_584 = arith.constant 1 : i32
        %get3A_585 = arith.index_cast %get3A_584 : i32 to index
        %get3A_586 = arith.index_cast %scan3A_448 : i32 to index
        %get3A_587 = arith.constant 48 : index
        %get3A_588 = tpu.vector_load %arg9[%get3A_585, %get3A_586, %get3A_587] {strides = array<i32>} : memref<2x200x64xf32, #tpu.memory_space<vmem>>, vector<1x1x16xf32>,
        %get3A_589 = vector.shape_cast %get3A_588 : vector<1x1x16xf32> to vector<16xf32>
        %mul3A_590 = arith.constant 8.000000e+00 : f32
        %mul3A_591 = vector.broadcast %mul3A_590 : f32 to vector<16xf32>
        %mul3A_592 = arith.mulf %get3A_589, %mul3A_591 : vector<16xf32>
        %add3A_593 = arith.addf %mul3A_592, %get3A_566 : vector<16xf32>
        %swap3A_594 = arith.constant 1 : i32
        %swap3A_595 = arith.index_cast %swap3A_594 : i32 to index
        %swap3A_596 = arith.index_cast %scan3A_448 : i32 to index
        %swap3A_597 = arith.constant 48 : index
        %swap3A_598 = tpu.vector_load %arg9[%swap3A_595, %swap3A_596, %swap3A_597] {strides = array<i32>} : memref<2x200x64xf32, #tpu.memory_space<vmem>>, vector<1x1x16xf32>,
        %swap3A_599 = vector.shape_cast %swap3A_598 : vector<1x1x16xf32> to vector<16xf32>
        %swap3A_600 = vector.shape_cast %add3A_593 : vector<16xf32> to vector<1x1x16xf32>
        tpu.vector_store %arg9[%swap3A_595, %swap3A_596, %swap3A_597], %swap3A_600 {strides = array<i32>} : memref<2x200x64xf32, #tpu.memory_space<vmem>>, vector<1x1x16xf32>,
        %scan3A_601 = arith.constant 2 : i32
        %scan3A_602 = arith.addi %scan3A_296, %scan3A_601 : i32
        %get3A_603 = arith.index_cast %scan3A_602 : i32 to index
        %get3A_604 = arith.constant 0 : index
        %get3A_605 = tpu.vector_load %arg7[%get3A_603, %get3A_604] {strides = array<i32>} : memref<200x64xf32, #tpu.memory_space<vmem>>, vector<1x16xf32>,
        %get3A_606 = vector.shape_cast %get3A_605 : vector<1x16xf32> to vector<16xf32>
        %get3A_607 = arith.constant 0 : i32
        %get3A_608 = arith.index_cast %get3A_607 : i32 to index
        %get3A_609 = arith.index_cast %scan3A_602 : i32 to index
        %get3A_610 = arith.constant 0 : index
        %get3A_611 = tpu.vector_load %arg9[%get3A_608, %get3A_609, %get3A_610] {strides = array<i32>} : memref<2x200x64xf32, #tpu.memory_space<vmem>>, vector<1x1x16xf32>,
        %get3A_612 = vector.shape_cast %get3A_611 : vector<1x1x16xf32> to vector<16xf32>
        %mul3A_613 = arith.constant 8.000000e+00 : f32
        %mul3A_614 = vector.broadcast %mul3A_613 : f32 to vector<16xf32>
        %mul3A_615 = arith.mulf %get3A_612, %mul3A_614 : vector<16xf32>
        %add3A_616 = arith.addf %mul3A_615, %get3A_606 : vector<16xf32>
        %swap3A_617 = arith.constant 0 : i32
        %swap3A_618 = arith.index_cast %swap3A_617 : i32 to index
        %swap3A_619 = arith.index_cast %scan3A_602 : i32 to index
        %swap3A_620 = arith.constant 0 : index
        %swap3A_621 = tpu.vector_load %arg9[%swap3A_618, %swap3A_619, %swap3A_620] {strides = array<i32>} : memref<2x200x64xf32, #tpu.memory_space<vmem>>, vector<1x1x16xf32>,
        %swap3A_622 = vector.shape_cast %swap3A_621 : vector<1x1x16xf32> to vector<16xf32>
        %swap3A_623 = vector.shape_cast %add3A_616 : vector<16xf32> to vector<1x1x16xf32>
        tpu.vector_store %arg9[%swap3A_618, %swap3A_619, %swap3A_620], %swap3A_623 {strides = array<i32>} : memref<2x200x64xf32, #tpu.memory_space<vmem>>, vector<1x1x16xf32>,
        %get3A_624 = arith.constant 1 : i32
        %get3A_625 = arith.index_cast %get3A_624 : i32 to index
        %get3A_626 = arith.index_cast %scan3A_602 : i32 to index
        %get3A_627 = arith.constant 0 : index
        %get3A_628 = tpu.vector_load %arg9[%get3A_625, %get3A_626, %get3A_627] {strides = array<i32>} : memref<2x200x64xf32, #tpu.memory_space<vmem>>, vector<1x1x16xf32>,
        %get3A_629 = vector.shape_cast %get3A_628 : vector<1x1x16xf32> to vector<16xf32>
        %mul3A_630 = arith.constant 8.000000e+00 : f32
        %mul3A_631 = vector.broadcast %mul3A_630 : f32 to vector<16xf32>
        %mul3A_632 = arith.mulf %get3A_629, %mul3A_631 : vector<16xf32>
        %add3A_633 = arith.addf %mul3A_632, %get3A_606 : vector<16xf32>
        %swap3A_634 = arith.constant 1 : i32
        %swap3A_635 = arith.index_cast %swap3A_634 : i32 to index
        %swap3A_636 = arith.index_cast %scan3A_602 : i32 to index
        %swap3A_637 = arith.constant 0 : index
        %swap3A_638 = tpu.vector_load %arg9[%swap3A_635, %swap3A_636, %swap3A_637] {strides = array<i32>} : memref<2x200x64xf32, #tpu.memory_space<vmem>>, vector<1x1x16xf32>,
        %swap3A_639 = vector.shape_cast %swap3A_638 : vector<1x1x16xf32> to vector<16xf32>
        %swap3A_640 = vector.shape_cast %add3A_633 : vector<16xf32> to vector<1x1x16xf32>
        tpu.vector_store %arg9[%swap3A_635, %swap3A_636, %swap3A_637], %swap3A_640 {strides = array<i32>} : memref<2x200x64xf32, #tpu.memory_space<vmem>>, vector<1x1x16xf32>,
        %get3A_641 = arith.index_cast %scan3A_602 : i32 to index
        %get3A_642 = arith.constant 16 : index
        %get3A_643 = tpu.vector_load %arg7[%get3A_641, %get3A_642] {strides = array<i32>} : memref<200x64xf32, #tpu.memory_space<vmem>>, vector<1x16xf32>,
        %get3A_644 = vector.shape_cast %get3A_643 : vector<1x16xf32> to vector<16xf32>
        %get3A_645 = arith.constant 0 : i32
        %get3A_646 = arith.index_cast %get3A_645 : i32 to index
        %get3A_647 = arith.index_cast %scan3A_602 : i32 to index
        %get3A_648 = arith.constant 16 : index
        %get3A_649 = tpu.vector_load %arg9[%get3A_646, %get3A_647, %get3A_648] {strides = array<i32>} : memref<2x200x64xf32, #tpu.memory_space<vmem>>, vector<1x1x16xf32>,
        %get3A_650 = vector.shape_cast %get3A_649 : vector<1x1x16xf32> to vector<16xf32>
        %mul3A_651 = arith.constant 8.000000e+00 : f32
        %mul3A_652 = vector.broadcast %mul3A_651 : f32 to vector<16xf32>
        %mul3A_653 = arith.mulf %get3A_650, %mul3A_652 : vector<16xf32>
        %add3A_654 = arith.addf %mul3A_653, %get3A_644 : vector<16xf32>
        %swap3A_655 = arith.constant 0 : i32
        %swap3A_656 = arith.index_cast %swap3A_655 : i32 to index
        %swap3A_657 = arith.index_cast %scan3A_602 : i32 to index
        %swap3A_658 = arith.constant 16 : index
        %swap3A_659 = tpu.vector_load %arg9[%swap3A_656, %swap3A_657, %swap3A_658] {strides = array<i32>} : memref<2x200x64xf32, #tpu.memory_space<vmem>>, vector<1x1x16xf32>,
        %swap3A_660 = vector.shape_cast %swap3A_659 : vector<1x1x16xf32> to vector<16xf32>
        %swap3A_661 = vector.shape_cast %add3A_654 : vector<16xf32> to vector<1x1x16xf32>
        tpu.vector_store %arg9[%swap3A_656, %swap3A_657, %swap3A_658], %swap3A_661 {strides = array<i32>} : memref<2x200x64xf32, #tpu.memory_space<vmem>>, vector<1x1x16xf32>,
        %get3A_662 = arith.constant 1 : i32
        %get3A_663 = arith.index_cast %get3A_662 : i32 to index
        %get3A_664 = arith.index_cast %scan3A_602 : i32 to index
        %get3A_665 = arith.constant 16 : index
        %get3A_666 = tpu.vector_load %arg9[%get3A_663, %get3A_664, %get3A_665] {strides = array<i32>} : memref<2x200x64xf32, #tpu.memory_space<vmem>>, vector<1x1x16xf32>,
        %get3A_667 = vector.shape_cast %get3A_666 : vector<1x1x16xf32> to vector<16xf32>
        %mul3A_668 = arith.constant 8.000000e+00 : f32
        %mul3A_669 = vector.broadcast %mul3A_668 : f32 to vector<16xf32>
        %mul3A_670 = arith.mulf %get3A_667, %mul3A_669 : vector<16xf32>
        %add3A_671 = arith.addf %mul3A_670, %get3A_644 : vector<16xf32>
        %swap3A_672 = arith.constant 1 : i32
        %swap3A_673 = arith.index_cast %swap3A_672 : i32 to index
        %swap3A_674 = arith.index_cast %scan3A_602 : i32 to index
        %swap3A_675 = arith.constant 16 : index
        %swap3A_676 = tpu.vector_load %arg9[%swap3A_673, %swap3A_674, %swap3A_675] {strides = array<i32>} : memref<2x200x64xf32, #tpu.memory_space<vmem>>, vector<1x1x16xf32>,
        %swap3A_677 = vector.shape_cast %swap3A_676 : vector<1x1x16xf32> to vector<16xf32>
        %swap3A_678 = vector.shape_cast %add3A_671 : vector<16xf32> to vector<1x1x16xf32>
        tpu.vector_store %arg9[%swap3A_673, %swap3A_674, %swap3A_675], %swap3A_678 {strides = array<i32>} : memref<2x200x64xf32, #tpu.memory_space<vmem>>, vector<1x1x16xf32>,
        %get3A_679 = arith.index_cast %scan3A_602 : i32 to index
        %get3A_680 = arith.constant 32 : index
        %get3A_681 = tpu.vector_load %arg7[%get3A_679, %get3A_680] {strides = array<i32>} : memref<200x64xf32, #tpu.memory_space<vmem>>, vector<1x16xf32>,
        %get3A_682 = vector.shape_cast %get3A_681 : vector<1x16xf32> to vector<16xf32>
        %get3A_683 = arith.constant 0 : i32
        %get3A_684 = arith.index_cast %get3A_683 : i32 to index
        %get3A_685 = arith.index_cast %scan3A_602 : i32 to index
        %get3A_686 = arith.constant 32 : index
        %get3A_687 = tpu.vector_load %arg9[%get3A_684, %get3A_685, %get3A_686] {strides = array<i32>} : memref<2x200x64xf32, #tpu.memory_space<vmem>>, vector<1x1x16xf32>,
        %get3A_688 = vector.shape_cast %get3A_687 : vector<1x1x16xf32> to vector<16xf32>
        %mul3A_689 = arith.constant 8.000000e+00 : f32
        %mul3A_690 = vector.broadcast %mul3A_689 : f32 to vector<16xf32>
        %mul3A_691 = arith.mulf %get3A_688, %mul3A_690 : vector<16xf32>
        %add3A_692 = arith.addf %mul3A_691, %get3A_682 : vector<16xf32>
        %swap3A_693 = arith.constant 0 : i32
        %swap3A_694 = arith.index_cast %swap3A_693 : i32 to index
        %swap3A_695 = arith.index_cast %scan3A_602 : i32 to index
        %swap3A_696 = arith.constant 32 : index
        %swap3A_697 = tpu.vector_load %arg9[%swap3A_694, %swap3A_695, %swap3A_696] {strides = array<i32>} : memref<2x200x64xf32, #tpu.memory_space<vmem>>, vector<1x1x16xf32>,
        %swap3A_698 = vector.shape_cast %swap3A_697 : vector<1x1x16xf32> to vector<16xf32>
        %swap3A_699 = vector.shape_cast %add3A_692 : vector<16xf32> to vector<1x1x16xf32>
        tpu.vector_store %arg9[%swap3A_694, %swap3A_695, %swap3A_696], %swap3A_699 {strides = array<i32>} : memref<2x200x64xf32, #tpu.memory_space<vmem>>, vector<1x1x16xf32>,
        %get3A_700 = arith.constant 1 : i32
        %get3A_701 = arith.index_cast %get3A_700 : i32 to index
        %get3A_702 = arith.index_cast %scan3A_602 : i32 to index
        %get3A_703 = arith.constant 32 : index
        %get3A_704 = tpu.vector_load %arg9[%get3A_701, %get3A_702, %get3A_703] {strides = array<i32>} : memref<2x200x64xf32, #tpu.memory_space<vmem>>, vector<1x1x16xf32>,
        %get3A_705 = vector.shape_cast %get3A_704 : vector<1x1x16xf32> to vector<16xf32>
        %mul3A_706 = arith.constant 8.000000e+00 : f32
        %mul3A_707 = vector.broadcast %mul3A_706 : f32 to vector<16xf32>
        %mul3A_708 = arith.mulf %get3A_705, %mul3A_707 : vector<16xf32>
        %add3A_709 = arith.addf %mul3A_708, %get3A_682 : vector<16xf32>
        %swap3A_710 = arith.constant 1 : i32
        %swap3A_711 = arith.index_cast %swap3A_710 : i32 to index
        %swap3A_712 = arith.index_cast %scan3A_602 : i32 to index
        %swap3A_713 = arith.constant 32 : index
        %swap3A_714 = tpu.vector_load %arg9[%swap3A_711, %swap3A_712, %swap3A_713] {strides = array<i32>} : memref<2x200x64xf32, #tpu.memory_space<vmem>>, vector<1x1x16xf32>,
        %swap3A_715 = vector.shape_cast %swap3A_714 : vector<1x1x16xf32> to vector<16xf32>
        %swap3A_716 = vector.shape_cast %add3A_709 : vector<16xf32> to vector<1x1x16xf32>
        tpu.vector_store %arg9[%swap3A_711, %swap3A_712, %swap3A_713], %swap3A_716 {strides = array<i32>} : memref<2x200x64xf32, #tpu.memory_space<vmem>>, vector<1x1x16xf32>,
        %get3A_717 = arith.index_cast %scan3A_602 : i32 to index
        %get3A_718 = arith.constant 48 : index
        %get3A_719 = tpu.vector_load %arg7[%get3A_717, %get3A_718] {strides = array<i32>} : memref<200x64xf32, #tpu.memory_space<vmem>>, vector<1x16xf32>,
        %get3A_720 = vector.shape_cast %get3A_719 : vector<1x16xf32> to vector<16xf32>
        %get3A_721 = arith.constant 0 : i32
        %get3A_722 = arith.index_cast %get3A_721 : i32 to index
        %get3A_723 = arith.index_cast %scan3A_602 : i32 to index
        %get3A_724 = arith.constant 48 : index
        %get3A_725 = tpu.vector_load %arg9[%get3A_722, %get3A_723, %get3A_724] {strides = array<i32>} : memref<2x200x64xf32, #tpu.memory_space<vmem>>, vector<1x1x16xf32>,
        %get3A_726 = vector.shape_cast %get3A_725 : vector<1x1x16xf32> to vector<16xf32>
        %mul3A_727 = arith.constant 8.000000e+00 : f32
        %mul3A_728 = vector.broadcast %mul3A_727 : f32 to vector<16xf32>
        %mul3A_729 = arith.mulf %get3A_726, %mul3A_728 : vector<16xf32>
        %add3A_730 = arith.addf %mul3A_729, %get3A_720 : vector<16xf32>
        %swap3A_731 = arith.constant 0 : i32
        %swap3A_732 = arith.index_cast %swap3A_731 : i32 to index
        %swap3A_733 = arith.index_cast %scan3A_602 : i32 to index
        %swap3A_734 = arith.constant 48 : index
        %swap3A_735 = tpu.vector_load %arg9[%swap3A_732, %swap3A_733, %swap3A_734] {strides = array<i32>} : memref<2x200x64xf32, #tpu.memory_space<vmem>>, vector<1x1x16xf32>,
        %swap3A_736 = vector.shape_cast %swap3A_735 : vector<1x1x16xf32> to vector<16xf32>
        %swap3A_737 = vector.shape_cast %add3A_730 : vector<16xf32> to vector<1x1x16xf32>
        tpu.vector_store %arg9[%swap3A_732, %swap3A_733, %swap3A_734], %swap3A_737 {strides = array<i32>} : memref<2x200x64xf32, #tpu.memory_space<vmem>>, vector<1x1x16xf32>,
        %get3A_738 = arith.constant 1 : i32
        %get3A_739 = arith.index_cast %get3A_738 : i32 to index
        %get3A_740 = arith.index_cast %scan3A_602 : i32 to index
        %get3A_741 = arith.constant 48 : index
        %get3A_742 = tpu.vector_load %arg9[%get3A_739, %get3A_740, %get3A_741] {strides = array<i32>} : memref<2x200x64xf32, #tpu.memory_space<vmem>>, vector<1x1x16xf32>,
        %get3A_743 = vector.shape_cast %get3A_742 : vector<1x1x16xf32> to vector<16xf32>
        %mul3A_744 = arith.constant 8.000000e+00 : f32
        %mul3A_745 = vector.broadcast %mul3A_744 : f32 to vector<16xf32>
        %mul3A_746 = arith.mulf %get3A_743, %mul3A_745 : vector<16xf32>
        %add3A_747 = arith.addf %mul3A_746, %get3A_720 : vector<16xf32>
        %swap3A_748 = arith.constant 1 : i32
        %swap3A_749 = arith.index_cast %swap3A_748 : i32 to index
        %swap3A_750 = arith.index_cast %scan3A_602 : i32 to index
        %swap3A_751 = arith.constant 48 : index
        %swap3A_752 = tpu.vector_load %arg9[%swap3A_749, %swap3A_750, %swap3A_751] {strides = array<i32>} : memref<2x200x64xf32, #tpu.memory_space<vmem>>, vector<1x1x16xf32>,
        %swap3A_753 = vector.shape_cast %swap3A_752 : vector<1x1x16xf32> to vector<16xf32>
        %swap3A_754 = vector.shape_cast %add3A_747 : vector<16xf32> to vector<1x1x16xf32>
        tpu.vector_store %arg9[%swap3A_749, %swap3A_750, %swap3A_751], %swap3A_754 {strides = array<i32>} : memref<2x200x64xf32, #tpu.memory_space<vmem>>, vector<1x1x16xf32>,
        %scan3A_755 = arith.constant 3 : i32
        %scan3A_756 = arith.addi %scan3A_296, %scan3A_755 : i32
        %get3A_757 = arith.index_cast %scan3A_756 : i32 to index
        %get3A_758 = arith.constant 0 : index
        %get3A_759 = tpu.vector_load %arg7[%get3A_757, %get3A_758] {strides = array<i32>} : memref<200x64xf32, #tpu.memory_space<vmem>>, vector<1x16xf32>,
        %get3A_760 = vector.shape_cast %get3A_759 : vector<1x16xf32> to vector<16xf32>
        %get3A_761 = arith.constant 0 : i32
        %get3A_762 = arith.index_cast %get3A_761 : i32 to index
        %get3A_763 = arith.index_cast %scan3A_756 : i32 to index
        %get3A_764 = arith.constant 0 : index
        %get3A_765 = tpu.vector_load %arg9[%get3A_762, %get3A_763, %get3A_764] {strides = array<i32>} : memref<2x200x64xf32, #tpu.memory_space<vmem>>, vector<1x1x16xf32>,
        %get3A_766 = vector.shape_cast %get3A_765 : vector<1x1x16xf32> to vector<16xf32>
        %mul3A_767 = arith.constant 8.000000e+00 : f32
        %mul3A_768 = vector.broadcast %mul3A_767 : f32 to vector<16xf32>
        %mul3A_769 = arith.mulf %get3A_766, %mul3A_768 : vector<16xf32>
        %add3A_770 = arith.addf %mul3A_769, %get3A_760 : vector<16xf32>
        %swap3A_771 = arith.constant 0 : i32
        %swap3A_772 = arith.index_cast %swap3A_771 : i32 to index
        %swap3A_773 = arith.index_cast %scan3A_756 : i32 to index
        %swap3A_774 = arith.constant 0 : index
        %swap3A_775 = tpu.vector_load %arg9[%swap3A_772, %swap3A_773, %swap3A_774] {strides = array<i32>} : memref<2x200x64xf32, #tpu.memory_space<vmem>>, vector<1x1x16xf32>,
        %swap3A_776 = vector.shape_cast %swap3A_775 : vector<1x1x16xf32> to vector<16xf32>
        %swap3A_777 = vector.shape_cast %add3A_770 : vector<16xf32> to vector<1x1x16xf32>
        tpu.vector_store %arg9[%swap3A_772, %swap3A_773, %swap3A_774], %swap3A_777 {strides = array<i32>} : memref<2x200x64xf32, #tpu.memory_space<vmem>>, vector<1x1x16xf32>,
        %get3A_778 = arith.constant 1 : i32
        %get3A_779 = arith.index_cast %get3A_778 : i32 to index
        %get3A_780 = arith.index_cast %scan3A_756 : i32 to index
        %get3A_781 = arith.constant 0 : index
        %get3A_782 = tpu.vector_load %arg9[%get3A_779, %get3A_780, %get3A_781] {strides = array<i32>} : memref<2x200x64xf32, #tpu.memory_space<vmem>>, vector<1x1x16xf32>,
        %get3A_783 = vector.shape_cast %get3A_782 : vector<1x1x16xf32> to vector<16xf32>
        %mul3A_784 = arith.constant 8.000000e+00 : f32
        %mul3A_785 = vector.broadcast %mul3A_784 : f32 to vector<16xf32>
        %mul3A_786 = arith.mulf %get3A_783, %mul3A_785 : vector<16xf32>
        %add3A_787 = arith.addf %mul3A_786, %get3A_760 : vector<16xf32>
        %swap3A_788 = arith.constant 1 : i32
        %swap3A_789 = arith.index_cast %swap3A_788 : i32 to index
        %swap3A_790 = arith.index_cast %scan3A_756 : i32 to index
        %swap3A_791 = arith.constant 0 : index
        %swap3A_792 = tpu.vector_load %arg9[%swap3A_789, %swap3A_790, %swap3A_791] {strides = array<i32>} : memref<2x200x64xf32, #tpu.memory_space<vmem>>, vector<1x1x16xf32>,
        %swap3A_793 = vector.shape_cast %swap3A_792 : vector<1x1x16xf32> to vector<16xf32>
        %swap3A_794 = vector.shape_cast %add3A_787 : vector<16xf32> to vector<1x1x16xf32>
        tpu.vector_store %arg9[%swap3A_789, %swap3A_790, %swap3A_791], %swap3A_794 {strides = array<i32>} : memref<2x200x64xf32, #tpu.memory_space<vmem>>, vector<1x1x16xf32>,
        %get3A_795 = arith.index_cast %scan3A_756 : i32 to index
        %get3A_796 = arith.constant 16 : index
        %get3A_797 = tpu.vector_load %arg7[%get3A_795, %get3A_796] {strides = array<i32>} : memref<200x64xf32, #tpu.memory_space<vmem>>, vector<1x16xf32>,
        %get3A_798 = vector.shape_cast %get3A_797 : vector<1x16xf32> to vector<16xf32>
        %get3A_799 = arith.constant 0 : i32
        %get3A_800 = arith.index_cast %get3A_799 : i32 to index
        %get3A_801 = arith.index_cast %scan3A_756 : i32 to index
        %get3A_802 = arith.constant 16 : index
        %get3A_803 = tpu.vector_load %arg9[%get3A_800, %get3A_801, %get3A_802] {strides = array<i32>} : memref<2x200x64xf32, #tpu.memory_space<vmem>>, vector<1x1x16xf32>,
        %get3A_804 = vector.shape_cast %get3A_803 : vector<1x1x16xf32> to vector<16xf32>
        %mul3A_805 = arith.constant 8.000000e+00 : f32
        %mul3A_806 = vector.broadcast %mul3A_805 : f32 to vector<16xf32>
        %mul3A_807 = arith.mulf %get3A_804, %mul3A_806 : vector<16xf32>
        %add3A_808 = arith.addf %mul3A_807, %get3A_798 : vector<16xf32>
        %swap3A_809 = arith.constant 0 : i32
        %swap3A_810 = arith.index_cast %swap3A_809 : i32 to index
        %swap3A_811 = arith.index_cast %scan3A_756 : i32 to index
        %swap3A_812 = arith.constant 16 : index
        %swap3A_813 = tpu.vector_load %arg9[%swap3A_810, %swap3A_811, %swap3A_812] {strides = array<i32>} : memref<2x200x64xf32, #tpu.memory_space<vmem>>, vector<1x1x16xf32>,
        %swap3A_814 = vector.shape_cast %swap3A_813 : vector<1x1x16xf32> to vector<16xf32>
        %swap3A_815 = vector.shape_cast %add3A_808 : vector<16xf32> to vector<1x1x16xf32>
        tpu.vector_store %arg9[%swap3A_810, %swap3A_811, %swap3A_812], %swap3A_815 {strides = array<i32>} : memref<2x200x64xf32, #tpu.memory_space<vmem>>, vector<1x1x16xf32>,
        %get3A_816 = arith.constant 1 : i32
        %get3A_817 = arith.index_cast %get3A_816 : i32 to index
        %get3A_818 = arith.index_cast %scan3A_756 : i32 to index
        %get3A_819 = arith.constant 16 : index
        %get3A_820 = tpu.vector_load %arg9[%get3A_817, %get3A_818, %get3A_819] {strides = array<i32>} : memref<2x200x64xf32, #tpu.memory_space<vmem>>, vector<1x1x16xf32>,
        %get3A_821 = vector.shape_cast %get3A_820 : vector<1x1x16xf32> to vector<16xf32>
        %mul3A_822 = arith.constant 8.000000e+00 : f32
        %mul3A_823 = vector.broadcast %mul3A_822 : f32 to vector<16xf32>
        %mul3A_824 = arith.mulf %get3A_821, %mul3A_823 : vector<16xf32>
        %add3A_825 = arith.addf %mul3A_824, %get3A_798 : vector<16xf32>
        %swap3A_826 = arith.constant 1 : i32
        %swap3A_827 = arith.index_cast %swap3A_826 : i32 to index
        %swap3A_828 = arith.index_cast %scan3A_756 : i32 to index
        %swap3A_829 = arith.constant 16 : index
        %swap3A_830 = tpu.vector_load %arg9[%swap3A_827, %swap3A_828, %swap3A_829] {strides = array<i32>} : memref<2x200x64xf32, #tpu.memory_space<vmem>>, vector<1x1x16xf32>,
        %swap3A_831 = vector.shape_cast %swap3A_830 : vector<1x1x16xf32> to vector<16xf32>
        %swap3A_832 = vector.shape_cast %add3A_825 : vector<16xf32> to vector<1x1x16xf32>
        tpu.vector_store %arg9[%swap3A_827, %swap3A_828, %swap3A_829], %swap3A_832 {strides = array<i32>} : memref<2x200x64xf32, #tpu.memory_space<vmem>>, vector<1x1x16xf32>,
        %get3A_833 = arith.index_cast %scan3A_756 : i32 to index
        %get3A_834 = arith.constant 32 : index
        %get3A_835 = tpu.vector_load %arg7[%get3A_833, %get3A_834] {strides = array<i32>} : memref<200x64xf32, #tpu.memory_space<vmem>>, vector<1x16xf32>,
        %get3A_836 = vector.shape_cast %get3A_835 : vector<1x16xf32> to vector<16xf32>
        %get3A_837 = arith.constant 0 : i32
        %get3A_838 = arith.index_cast %get3A_837 : i32 to index
        %get3A_839 = arith.index_cast %scan3A_756 : i32 to index
        %get3A_840 = arith.constant 32 : index
        %get3A_841 = tpu.vector_load %arg9[%get3A_838, %get3A_839, %get3A_840] {strides = array<i32>} : memref<2x200x64xf32, #tpu.memory_space<vmem>>, vector<1x1x16xf32>,
        %get3A_842 = vector.shape_cast %get3A_841 : vector<1x1x16xf32> to vector<16xf32>
        %mul3A_843 = arith.constant 8.000000e+00 : f32
        %mul3A_844 = vector.broadcast %mul3A_843 : f32 to vector<16xf32>
        %mul3A_845 = arith.mulf %get3A_842, %mul3A_844 : vector<16xf32>
        %add3A_846 = arith.addf %mul3A_845, %get3A_836 : vector<16xf32>
        %swap3A_847 = arith.constant 0 : i32
        %swap3A_848 = arith.index_cast %swap3A_847 : i32 to index
        %swap3A_849 = arith.index_cast %scan3A_756 : i32 to index
        %swap3A_850 = arith.constant 32 : index
        %swap3A_851 = tpu.vector_load %arg9[%swap3A_848, %swap3A_849, %swap3A_850] {strides = array<i32>} : memref<2x200x64xf32, #tpu.memory_space<vmem>>, vector<1x1x16xf32>,
        %swap3A_852 = vector.shape_cast %swap3A_851 : vector<1x1x16xf32> to vector<16xf32>
        %swap3A_853 = vector.shape_cast %add3A_846 : vector<16xf32> to vector<1x1x16xf32>
        tpu.vector_store %arg9[%swap3A_848, %swap3A_849, %swap3A_850], %swap3A_853 {strides = array<i32>} : memref<2x200x64xf32, #tpu.memory_space<vmem>>, vector<1x1x16xf32>,
        %get3A_854 = arith.constant 1 : i32
        %get3A_855 = arith.index_cast %get3A_854 : i32 to index
        %get3A_856 = arith.index_cast %scan3A_756 : i32 to index
        %get3A_857 = arith.constant 32 : index
        %get3A_858 = tpu.vector_load %arg9[%get3A_855, %get3A_856, %get3A_857] {strides = array<i32>} : memref<2x200x64xf32, #tpu.memory_space<vmem>>, vector<1x1x16xf32>,
        %get3A_859 = vector.shape_cast %get3A_858 : vector<1x1x16xf32> to vector<16xf32>
        %mul3A_860 = arith.constant 8.000000e+00 : f32
        %mul3A_861 = vector.broadcast %mul3A_860 : f32 to vector<16xf32>
        %mul3A_862 = arith.mulf %get3A_859, %mul3A_861 : vector<16xf32>
        %add3A_863 = arith.addf %mul3A_862, %get3A_836 : vector<16xf32>
        %swap3A_864 = arith.constant 1 : i32
        %swap3A_865 = arith.index_cast %swap3A_864 : i32 to index
        %swap3A_866 = arith.index_cast %scan3A_756 : i32 to index
        %swap3A_867 = arith.constant 32 : index
        %swap3A_868 = tpu.vector_load %arg9[%swap3A_865, %swap3A_866, %swap3A_867] {strides = array<i32>} : memref<2x200x64xf32, #tpu.memory_space<vmem>>, vector<1x1x16xf32>,
        %swap3A_869 = vector.shape_cast %swap3A_868 : vector<1x1x16xf32> to vector<16xf32>
        %swap3A_870 = vector.shape_cast %add3A_863 : vector<16xf32> to vector<1x1x16xf32>
        tpu.vector_store %arg9[%swap3A_865, %swap3A_866, %swap3A_867], %swap3A_870 {strides = array<i32>} : memref<2x200x64xf32, #tpu.memory_space<vmem>>, vector<1x1x16xf32>,
        %get3A_871 = arith.index_cast %scan3A_756 : i32 to index
        %get3A_872 = arith.constant 48 : index
        %get3A_873 = tpu.vector_load %arg7[%get3A_871, %get3A_872] {strides = array<i32>} : memref<200x64xf32, #tpu.memory_space<vmem>>, vector<1x16xf32>,
        %get3A_874 = vector.shape_cast %get3A_873 : vector<1x16xf32> to vector<16xf32>
        %get3A_875 = arith.constant 0 : i32
        %get3A_876 = arith.index_cast %get3A_875 : i32 to index
        %get3A_877 = arith.index_cast %scan3A_756 : i32 to index
        %get3A_878 = arith.constant 48 : index
        %get3A_879 = tpu.vector_load %arg9[%get3A_876, %get3A_877, %get3A_878] {strides = array<i32>} : memref<2x200x64xf32, #tpu.memory_space<vmem>>, vector<1x1x16xf32>,
        %get3A_880 = vector.shape_cast %get3A_879 : vector<1x1x16xf32> to vector<16xf32>
        %mul3A_881 = arith.constant 8.000000e+00 : f32
        %mul3A_882 = vector.broadcast %mul3A_881 : f32 to vector<16xf32>
        %mul3A_883 = arith.mulf %get3A_880, %mul3A_882 : vector<16xf32>
        %add3A_884 = arith.addf %mul3A_883, %get3A_874 : vector<16xf32>
        %swap3A_885 = arith.constant 0 : i32
        %swap3A_886 = arith.index_cast %swap3A_885 : i32 to index
        %swap3A_887 = arith.index_cast %scan3A_756 : i32 to index
        %swap3A_888 = arith.constant 48 : index
        %swap3A_889 = tpu.vector_load %arg9[%swap3A_886, %swap3A_887, %swap3A_888] {strides = array<i32>} : memref<2x200x64xf32, #tpu.memory_space<vmem>>, vector<1x1x16xf32>,
        %swap3A_890 = vector.shape_cast %swap3A_889 : vector<1x1x16xf32> to vector<16xf32>
        %swap3A_891 = vector.shape_cast %add3A_884 : vector<16xf32> to vector<1x1x16xf32>
        tpu.vector_store %arg9[%swap3A_886, %swap3A_887, %swap3A_888], %swap3A_891 {strides = array<i32>} : memref<2x200x64xf32, #tpu.memory_space<vmem>>, vector<1x1x16xf32>,
        %get3A_892 = arith.constant 1 : i32
        %get3A_893 = arith.index_cast %get3A_892 : i32 to index
        %get3A_894 = arith.index_cast %scan3A_756 : i32 to index
        %get3A_895 = arith.constant 48 : index
        %get3A_896 = tpu.vector_load %arg9[%get3A_893, %get3A_894, %get3A_895] {strides = array<i32>} : memref<2x200x64xf32, #tpu.memory_space<vmem>>, vector<1x1x16xf32>,
        %get3A_897 = vector.shape_cast %get3A_896 : vector<1x1x16xf32> to vector<16xf32>
        %mul3A_898 = arith.constant 8.000000e+00 : f32
        %mul3A_899 = vector.broadcast %mul3A_898 : f32 to vector<16xf32>
        %mul3A_900 = arith.mulf %get3A_897, %mul3A_899 : vector<16xf32>
        %add3A_901 = arith.addf %mul3A_900, %get3A_874 : vector<16xf32>
        %swap3A_902 = arith.constant 1 : i32
        %swap3A_903 = arith.index_cast %swap3A_902 : i32 to index
        %swap3A_904 = arith.index_cast %scan3A_756 : i32 to index
        %swap3A_905 = arith.constant 48 : index
        %swap3A_906 = tpu.vector_load %arg9[%swap3A_903, %swap3A_904, %swap3A_905] {strides = array<i32>} : memref<2x200x64xf32, #tpu.memory_space<vmem>>, vector<1x1x16xf32>,
        %swap3A_907 = vector.shape_cast %swap3A_906 : vector<1x1x16xf32> to vector<16xf32>
        %swap3A_908 = vector.shape_cast %add3A_901 : vector<16xf32> to vector<1x1x16xf32>
        tpu.vector_store %arg9[%swap3A_903, %swap3A_904, %swap3A_905], %swap3A_908 {strides = array<i32>} : memref<2x200x64xf32, #tpu.memory_space<vmem>>, vector<1x1x16xf32>,
        %scan3A_909 = arith.constant 4 : i32
        %scan3A_910 = arith.addi %scan3A_296, %scan3A_909 : i32
        %get3A_911 = arith.index_cast %scan3A_910 : i32 to index
        %get3A_912 = arith.constant 0 : index
        %get3A_913 = tpu.vector_load %arg7[%get3A_911, %get3A_912] {strides = array<i32>} : memref<200x64xf32, #tpu.memory_space<vmem>>, vector<1x16xf32>,
        %get3A_914 = vector.shape_cast %get3A_913 : vector<1x16xf32> to vector<16xf32>
        %get3A_915 = arith.constant 0 : i32
        %get3A_916 = arith.index_cast %get3A_915 : i32 to index
        %get3A_917 = arith.index_cast %scan3A_910 : i32 to index
        %get3A_918 = arith.constant 0 : index
        %get3A_919 = tpu.vector_load %arg9[%get3A_916, %get3A_917, %get3A_918] {strides = array<i32>} : memref<2x200x64xf32, #tpu.memory_space<vmem>>, vector<1x1x16xf32>,
        %get3A_920 = vector.shape_cast %get3A_919 : vector<1x1x16xf32> to vector<16xf32>
        %mul3A_921 = arith.constant 8.000000e+00 : f32
        %mul3A_922 = vector.broadcast %mul3A_921 : f32 to vector<16xf32>
        %mul3A_923 = arith.mulf %get3A_920, %mul3A_922 : vector<16xf32>
        %add3A_924 = arith.addf %mul3A_923, %get3A_914 : vector<16xf32>
        %swap3A_925 = arith.constant 0 : i32
        %swap3A_926 = arith.index_cast %swap3A_925 : i32 to index
        %swap3A_927 = arith.index_cast %scan3A_910 : i32 to index
        %swap3A_928 = arith.constant 0 : index
        %swap3A_929 = tpu.vector_load %arg9[%swap3A_926, %swap3A_927, %swap3A_928] {strides = array<i32>} : memref<2x200x64xf32, #tpu.memory_space<vmem>>, vector<1x1x16xf32>,
        %swap3A_930 = vector.shape_cast %swap3A_929 : vector<1x1x16xf32> to vector<16xf32>
        %swap3A_931 = vector.shape_cast %add3A_924 : vector<16xf32> to vector<1x1x16xf32>
        tpu.vector_store %arg9[%swap3A_926, %swap3A_927, %swap3A_928], %swap3A_931 {strides = array<i32>} : memref<2x200x64xf32, #tpu.memory_space<vmem>>, vector<1x1x16xf32>,
        %get3A_932 = arith.constant 1 : i32
        %get3A_933 = arith.index_cast %get3A_932 : i32 to index
        %get3A_934 = arith.index_cast %scan3A_910 : i32 to index
        %get3A_935 = arith.constant 0 : index
        %get3A_936 = tpu.vector_load %arg9[%get3A_933, %get3A_934, %get3A_935] {strides = array<i32>} : memref<2x200x64xf32, #tpu.memory_space<vmem>>, vector<1x1x16xf32>,
        %get3A_937 = vector.shape_cast %get3A_936 : vector<1x1x16xf32> to vector<16xf32>
        %mul3A_938 = arith.constant 8.000000e+00 : f32
        %mul3A_939 = vector.broadcast %mul3A_938 : f32 to vector<16xf32>
        %mul3A_940 = arith.mulf %get3A_937, %mul3A_939 : vector<16xf32>
        %add3A_941 = arith.addf %mul3A_940, %get3A_914 : vector<16xf32>
        %swap3A_942 = arith.constant 1 : i32
        %swap3A_943 = arith.index_cast %swap3A_942 : i32 to index
        %swap3A_944 = arith.index_cast %scan3A_910 : i32 to index
        %swap3A_945 = arith.constant 0 : index
        %swap3A_946 = tpu.vector_load %arg9[%swap3A_943, %swap3A_944, %swap3A_945] {strides = array<i32>} : memref<2x200x64xf32, #tpu.memory_space<vmem>>, vector<1x1x16xf32>,
        %swap3A_947 = vector.shape_cast %swap3A_946 : vector<1x1x16xf32> to vector<16xf32>
        %swap3A_948 = vector.shape_cast %add3A_941 : vector<16xf32> to vector<1x1x16xf32>
        tpu.vector_store %arg9[%swap3A_943, %swap3A_944, %swap3A_945], %swap3A_948 {strides = array<i32>} : memref<2x200x64xf32, #tpu.memory_space<vmem>>, vector<1x1x16xf32>,
        %get3A_949 = arith.index_cast %scan3A_910 : i32 to index
        %get3A_950 = arith.constant 16 : index
        %get3A_951 = tpu.vector_load %arg7[%get3A_949, %get3A_950] {strides = array<i32>} : memref<200x64xf32, #tpu.memory_space<vmem>>, vector<1x16xf32>,
        %get3A_952 = vector.shape_cast %get3A_951 : vector<1x16xf32> to vector<16xf32>
        %get3A_953 = arith.constant 0 : i32
        %get3A_954 = arith.index_cast %get3A_953 : i32 to index
        %get3A_955 = arith.index_cast %scan3A_910 : i32 to index
        %get3A_956 = arith.constant 16 : index
        %get3A_957 = tpu.vector_load %arg9[%get3A_954, %get3A_955, %get3A_956] {strides = array<i32>} : memref<2x200x64xf32, #tpu.memory_space<vmem>>, vector<1x1x16xf32>,
        %get3A_958 = vector.shape_cast %get3A_957 : vector<1x1x16xf32> to vector<16xf32>
        %mul3A_959 = arith.constant 8.000000e+00 : f32
        %mul3A_960 = vector.broadcast %mul3A_959 : f32 to vector<16xf32>
        %mul3A_961 = arith.mulf %get3A_958, %mul3A_960 : vector<16xf32>
        %add3A_962 = arith.addf %mul3A_961, %get3A_952 : vector<16xf32>
        %swap3A_963 = arith.constant 0 : i32
        %swap3A_964 = arith.index_cast %swap3A_963 : i32 to index
        %swap3A_965 = arith.index_cast %scan3A_910 : i32 to index
        %swap3A_966 = arith.constant 16 : index
        %swap3A_967 = tpu.vector_load %arg9[%swap3A_964, %swap3A_965, %swap3A_966] {strides = array<i32>} : memref<2x200x64xf32, #tpu.memory_space<vmem>>, vector<1x1x16xf32>,
        %swap3A_968 = vector.shape_cast %swap3A_967 : vector<1x1x16xf32> to vector<16xf32>
        %swap3A_969 = vector.shape_cast %add3A_962 : vector<16xf32> to vector<1x1x16xf32>
        tpu.vector_store %arg9[%swap3A_964, %swap3A_965, %swap3A_966], %swap3A_969 {strides = array<i32>} : memref<2x200x64xf32, #tpu.memory_space<vmem>>, vector<1x1x16xf32>,
        %get3A_970 = arith.constant 1 : i32
        %get3A_971 = arith.index_cast %get3A_970 : i32 to index
        %get3A_972 = arith.index_cast %scan3A_910 : i32 to index
        %get3A_973 = arith.constant 16 : index
        %get3A_974 = tpu.vector_load %arg9[%get3A_971, %get3A_972, %get3A_973] {strides = array<i32>} : memref<2x200x64xf32, #tpu.memory_space<vmem>>, vector<1x1x16xf32>,
        %get3A_975 = vector.shape_cast %get3A_974 : vector<1x1x16xf32> to vector<16xf32>
        %mul3A_976 = arith.constant 8.000000e+00 : f32
        %mul3A_977 = vector.broadcast %mul3A_976 : f32 to vector<16xf32>
        %mul3A_978 = arith.mulf %get3A_975, %mul3A_977 : vector<16xf32>
        %add3A_979 = arith.addf %mul3A_978, %get3A_952 : vector<16xf32>
        %swap3A_980 = arith.constant 1 : i32
        %swap3A_981 = arith.index_cast %swap3A_980 : i32 to index
        %swap3A_982 = arith.index_cast %scan3A_910 : i32 to index
        %swap3A_983 = arith.constant 16 : index
        %swap3A_984 = tpu.vector_load %arg9[%swap3A_981, %swap3A_982, %swap3A_983] {strides = array<i32>} : memref<2x200x64xf32, #tpu.memory_space<vmem>>, vector<1x1x16xf32>,
        %swap3A_985 = vector.shape_cast %swap3A_984 : vector<1x1x16xf32> to vector<16xf32>
        %swap3A_986 = vector.shape_cast %add3A_979 : vector<16xf32> to vector<1x1x16xf32>
        tpu.vector_store %arg9[%swap3A_981, %swap3A_982, %swap3A_983], %swap3A_986 {strides = array<i32>} : memref<2x200x64xf32, #tpu.memory_space<vmem>>, vector<1x1x16xf32>,
        %get3A_987 = arith.index_cast %scan3A_910 : i32 to index
        %get3A_988 = arith.constant 32 : index
        %get3A_989 = tpu.vector_load %arg7[%get3A_987, %get3A_988] {strides = array<i32>} : memref<200x64xf32, #tpu.memory_space<vmem>>, vector<1x16xf32>,
        %get3A_990 = vector.shape_cast %get3A_989 : vector<1x16xf32> to vector<16xf32>
        %get3A_991 = arith.constant 0 : i32
        %get3A_992 = arith.index_cast %get3A_991 : i32 to index
        %get3A_993 = arith.index_cast %scan3A_910 : i32 to index
        %get3A_994 = arith.constant 32 : index
        %get3A_995 = tpu.vector_load %arg9[%get3A_992, %get3A_993, %get3A_994] {strides = array<i32>} : memref<2x200x64xf32, #tpu.memory_space<vmem>>, vector<1x1x16xf32>,
        %get3A_996 = vector.shape_cast %get3A_995 : vector<1x1x16xf32> to vector<16xf32>
        %mul3A_997 = arith.constant 8.000000e+00 : f32
        %mul3A_998 = vector.broadcast %mul3A_997 : f32 to vector<16xf32>
        %mul3A_999 = arith.mulf %get3A_996, %mul3A_998 : vector<16xf32>
        %add3A_1000 = arith.addf %mul3A_999, %get3A_990 : vector<16xf32>
        %swap3A_1001 = arith.constant 0 : i32
        %swap3A_1002 = arith.index_cast %swap3A_1001 : i32 to index
        %swap3A_1003 = arith.index_cast %scan3A_910 : i32 to index
        %swap3A_1004 = arith.constant 32 : index
        %swap3A_1005 = tpu.vector_load %arg9[%swap3A_1002, %swap3A_1003, %swap3A_1004] {strides = array<i32>} : memref<2x200x64xf32, #tpu.memory_space<vmem>>, vector<1x1x16xf32>,
        %swap3A_1006 = vector.shape_cast %swap3A_1005 : vector<1x1x16xf32> to vector<16xf32>
        %swap3A_1007 = vector.shape_cast %add3A_1000 : vector<16xf32> to vector<1x1x16xf32>
        tpu.vector_store %arg9[%swap3A_1002, %swap3A_1003, %swap3A_1004], %swap3A_1007 {strides = array<i32>} : memref<2x200x64xf32, #tpu.memory_space<vmem>>, vector<1x1x16xf32>,
        %get3A_1008 = arith.constant 1 : i32
        %get3A_1009 = arith.index_cast %get3A_1008 : i32 to index
        %get3A_1010 = arith.index_cast %scan3A_910 : i32 to index
        %get3A_1011 = arith.constant 32 : index
        %get3A_1012 = tpu.vector_load %arg9[%get3A_1009, %get3A_1010, %get3A_1011] {strides = array<i32>} : memref<2x200x64xf32, #tpu.memory_space<vmem>>, vector<1x1x16xf32>,
        %get3A_1013 = vector.shape_cast %get3A_1012 : vector<1x1x16xf32> to vector<16xf32>
        %mul3A_1014 = arith.constant 8.000000e+00 : f32
        %mul3A_1015 = vector.broadcast %mul3A_1014 : f32 to vector<16xf32>
        %mul3A_1016 = arith.mulf %get3A_1013, %mul3A_1015 : vector<16xf32>
        %add3A_1017 = arith.addf %mul3A_1016, %get3A_990 : vector<16xf32>
        %swap3A_1018 = arith.constant 1 : i32
        %swap3A_1019 = arith.index_cast %swap3A_1018 : i32 to index
        %swap3A_1020 = arith.index_cast %scan3A_910 : i32 to index
        %swap3A_1021 = arith.constant 32 : index
        %swap3A_1022 = tpu.vector_load %arg9[%swap3A_1019, %swap3A_1020, %swap3A_1021] {strides = array<i32>} : memref<2x200x64xf32, #tpu.memory_space<vmem>>, vector<1x1x16xf32>,
        %swap3A_1023 = vector.shape_cast %swap3A_1022 : vector<1x1x16xf32> to vector<16xf32>
        %swap3A_1024 = vector.shape_cast %add3A_1017 : vector<16xf32> to vector<1x1x16xf32>
        tpu.vector_store %arg9[%swap3A_1019, %swap3A_1020, %swap3A_1021], %swap3A_1024 {strides = array<i32>} : memref<2x200x64xf32, #tpu.memory_space<vmem>>, vector<1x1x16xf32>,
        %get3A_1025 = arith.index_cast %scan3A_910 : i32 to index
        %get3A_1026 = arith.constant 48 : index
        %get3A_1027 = tpu.vector_load %arg7[%get3A_1025, %get3A_1026] {strides = array<i32>} : memref<200x64xf32, #tpu.memory_space<vmem>>, vector<1x16xf32>,
        %get3A_1028 = vector.shape_cast %get3A_1027 : vector<1x16xf32> to vector<16xf32>
        %get3A_1029 = arith.constant 0 : i32
        %get3A_1030 = arith.index_cast %get3A_1029 : i32 to index
        %get3A_1031 = arith.index_cast %scan3A_910 : i32 to index
        %get3A_1032 = arith.constant 48 : index
        %get3A_1033 = tpu.vector_load %arg9[%get3A_1030, %get3A_1031, %get3A_1032] {strides = array<i32>} : memref<2x200x64xf32, #tpu.memory_space<vmem>>, vector<1x1x16xf32>,
        %get3A_1034 = vector.shape_cast %get3A_1033 : vector<1x1x16xf32> to vector<16xf32>
        %mul3A_1035 = arith.constant 8.000000e+00 : f32
        %mul3A_1036 = vector.broadcast %mul3A_1035 : f32 to vector<16xf32>
        %mul3A_1037 = arith.mulf %get3A_1034, %mul3A_1036 : vector<16xf32>
        %add3A_1038 = arith.addf %mul3A_1037, %get3A_1028 : vector<16xf32>
        %swap3A_1039 = arith.constant 0 : i32
        %swap3A_1040 = arith.index_cast %swap3A_1039 : i32 to index
        %swap3A_1041 = arith.index_cast %scan3A_910 : i32 to index
        %swap3A_1042 = arith.constant 48 : index
        %swap3A_1043 = tpu.vector_load %arg9[%swap3A_1040, %swap3A_1041, %swap3A_1042] {strides = array<i32>} : memref<2x200x64xf32, #tpu.memory_space<vmem>>, vector<1x1x16xf32>,
        %swap3A_1044 = vector.shape_cast %swap3A_1043 : vector<1x1x16xf32> to vector<16xf32>
        %swap3A_1045 = vector.shape_cast %add3A_1038 : vector<16xf32> to vector<1x1x16xf32>
        tpu.vector_store %arg9[%swap3A_1040, %swap3A_1041, %swap3A_1042], %swap3A_1045 {strides = array<i32>} : memref<2x200x64xf32, #tpu.memory_space<vmem>>, vector<1x1x16xf32>,
        %get3A_1046 = arith.constant 1 : i32
        %get3A_1047 = arith.index_cast %get3A_1046 : i32 to index
        %get3A_1048 = arith.index_cast %scan3A_910 : i32 to index
        %get3A_1049 = arith.constant 48 : index
        %get3A_1050 = tpu.vector_load %arg9[%get3A_1047, %get3A_1048, %get3A_1049] {strides = array<i32>} : memref<2x200x64xf32, #tpu.memory_space<vmem>>, vector<1x1x16xf32>,
        %get3A_1051 = vector.shape_cast %get3A_1050 : vector<1x1x16xf32> to vector<16xf32>
        %mul3A_1052 = arith.constant 8.000000e+00 : f32
        %mul3A_1053 = vector.broadcast %mul3A_1052 : f32 to vector<16xf32>
        %mul3A_1054 = arith.mulf %get3A_1051, %mul3A_1053 : vector<16xf32>
        %add3A_1055 = arith.addf %mul3A_1054, %get3A_1028 : vector<16xf32>
        %swap3A_1056 = arith.constant 1 : i32
        %swap3A_1057 = arith.index_cast %swap3A_1056 : i32 to index
        %swap3A_1058 = arith.index_cast %scan3A_910 : i32 to index
        %swap3A_1059 = arith.constant 48 : index
        %swap3A_1060 = tpu.vector_load %arg9[%swap3A_1057, %swap3A_1058, %swap3A_1059] {strides = array<i32>} : memref<2x200x64xf32, #tpu.memory_space<vmem>>, vector<1x1x16xf32>,
        %swap3A_1061 = vector.shape_cast %swap3A_1060 : vector<1x1x16xf32> to vector<16xf32>
        %swap3A_1062 = vector.shape_cast %add3A_1055 : vector<16xf32> to vector<1x1x16xf32>
        tpu.vector_store %arg9[%swap3A_1057, %swap3A_1058, %swap3A_1059], %swap3A_1062 {strides = array<i32>} : memref<2x200x64xf32, #tpu.memory_space<vmem>>, vector<1x1x16xf32>,
        %scan3A_1063 = arith.constant 5 : i32
        %scan3A_1064 = arith.addi %scan3A_296, %scan3A_1063 : i32
        %get3A_1065 = arith.index_cast %scan3A_1064 : i32 to index
        %get3A_1066 = arith.constant 0 : index
        %get3A_1067 = tpu.vector_load %arg7[%get3A_1065, %get3A_1066] {strides = array<i32>} : memref<200x64xf32, #tpu.memory_space<vmem>>, vector<1x16xf32>,
        %get3A_1068 = vector.shape_cast %get3A_1067 : vector<1x16xf32> to vector<16xf32>
        %get3A_1069 = arith.constant 0 : i32
        %get3A_1070 = arith.index_cast %get3A_1069 : i32 to index
        %get3A_1071 = arith.index_cast %scan3A_1064 : i32 to index
        %get3A_1072 = arith.constant 0 : index
        %get3A_1073 = tpu.vector_load %arg9[%get3A_1070, %get3A_1071, %get3A_1072] {strides = array<i32>} : memref<2x200x64xf32, #tpu.memory_space<vmem>>, vector<1x1x16xf32>,
        %get3A_1074 = vector.shape_cast %get3A_1073 : vector<1x1x16xf32> to vector<16xf32>
        %mul3A_1075 = arith.constant 8.000000e+00 : f32
        %mul3A_1076 = vector.broadcast %mul3A_1075 : f32 to vector<16xf32>
        %mul3A_1077 = arith.mulf %get3A_1074, %mul3A_1076 : vector<16xf32>
        %add3A_1078 = arith.addf %mul3A_1077, %get3A_1068 : vector<16xf32>
        %swap3A_1079 = arith.constant 0 : i32
        %swap3A_1080 = arith.index_cast %swap3A_1079 : i32 to index
        %swap3A_1081 = arith.index_cast %scan3A_1064 : i32 to index
        %swap3A_1082 = arith.constant 0 : index
        %swap3A_1083 = tpu.vector_load %arg9[%swap3A_1080, %swap3A_1081, %swap3A_1082] {strides = array<i32>} : memref<2x200x64xf32, #tpu.memory_space<vmem>>, vector<1x1x16xf32>,
        %swap3A_1084 = vector.shape_cast %swap3A_1083 : vector<1x1x16xf32> to vector<16xf32>
        %swap3A_1085 = vector.shape_cast %add3A_1078 : vector<16xf32> to vector<1x1x16xf32>
        tpu.vector_store %arg9[%swap3A_1080, %swap3A_1081, %swap3A_1082], %swap3A_1085 {strides = array<i32>} : memref<2x200x64xf32, #tpu.memory_space<vmem>>, vector<1x1x16xf32>,
        %get3A_1086 = arith.constant 1 : i32
        %get3A_1087 = arith.index_cast %get3A_1086 : i32 to index
        %get3A_1088 = arith.index_cast %scan3A_1064 : i32 to index
        %get3A_1089 = arith.constant 0 : index
        %get3A_1090 = tpu.vector_load %arg9[%get3A_1087, %get3A_1088, %get3A_1089] {strides = array<i32>} : memref<2x200x64xf32, #tpu.memory_space<vmem>>, vector<1x1x16xf32>,
        %get3A_1091 = vector.shape_cast %get3A_1090 : vector<1x1x16xf32> to vector<16xf32>
        %mul3A_1092 = arith.constant 8.000000e+00 : f32
        %mul3A_1093 = vector.broadcast %mul3A_1092 : f32 to vector<16xf32>
        %mul3A_1094 = arith.mulf %get3A_1091, %mul3A_1093 : vector<16xf32>
        %add3A_1095 = arith.addf %mul3A_1094, %get3A_1068 : vector<16xf32>
        %swap3A_1096 = arith.constant 1 : i32
        %swap3A_1097 = arith.index_cast %swap3A_1096 : i32 to index
        %swap3A_1098 = arith.index_cast %scan3A_1064 : i32 to index
        %swap3A_1099 = arith.constant 0 : index
        %swap3A_1100 = tpu.vector_load %arg9[%swap3A_1097, %swap3A_1098, %swap3A_1099] {strides = array<i32>} : memref<2x200x64xf32, #tpu.memory_space<vmem>>, vector<1x1x16xf32>,
        %swap3A_1101 = vector.shape_cast %swap3A_1100 : vector<1x1x16xf32> to vector<16xf32>
        %swap3A_1102 = vector.shape_cast %add3A_1095 : vector<16xf32> to vector<1x1x16xf32>
        tpu.vector_store %arg9[%swap3A_1097, %swap3A_1098, %swap3A_1099], %swap3A_1102 {strides = array<i32>} : memref<2x200x64xf32, #tpu.memory_space<vmem>>, vector<1x1x16xf32>,
        %get3A_1103 = arith.index_cast %scan3A_1064 : i32 to index
        %get3A_1104 = arith.constant 16 : index
        %get3A_1105 = tpu.vector_load %arg7[%get3A_1103, %get3A_1104] {strides = array<i32>} : memref<200x64xf32, #tpu.memory_space<vmem>>, vector<1x16xf32>,
        %get3A_1106 = vector.shape_cast %get3A_1105 : vector<1x16xf32> to vector<16xf32>
        %get3A_1107 = arith.constant 0 : i32
        %get3A_1108 = arith.index_cast %get3A_1107 : i32 to index
        %get3A_1109 = arith.index_cast %scan3A_1064 : i32 to index
        %get3A_1110 = arith.constant 16 : index
        %get3A_1111 = tpu.vector_load %arg9[%get3A_1108, %get3A_1109, %get3A_1110] {strides = array<i32>} : memref<2x200x64xf32, #tpu.memory_space<vmem>>, vector<1x1x16xf32>,
        %get3A_1112 = vector.shape_cast %get3A_1111 : vector<1x1x16xf32> to vector<16xf32>
        %mul3A_1113 = arith.constant 8.000000e+00 : f32
        %mul3A_1114 = vector.broadcast %mul3A_1113 : f32 to vector<16xf32>
        %mul3A_1115 = arith.mulf %get3A_1112, %mul3A_1114 : vector<16xf32>
        %add3A_1116 = arith.addf %mul3A_1115, %get3A_1106 : vector<16xf32>
        %swap3A_1117 = arith.constant 0 : i32
        %swap3A_1118 = arith.index_cast %swap3A_1117 : i32 to index
        %swap3A_1119 = arith.index_cast %scan3A_1064 : i32 to index
        %swap3A_1120 = arith.constant 16 : index
        %swap3A_1121 = tpu.vector_load %arg9[%swap3A_1118, %swap3A_1119, %swap3A_1120] {strides = array<i32>} : memref<2x200x64xf32, #tpu.memory_space<vmem>>, vector<1x1x16xf32>,
        %swap3A_1122 = vector.shape_cast %swap3A_1121 : vector<1x1x16xf32> to vector<16xf32>
        %swap3A_1123 = vector.shape_cast %add3A_1116 : vector<16xf32> to vector<1x1x16xf32>
        tpu.vector_store %arg9[%swap3A_1118, %swap3A_1119, %swap3A_1120], %swap3A_1123 {strides = array<i32>} : memref<2x200x64xf32, #tpu.memory_space<vmem>>, vector<1x1x16xf32>,
        %get3A_1124 = arith.constant 1 : i32
        %get3A_1125 = arith.index_cast %get3A_1124 : i32 to index
        %get3A_1126 = arith.index_cast %scan3A_1064 : i32 to index
        %get3A_1127 = arith.constant 16 : index
        %get3A_1128 = tpu.vector_load %arg9[%get3A_1125, %get3A_1126, %get3A_1127] {strides = array<i32>} : memref<2x200x64xf32, #tpu.memory_space<vmem>>, vector<1x1x16xf32>,
        %get3A_1129 = vector.shape_cast %get3A_1128 : vector<1x1x16xf32> to vector<16xf32>
        %mul3A_1130 = arith.constant 8.000000e+00 : f32
        %mul3A_1131 = vector.broadcast %mul3A_1130 : f32 to vector<16xf32>
        %mul3A_1132 = arith.mulf %get3A_1129, %mul3A_1131 : vector<16xf32>
        %add3A_1133 = arith.addf %mul3A_1132, %get3A_1106 : vector<16xf32>
        %swap3A_1134 = arith.constant 1 : i32
        %swap3A_1135 = arith.index_cast %swap3A_1134 : i32 to index
        %swap3A_1136 = arith.index_cast %scan3A_1064 : i32 to index
        %swap3A_1137 = arith.constant 16 : index
        %swap3A_1138 = tpu.vector_load %arg9[%swap3A_1135, %swap3A_1136, %swap3A_1137] {strides = array<i32>} : memref<2x200x64xf32, #tpu.memory_space<vmem>>, vector<1x1x16xf32>,
        %swap3A_1139 = vector.shape_cast %swap3A_1138 : vector<1x1x16xf32> to vector<16xf32>
        %swap3A_1140 = vector.shape_cast %add3A_1133 : vector<16xf32> to vector<1x1x16xf32>
        tpu.vector_store %arg9[%swap3A_1135, %swap3A_1136, %swap3A_1137], %swap3A_1140 {strides = array<i32>} : memref<2x200x64xf32, #tpu.memory_space<vmem>>, vector<1x1x16xf32>,
        %get3A_1141 = arith.index_cast %scan3A_1064 : i32 to index
        %get3A_1142 = arith.constant 32 : index
        %get3A_1143 = tpu.vector_load %arg7[%get3A_1141, %get3A_1142] {strides = array<i32>} : memref<200x64xf32, #tpu.memory_space<vmem>>, vector<1x16xf32>,
        %get3A_1144 = vector.shape_cast %get3A_1143 : vector<1x16xf32> to vector<16xf32>
        %get3A_1145 = arith.constant 0 : i32
        %get3A_1146 = arith.index_cast %get3A_1145 : i32 to index
        %get3A_1147 = arith.index_cast %scan3A_1064 : i32 to index
        %get3A_1148 = arith.constant 32 : index
        %get3A_1149 = tpu.vector_load %arg9[%get3A_1146, %get3A_1147, %get3A_1148] {strides = array<i32>} : memref<2x200x64xf32, #tpu.memory_space<vmem>>, vector<1x1x16xf32>,
        %get3A_1150 = vector.shape_cast %get3A_1149 : vector<1x1x16xf32> to vector<16xf32>
        %mul3A_1151 = arith.constant 8.000000e+00 : f32
        %mul3A_1152 = vector.broadcast %mul3A_1151 : f32 to vector<16xf32>
        %mul3A_1153 = arith.mulf %get3A_1150, %mul3A_1152 : vector<16xf32>
        %add3A_1154 = arith.addf %mul3A_1153, %get3A_1144 : vector<16xf32>
        %swap3A_1155 = arith.constant 0 : i32
        %swap3A_1156 = arith.index_cast %swap3A_1155 : i32 to index
        %swap3A_1157 = arith.index_cast %scan3A_1064 : i32 to index
        %swap3A_1158 = arith.constant 32 : index
        %swap3A_1159 = tpu.vector_load %arg9[%swap3A_1156, %swap3A_1157, %swap3A_1158] {strides = array<i32>} : memref<2x200x64xf32, #tpu.memory_space<vmem>>, vector<1x1x16xf32>,
        %swap3A_1160 = vector.shape_cast %swap3A_1159 : vector<1x1x16xf32> to vector<16xf32>
        %swap3A_1161 = vector.shape_cast %add3A_1154 : vector<16xf32> to vector<1x1x16xf32>
        tpu.vector_store %arg9[%swap3A_1156, %swap3A_1157, %swap3A_1158], %swap3A_1161 {strides = array<i32>} : memref<2x200x64xf32, #tpu.memory_space<vmem>>, vector<1x1x16xf32>,
        %get3A_1162 = arith.constant 1 : i32
        %get3A_1163 = arith.index_cast %get3A_1162 : i32 to index
        %get3A_1164 = arith.index_cast %scan3A_1064 : i32 to index
        %get3A_1165 = arith.constant 32 : index
        %get3A_1166 = tpu.vector_load %arg9[%get3A_1163, %get3A_1164, %get3A_1165] {strides = array<i32>} : memref<2x200x64xf32, #tpu.memory_space<vmem>>, vector<1x1x16xf32>,
        %get3A_1167 = vector.shape_cast %get3A_1166 : vector<1x1x16xf32> to vector<16xf32>
        %mul3A_1168 = arith.constant 8.000000e+00 : f32
        %mul3A_1169 = vector.broadcast %mul3A_1168 : f32 to vector<16xf32>
        %mul3A_1170 = arith.mulf %get3A_1167, %mul3A_1169 : vector<16xf32>
        %add3A_1171 = arith.addf %mul3A_1170, %get3A_1144 : vector<16xf32>
        %swap3A_1172 = arith.constant 1 : i32
        %swap3A_1173 = arith.index_cast %swap3A_1172 : i32 to index
        %swap3A_1174 = arith.index_cast %scan3A_1064 : i32 to index
        %swap3A_1175 = arith.constant 32 : index
        %swap3A_1176 = tpu.vector_load %arg9[%swap3A_1173, %swap3A_1174, %swap3A_1175] {strides = array<i32>} : memref<2x200x64xf32, #tpu.memory_space<vmem>>, vector<1x1x16xf32>,
        %swap3A_1177 = vector.shape_cast %swap3A_1176 : vector<1x1x16xf32> to vector<16xf32>
        %swap3A_1178 = vector.shape_cast %add3A_1171 : vector<16xf32> to vector<1x1x16xf32>
        tpu.vector_store %arg9[%swap3A_1173, %swap3A_1174, %swap3A_1175], %swap3A_1178 {strides = array<i32>} : memref<2x200x64xf32, #tpu.memory_space<vmem>>, vector<1x1x16xf32>,
        %get3A_1179 = arith.index_cast %scan3A_1064 : i32 to index
        %get3A_1180 = arith.constant 48 : index
        %get3A_1181 = tpu.vector_load %arg7[%get3A_1179, %get3A_1180] {strides = array<i32>} : memref<200x64xf32, #tpu.memory_space<vmem>>, vector<1x16xf32>,
        %get3A_1182 = vector.shape_cast %get3A_1181 : vector<1x16xf32> to vector<16xf32>
        %get3A_1183 = arith.constant 0 : i32
        %get3A_1184 = arith.index_cast %get3A_1183 : i32 to index
        %get3A_1185 = arith.index_cast %scan3A_1064 : i32 to index
        %get3A_1186 = arith.constant 48 : index
        %get3A_1187 = tpu.vector_load %arg9[%get3A_1184, %get3A_1185, %get3A_1186] {strides = array<i32>} : memref<2x200x64xf32, #tpu.memory_space<vmem>>, vector<1x1x16xf32>,
        %get3A_1188 = vector.shape_cast %get3A_1187 : vector<1x1x16xf32> to vector<16xf32>
        %mul3A_1189 = arith.constant 8.000000e+00 : f32
        %mul3A_1190 = vector.broadcast %mul3A_1189 : f32 to vector<16xf32>
        %mul3A_1191 = arith.mulf %get3A_1188, %mul3A_1190 : vector<16xf32>
        %add3A_1192 = arith.addf %mul3A_1191, %get3A_1182 : vector<16xf32>
        %swap3A_1193 = arith.constant 0 : i32
        %swap3A_1194 = arith.index_cast %swap3A_1193 : i32 to index
        %swap3A_1195 = arith.index_cast %scan3A_1064 : i32 to index
        %swap3A_1196 = arith.constant 48 : index
        %swap3A_1197 = tpu.vector_load %arg9[%swap3A_1194, %swap3A_1195, %swap3A_1196] {strides = array<i32>} : memref<2x200x64xf32, #tpu.memory_space<vmem>>, vector<1x1x16xf32>,
        %swap3A_1198 = vector.shape_cast %swap3A_1197 : vector<1x1x16xf32> to vector<16xf32>
        %swap3A_1199 = vector.shape_cast %add3A_1192 : vector<16xf32> to vector<1x1x16xf32>
        tpu.vector_store %arg9[%swap3A_1194, %swap3A_1195, %swap3A_1196], %swap3A_1199 {strides = array<i32>} : memref<2x200x64xf32, #tpu.memory_space<vmem>>, vector<1x1x16xf32>,
        %get3A_1200 = arith.constant 1 : i32
        %get3A_1201 = arith.index_cast %get3A_1200 : i32 to index
        %get3A_1202 = arith.index_cast %scan3A_1064 : i32 to index
        %get3A_1203 = arith.constant 48 : index
        %get3A_1204 = tpu.vector_load %arg9[%get3A_1201, %get3A_1202, %get3A_1203] {strides = array<i32>} : memref<2x200x64xf32, #tpu.memory_space<vmem>>, vector<1x1x16xf32>,
        %get3A_1205 = vector.shape_cast %get3A_1204 : vector<1x1x16xf32> to vector<16xf32>
        %mul3A_1206 = arith.constant 8.000000e+00 : f32
        %mul3A_1207 = vector.broadcast %mul3A_1206 : f32 to vector<16xf32>
        %mul3A_1208 = arith.mulf %get3A_1205, %mul3A_1207 : vector<16xf32>
        %add3A_1209 = arith.addf %mul3A_1208, %get3A_1182 : vector<16xf32>
        %swap3A_1210 = arith.constant 1 : i32
        %swap3A_1211 = arith.index_cast %swap3A_1210 : i32 to index
        %swap3A_1212 = arith.index_cast %scan3A_1064 : i32 to index
        %swap3A_1213 = arith.constant 48 : index
        %swap3A_1214 = tpu.vector_load %arg9[%swap3A_1211, %swap3A_1212, %swap3A_1213] {strides = array<i32>} : memref<2x200x64xf32, #tpu.memory_space<vmem>>, vector<1x1x16xf32>,
        %swap3A_1215 = vector.shape_cast %swap3A_1214 : vector<1x1x16xf32> to vector<16xf32>
        %swap3A_1216 = vector.shape_cast %add3A_1209 : vector<16xf32> to vector<1x1x16xf32>
        tpu.vector_store %arg9[%swap3A_1211, %swap3A_1212, %swap3A_1213], %swap3A_1216 {strides = array<i32>} : memref<2x200x64xf32, #tpu.memory_space<vmem>>, vector<1x1x16xf32>,
        %scan3A_1217 = arith.constant 6 : i32
        %scan3A_1218 = arith.addi %scan3A_296, %scan3A_1217 : i32
        %get3A_1219 = arith.index_cast %scan3A_1218 : i32 to index
        %get3A_1220 = arith.constant 0 : index
        %get3A_1221 = tpu.vector_load %arg7[%get3A_1219, %get3A_1220] {strides = array<i32>} : memref<200x64xf32, #tpu.memory_space<vmem>>, vector<1x16xf32>,
        %get3A_1222 = vector.shape_cast %get3A_1221 : vector<1x16xf32> to vector<16xf32>
        %get3A_1223 = arith.constant 0 : i32
        %get3A_1224 = arith.index_cast %get3A_1223 : i32 to index
        %get3A_1225 = arith.index_cast %scan3A_1218 : i32 to index
        %get3A_1226 = arith.constant 0 : index
        %get3A_1227 = tpu.vector_load %arg9[%get3A_1224, %get3A_1225, %get3A_1226] {strides = array<i32>} : memref<2x200x64xf32, #tpu.memory_space<vmem>>, vector<1x1x16xf32>,
        %get3A_1228 = vector.shape_cast %get3A_1227 : vector<1x1x16xf32> to vector<16xf32>
        %mul3A_1229 = arith.constant 8.000000e+00 : f32
        %mul3A_1230 = vector.broadcast %mul3A_1229 : f32 to vector<16xf32>
        %mul3A_1231 = arith.mulf %get3A_1228, %mul3A_1230 : vector<16xf32>
        %add3A_1232 = arith.addf %mul3A_1231, %get3A_1222 : vector<16xf32>
        %swap3A_1233 = arith.constant 0 : i32
        %swap3A_1234 = arith.index_cast %swap3A_1233 : i32 to index
        %swap3A_1235 = arith.index_cast %scan3A_1218 : i32 to index
        %swap3A_1236 = arith.constant 0 : index
        %swap3A_1237 = tpu.vector_load %arg9[%swap3A_1234, %swap3A_1235, %swap3A_1236] {strides = array<i32>} : memref<2x200x64xf32, #tpu.memory_space<vmem>>, vector<1x1x16xf32>,
        %swap3A_1238 = vector.shape_cast %swap3A_1237 : vector<1x1x16xf32> to vector<16xf32>
        %swap3A_1239 = vector.shape_cast %add3A_1232 : vector<16xf32> to vector<1x1x16xf32>
        tpu.vector_store %arg9[%swap3A_1234, %swap3A_1235, %swap3A_1236], %swap3A_1239 {strides = array<i32>} : memref<2x200x64xf32, #tpu.memory_space<vmem>>, vector<1x1x16xf32>,
        %get3A_1240 = arith.constant 1 : i32
        %get3A_1241 = arith.index_cast %get3A_1240 : i32 to index
        %get3A_1242 = arith.index_cast %scan3A_1218 : i32 to index
        %get3A_1243 = arith.constant 0 : index
        %get3A_1244 = tpu.vector_load %arg9[%get3A_1241, %get3A_1242, %get3A_1243] {strides = array<i32>} : memref<2x200x64xf32, #tpu.memory_space<vmem>>, vector<1x1x16xf32>,
        %get3A_1245 = vector.shape_cast %get3A_1244 : vector<1x1x16xf32> to vector<16xf32>
        %mul3A_1246 = arith.constant 8.000000e+00 : f32
        %mul3A_1247 = vector.broadcast %mul3A_1246 : f32 to vector<16xf32>
        %mul3A_1248 = arith.mulf %get3A_1245, %mul3A_1247 : vector<16xf32>
        %add3A_1249 = arith.addf %mul3A_1248, %get3A_1222 : vector<16xf32>
        %swap3A_1250 = arith.constant 1 : i32
        %swap3A_1251 = arith.index_cast %swap3A_1250 : i32 to index
        %swap3A_1252 = arith.index_cast %scan3A_1218 : i32 to index
        %swap3A_1253 = arith.constant 0 : index
        %swap3A_1254 = tpu.vector_load %arg9[%swap3A_1251, %swap3A_1252, %swap3A_1253] {strides = array<i32>} : memref<2x200x64xf32, #tpu.memory_space<vmem>>, vector<1x1x16xf32>,
        %swap3A_1255 = vector.shape_cast %swap3A_1254 : vector<1x1x16xf32> to vector<16xf32>
        %swap3A_1256 = vector.shape_cast %add3A_1249 : vector<16xf32> to vector<1x1x16xf32>
        tpu.vector_store %arg9[%swap3A_1251, %swap3A_1252, %swap3A_1253], %swap3A_1256 {strides = array<i32>} : memref<2x200x64xf32, #tpu.memory_space<vmem>>, vector<1x1x16xf32>,
        %get3A_1257 = arith.index_cast %scan3A_1218 : i32 to index
        %get3A_1258 = arith.constant 16 : index
        %get3A_1259 = tpu.vector_load %arg7[%get3A_1257, %get3A_1258] {strides = array<i32>} : memref<200x64xf32, #tpu.memory_space<vmem>>, vector<1x16xf32>,
        %get3A_1260 = vector.shape_cast %get3A_1259 : vector<1x16xf32> to vector<16xf32>
        %get3A_1261 = arith.constant 0 : i32
        %get3A_1262 = arith.index_cast %get3A_1261 : i32 to index
        %get3A_1263 = arith.index_cast %scan3A_1218 : i32 to index
        %get3A_1264 = arith.constant 16 : index
        %get3A_1265 = tpu.vector_load %arg9[%get3A_1262, %get3A_1263, %get3A_1264] {strides = array<i32>} : memref<2x200x64xf32, #tpu.memory_space<vmem>>, vector<1x1x16xf32>,
        %get3A_1266 = vector.shape_cast %get3A_1265 : vector<1x1x16xf32> to vector<16xf32>
        %mul3A_1267 = arith.constant 8.000000e+00 : f32
        %mul3A_1268 = vector.broadcast %mul3A_1267 : f32 to vector<16xf32>
        %mul3A_1269 = arith.mulf %get3A_1266, %mul3A_1268 : vector<16xf32>
        %add3A_1270 = arith.addf %mul3A_1269, %get3A_1260 : vector<16xf32>
        %swap3A_1271 = arith.constant 0 : i32
        %swap3A_1272 = arith.index_cast %swap3A_1271 : i32 to index
        %swap3A_1273 = arith.index_cast %scan3A_1218 : i32 to index
        %swap3A_1274 = arith.constant 16 : index
        %swap3A_1275 = tpu.vector_load %arg9[%swap3A_1272, %swap3A_1273, %swap3A_1274] {strides = array<i32>} : memref<2x200x64xf32, #tpu.memory_space<vmem>>, vector<1x1x16xf32>,
        %swap3A_1276 = vector.shape_cast %swap3A_1275 : vector<1x1x16xf32> to vector<16xf32>
        %swap3A_1277 = vector.shape_cast %add3A_1270 : vector<16xf32> to vector<1x1x16xf32>
        tpu.vector_store %arg9[%swap3A_1272, %swap3A_1273, %swap3A_1274], %swap3A_1277 {strides = array<i32>} : memref<2x200x64xf32, #tpu.memory_space<vmem>>, vector<1x1x16xf32>,
        %get3A_1278 = arith.constant 1 : i32
        %get3A_1279 = arith.index_cast %get3A_1278 : i32 to index
        %get3A_1280 = arith.index_cast %scan3A_1218 : i32 to index
        %get3A_1281 = arith.constant 16 : index
        %get3A_1282 = tpu.vector_load %arg9[%get3A_1279, %get3A_1280, %get3A_1281] {strides = array<i32>} : memref<2x200x64xf32, #tpu.memory_space<vmem>>, vector<1x1x16xf32>,
        %get3A_1283 = vector.shape_cast %get3A_1282 : vector<1x1x16xf32> to vector<16xf32>
        %mul3A_1284 = arith.constant 8.000000e+00 : f32
        %mul3A_1285 = vector.broadcast %mul3A_1284 : f32 to vector<16xf32>
        %mul3A_1286 = arith.mulf %get3A_1283, %mul3A_1285 : vector<16xf32>
        %add3A_1287 = arith.addf %mul3A_1286, %get3A_1260 : vector<16xf32>
        %swap3A_1288 = arith.constant 1 : i32
        %swap3A_1289 = arith.index_cast %swap3A_1288 : i32 to index
        %swap3A_1290 = arith.index_cast %scan3A_1218 : i32 to index
        %swap3A_1291 = arith.constant 16 : index
        %swap3A_1292 = tpu.vector_load %arg9[%swap3A_1289, %swap3A_1290, %swap3A_1291] {strides = array<i32>} : memref<2x200x64xf32, #tpu.memory_space<vmem>>, vector<1x1x16xf32>,
        %swap3A_1293 = vector.shape_cast %swap3A_1292 : vector<1x1x16xf32> to vector<16xf32>
        %swap3A_1294 = vector.shape_cast %add3A_1287 : vector<16xf32> to vector<1x1x16xf32>
        tpu.vector_store %arg9[%swap3A_1289, %swap3A_1290, %swap3A_1291], %swap3A_1294 {strides = array<i32>} : memref<2x200x64xf32, #tpu.memory_space<vmem>>, vector<1x1x16xf32>,
        %get3A_1295 = arith.index_cast %scan3A_1218 : i32 to index
        %get3A_1296 = arith.constant 32 : index
        %get3A_1297 = tpu.vector_load %arg7[%get3A_1295, %get3A_1296] {strides = array<i32>} : memref<200x64xf32, #tpu.memory_space<vmem>>, vector<1x16xf32>,
        %get3A_1298 = vector.shape_cast %get3A_1297 : vector<1x16xf32> to vector<16xf32>
        %get3A_1299 = arith.constant 0 : i32
        %get3A_1300 = arith.index_cast %get3A_1299 : i32 to index
        %get3A_1301 = arith.index_cast %scan3A_1218 : i32 to index
        %get3A_1302 = arith.constant 32 : index
        %get3A_1303 = tpu.vector_load %arg9[%get3A_1300, %get3A_1301, %get3A_1302] {strides = array<i32>} : memref<2x200x64xf32, #tpu.memory_space<vmem>>, vector<1x1x16xf32>,
        %get3A_1304 = vector.shape_cast %get3A_1303 : vector<1x1x16xf32> to vector<16xf32>
        %mul3A_1305 = arith.constant 8.000000e+00 : f32
        %mul3A_1306 = vector.broadcast %mul3A_1305 : f32 to vector<16xf32>
        %mul3A_1307 = arith.mulf %get3A_1304, %mul3A_1306 : vector<16xf32>
        %add3A_1308 = arith.addf %mul3A_1307, %get3A_1298 : vector<16xf32>
        %swap3A_1309 = arith.constant 0 : i32
        %swap3A_1310 = arith.index_cast %swap3A_1309 : i32 to index
        %swap3A_1311 = arith.index_cast %scan3A_1218 : i32 to index
        %swap3A_1312 = arith.constant 32 : index
        %swap3A_1313 = tpu.vector_load %arg9[%swap3A_1310, %swap3A_1311, %swap3A_1312] {strides = array<i32>} : memref<2x200x64xf32, #tpu.memory_space<vmem>>, vector<1x1x16xf32>,
        %swap3A_1314 = vector.shape_cast %swap3A_1313 : vector<1x1x16xf32> to vector<16xf32>
        %swap3A_1315 = vector.shape_cast %add3A_1308 : vector<16xf32> to vector<1x1x16xf32>
        tpu.vector_store %arg9[%swap3A_1310, %swap3A_1311, %swap3A_1312], %swap3A_1315 {strides = array<i32>} : memref<2x200x64xf32, #tpu.memory_space<vmem>>, vector<1x1x16xf32>,
        %get3A_1316 = arith.constant 1 : i32
        %get3A_1317 = arith.index_cast %get3A_1316 : i32 to index
        %get3A_1318 = arith.index_cast %scan3A_1218 : i32 to index
        %get3A_1319 = arith.constant 32 : index
        %get3A_1320 = tpu.vector_load %arg9[%get3A_1317, %get3A_1318, %get3A_1319] {strides = array<i32>} : memref<2x200x64xf32, #tpu.memory_space<vmem>>, vector<1x1x16xf32>,
        %get3A_1321 = vector.shape_cast %get3A_1320 : vector<1x1x16xf32> to vector<16xf32>
        %mul3A_1322 = arith.constant 8.000000e+00 : f32
        %mul3A_1323 = vector.broadcast %mul3A_1322 : f32 to vector<16xf32>
        %mul3A_1324 = arith.mulf %get3A_1321, %mul3A_1323 : vector<16xf32>
        %add3A_1325 = arith.addf %mul3A_1324, %get3A_1298 : vector<16xf32>
        %swap3A_1326 = arith.constant 1 : i32
        %swap3A_1327 = arith.index_cast %swap3A_1326 : i32 to index
        %swap3A_1328 = arith.index_cast %scan3A_1218 : i32 to index
        %swap3A_1329 = arith.constant 32 : index
        %swap3A_1330 = tpu.vector_load %arg9[%swap3A_1327, %swap3A_1328, %swap3A_1329] {strides = array<i32>} : memref<2x200x64xf32, #tpu.memory_space<vmem>>, vector<1x1x16xf32>,
        %swap3A_1331 = vector.shape_cast %swap3A_1330 : vector<1x1x16xf32> to vector<16xf32>
        %swap3A_1332 = vector.shape_cast %add3A_1325 : vector<16xf32> to vector<1x1x16xf32>
        tpu.vector_store %arg9[%swap3A_1327, %swap3A_1328, %swap3A_1329], %swap3A_1332 {strides = array<i32>} : memref<2x200x64xf32, #tpu.memory_space<vmem>>, vector<1x1x16xf32>,
        %get3A_1333 = arith.index_cast %scan3A_1218 : i32 to index
        %get3A_1334 = arith.constant 48 : index
        %get3A_1335 = tpu.vector_load %arg7[%get3A_1333, %get3A_1334] {strides = array<i32>} : memref<200x64xf32, #tpu.memory_space<vmem>>, vector<1x16xf32>,
        %get3A_1336 = vector.shape_cast %get3A_1335 : vector<1x16xf32> to vector<16xf32>
        %get3A_1337 = arith.constant 0 : i32
        %get3A_1338 = arith.index_cast %get3A_1337 : i32 to index
        %get3A_1339 = arith.index_cast %scan3A_1218 : i32 to index
        %get3A_1340 = arith.constant 48 : index
        %get3A_1341 = tpu.vector_load %arg9[%get3A_1338, %get3A_1339, %get3A_1340] {strides = array<i32>} : memref<2x200x64xf32, #tpu.memory_space<vmem>>, vector<1x1x16xf32>,
        %get3A_1342 = vector.shape_cast %get3A_1341 : vector<1x1x16xf32> to vector<16xf32>
        %mul3A_1343 = arith.constant 8.000000e+00 : f32
        %mul3A_1344 = vector.broadcast %mul3A_1343 : f32 to vector<16xf32>
        %mul3A_1345 = arith.mulf %get3A_1342, %mul3A_1344 : vector<16xf32>
        %add3A_1346 = arith.addf %mul3A_1345, %get3A_1336 : vector<16xf32>
        %swap3A_1347 = arith.constant 0 : i32
        %swap3A_1348 = arith.index_cast %swap3A_1347 : i32 to index
        %swap3A_1349 = arith.index_cast %scan3A_1218 : i32 to index
        %swap3A_1350 = arith.constant 48 : index
        %swap3A_1351 = tpu.vector_load %arg9[%swap3A_1348, %swap3A_1349, %swap3A_1350] {strides = array<i32>} : memref<2x200x64xf32, #tpu.memory_space<vmem>>, vector<1x1x16xf32>,
        %swap3A_1352 = vector.shape_cast %swap3A_1351 : vector<1x1x16xf32> to vector<16xf32>
        %swap3A_1353 = vector.shape_cast %add3A_1346 : vector<16xf32> to vector<1x1x16xf32>
        tpu.vector_store %arg9[%swap3A_1348, %swap3A_1349, %swap3A_1350], %swap3A_1353 {strides = array<i32>} : memref<2x200x64xf32, #tpu.memory_space<vmem>>, vector<1x1x16xf32>,
        %get3A_1354 = arith.constant 1 : i32
        %get3A_1355 = arith.index_cast %get3A_1354 : i32 to index
        %get3A_1356 = arith.index_cast %scan3A_1218 : i32 to index
        %get3A_1357 = arith.constant 48 : index
        %get3A_1358 = tpu.vector_load %arg9[%get3A_1355, %get3A_1356, %get3A_1357] {strides = array<i32>} : memref<2x200x64xf32, #tpu.memory_space<vmem>>, vector<1x1x16xf32>,
        %get3A_1359 = vector.shape_cast %get3A_1358 : vector<1x1x16xf32> to vector<16xf32>
        %mul3A_1360 = arith.constant 8.000000e+00 : f32
        %mul3A_1361 = vector.broadcast %mul3A_1360 : f32 to vector<16xf32>
        %mul3A_1362 = arith.mulf %get3A_1359, %mul3A_1361 : vector<16xf32>
        %add3A_1363 = arith.addf %mul3A_1362, %get3A_1336 : vector<16xf32>
        %swap3A_1364 = arith.constant 1 : i32
        %swap3A_1365 = arith.index_cast %swap3A_1364 : i32 to index
        %swap3A_1366 = arith.index_cast %scan3A_1218 : i32 to index
        %swap3A_1367 = arith.constant 48 : index
        %swap3A_1368 = tpu.vector_load %arg9[%swap3A_1365, %swap3A_1366, %swap3A_1367] {strides = array<i32>} : memref<2x200x64xf32, #tpu.memory_space<vmem>>, vector<1x1x16xf32>,
        %swap3A_1369 = vector.shape_cast %swap3A_1368 : vector<1x1x16xf32> to vector<16xf32>
        %swap3A_1370 = vector.shape_cast %add3A_1363 : vector<16xf32> to vector<1x1x16xf32>
        tpu.vector_store %arg9[%swap3A_1365, %swap3A_1366, %swap3A_1367], %swap3A_1370 {strides = array<i32>} : memref<2x200x64xf32, #tpu.memory_space<vmem>>, vector<1x1x16xf32>,
        %scan3A_1371 = arith.constant 7 : i32
        %scan3A_1372 = arith.addi %scan3A_296, %scan3A_1371 : i32
        %get3A_1373 = arith.index_cast %scan3A_1372 : i32 to index
        %get3A_1374 = arith.constant 0 : index
        %get3A_1375 = tpu.vector_load %arg7[%get3A_1373, %get3A_1374] {strides = array<i32>} : memref<200x64xf32, #tpu.memory_space<vmem>>, vector<1x16xf32>,
        %get3A_1376 = vector.shape_cast %get3A_1375 : vector<1x16xf32> to vector<16xf32>
        %get3A_1377 = arith.constant 0 : i32
        %get3A_1378 = arith.index_cast %get3A_1377 : i32 to index
        %get3A_1379 = arith.index_cast %scan3A_1372 : i32 to index
        %get3A_1380 = arith.constant 0 : index
        %get3A_1381 = tpu.vector_load %arg9[%get3A_1378, %get3A_1379, %get3A_1380] {strides = array<i32>} : memref<2x200x64xf32, #tpu.memory_space<vmem>>, vector<1x1x16xf32>,
        %get3A_1382 = vector.shape_cast %get3A_1381 : vector<1x1x16xf32> to vector<16xf32>
        %mul3A_1383 = arith.constant 8.000000e+00 : f32
        %mul3A_1384 = vector.broadcast %mul3A_1383 : f32 to vector<16xf32>
        %mul3A_1385 = arith.mulf %get3A_1382, %mul3A_1384 : vector<16xf32>
        %add3A_1386 = arith.addf %mul3A_1385, %get3A_1376 : vector<16xf32>
        %swap3A_1387 = arith.constant 0 : i32
        %swap3A_1388 = arith.index_cast %swap3A_1387 : i32 to index
        %swap3A_1389 = arith.index_cast %scan3A_1372 : i32 to index
        %swap3A_1390 = arith.constant 0 : index
        %swap3A_1391 = tpu.vector_load %arg9[%swap3A_1388, %swap3A_1389, %swap3A_1390] {strides = array<i32>} : memref<2x200x64xf32, #tpu.memory_space<vmem>>, vector<1x1x16xf32>,
        %swap3A_1392 = vector.shape_cast %swap3A_1391 : vector<1x1x16xf32> to vector<16xf32>
        %swap3A_1393 = vector.shape_cast %add3A_1386 : vector<16xf32> to vector<1x1x16xf32>
        tpu.vector_store %arg9[%swap3A_1388, %swap3A_1389, %swap3A_1390], %swap3A_1393 {strides = array<i32>} : memref<2x200x64xf32, #tpu.memory_space<vmem>>, vector<1x1x16xf32>,
        %get3A_1394 = arith.constant 1 : i32
        %get3A_1395 = arith.index_cast %get3A_1394 : i32 to index
        %get3A_1396 = arith.index_cast %scan3A_1372 : i32 to index
        %get3A_1397 = arith.constant 0 : index
        %get3A_1398 = tpu.vector_load %arg9[%get3A_1395, %get3A_1396, %get3A_1397] {strides = array<i32>} : memref<2x200x64xf32, #tpu.memory_space<vmem>>, vector<1x1x16xf32>,
        %get3A_1399 = vector.shape_cast %get3A_1398 : vector<1x1x16xf32> to vector<16xf32>
        %mul3A_1400 = arith.constant 8.000000e+00 : f32
        %mul3A_1401 = vector.broadcast %mul3A_1400 : f32 to vector<16xf32>
        %mul3A_1402 = arith.mulf %get3A_1399, %mul3A_1401 : vector<16xf32>
        %add3A_1403 = arith.addf %mul3A_1402, %get3A_1376 : vector<16xf32>
        %swap3A_1404 = arith.constant 1 : i32
        %swap3A_1405 = arith.index_cast %swap3A_1404 : i32 to index
        %swap3A_1406 = arith.index_cast %scan3A_1372 : i32 to index
        %swap3A_1407 = arith.constant 0 : index
        %swap3A_1408 = tpu.vector_load %arg9[%swap3A_1405, %swap3A_1406, %swap3A_1407] {strides = array<i32>} : memref<2x200x64xf32, #tpu.memory_space<vmem>>, vector<1x1x16xf32>,
        %swap3A_1409 = vector.shape_cast %swap3A_1408 : vector<1x1x16xf32> to vector<16xf32>
        %swap3A_1410 = vector.shape_cast %add3A_1403 : vector<16xf32> to vector<1x1x16xf32>
        tpu.vector_store %arg9[%swap3A_1405, %swap3A_1406, %swap3A_1407], %swap3A_1410 {strides = array<i32>} : memref<2x200x64xf32, #tpu.memory_space<vmem>>, vector<1x1x16xf32>,
        %get3A_1411 = arith.index_cast %scan3A_1372 : i32 to index
        %get3A_1412 = arith.constant 16 : index
        %get3A_1413 = tpu.vector_load %arg7[%get3A_1411, %get3A_1412] {strides = array<i32>} : memref<200x64xf32, #tpu.memory_space<vmem>>, vector<1x16xf32>,
        %get3A_1414 = vector.shape_cast %get3A_1413 : vector<1x16xf32> to vector<16xf32>
        %get3A_1415 = arith.constant 0 : i32
        %get3A_1416 = arith.index_cast %get3A_1415 : i32 to index
        %get3A_1417 = arith.index_cast %scan3A_1372 : i32 to index
        %get3A_1418 = arith.constant 16 : index
        %get3A_1419 = tpu.vector_load %arg9[%get3A_1416, %get3A_1417, %get3A_1418] {strides = array<i32>} : memref<2x200x64xf32, #tpu.memory_space<vmem>>, vector<1x1x16xf32>,
        %get3A_1420 = vector.shape_cast %get3A_1419 : vector<1x1x16xf32> to vector<16xf32>
        %mul3A_1421 = arith.constant 8.000000e+00 : f32
        %mul3A_1422 = vector.broadcast %mul3A_1421 : f32 to vector<16xf32>
        %mul3A_1423 = arith.mulf %get3A_1420, %mul3A_1422 : vector<16xf32>
        %add3A_1424 = arith.addf %mul3A_1423, %get3A_1414 : vector<16xf32>
        %swap3A_1425 = arith.constant 0 : i32
        %swap3A_1426 = arith.index_cast %swap3A_1425 : i32 to index
        %swap3A_1427 = arith.index_cast %scan3A_1372 : i32 to index
        %swap3A_1428 = arith.constant 16 : index
        %swap3A_1429 = tpu.vector_load %arg9[%swap3A_1426, %swap3A_1427, %swap3A_1428] {strides = array<i32>} : memref<2x200x64xf32, #tpu.memory_space<vmem>>, vector<1x1x16xf32>,
        %swap3A_1430 = vector.shape_cast %swap3A_1429 : vector<1x1x16xf32> to vector<16xf32>
        %swap3A_1431 = vector.shape_cast %add3A_1424 : vector<16xf32> to vector<1x1x16xf32>
        tpu.vector_store %arg9[%swap3A_1426, %swap3A_1427, %swap3A_1428], %swap3A_1431 {strides = array<i32>} : memref<2x200x64xf32, #tpu.memory_space<vmem>>, vector<1x1x16xf32>,
        %get3A_1432 = arith.constant 1 : i32
        %get3A_1433 = arith.index_cast %get3A_1432 : i32 to index
        %get3A_1434 = arith.index_cast %scan3A_1372 : i32 to index
        %get3A_1435 = arith.constant 16 : index
        %get3A_1436 = tpu.vector_load %arg9[%get3A_1433, %get3A_1434, %get3A_1435] {strides = array<i32>} : memref<2x200x64xf32, #tpu.memory_space<vmem>>, vector<1x1x16xf32>,
        %get3A_1437 = vector.shape_cast %get3A_1436 : vector<1x1x16xf32> to vector<16xf32>
        %mul3A_1438 = arith.constant 8.000000e+00 : f32
        %mul3A_1439 = vector.broadcast %mul3A_1438 : f32 to vector<16xf32>
        %mul3A_1440 = arith.mulf %get3A_1437, %mul3A_1439 : vector<16xf32>
        %add3A_1441 = arith.addf %mul3A_1440, %get3A_1414 : vector<16xf32>
        %swap3A_1442 = arith.constant 1 : i32
        %swap3A_1443 = arith.index_cast %swap3A_1442 : i32 to index
        %swap3A_1444 = arith.index_cast %scan3A_1372 : i32 to index
        %swap3A_1445 = arith.constant 16 : index
        %swap3A_1446 = tpu.vector_load %arg9[%swap3A_1443, %swap3A_1444, %swap3A_1445] {strides = array<i32>} : memref<2x200x64xf32, #tpu.memory_space<vmem>>, vector<1x1x16xf32>,
        %swap3A_1447 = vector.shape_cast %swap3A_1446 : vector<1x1x16xf32> to vector<16xf32>
        %swap3A_1448 = vector.shape_cast %add3A_1441 : vector<16xf32> to vector<1x1x16xf32>
        tpu.vector_store %arg9[%swap3A_1443, %swap3A_1444, %swap3A_1445], %swap3A_1448 {strides = array<i32>} : memref<2x200x64xf32, #tpu.memory_space<vmem>>, vector<1x1x16xf32>,
        %get3A_1449 = arith.index_cast %scan3A_1372 : i32 to index
        %get3A_1450 = arith.constant 32 : index
        %get3A_1451 = tpu.vector_load %arg7[%get3A_1449, %get3A_1450] {strides = array<i32>} : memref<200x64xf32, #tpu.memory_space<vmem>>, vector<1x16xf32>,
        %get3A_1452 = vector.shape_cast %get3A_1451 : vector<1x16xf32> to vector<16xf32>
        %get3A_1453 = arith.constant 0 : i32
        %get3A_1454 = arith.index_cast %get3A_1453 : i32 to index
        %get3A_1455 = arith.index_cast %scan3A_1372 : i32 to index
        %get3A_1456 = arith.constant 32 : index
        %get3A_1457 = tpu.vector_load %arg9[%get3A_1454, %get3A_1455, %get3A_1456] {strides = array<i32>} : memref<2x200x64xf32, #tpu.memory_space<vmem>>, vector<1x1x16xf32>,
        %get3A_1458 = vector.shape_cast %get3A_1457 : vector<1x1x16xf32> to vector<16xf32>
        %mul3A_1459 = arith.constant 8.000000e+00 : f32
        %mul3A_1460 = vector.broadcast %mul3A_1459 : f32 to vector<16xf32>
        %mul3A_1461 = arith.mulf %get3A_1458, %mul3A_1460 : vector<16xf32>
        %add3A_1462 = arith.addf %mul3A_1461, %get3A_1452 : vector<16xf32>
        %swap3A_1463 = arith.constant 0 : i32
        %swap3A_1464 = arith.index_cast %swap3A_1463 : i32 to index
        %swap3A_1465 = arith.index_cast %scan3A_1372 : i32 to index
        %swap3A_1466 = arith.constant 32 : index
        %swap3A_1467 = tpu.vector_load %arg9[%swap3A_1464, %swap3A_1465, %swap3A_1466] {strides = array<i32>} : memref<2x200x64xf32, #tpu.memory_space<vmem>>, vector<1x1x16xf32>,
        %swap3A_1468 = vector.shape_cast %swap3A_1467 : vector<1x1x16xf32> to vector<16xf32>
        %swap3A_1469 = vector.shape_cast %add3A_1462 : vector<16xf32> to vector<1x1x16xf32>
        tpu.vector_store %arg9[%swap3A_1464, %swap3A_1465, %swap3A_1466], %swap3A_1469 {strides = array<i32>} : memref<2x200x64xf32, #tpu.memory_space<vmem>>, vector<1x1x16xf32>,
        %get3A_1470 = arith.constant 1 : i32
        %get3A_1471 = arith.index_cast %get3A_1470 : i32 to index
        %get3A_1472 = arith.index_cast %scan3A_1372 : i32 to index
        %get3A_1473 = arith.constant 32 : index
        %get3A_1474 = tpu.vector_load %arg9[%get3A_1471, %get3A_1472, %get3A_1473] {strides = array<i32>} : memref<2x200x64xf32, #tpu.memory_space<vmem>>, vector<1x1x16xf32>,
        %get3A_1475 = vector.shape_cast %get3A_1474 : vector<1x1x16xf32> to vector<16xf32>
        %mul3A_1476 = arith.constant 8.000000e+00 : f32
        %mul3A_1477 = vector.broadcast %mul3A_1476 : f32 to vector<16xf32>
        %mul3A_1478 = arith.mulf %get3A_1475, %mul3A_1477 : vector<16xf32>
        %add3A_1479 = arith.addf %mul3A_1478, %get3A_1452 : vector<16xf32>
        %swap3A_1480 = arith.constant 1 : i32
        %swap3A_1481 = arith.index_cast %swap3A_1480 : i32 to index
        %swap3A_1482 = arith.index_cast %scan3A_1372 : i32 to index
        %swap3A_1483 = arith.constant 32 : index
        %swap3A_1484 = tpu.vector_load %arg9[%swap3A_1481, %swap3A_1482, %swap3A_1483] {strides = array<i32>} : memref<2x200x64xf32, #tpu.memory_space<vmem>>, vector<1x1x16xf32>,
        %swap3A_1485 = vector.shape_cast %swap3A_1484 : vector<1x1x16xf32> to vector<16xf32>
        %swap3A_1486 = vector.shape_cast %add3A_1479 : vector<16xf32> to vector<1x1x16xf32>
        tpu.vector_store %arg9[%swap3A_1481, %swap3A_1482, %swap3A_1483], %swap3A_1486 {strides = array<i32>} : memref<2x200x64xf32, #tpu.memory_space<vmem>>, vector<1x1x16xf32>,
        %get3A_1487 = arith.index_cast %scan3A_1372 : i32 to index
        %get3A_1488 = arith.constant 48 : index
        %get3A_1489 = tpu.vector_load %arg7[%get3A_1487, %get3A_1488] {strides = array<i32>} : memref<200x64xf32, #tpu.memory_space<vmem>>, vector<1x16xf32>,
        %get3A_1490 = vector.shape_cast %get3A_1489 : vector<1x16xf32> to vector<16xf32>
        %get3A_1491 = arith.constant 0 : i32
        %get3A_1492 = arith.index_cast %get3A_1491 : i32 to index
        %get3A_1493 = arith.index_cast %scan3A_1372 : i32 to index
        %get3A_1494 = arith.constant 48 : index
        %get3A_1495 = tpu.vector_load %arg9[%get3A_1492, %get3A_1493, %get3A_1494] {strides = array<i32>} : memref<2x200x64xf32, #tpu.memory_space<vmem>>, vector<1x1x16xf32>,
        %get3A_1496 = vector.shape_cast %get3A_1495 : vector<1x1x16xf32> to vector<16xf32>
        %mul3A_1497 = arith.constant 8.000000e+00 : f32
        %mul3A_1498 = vector.broadcast %mul3A_1497 : f32 to vector<16xf32>
        %mul3A_1499 = arith.mulf %get3A_1496, %mul3A_1498 : vector<16xf32>
        %add3A_1500 = arith.addf %mul3A_1499, %get3A_1490 : vector<16xf32>
        %swap3A_1501 = arith.constant 0 : i32
        %swap3A_1502 = arith.index_cast %swap3A_1501 : i32 to index
        %swap3A_1503 = arith.index_cast %scan3A_1372 : i32 to index
        %swap3A_1504 = arith.constant 48 : index
        %swap3A_1505 = tpu.vector_load %arg9[%swap3A_1502, %swap3A_1503, %swap3A_1504] {strides = array<i32>} : memref<2x200x64xf32, #tpu.memory_space<vmem>>, vector<1x1x16xf32>,
        %swap3A_1506 = vector.shape_cast %swap3A_1505 : vector<1x1x16xf32> to vector<16xf32>
        %swap3A_1507 = vector.shape_cast %add3A_1500 : vector<16xf32> to vector<1x1x16xf32>
        tpu.vector_store %arg9[%swap3A_1502, %swap3A_1503, %swap3A_1504], %swap3A_1507 {strides = array<i32>} : memref<2x200x64xf32, #tpu.memory_space<vmem>>, vector<1x1x16xf32>,
        %get3A_1508 = arith.constant 1 : i32
        %get3A_1509 = arith.index_cast %get3A_1508 : i32 to index
        %get3A_1510 = arith.index_cast %scan3A_1372 : i32 to index
        %get3A_1511 = arith.constant 48 : index
        %get3A_1512 = tpu.vector_load %arg9[%get3A_1509, %get3A_1510, %get3A_1511] {strides = array<i32>} : memref<2x200x64xf32, #tpu.memory_space<vmem>>, vector<1x1x16xf32>,
        %get3A_1513 = vector.shape_cast %get3A_1512 : vector<1x1x16xf32> to vector<16xf32>
        %mul3A_1514 = arith.constant 8.000000e+00 : f32
        %mul3A_1515 = vector.broadcast %mul3A_1514 : f32 to vector<16xf32>
        %mul3A_1516 = arith.mulf %get3A_1513, %mul3A_1515 : vector<16xf32>
        %add3A_1517 = arith.addf %mul3A_1516, %get3A_1490 : vector<16xf32>
        %swap3A_1518 = arith.constant 1 : i32
        %swap3A_1519 = arith.index_cast %swap3A_1518 : i32 to index
        %swap3A_1520 = arith.index_cast %scan3A_1372 : i32 to index
        %swap3A_1521 = arith.constant 48 : index
        %swap3A_1522 = tpu.vector_load %arg9[%swap3A_1519, %swap3A_1520, %swap3A_1521] {strides = array<i32>} : memref<2x200x64xf32, #tpu.memory_space<vmem>>, vector<1x1x16xf32>,
        %swap3A_1523 = vector.shape_cast %swap3A_1522 : vector<1x1x16xf32> to vector<16xf32>
        %swap3A_1524 = vector.shape_cast %add3A_1517 : vector<16xf32> to vector<1x1x16xf32>
        tpu.vector_store %arg9[%swap3A_1519, %swap3A_1520, %swap3A_1521], %swap3A_1524 {strides = array<i32>} : memref<2x200x64xf32, #tpu.memory_space<vmem>>, vector<1x1x16xf32>,
      }
      %scan3A_271 = arith.constant 200 : i32
      %mul3A_272 = arith.constant 2 : i32
      %mul3A_273 = arith.muli %mul3A_272, %add3A_68 : i32
      %add3A_274 = arith.addi %mul3A_2, %mul3A_273 : i32
      %dma_start3A_275 = arith.constant 0 : i32
      %dma_start3A_276 = arith.constant 0 : i32
      %dma_start3A_277 = tpu.memref_slice %arg5[%add3A_274, %dma_start3A_275, %dma_start3A_276] : memref<4096x200x64xf32, #tpu.memory_space<hbm>> -> memref<2x200x64xf32, #tpu.memory_space<hbm>>
      %dma_start3A_278 = arith.constant 0 : i32
      %dma_start3A_279 = arith.constant 0 : i32
      %dma_start3A_280 = tpu.memref_slice %arg5[%add3A_274, %dma_start3A_278, %dma_start3A_279] : memref<4096x200x64xf32, #tpu.memory_space<hbm>> -> memref<2x200x64xf32, #tpu.memory_space<hbm>>
      tpu.enqueue_dma source(%arg9 : memref<2x200x64xf32, #tpu.memory_space<vmem>>) target(%dma_start3A_280 : memref<2x200x64xf32, #tpu.memory_space<hbm>>) target_semaphore(%arg13 : memref<!tpu.dma_semaphore, #tpu.memory_space<semaphore_mem>>)
      %mul3A_281 = arith.constant 2 : i32
      %mul3A_282 = arith.muli %mul3A_281, %mul3A_64 : i32
      %add3A_283 = arith.addi %mul3A_2, %mul3A_282 : i32
      %dma_wait3A_284 = arith.constant 0 : i32
      %dma_wait3A_285 = arith.constant 0 : i32
      %dma_wait3A_286 = tpu.memref_slice %arg5[%add3A_283, %dma_wait3A_284, %dma_wait3A_285] : memref<4096x200x64xf32, #tpu.memory_space<hbm>> -> memref<2x200x64xf32, #tpu.memory_space<hbm>>
      %dma_wait3A_287 = arith.constant 0 : i32
      %dma_wait3A_288 = arith.constant 0 : i32
      %dma_wait3A_289 = tpu.memref_slice %arg5[%add3A_283, %dma_wait3A_287, %dma_wait3A_288] : memref<4096x200x64xf32, #tpu.memory_space<hbm>> -> memref<2x200x64xf32, #tpu.memory_space<hbm>>
      tpu.wait_dma2 semaphore(%arg12 : memref<!tpu.dma_semaphore, #tpu.memory_space<semaphore_mem>>) src(%arg8 : memref<2x200x64xf32, #tpu.memory_space<vmem>>) dst(%dma_wait3A_289 : memref<2x200x64xf32, #tpu.memory_space<hbm>>)
      %add3A_290 = arith.constant 1 : i32
      %add3A_291 = arith.addi %scan3A_62, %add3A_290 : i32
      %lt3A = arith.constant 32 : i32
      %lt3A_292 = arith.cmpi slt, %add3A_291, %lt3A : i32
      %convert_element_type3A_293 = arith.extui %lt3A_292 : i1 to i32
      %cond3A_294 = arith.constant 0 : i32
      %cond3A_295 = arith.cmpi ne, %convert_element_type3A_293, %cond3A_294 : i32
      scf.if %cond3A_295 {
        %add3A_296 = arith.constant 2 : i32
        %add3A_297 = arith.addi %mul3A_64, %add3A_296 : i32
        %mul3A_298 = arith.constant 2 : i32
        %mul3A_299 = arith.muli %mul3A_298, %add3A_297 : i32
        %add3A_300 = arith.constant 0 : i32
        %add3A_301 = arith.addi %mul3A_299, %add3A_300 : i32
        %mul3A_302 = arith.constant 2 : i32
        %mul3A_303 = arith.muli %mul3A_302, %add3A_297 : i32
        %add3A_304 = arith.constant 0 : i32
        %add3A_305 = arith.addi %mul3A_303, %add3A_304 : i32
        %mul3A_306 = arith.constant 2 : i32
        %mul3A_307 = arith.muli %mul3A_306, %add3A_297 : i32
        %add3A_308 = arith.constant 1 : i32
        %add3A_309 = arith.addi %mul3A_307, %add3A_308 : i32
        %mul3A_310 = arith.constant 2 : i32
        %mul3A_311 = arith.muli %mul3A_310, %add3A_297 : i32
        %add3A_312 = arith.constant 1 : i32
        %add3A_313 = arith.addi %mul3A_311, %add3A_312 : i32
        %dma_start3A_314 = arith.constant 0 : i32
        %dma_start3A_315 = arith.constant 0 : i32
        %dma_start3A_316 = arith.constant 0 : i32
        %dma_start3A_317 = tpu.memref_slice %arg8[%dma_start3A_314, %dma_start3A_315, %dma_start3A_316] : memref<2x200x64xf32, #tpu.memory_space<vmem>> -> memref<1x128x64xf32, #tpu.memory_space<vmem>>
        %dma_start3A_318 = tpu.memref_squeeze %dma_start3A_317 : memref<1x128x64xf32, #tpu.memory_space<vmem>> -> memref<128x64xf32, #tpu.memory_space<vmem>>
        %dma_start3A_319 = arith.constant 0 : i32
        %dma_start3A_320 = tpu.memref_slice %arg6[%add3A_301, %dma_start3A_319] : memref<128x200xi32, #tpu.memory_space<vmem>> -> memref<1x128xi32, #tpu.memory_space<vmem>>
        %dma_start3A_321 = tpu.memref_squeeze %dma_start3A_320 : memref<1x128xi32, #tpu.memory_space<vmem>> -> memref<128xi32, #tpu.memory_space<vmem>>
        %dma_start3A_322 = arith.constant 0 : i32
        %dma_start3A_323 = arith.constant 0 : i32
        %dma_start3A_324 = tpu.memref_slice %arg4[%dma_start3A_322, %dma_start3A_323] : memref<1000000x64xf32, #tpu.memory_space<hbm>> -> memref<1000000x64xf32, #tpu.memory_space<hbm>>
        tpu.enqueue_indirect_dma source(%dma_start3A_324 : memref<1000000x64xf32, #tpu.memory_space<hbm>>) target(%dma_start3A_318 : memref<128x64xf32, #tpu.memory_space<vmem>>) offsets(%dma_start3A_321 : memref<128xi32, #tpu.memory_space<vmem>>) semaphore(%arg10 : memref<!tpu.dma_semaphore, #tpu.memory_space<semaphore_mem>>)
        %dma_start3A_325 = arith.constant 0 : i32
        %dma_start3A_326 = arith.constant 128 : i32
        %dma_start3A_327 = arith.constant 0 : i32
        %dma_start3A_328 = tpu.memref_slice %arg8[%dma_start3A_325, %dma_start3A_326, %dma_start3A_327] : memref<2x200x64xf32, #tpu.memory_space<vmem>> -> memref<1x72x64xf32, #tpu.memory_space<vmem>>
        %dma_start3A_329 = tpu.memref_squeeze %dma_start3A_328 : memref<1x72x64xf32, #tpu.memory_space<vmem>> -> memref<72x64xf32, #tpu.memory_space<vmem>>
        %dma_start3A_330 = arith.constant 128 : i32
        %dma_start3A_331 = tpu.memref_slice %arg6[%add3A_305, %dma_start3A_330] : memref<128x200xi32, #tpu.memory_space<vmem>> -> memref<1x72xi32, #tpu.memory_space<vmem>>
        %dma_start3A_332 = tpu.memref_squeeze %dma_start3A_331 : memref<1x72xi32, #tpu.memory_space<vmem>> -> memref<72xi32, #tpu.memory_space<vmem>>
        %dma_start3A_333 = arith.constant 0 : i32
        %dma_start3A_334 = arith.constant 0 : i32
        %dma_start3A_335 = tpu.memref_slice %arg4[%dma_start3A_333, %dma_start3A_334] : memref<1000000x64xf32, #tpu.memory_space<hbm>> -> memref<1000000x64xf32, #tpu.memory_space<hbm>>
        tpu.enqueue_indirect_dma source(%dma_start3A_335 : memref<1000000x64xf32, #tpu.memory_space<hbm>>) target(%dma_start3A_329 : memref<72x64xf32, #tpu.memory_space<vmem>>) offsets(%dma_start3A_332 : memref<72xi32, #tpu.memory_space<vmem>>) semaphore(%arg10 : memref<!tpu.dma_semaphore, #tpu.memory_space<semaphore_mem>>)
        %dma_start3A_336 = arith.constant 1 : i32
        %dma_start3A_337 = arith.constant 0 : i32
        %dma_start3A_338 = arith.constant 0 : i32
        %dma_start3A_339 = tpu.memref_slice %arg8[%dma_start3A_336, %dma_start3A_337, %dma_start3A_338] : memref<2x200x64xf32, #tpu.memory_space<vmem>> -> memref<1x128x64xf32, #tpu.memory_space<vmem>>
        %dma_start3A_340 = tpu.memref_squeeze %dma_start3A_339 : memref<1x128x64xf32, #tpu.memory_space<vmem>> -> memref<128x64xf32, #tpu.memory_space<vmem>>
        %dma_start3A_341 = arith.constant 0 : i32
        %dma_start3A_342 = tpu.memref_slice %arg6[%add3A_309, %dma_start3A_341] : memref<128x200xi32, #tpu.memory_space<vmem>> -> memref<1x128xi32, #tpu.memory_space<vmem>>
        %dma_start3A_343 = tpu.memref_squeeze %dma_start3A_342 : memref<1x128xi32, #tpu.memory_space<vmem>> -> memref<128xi32, #tpu.memory_space<vmem>>
        %dma_start3A_344 = arith.constant 0 : i32
        %dma_start3A_345 = arith.constant 0 : i32
        %dma_start3A_346 = tpu.memref_slice %arg4[%dma_start3A_344, %dma_start3A_345] : memref<1000000x64xf32, #tpu.memory_space<hbm>> -> memref<1000000x64xf32, #tpu.memory_space<hbm>>
        tpu.enqueue_indirect_dma source(%dma_start3A_346 : memref<1000000x64xf32, #tpu.memory_space<hbm>>) target(%dma_start3A_340 : memref<128x64xf32, #tpu.memory_space<vmem>>) offsets(%dma_start3A_343 : memref<128xi32, #tpu.memory_space<vmem>>) semaphore(%arg10 : memref<!tpu.dma_semaphore, #tpu.memory_space<semaphore_mem>>)
        %dma_start3A_347 = arith.constant 1 : i32
        %dma_start3A_348 = arith.constant 128 : i32
        %dma_start3A_349 = arith.constant 0 : i32
        %dma_start3A_350 = tpu.memref_slice %arg8[%dma_start3A_347, %dma_start3A_348, %dma_start3A_349] : memref<2x200x64xf32, #tpu.memory_space<vmem>> -> memref<1x72x64xf32, #tpu.memory_space<vmem>>
        %dma_start3A_351 = tpu.memref_squeeze %dma_start3A_350 : memref<1x72x64xf32, #tpu.memory_space<vmem>> -> memref<72x64xf32, #tpu.memory_space<vmem>>
        %dma_start3A_352 = arith.constant 128 : i32
        %dma_start3A_353 = tpu.memref_slice %arg6[%add3A_313, %dma_start3A_352] : memref<128x200xi32, #tpu.memory_space<vmem>> -> memref<1x72xi32, #tpu.memory_space<vmem>>
        %dma_start3A_354 = tpu.memref_squeeze %dma_start3A_353 : memref<1x72xi32, #tpu.memory_space<vmem>> -> memref<72xi32, #tpu.memory_space<vmem>>
        %dma_start3A_355 = arith.constant 0 : i32
        %dma_start3A_356 = arith.constant 0 : i32
        %dma_start3A_357 = tpu.memref_slice %arg4[%dma_start3A_355, %dma_start3A_356] : memref<1000000x64xf32, #tpu.memory_space<hbm>> -> memref<1000000x64xf32, #tpu.memory_space<hbm>>
        tpu.enqueue_indirect_dma source(%dma_start3A_357 : memref<1000000x64xf32, #tpu.memory_space<hbm>>) target(%dma_start3A_351 : memref<72x64xf32, #tpu.memory_space<vmem>>) offsets(%dma_start3A_354 : memref<72xi32, #tpu.memory_space<vmem>>) semaphore(%arg10 : memref<!tpu.dma_semaphore, #tpu.memory_space<semaphore_mem>>)
      } else {
      }
    }
    %scan3A_54 = arith.constant 32 : i32
    %add3A_55 = arith.constant 126 : i32
    %add3A_56 = arith.addi %mul3A_2, %add3A_55 : i32
    %dma_wait3A = arith.constant 0 : i32
    %dma_wait3A_57 = arith.constant 0 : i32
    %dma_wait3A_58 = tpu.memref_slice %arg5[%add3A_56, %dma_wait3A, %dma_wait3A_57] : memref<4096x200x64xf32, #tpu.memory_space<hbm>> -> memref<2x200x64xf32, #tpu.memory_space<hbm>>
    %dma_wait3A_59 = arith.constant 0 : i32
    %dma_wait3A_60 = arith.constant 0 : i32
    %dma_wait3A_61 = tpu.memref_slice %arg5[%add3A_56, %dma_wait3A_59, %dma_wait3A_60] : memref<4096x200x64xf32, #tpu.memory_space<hbm>> -> memref<2x200x64xf32, #tpu.memory_space<hbm>>
    tpu.wait_dma2 semaphore(%arg13 : memref<!tpu.dma_semaphore, #tpu.memory_space<semaphore_mem>>) src(%arg9 : memref<2x200x64xf32, #tpu.memory_space<vmem>>) dst(%dma_wait3A_61 : memref<2x200x64xf32, #tpu.memory_space<hbm>>)
    return
  }
}

</mosaic_0001>

<sc_bundles>
// kernel: kernel.3.cloned.1.call-start
scs
__scs_entry_jumppad:
0x0: {  	(pc) =	sbr.rel $0x88, $3  }
0x1: {  	(tag) =	ssettag $0x0;
	lr =	simm.s32 $0x1  }
0x2: {  	[smem:$0x3F9F] =	sst lr;
	_ =	strace $0xD0000000  }
0x3: {  	_ = 	snop  }
0x4: {  	_ = 	snop  }
0x5: {  	_ = 	snop  }
0x6: {  	_ = 	snop  }
0x7: {  	_ = 	snop  }
__scs_overlays_trampoline_lowered:
0x8: {  	[smem:$0x3FAE] =	sst s0  }
0x9: {  	[smem:$0x3FAF] =	sst s1  }
0xa: {  	[smem:$0x3FB0] =	sst s2  }
0xb: {  	[smem:$0x3FB1] =	sst s3  }
0xc: {  	[smem:$0x3FB2] =	sst s4  }
0xd: {  	[smem:$0x3FB3] =	sst s5  }
0xe: {  	[smem:$0x3FB4] =	sst s6  }
0xf: {  	[smem:$0x3FB5] =	sst s7  }
0x10: {  	[smem:$0x3FB6] =	sst s8  }
0x11: {  	[smem:$0x3FB7] =	sst s9;
	s0 =	simm.s32 @!p0 $0x0  }
0x12: {  	s1 =	sld [smem:$0x3F9D];
	s0 =	simm.s32 @p0 $0x1  }
0x13: {  	[smem:$0x3FB8] =	sst s0;
	s0 =	simm.s32 @!p1 $0x0  }
0x14: {  	s2 =	sld [smem:$0x3F9C];
	s0 =	simm.s32 @p1 $0x1  }
0x15: {  	[smem:$0x3FB9] =	sst s0;
	s0 =	simm.s32 @!p2 $0x0  }
0x16: {  	s3 =	sld [smem:$0x3FDB];
	s0 =	simm.s32 @p2 $0x1  }
0x17: {  	s4 =	simm.s32 $0x1BF5;
	[smem:$0x3FBB] =	sst s0  }
0x18: {  	s0 =	sld [smem:$0x3F9E];
	_ =	swait.ge [sflag:s4], $0x0  }
0x19: {  	s7 =	sld [smem:$0x3F9F]  }
0x1a: {  	s8 =	sadd.s32 $0xFFFFE003, lr  }
0x1b: {  	s9 =	sadd.s32 $0xFFFFFEF7, lr;
	s5 =	simm.s32 $0xFFFFFFFF;
	p2 =	slt.u32 s8, $0xFFFFF086  }
0x1c: {  	p1 =	slt.u32 s9, $0xF7A;
	s5 =	simm.s32 @!p2 $0x0  }
0x1d: {  	s5 =	simm.s32 @p1 $0x1;
	p0 =	seq.s32 s7, s2  }
0x1e: {  	s7 =	smul.u32 @!p0 $0xF7A, s2;
	p2 =	seq.s32 @!p0 s5, $0x0  }
0x1f: {  	s9 =	smul.u32 $0xF7A, s1;
	s8 =	simm.s32 @!p0 $0x1BF5;
	p2 =	por !p2, p0  }
0x20: {  	[sflag:s8] =	ssyncset.s32 @!p0 $0xFFFFF086;
	s6 =	sadd.s32 @!p0 s3, s7;
	s7 =	simm.s32 @!p0 $0x108  }
0x21: {  	s3 =	sadd.s32 s3, s9;
	s6 =	sadd.s32 @!p0 $0x88, s6;
	s7 =	simm.s32 @p2 $0x1082  }
0x22: {  	[simem:s7], [sflag:s8] =	dma.local @!p0 [hbm:s6], $0xF7A  }
0x23: {  	s9 =	sor.u32 $0xD0000000, s2;
	s6 =	simm.s32 $0x108;
	_ =	swait.ge @!p0 [sflag:s8], $0x0  }
0x24: {  	s3 =	sadd.s32 $0x88, s3;
	s6 =	simm.s32 @!p1 $0x1082;
	[sflag:s4] =	ssyncset.s32 $0xFFFFF086  }
0x25: {  	[simem:s6], [sflag:s4] =	dma.local [hbm:s3], $0xF7A  }
0x26: {  	[smem:$0x3F9F] =	sst s1;
	(tag) =	ssettag s2;
	_ =	strace s9  }
0x27: {  	s1 =	sld [smem:$0x3FAF]  }
0x28: {  	s2 =	sld [smem:$0x3FB0]  }
0x29: {  	s4 =	sld [smem:$0x3FB2]  }
0x2a: {  	p0 =	seq.s32 s5, $0x0;
	s5 =	sld [smem:$0x3FB3]  }
0x2b: {  	s6 =	sld [smem:$0x3FB4]  }
0x2c: {  	s7 =	sld [smem:$0x3FB5]  }
0x2d: {  	s3 =	simm.s32 $0x108;
	s8 =	sld [smem:$0x3FB6]  }
0x2e: {  	s3 =	simm.s32 @!p0 $0x1082;
	s9 =	sld [smem:$0x3FB7]  }
0x2f: {  	lr =	sadd.s32 s0, s3;
	s0 =	sld [smem:$0x3FAE]  }
0x30: {  	s3 =	sld [smem:$0x3FB1]  }
0x31: {  	[smem:$0x3FBA] =	sst s10  }
0x32: {  	s10 =	sld [smem:$0x3FB8];
	_ =	sdelay $0x3  }
0x33: {  	p0 =	seq.s32 s10, $0x1;
	s10 =	sld [smem:$0x3FBA];
	_ =	sdelay $0x3  }
0x34: {  	[smem:$0x3FBA] =	sst s10  }
0x35: {  	s10 =	sld [smem:$0x3FB9];
	_ =	sdelay $0x3  }
0x36: {  	p1 =	seq.s32 s10, $0x1;
	s10 =	sld [smem:$0x3FBA];
	_ =	sdelay $0x3  }
0x37: {  	[smem:$0x3FBA] =	sst s10  }
0x38: {  	s10 =	sld [smem:$0x3FBB]  }
0x39: {  	_ = 	snop;
	(pc) =	sbr.ind lr, $3  }
0x3a: {  	_ = 	snop  }
0x3b: {  	_ = 	snop  }
0x3c: {  	p2 =	seq.s32 s10, $0x1;
	s10 =	sld [smem:$0x3FBA]  }
0x3d: {  	_ =	shalt  }
0x3e: {  	_ =	shalt  }
0x3f: {  	_ =	shalt  }
0x40: {  	_ =	shalt  }
0x41: {  	_ =	shalt  }
0x42: {  	_ =	shalt  }
0x43: {  	_ =	shalt  }
0x44: {  	_ =	shalt  }
0x45: {  	_ =	shalt  }
0x46: {  	_ =	shalt  }
0x47: {  	_ =	shalt  }
0x48: {  	_ =	shalt  }
0x49: {  	_ =	shalt  }
0x4a: {  	_ =	shalt  }
0x4b: {  	_ =	shalt  }
0x4c: {  	_ =	shalt  }
0x4d: {  	_ =	shalt  }
0x4e: {  	_ =	shalt  }
0x4f: {  	_ =	shalt  }
0x50: {  	_ =	shalt  }
0x51: {  	_ =	shalt  }
0x52: {  	_ =	shalt  }
0x53: {  	_ =	shalt  }
0x54: {  	_ =	shalt  }
0x55: {  	_ =	shalt  }
0x56: {  	_ =	shalt  }
0x57: {  	_ =	shalt  }
0x58: {  	_ =	shalt  }
0x59: {  	_ =	shalt  }
0x5a: {  	_ =	shalt  }
0x5b: {  	_ =	shalt  }
0x5c: {  	_ =	shalt  }
0x5d: {  	_ =	shalt  }
0x5e: {  	_ =	shalt  }
0x5f: {  	_ =	shalt  }
0x60: {  	_ =	shalt  }
0x61: {  	_ =	shalt  }
0x62: {  	_ =	shalt  }
0x63: {  	_ =	shalt  }
0x64: {  	_ =	shalt  }
0x65: {  	_ =	shalt  }
0x66: {  	_ =	shalt  }
0x67: {  	_ =	shalt  }
0x68: {  	_ =	shalt  }
0x69: {  	_ =	shalt  }
0x6a: {  	_ =	shalt  }
0x6b: {  	_ =	shalt  }
0x6c: {  	_ =	shalt  }
0x6d: {  	_ =	shalt  }
0x6e: {  	_ =	shalt  }
0x6f: {  	_ =	shalt  }
0x70: {  	_ =	shalt  }
0x71: {  	_ =	shalt  }
0x72: {  	_ =	shalt  }
0x73: {  	_ =	shalt  }
0x74: {  	_ =	shalt  }
0x75: {  	_ =	shalt  }
0x76: {  	_ =	shalt  }
0x77: {  	_ =	shalt  }
0x78: {  	_ =	shalt  }
0x79: {  	_ =	shalt  }
0x7a: {  	_ =	shalt  }
0x7b: {  	_ =	shalt  }
0x7c: {  	_ =	shalt  }
0x7d: {  	_ =	shalt  }
0x7e: {  	_ =	shalt  }
0x7f: {  	_ =	shalt  }
0x80: {  	_ =	shalt  }
0x81: {  	_ =	shalt  }
0x82: {  	_ =	shalt  }
0x83: {  	_ =	shalt  }
0x84: {  	_ =	shalt  }
0x85: {  	_ =	shalt  }
0x86: {  	_ =	shalt  }
0x87: {  	_ =	shalt  }
.Lfunc_end0:
.L_simem_size_0:
called_computation.1_lowered:
.L_overlay_start_0:
0x88: {  	s2 =	sld [smem:$0x3FD9]  }
0x89: {  	s3 =	sld [smem:$0x3FFE];
	_ =	sdelay $0x1  }
0x8a: {  	s1 =	srdreg.scid  }
0x8b: {  	s0 =	sand.u32 $0x1, s1  }
0x8c: {  	s17 =	sshll.u32 s0, $0xA;
	s2 =	sadd.s32 s3, s2  }
0x8d: {  	s2 =	sadd.s32 s2, s17  }
0x8e: {  	[smem:$0x3FC6] =	sst s2  }
0x8f: {  	_ = 	snop  }
0x90: {  	s2 =	sld [smem:$0x3FD0];
	(tm) =	ssettm $0x1  }
0x91: {  	s18 =	sld [smem:$0x3FFB];
	_ =	sdelay $0x3  }
0x92: {  	_ =	strace s18  }
0x93: {  	s3 =	sld [smem:$0x3FFC];
	_ =	sdelay $0x3  }
0x94: {  	_ =	strace s3  }
0x95: {  	s3 =	sld [smem:$0x3FFD];
	_ =	sdelay $0x3  }
0x96: {  	_ =	strace s3  }
0x97: {  	_ =	strace $0x8FFFFFFF  }
0x98: {  	s19 =	sld [smem:$0x3FDB];
	_ =	sdelay $0x1  }
0x99: {  	s4 =	simm.s32 $_scs_section_size  }
0x9a: {  	s5 =	simm.s32 $_size__tile_overlayer_lowered;
	s6 =	simm.s32 $_tile_overlayer_lowered  }
0x9b: {  	s22 =	simm.s32 $0x1BFF;
	s21 =	sshll.u32 s6, $0x1;
	s3 =	sadd.s32 s4, s19  }
0x9c: {  	s7 =	simm.s32 $0x0;
	s20 =	sshll.u32 s5, $0x1;
	s5 =	sadd.s32 s21, s3  }
0x9d: {  	[timem:s7], [sflag:s22] =	dma.local [hbm:s5], s20  }
0x9e: {  	_ =	swait.ge [sflag:s22], s20  }
0x9f: {  	s4 =	ssub.s32 $0x0, s20;
	[sflag:s22] =	ssyncset.done $0x0  }
0xa0: {  	[sflag:s22] =	ssyncadd.s32 s4;
	_ =	sdelay $0x1  }
0xa1: {  	s23 =	simm.s32 $0x1B8B  }
0xa2: {  	_ =	swait.ge [sflag:s23], $0x1  }
0xa3: {  	[sflag:s23] =	ssyncset.done $0x0  }
0xa4: {  	s25 =	simm.s32 $0x1B8E;
	s24 =	sld [smem:$0x3FFE];
	[sflag:s23] =	ssyncadd.s32 $0xFFFFFFFF  }
0xa5: {  	s26 =	simm.s32 $execute0_lowered;
	[smem:$0x3FD2] =	sst s25  }
0xa6: {  	s5 =	sshll.u32 s26, $0x1;
	_ =	strace $0x80000046;
	[dreg:$0x1] =	wrdreg $0xFFFFFFFF  }
0xa7: {  	s28 =	simm.s32 $_size_execute0_lowered;
	s3 =	sadd.s32 s3, s5;
	[dreg:$0x0] =	wrdreg $0x0  }
0xa8: {  	s5 =	sshll.u32 s28, $0x1;
	[dreg:$0x2] =	wrdreg s3  }
0xa9: {  	[dreg:$0x3] =	wrdreg s5  }
0xaa: {  	[dreg:$0x4] =	wrdreg $0xC0  }
0xab: {  	_ =	task [dreg:s7], $0x5FFFF  }
0xac: {  	[dreg:$0x1] =	wrdreg $0xFFFFFFFF  }
0xad: {  	[dreg:$0x0] =	wrdreg $0x60  }
0xae: {  	[dreg:$0x2] =	wrdreg s24  }
0xaf: {  	[dreg:$0x3] =	wrdreg s2  }
0xb0: {  	[dreg:$0x4] =	wrdreg $0x9  }
0xb1: {  	_ =	task.clear_ibuf [dreg:s7], $0x5FFFF;
	_ =	strace $0x90000046  }
0xb2: {  	s29 =	simm.s32 $0x9;
	_ =	strace $0x80000048  }
0xb3: {  	_ =	swait.ge [sflag:s29], $0x1  }
0xb4: {  	[sflag:s29] =	ssyncadd.s32 $0xFFFFFFFF  }
0xb5: {  	_ =	strace $0x90000048  }
0xb6: {  	_ =	sfence  }
0xb7: {  	s30 =	sld [smem:$0x0];
	_ =	sdelay $0x2  }
0xb8: {  	s31 =	sshll.u32 s1, $0xD;
	s1 =	sshrl.u32 s1, $0x2  }
0xb9: {  	s3 =	sand.u32 $0x4000, s31;
	s1 =	sadd.s32 s1, s30  }
0xba: {  	s0 =	sor.u32 s3, s0;
	s1 =	sshll.u32 s1, $0x11  }
0xbb: {  	s0 =	sor.u32 s1, s0  }
0xbc: {  	s0 =	sadd.s32 $0x8F2B, s0  }
0xbd: {  	[sflag:s0] =	ssyncadd.remote.s32 $0x1  }
0xbe: {  	_ =	sfence.sel $0xFFFF  }
0xbf: {  	[dreg:$0x0] =	wrdreg $0xFFFFFFFF;
	(pc) =	sbr.abs _section_cstart, $3  }
0xc0: {  	[dreg:$0x1] =	wrdreg $0xFFFFFFFF  }
0xc1: {  	_ =	task.clear_ibuf [dreg:s7], $0x2FFFF;
	_ =	strace $0x9FFFFFFF  }
0xc2: {  	(tm) =	ssettm $0x7FFFFFFF  }
0xc3: {  	_ =	shalt  }
tec
execute0_lowered:
.L_overlay_start_1:
0x0: {  	(tag) =	ssettag $0x1  }
0x1: {  	s0 =	srdreg.scid;
	s2 =	stileid.u32  }
0x2: {  	s1 =	rddreg [dreg:$0x0];
	s9 =	simm.s32 $0x5;
	s11 =	simm.s32 $0x80  }
0x3: {  	s12 =	simm.s32 $0x9600;
	s13 =	simm.s32 $0x48;
	s17 =	simm.s32 $0x148  }
0x4: {  	s18 =	simm.s32 $0xE800;
	s19 =	simm.s32 $0xFA00;
	s20 =	simm.s32 $0x11A00  }
0x5: {  	s21 =	simm.s32 $0x12C00;
	s22 =	simm.s32 $0x14C00;
	s23 =	simm.s32 $0x1  }
0x6: {  	s24 =	simm.s32 $0x2;
	s25 =	simm.s32 $0x3;
	s0 =	sand.u32 $0x1, s0  }
0x7: {  	s26 =	simm.s32 $0x4;
	s3 =	sshll.u32 s2, $0x8;
	s4 =	sshll.u32 s0, $0x7  }
0x8: {  	s28 =	simm.s32 $0x0;
	s2 =	rddreg [dreg:$0x1];
	s3 =	sor.u32 s4, s3  }
0x9: {  	s0 =	ssub.s32 $0x2, s0;
	s4 =	simm.s32 $0x0;
	s5 =	smul.u32 $0x19, s3  }
0xa: {  	s6 =	sadd.s32 $0xF43800, s1;
	s8 =	sshrl.u32 s0, $0x1;
	[smem:$0x7FF] =	sst s4  }
0xb: {  	s0 =	ssub.s32 s0, s8;
	_ =	strace $0x80000047;
	s7 =	sadd.s32 s5, s1  }
0xc: {  	s8 =	smax.u32 s0, $0x1;
	s5 =	sadd.s32 $0xC00, s1;
	s7 =	sadd.s32 $0x1400, s7  }
.LBB2_1:
0xd: {  	[tilespmem:s4], [sflag:$0x5] =	stream.linear.gather [hbm4b:s7+s4], $0x6400, $0x38;
	[tilespmem:$0x15E00] =	vst v63  }
0xe: {  	_ =	swait.ge [sflag:s9], $0x6400  }
0xf: {  	[sflag:s9] =	ssyncset.done $0x0  }
0x10: {  	s0 =	simm.s32 $0x6400;
	[sflag:s9] =	ssyncadd.s32 $0xFFFF9C00  }
0x11: {  	[tilespmem:s0], [sflag:$0x5] =	stream.linear.gather [hbm4b:s5+s4], $0x3200, $0x38;
	[tilespmem:$0x15E00] =	vst v63  }
0x12: {  	_ =	swait.ge [sflag:s9], $0x3200  }
0x13: {  	[sflag:s9] =	ssyncset.done $0x0  }
0x14: {  	[sflag:s9] =	ssyncadd.s32 $0xFFFFCE00  }
0x15: {  	[tilespmem:s12], [sflag:$0x1] =	stream.indirect.gather [hbm4b:s6+s11], $0x40, s4, s11, $0xb8;
	[tilespmem:$0x15E00] =	vst v63  }
0x16: {  	s30 =	simm.s32 $0xB600  }
0x17: {  	[tilespmem:s30], [sflag:$0x1] =	stream.indirect.gather [hbm4b:s6+s13], $0x40, s11, s13, $0xb8;
	[tilespmem:$0x15E00] =	vst v63  }
0x18: {  	s31 =	simm.s32 $0xC8;
	s1 =	simm.s32 $0xC800  }
0x19: {  	[tilespmem:s1], [sflag:$0x1] =	stream.indirect.gather [hbm4b:s6+s11], $0x40, s31, s11, $0xb8;
	[tilespmem:$0x15E00] =	vst v63  }
0x1a: {  	s29 =	simm.s32 $0x0  }
0x1b: {  	[tilespmem:s18], [sflag:$0x1] =	stream.indirect.gather [hbm4b:s6+s13], $0x40, s17, s13, $0xb8;
	[tilespmem:$0x15E00] =	vst v63  }
.LBB2_2:
0x1c: {  	p0 =	seq.s32 s29, $0x0;
	s1 =	sshll.u32 s29, $0x2  }
0x1d: {  	s0 =	simm.s32 @!p0 $0x4;
	s31 =	sor.u32 $0x2, s1  }
0x1e: {  	_ =	swait.ge @!p0 [sflag:s0], $0x6400;
	s10 =	smul.u32 $0x320, s31  }
0x1f: {  	[sflag:s0] =	ssyncset.done @!p0 $0x0  }
0x20: {  	s14 =	smul.u32 $0xC80, s29;
	[sflag:s0] =	ssyncadd.s32 @!p0 $0xFFFF9C00;
	s10 =	sshra.s32 s10, $0x2  }
0x21: {  	[tilespmem:s19], [sflag:$0x2] =	stream.indirect.gather [hbm4b:s6+s11], $0x40, s10, s11, $0xb8;
	[tilespmem:$0x15E00] =	vst v63  }
0x22: {  	s30 =	sshra.s32 s14, $0x2;
	s0 =	sadd.s32 $0x80, s10  }
0x23: {  	[tilespmem:s20], [sflag:$0x2] =	stream.indirect.gather [hbm4b:s6+s13], $0x40, s0, s13, $0xb8;
	[tilespmem:$0x15E00] =	vst v63  }
0x24: {  	s15 =	sadd.s32 $0x258, s30  }
0x25: {  	[tilespmem:s21], [sflag:$0x2] =	stream.indirect.gather [hbm4b:s6+s11], $0x40, s15, s11, $0xb8;
	[tilespmem:$0x15E00] =	vst v63  }
0x26: {  	s16 =	sadd.s32 $0x2D8, s30  }
0x27: {  	[tilespmem:s22], [sflag:$0x2] =	stream.indirect.gather [hbm4b:s6+s13], $0x40, s16, s13, $0xb8;
	[tilespmem:$0x15E00] =	vst v63  }
0x28: {  	_ =	swait.ge [sflag:s23], $0x2000  }
0x29: {  	[sflag:s23] =	ssyncset.done $0x0  }
0x2a: {  	[sflag:s23] =	ssyncadd.s32 $0xFFFFE000  }
0x2b: {  	_ =	swait.ge [sflag:s23], $0x1200  }
0x2c: {  	[sflag:s23] =	ssyncset.done $0x0  }
0x2d: {  	[sflag:s23] =	ssyncadd.s32 $0xFFFFEE00  }
0x2e: {  	_ =	swait.ge [sflag:s23], $0x2000  }
0x2f: {  	[sflag:s23] =	ssyncset.done $0x0  }
0x30: {  	[sflag:s23] =	ssyncadd.s32 $0xFFFFE000  }
0x31: {  	_ =	swait.ge [sflag:s23], $0x1200  }
0x32: {  	[sflag:s23] =	ssyncset.done $0x0  }
0x33: {  	s0 =	simm.s32 $0xC9F0;
	[sflag:s23] =	ssyncadd.s32 $0xFFFFEE00  }
0x34: {  	v0 =	vld [tilespmem:s0+$0xFFFFCC10]  }
0x35: {  	s10 =	simm.s32 $0x6500;
	v1 =	vld [tilespmem:s0+$0xFFFFFE10]  }
0x36: {  	v2 =	vld [tilespmem:s10+$0xFFFFFF00];
	_ =	sdelay $0x2  }
0x37: {  	v0 =	vmul.f32 $8.000000000e+00, v0  }
0x38: {  	v1 =	vmul.f32 $8.000000000e+00, v1  }
0x39: {  	v0 =	vadd.f32 v0, v2  }
0x3a: {  	v1 =	vadd.f32 v1, v2  }
0x3b: {  	[tilespmem:s0+$0xFFFFCC10] =	vst v0;
	v0 =	vld [tilespmem:s0+$0xFFFFCC20]  }
0x3c: {  	v2 =	vld [tilespmem:s0+$0xFFFFFE20];
	[tilespmem:s0+$0xFFFFFE10] =	vst v1  }
0x3d: {  	v1 =	vld [tilespmem:s10+$0xFFFFFF10];
	_ =	sdelay $0x2  }
0x3e: {  	v0 =	vmul.f32 $8.000000000e+00, v0  }
0x3f: {  	v2 =	vmul.f32 $8.000000000e+00, v2  }
0x40: {  	v0 =	vadd.f32 v0, v1  }
0x41: {  	v1 =	vadd.f32 v2, v1  }
0x42: {  	[tilespmem:s0+$0xFFFFCC20] =	vst v0;
	v0 =	vld [tilespmem:s0+$0xFFFFCC30]  }
0x43: {  	v2 =	vld [tilespmem:s0+$0xFFFFFE30];
	[tilespmem:s0+$0xFFFFFE20] =	vst v1  }
0x44: {  	v1 =	vld [tilespmem:s10+$0xFFFFFF20];
	_ =	sdelay $0x2  }
0x45: {  	v0 =	vmul.f32 $8.000000000e+00, v0  }
0x46: {  	v2 =	vmul.f32 $8.000000000e+00, v2  }
0x47: {  	v0 =	vadd.f32 v0, v1  }
0x48: {  	v1 =	vadd.f32 v2, v1  }
0x49: {  	[tilespmem:s0+$0xFFFFCC30] =	vst v0;
	v0 =	vld [tilespmem:s0+$0xFFFFCC40]  }
0x4a: {  	v2 =	vld [tilespmem:s0+$0xFFFFFE40];
	[tilespmem:s0+$0xFFFFFE30] =	vst v1  }
0x4b: {  	v1 =	vld [tilespmem:s10+$0xFFFFFF30];
	_ =	sdelay $0x2  }
0x4c: {  	v0 =	vmul.f32 $8.000000000e+00, v0  }
0x4d: {  	v2 =	vmul.f32 $8.000000000e+00, v2  }
0x4e: {  	v0 =	vadd.f32 v0, v1  }
0x4f: {  	v1 =	vadd.f32 v2, v1  }
0x50: {  	[tilespmem:s0+$0xFFFFCC40] =	vst v0;
	v0 =	vld [tilespmem:s0+$0xFFFFCC50]  }
0x51: {  	v2 =	vld [tilespmem:s0+$0xFFFFFE50];
	[tilespmem:s0+$0xFFFFFE40] =	vst v1  }
0x52: {  	v1 =	vld [tilespmem:s10+$0xFFFFFF40];
	_ =	sdelay $0x2  }
0x53: {  	v0 =	vmul.f32 $8.000000000e+00, v0  }
0x54: {  	v2 =	vmul.f32 $8.000000000e+00, v2  }
0x55: {  	v0 =	vadd.f32 v0, v1  }
0x56: {  	v1 =	vadd.f32 v2, v1  }
0x57: {  	[tilespmem:s0+$0xFFFFCC50] =	vst v0;
	v0 =	vld [tilespmem:s0+$0xFFFFCC60]  }
0x58: {  	v2 =	vld [tilespmem:s0+$0xFFFFFE60];
	[tilespmem:s0+$0xFFFFFE50] =	vst v1  }
0x59: {  	v1 =	vld [tilespmem:s10+$0xFFFFFF50];
	_ =	sdelay $0x2  }
0x5a: {  	v0 =	vmul.f32 $8.000000000e+00, v0  }
0x5b: {  	v2 =	vmul.f32 $8.000000000e+00, v2  }
0x5c: {  	v0 =	vadd.f32 v0, v1  }
0x5d: {  	v1 =	vadd.f32 v2, v1  }
0x5e: {  	[tilespmem:s0+$0xFFFFCC60] =	vst v0;
	v0 =	vld [tilespmem:s0+$0xFFFFCC70]  }
0x5f: {  	v2 =	vld [tilespmem:s0+$0xFFFFFE70];
	[tilespmem:s0+$0xFFFFFE60] =	vst v1  }
0x60: {  	v1 =	vld [tilespmem:s10+$0xFFFFFF60];
	_ =	sdelay $0x2  }
0x61: {  	v0 =	vmul.f32 $8.000000000e+00, v0  }
0x62: {  	v2 =	vmul.f32 $8.000000000e+00, v2  }
0x63: {  	v0 =	vadd.f32 v0, v1  }
0x64: {  	v1 =	vadd.f32 v2, v1  }
0x65: {  	[tilespmem:s0+$0xFFFFCC70] =	vst v0;
	v0 =	vld [tilespmem:s0+$0xFFFFCC80]  }
0x66: {  	v2 =	vld [tilespmem:s0+$0xFFFFFE80];
	[tilespmem:s0+$0xFFFFFE70] =	vst v1  }
0x67: {  	v1 =	vld [tilespmem:s10+$0xFFFFFF70];
	_ =	sdelay $0x2  }
0x68: {  	v0 =	vmul.f32 $8.000000000e+00, v0  }
0x69: {  	v2 =	vmul.f32 $8.000000000e+00, v2  }
0x6a: {  	v0 =	vadd.f32 v0, v1  }
0x6b: {  	v1 =	vadd.f32 v2, v1  }
0x6c: {  	[tilespmem:s0+$0xFFFFCC80] =	vst v0;
	v0 =	vld [tilespmem:s0+$0xFFFFCC90]  }
0x6d: {  	v2 =	vld [tilespmem:s0+$0xFFFFFE90];
	[tilespmem:s0+$0xFFFFFE80] =	vst v1  }
0x6e: {  	v1 =	vld [tilespmem:s10+$0xFFFFFF80];
	_ =	sdelay $0x2  }
0x6f: {  	v0 =	vmul.f32 $8.000000000e+00, v0  }
0x70: {  	v2 =	vmul.f32 $8.000000000e+00, v2  }
0x71: {  	v0 =	vadd.f32 v0, v1  }
0x72: {  	v1 =	vadd.f32 v2, v1  }
0x73: {  	[tilespmem:s0+$0xFFFFCC90] =	vst v0;
	v0 =	vld [tilespmem:s0+$0xFFFFCCA0]  }
0x74: {  	v2 =	vld [tilespmem:s0+$0xFFFFFEA0];
	[tilespmem:s0+$0xFFFFFE90] =	vst v1  }
0x75: {  	v1 =	vld [tilespmem:s10+$0xFFFFFF90];
	_ =	sdelay $0x2  }
0x76: {  	v0 =	vmul.f32 $8.000000000e+00, v0  }
0x77: {  	v2 =	vmul.f32 $8.000000000e+00, v2  }
0x78: {  	v0 =	vadd.f32 v0, v1  }
0x79: {  	v1 =	vadd.f32 v2, v1  }
0x7a: {  	[tilespmem:s0+$0xFFFFCCA0] =	vst v0;
	v0 =	vld [tilespmem:s0+$0xFFFFCCB0]  }
0x7b: {  	v2 =	vld [tilespmem:s0+$0xFFFFFEB0];
	[tilespmem:s0+$0xFFFFFEA0] =	vst v1  }
0x7c: {  	v1 =	vld [tilespmem:s10+$0xFFFFFFA0];
	_ =	sdelay $0x2  }
0x7d: {  	v0 =	vmul.f32 $8.000000000e+00, v0  }
0x7e: {  	v2 =	vmul.f32 $8.000000000e+00, v2  }
0x7f: {  	v0 =	vadd.f32 v0, v1  }
0x80: {  	v1 =	vadd.f32 v2, v1  }
0x81: {  	[tilespmem:s0+$0xFFFFCCB0] =	vst v0;
	v0 =	vld [tilespmem:s0+$0xFFFFCCC0]  }
0x82: {  	v2 =	vld [tilespmem:s0+$0xFFFFFEC0];
	[tilespmem:s0+$0xFFFFFEB0] =	vst v1  }
0x83: {  	v1 =	vld [tilespmem:s10+$0xFFFFFFB0];
	_ =	sdelay $0x2  }
0x84: {  	v0 =	vmul.f32 $8.000000000e+00, v0  }
0x85: {  	v2 =	vmul.f32 $8.000000000e+00, v2  }
0x86: {  	v0 =	vadd.f32 v0, v1  }
0x87: {  	v1 =	vadd.f32 v2, v1  }
0x88: {  	[tilespmem:s0+$0xFFFFCCC0] =	vst v0;
	v0 =	vld [tilespmem:s0+$0xFFFFCCD0]  }
0x89: {  	v2 =	vld [tilespmem:s0+$0xFFFFFED0];
	[tilespmem:s0+$0xFFFFFEC0] =	vst v1  }
0x8a: {  	v1 =	vld [tilespmem:s10+$0xFFFFFFC0];
	_ =	sdelay $0x2  }
0x8b: {  	v0 =	vmul.f32 $8.000000000e+00, v0  }
0x8c: {  	v2 =	vmul.f32 $8.000000000e+00, v2  }
0x8d: {  	v0 =	vadd.f32 v0, v1  }
0x8e: {  	v1 =	vadd.f32 v2, v1  }
0x8f: {  	[tilespmem:s0+$0xFFFFCCD0] =	vst v0;
	v0 =	vld [tilespmem:s0+$0xFFFFCCE0]  }
0x90: {  	v2 =	vld [tilespmem:s0+$0xFFFFFEE0];
	[tilespmem:s0+$0xFFFFFED0] =	vst v1  }
0x91: {  	v1 =	vld [tilespmem:s10+$0xFFFFFFD0];
	_ =	sdelay $0x2  }
0x92: {  	v0 =	vmul.f32 $8.000000000e+00, v0  }
0x93: {  	v2 =	vmul.f32 $8.000000000e+00, v2  }
0x94: {  	v0 =	vadd.f32 v0, v1  }
0x95: {  	v1 =	vadd.f32 v2, v1  }
0x96: {  	[tilespmem:s0+$0xFFFFCCE0] =	vst v0;
	v0 =	vld [tilespmem:s0+$0xFFFFCCF0]  }
0x97: {  	v2 =	vld [tilespmem:s0+$0xFFFFFEF0];
	[tilespmem:s0+$0xFFFFFEE0] =	vst v1  }
0x98: {  	v1 =	vld [tilespmem:s10+$0xFFFFFFE0];
	_ =	sdelay $0x2  }
0x99: {  	v0 =	vmul.f32 $8.000000000e+00, v0  }
0x9a: {  	v2 =	vmul.f32 $8.000000000e+00, v2  }
0x9b: {  	v0 =	vadd.f32 v0, v1  }
0x9c: {  	v1 =	vadd.f32 v2, v1  }
0x9d: {  	[tilespmem:s0+$0xFFFFCCF0] =	vst v0;
	v0 =	vld [tilespmem:s0+$0xFFFFCD00]  }
0x9e: {  	v2 =	vld [tilespmem:s0+$0xFFFFFF00];
	[tilespmem:s0+$0xFFFFFEF0] =	vst v1  }
0x9f: {  	v1 =	vld [tilespmem:s10+$0xFFFFFFF0];
	_ =	sdelay $0x2  }
0xa0: {  	v0 =	vmul.f32 $8.000000000e+00, v0  }
0xa1: {  	v2 =	vmul.f32 $8.000000000e+00, v2  }
0xa2: {  	v0 =	vadd.f32 v0, v1  }
0xa3: {  	v1 =	vadd.f32 v2, v1  }
0xa4: {  	[tilespmem:s0+$0xFFFFCD00] =	vst v0;
	v0 =	vld [tilespmem:s0+$0xFFFFCD10]  }
0xa5: {  	v2 =	vld [tilespmem:s0+$0xFFFFFF10];
	[tilespmem:s0+$0xFFFFFF00] =	vst v1  }
0xa6: {  	v1 =	vld [tilespmem:s10+$0x0];
	_ =	sdelay $0x2  }
0xa7: {  	v0 =	vmul.f32 $8.000000000e+00, v0  }
0xa8: {  	v2 =	vmul.f32 $8.000000000e+00, v2  }
0xa9: {  	v0 =	vadd.f32 v0, v1  }
0xaa: {  	v1 =	vadd.f32 v2, v1  }
0xab: {  	[tilespmem:s0+$0xFFFFCD10] =	vst v0;
	v0 =	vld [tilespmem:s0+$0xFFFFCD20]  }
0xac: {  	v2 =	vld [tilespmem:s0+$0xFFFFFF20];
	[tilespmem:s0+$0xFFFFFF10] =	vst v1  }
0xad: {  	v1 =	vld [tilespmem:s10+$0x10];
	_ =	sdelay $0x2  }
0xae: {  	v0 =	vmul.f32 $8.000000000e+00, v0  }
0xaf: {  	v2 =	vmul.f32 $8.000000000e+00, v2  }
0xb0: {  	v0 =	vadd.f32 v0, v1  }
0xb1: {  	v1 =	vadd.f32 v2, v1  }
0xb2: {  	[tilespmem:s0+$0xFFFFCD20] =	vst v0;
	v0 =	vld [tilespmem:s0+$0xFFFFCD30]  }
0xb3: {  	v2 =	vld [tilespmem:s0+$0xFFFFFF30];
	[tilespmem:s0+$0xFFFFFF20] =	vst v1  }
0xb4: {  	v1 =	vld [tilespmem:s10+$0x20];
	_ =	sdelay $0x2  }
0xb5: {  	v0 =	vmul.f32 $8.000000000e+00, v0  }
0xb6: {  	v2 =	vmul.f32 $8.000000000e+00, v2  }
0xb7: {  	v0 =	vadd.f32 v0, v1  }
0xb8: {  	v1 =	vadd.f32 v2, v1  }
0xb9: {  	[tilespmem:s0+$0xFFFFCD30] =	vst v0;
	v0 =	vld [tilespmem:s0+$0xFFFFCD40]  }
0xba: {  	v2 =	vld [tilespmem:s0+$0xFFFFFF40];
	[tilespmem:s0+$0xFFFFFF30] =	vst v1  }
0xbb: {  	v1 =	vld [tilespmem:s10+$0x30];
	_ =	sdelay $0x2  }
0xbc: {  	v0 =	vmul.f32 $8.000000000e+00, v0  }
0xbd: {  	v2 =	vmul.f32 $8.000000000e+00, v2  }
0xbe: {  	v0 =	vadd.f32 v0, v1  }
0xbf: {  	v1 =	vadd.f32 v2, v1  }
0xc0: {  	[tilespmem:s0+$0xFFFFCD40] =	vst v0;
	v0 =	vld [tilespmem:s0+$0xFFFFCD50]  }
0xc1: {  	v2 =	vld [tilespmem:s0+$0xFFFFFF50];
	[tilespmem:s0+$0xFFFFFF40] =	vst v1  }
0xc2: {  	v1 =	vld [tilespmem:s10+$0x40];
	_ =	sdelay $0x2  }
0xc3: {  	v0 =	vmul.f32 $8.000000000e+00, v0  }
0xc4: {  	v2 =	vmul.f32 $8.000000000e+00, v2  }
0xc5: {  	v0 =	vadd.f32 v0, v1  }
0xc6: {  	v1 =	vadd.f32 v2, v1  }
0xc7: {  	[tilespmem:s0+$0xFFFFCD50] =	vst v0;
	v0 =	vld [tilespmem:s0+$0xFFFFCD60]  }
0xc8: {  	v2 =	vld [tilespmem:s0+$0xFFFFFF60];
	[tilespmem:s0+$0xFFFFFF50] =	vst v1  }
0xc9: {  	v1 =	vld [tilespmem:s10+$0x50];
	_ =	sdelay $0x2  }
0xca: {  	v0 =	vmul.f32 $8.000000000e+00, v0  }
0xcb: {  	v2 =	vmul.f32 $8.000000000e+00, v2  }
0xcc: {  	v0 =	vadd.f32 v0, v1  }
0xcd: {  	v1 =	vadd.f32 v2, v1  }
0xce: {  	[tilespmem:s0+$0xFFFFCD60] =	vst v0;
	v0 =	vld [tilespmem:s0+$0xFFFFCD70]  }
0xcf: {  	v2 =	vld [tilespmem:s0+$0xFFFFFF70];
	[tilespmem:s0+$0xFFFFFF60] =	vst v1  }
0xd0: {  	v1 =	vld [tilespmem:s10+$0x60];
	_ =	sdelay $0x2  }
0xd1: {  	v0 =	vmul.f32 $8.000000000e+00, v0  }
0xd2: {  	v2 =	vmul.f32 $8.000000000e+00, v2  }
0xd3: {  	v0 =	vadd.f32 v0, v1  }
0xd4: {  	v1 =	vadd.f32 v2, v1  }
0xd5: {  	[tilespmem:s0+$0xFFFFCD70] =	vst v0;
	v0 =	vld [tilespmem:s0+$0xFFFFCD80]  }
0xd6: {  	v2 =	vld [tilespmem:s0+$0xFFFFFF80];
	[tilespmem:s0+$0xFFFFFF70] =	vst v1  }
0xd7: {  	v1 =	vld [tilespmem:s10+$0x70];
	_ =	sdelay $0x2  }
0xd8: {  	v0 =	vmul.f32 $8.000000000e+00, v0  }
0xd9: {  	v2 =	vmul.f32 $8.000000000e+00, v2  }
0xda: {  	v0 =	vadd.f32 v0, v1  }
0xdb: {  	v1 =	vadd.f32 v2, v1  }
0xdc: {  	[tilespmem:s0+$0xFFFFCD80] =	vst v0;
	v0 =	vld [tilespmem:s0+$0xFFFFCD90]  }
0xdd: {  	v2 =	vld [tilespmem:s0+$0xFFFFFF90];
	[tilespmem:s0+$0xFFFFFF80] =	vst v1  }
0xde: {  	v1 =	vld [tilespmem:s10+$0x80];
	_ =	sdelay $0x2  }
0xdf: {  	v0 =	vmul.f32 $8.000000000e+00, v0  }
0xe0: {  	v2 =	vmul.f32 $8.000000000e+00, v2  }
0xe1: {  	v0 =	vadd.f32 v0, v1  }
0xe2: {  	v1 =	vadd.f32 v2, v1  }
0xe3: {  	[tilespmem:s0+$0xFFFFCD90] =	vst v0;
	v0 =	vld [tilespmem:s0+$0xFFFFCDA0]  }
0xe4: {  	v2 =	vld [tilespmem:s0+$0xFFFFFFA0];
	[tilespmem:s0+$0xFFFFFF90] =	vst v1  }
0xe5: {  	v1 =	vld [tilespmem:s10+$0x90];
	_ =	sdelay $0x2  }
0xe6: {  	v0 =	vmul.f32 $8.000000000e+00, v0  }
0xe7: {  	v2 =	vmul.f32 $8.000000000e+00, v2  }
0xe8: {  	v0 =	vadd.f32 v0, v1  }
0xe9: {  	v1 =	vadd.f32 v2, v1  }
0xea: {  	[tilespmem:s0+$0xFFFFCDA0] =	vst v0;
	v0 =	vld [tilespmem:s0+$0xFFFFCDB0]  }
0xeb: {  	v2 =	vld [tilespmem:s0+$0xFFFFFFB0];
	[tilespmem:s0+$0xFFFFFFA0] =	vst v1  }
0xec: {  	v1 =	vld [tilespmem:s10+$0xA0];
	_ =	sdelay $0x2  }
0xed: {  	v0 =	vmul.f32 $8.000000000e+00, v0  }
0xee: {  	v2 =	vmul.f32 $8.000000000e+00, v2  }
0xef: {  	v0 =	vadd.f32 v0, v1  }
0xf0: {  	v1 =	vadd.f32 v2, v1  }
0xf1: {  	[tilespmem:s0+$0xFFFFCDB0] =	vst v0;
	v0 =	vld [tilespmem:s0+$0xFFFFCDC0]  }
0xf2: {  	v2 =	vld [tilespmem:s0+$0xFFFFFFC0];
	[tilespmem:s0+$0xFFFFFFB0] =	vst v1  }
0xf3: {  	v1 =	vld [tilespmem:s10+$0xB0];
	_ =	sdelay $0x2  }
0xf4: {  	v0 =	vmul.f32 $8.000000000e+00, v0  }
0xf5: {  	v2 =	vmul.f32 $8.000000000e+00, v2  }
0xf6: {  	v4 =	vadd.f32 v0, v1  }
0xf7: {  	v3 =	vld [tilespmem:s0+$0xFFFFCDD0];
	v1 =	vadd.f32 v2, v1  }
0xf8: {  	v2 =	vld [tilespmem:s0+$0xFFFFFFD0];
	[tilespmem:s0+$0xFFFFCDC0] =	vst v4  }
0xf9: {  	[tilespmem:s0+$0xFFFFFFC0] =	vst v1  }
0xfa: {  	v1 =	vld [tilespmem:s10+$0xC0];
	_ =	sdelay $0x1  }
0xfb: {  	s14 =	simm.s32 $0xC9F0;
	s15 =	simm.s32 $0x6500;
	s16 =	simm.s32 $0x0;
	v3 =	vmul.f32 $8.000000000e+00, v3;
	v0 =	vld [tilespmem:s0+$0xFFFFFFF0]  }
.LBB2_3:
0xfc: {  	s16 =	sadd.s32 $0x8, s16;
	v2 =	vmul.f32 $8.000000000e+00, v2;
	s0 =	sadd.s32 $0x200, s0;
	s10 =	sadd.s32 $0x200, s10  }
0xfd: {  	v4 =	vld [tilespmem:s0+$0xFFFFFFF0];
	p0 =	slt.u32 s16, $0xC0  }
0xfe: {  	v3 =	vadd.f32 v3, v1;
	v1 =	vadd.f32 v2, v1  }
0xff: {  	v2 =	vld [tilespmem:s14+$0xFFFFCDE0]  }
0x100: {  	[tilespmem:s14+$0xFFFFCDD0] =	vst v3;
	v3 =	vld [tilespmem:s14+$0xFFFFFFE0]  }
0x101: {  	[tilespmem:s14+$0xFFFFFFD0] =	vst v1  }
0x102: {  	v1 =	vld [tilespmem:s15+$0xD0];
	_ =	sdelay $0x2  }
0x103: {  	v2 =	vmul.f32 $8.000000000e+00, v2;
	v3 =	vmul.f32 $8.000000000e+00, v3;
	_ =	sdelay $0x1  }
0x104: {  	v2 =	vadd.f32 v2, v1;
	v1 =	vadd.f32 v3, v1;
	_ =	sdelay $0x1  }
0x105: {  	[tilespmem:s14+$0xFFFFCDE0] =	vst v2;
	v2 =	vld [tilespmem:s14+$0xFFFFCDF0]  }
0x106: {  	[tilespmem:s14+$0xFFFFFFE0] =	vst v1  }
0x107: {  	v1 =	vld [tilespmem:s15+$0xE0];
	_ =	sdelay $0x2  }
0x108: {  	v3 =	vmul.f32 $8.000000000e+00, v0;
	v0 =	vmov v4;
	v2 =	vmul.f32 $8.000000000e+00, v2;
	_ =	sdelay $0x1  }
0x109: {  	v2 =	vadd.f32 v2, v1;
	v1 =	vadd.f32 v3, v1  }
0x10a: {  	v3 =	vld [tilespmem:s14+$0xFFFFCE00]  }
0x10b: {  	[tilespmem:s14+$0xFFFFCDF0] =	vst v2;
	v2 =	vld [tilespmem:s14+$0x0]  }
0x10c: {  	[tilespmem:s14+$0xFFFFFFF0] =	vst v1  }
0x10d: {  	v1 =	vld [tilespmem:s15+$0xF0];
	s15 =	smov.u32 s10;
	_ =	sdelay $0x2  }
0x10e: {  	v3 =	vmul.f32 $8.000000000e+00, v3;
	v2 =	vmul.f32 $8.000000000e+00, v2;
	_ =	sdelay $0x1  }
0x10f: {  	v3 =	vadd.f32 v3, v1;
	v1 =	vadd.f32 v2, v1  }
0x110: {  	v2 =	vld [tilespmem:s0+$0xFFFFFE10]  }
0x111: {  	v4 =	vld [tilespmem:s0+$0xFFFFCC10];
	[tilespmem:s14+$0xFFFFCE00] =	vst v3  }
0x112: {  	[tilespmem:s14+$0x0] =	vst v1;
	s14 =	smov.u32 s0  }
0x113: {  	v1 =	vld [tilespmem:s10+$0xFFFFFF00];
	_ =	sdelay $0x2  }
0x114: {  	v2 =	vmul.f32 $8.000000000e+00, v2;
	v3 =	vmul.f32 $8.000000000e+00, v4;
	_ =	sdelay $0x1  }
0x115: {  	v3 =	vadd.f32 v3, v1;
	v1 =	vadd.f32 v2, v1  }
0x116: {  	v2 =	vld [tilespmem:s0+$0xFFFFFE20]  }
0x117: {  	[tilespmem:s0+$0xFFFFCC10] =	vst v3;
	v3 =	vld [tilespmem:s0+$0xFFFFCC20]  }
0x118: {  	[tilespmem:s0+$0xFFFFFE10] =	vst v1  }
0x119: {  	v1 =	vld [tilespmem:s10+$0xFFFFFF10];
	_ =	sdelay $0x2  }
0x11a: {  	v2 =	vmul.f32 $8.000000000e+00, v2;
	v3 =	vmul.f32 $8.000000000e+00, v3;
	_ =	sdelay $0x1  }
0x11b: {  	v3 =	vadd.f32 v3, v1;
	v1 =	vadd.f32 v2, v1  }
0x11c: {  	v2 =	vld [tilespmem:s0+$0xFFFFFE30]  }
0x11d: {  	[tilespmem:s0+$0xFFFFCC20] =	vst v3;
	v3 =	vld [tilespmem:s0+$0xFFFFCC30]  }
0x11e: {  	[tilespmem:s0+$0xFFFFFE20] =	vst v1  }
0x11f: {  	v1 =	vld [tilespmem:s10+$0xFFFFFF20];
	_ =	sdelay $0x2  }
0x120: {  	v2 =	vmul.f32 $8.000000000e+00, v2;
	v3 =	vmul.f32 $8.000000000e+00, v3;
	_ =	sdelay $0x1  }
0x121: {  	v3 =	vadd.f32 v3, v1;
	v1 =	vadd.f32 v2, v1  }
0x122: {  	v2 =	vld [tilespmem:s0+$0xFFFFFE40]  }
0x123: {  	[tilespmem:s0+$0xFFFFCC30] =	vst v3;
	v3 =	vld [tilespmem:s0+$0xFFFFCC40]  }
0x124: {  	[tilespmem:s0+$0xFFFFFE30] =	vst v1  }
0x125: {  	v1 =	vld [tilespmem:s10+$0xFFFFFF30];
	_ =	sdelay $0x2  }
0x126: {  	v2 =	vmul.f32 $8.000000000e+00, v2;
	v3 =	vmul.f32 $8.000000000e+00, v3;
	_ =	sdelay $0x1  }
0x127: {  	v3 =	vadd.f32 v3, v1;
	v1 =	vadd.f32 v2, v1  }
0x128: {  	v2 =	vld [tilespmem:s0+$0xFFFFFE50]  }
0x129: {  	[tilespmem:s0+$0xFFFFCC40] =	vst v3;
	v3 =	vld [tilespmem:s0+$0xFFFFCC50]  }
0x12a: {  	[tilespmem:s0+$0xFFFFFE40] =	vst v1  }
0x12b: {  	v1 =	vld [tilespmem:s10+$0xFFFFFF40];
	_ =	sdelay $0x2  }
0x12c: {  	v2 =	vmul.f32 $8.000000000e+00, v2;
	v3 =	vmul.f32 $8.000000000e+00, v3;
	_ =	sdelay $0x1  }
0x12d: {  	v3 =	vadd.f32 v3, v1;
	v1 =	vadd.f32 v2, v1  }
0x12e: {  	v2 =	vld [tilespmem:s0+$0xFFFFFE60]  }
0x12f: {  	[tilespmem:s0+$0xFFFFCC50] =	vst v3;
	v3 =	vld [tilespmem:s0+$0xFFFFCC60]  }
0x130: {  	[tilespmem:s0+$0xFFFFFE50] =	vst v1  }
0x131: {  	v1 =	vld [tilespmem:s10+$0xFFFFFF50];
	_ =	sdelay $0x2  }
0x132: {  	v2 =	vmul.f32 $8.000000000e+00, v2;
	v3 =	vmul.f32 $8.000000000e+00, v3;
	_ =	sdelay $0x1  }
0x133: {  	v3 =	vadd.f32 v3, v1;
	v1 =	vadd.f32 v2, v1  }
0x134: {  	v2 =	vld [tilespmem:s0+$0xFFFFFE70]  }
0x135: {  	[tilespmem:s0+$0xFFFFCC60] =	vst v3;
	v3 =	vld [tilespmem:s0+$0xFFFFCC70]  }
0x136: {  	[tilespmem:s0+$0xFFFFFE60] =	vst v1  }
0x137: {  	v1 =	vld [tilespmem:s10+$0xFFFFFF60];
	_ =	sdelay $0x2  }
0x138: {  	v2 =	vmul.f32 $8.000000000e+00, v2;
	v3 =	vmul.f32 $8.000000000e+00, v3;
	_ =	sdelay $0x1  }
0x139: {  	v3 =	vadd.f32 v3, v1;
	v1 =	vadd.f32 v2, v1  }
0x13a: {  	v2 =	vld [tilespmem:s0+$0xFFFFFE80]  }
0x13b: {  	[tilespmem:s0+$0xFFFFCC70] =	vst v3;
	v3 =	vld [tilespmem:s0+$0xFFFFCC80]  }
0x13c: {  	[tilespmem:s0+$0xFFFFFE70] =	vst v1  }
0x13d: {  	v1 =	vld [tilespmem:s10+$0xFFFFFF70];
	_ =	sdelay $0x2  }
0x13e: {  	v2 =	vmul.f32 $8.000000000e+00, v2;
	v3 =	vmul.f32 $8.000000000e+00, v3;
	_ =	sdelay $0x1  }
0x13f: {  	v3 =	vadd.f32 v3, v1;
	v1 =	vadd.f32 v2, v1  }
0x140: {  	v2 =	vld [tilespmem:s0+$0xFFFFFE90]  }
0x141: {  	[tilespmem:s0+$0xFFFFCC80] =	vst v3;
	v3 =	vld [tilespmem:s0+$0xFFFFCC90]  }
0x142: {  	[tilespmem:s0+$0xFFFFFE80] =	vst v1  }
0x143: {  	v1 =	vld [tilespmem:s10+$0xFFFFFF80];
	_ =	sdelay $0x2  }
0x144: {  	v2 =	vmul.f32 $8.000000000e+00, v2;
	v3 =	vmul.f32 $8.000000000e+00, v3;
	_ =	sdelay $0x1  }
0x145: {  	v3 =	vadd.f32 v3, v1;
	v1 =	vadd.f32 v2, v1  }
0x146: {  	v2 =	vld [tilespmem:s0+$0xFFFFFEA0]  }
0x147: {  	[tilespmem:s0+$0xFFFFCC90] =	vst v3;
	v3 =	vld [tilespmem:s0+$0xFFFFCCA0]  }
0x148: {  	[tilespmem:s0+$0xFFFFFE90] =	vst v1  }
0x149: {  	v1 =	vld [tilespmem:s10+$0xFFFFFF90];
	_ =	sdelay $0x2  }
0x14a: {  	v2 =	vmul.f32 $8.000000000e+00, v2;
	v3 =	vmul.f32 $8.000000000e+00, v3;
	_ =	sdelay $0x1  }
0x14b: {  	v3 =	vadd.f32 v3, v1;
	v1 =	vadd.f32 v2, v1  }
0x14c: {  	v2 =	vld [tilespmem:s0+$0xFFFFFEB0]  }
0x14d: {  	[tilespmem:s0+$0xFFFFCCA0] =	vst v3;
	v3 =	vld [tilespmem:s0+$0xFFFFCCB0]  }
0x14e: {  	[tilespmem:s0+$0xFFFFFEA0] =	vst v1  }
0x14f: {  	v1 =	vld [tilespmem:s10+$0xFFFFFFA0];
	_ =	sdelay $0x2  }
0x150: {  	v2 =	vmul.f32 $8.000000000e+00, v2;
	v3 =	vmul.f32 $8.000000000e+00, v3;
	_ =	sdelay $0x1  }
0x151: {  	v3 =	vadd.f32 v3, v1;
	v1 =	vadd.f32 v2, v1  }
0x152: {  	v2 =	vld [tilespmem:s0+$0xFFFFFEC0]  }
0x153: {  	[tilespmem:s0+$0xFFFFCCB0] =	vst v3;
	v3 =	vld [tilespmem:s0+$0xFFFFCCC0]  }
0x154: {  	[tilespmem:s0+$0xFFFFFEB0] =	vst v1  }
0x155: {  	v1 =	vld [tilespmem:s10+$0xFFFFFFB0];
	_ =	sdelay $0x2  }
0x156: {  	v2 =	vmul.f32 $8.000000000e+00, v2;
	v3 =	vmul.f32 $8.000000000e+00, v3;
	_ =	sdelay $0x1  }
0x157: {  	v3 =	vadd.f32 v3, v1;
	v1 =	vadd.f32 v2, v1  }
0x158: {  	v2 =	vld [tilespmem:s0+$0xFFFFFED0]  }
0x159: {  	[tilespmem:s0+$0xFFFFCCC0] =	vst v3;
	v3 =	vld [tilespmem:s0+$0xFFFFCCD0]  }
0x15a: {  	[tilespmem:s0+$0xFFFFFEC0] =	vst v1  }
0x15b: {  	v1 =	vld [tilespmem:s10+$0xFFFFFFC0];
	_ =	sdelay $0x2  }
0x15c: {  	v2 =	vmul.f32 $8.000000000e+00, v2;
	v3 =	vmul.f32 $8.000000000e+00, v3;
	_ =	sdelay $0x1  }
0x15d: {  	v3 =	vadd.f32 v3, v1;
	v1 =	vadd.f32 v2, v1  }
0x15e: {  	v2 =	vld [tilespmem:s0+$0xFFFFFEE0]  }
0x15f: {  	[tilespmem:s0+$0xFFFFCCD0] =	vst v3;
	v3 =	vld [tilespmem:s0+$0xFFFFCCE0]  }
0x160: {  	[tilespmem:s0+$0xFFFFFED0] =	vst v1  }
0x161: {  	v1 =	vld [tilespmem:s10+$0xFFFFFFD0];
	_ =	sdelay $0x2  }
0x162: {  	v2 =	vmul.f32 $8.000000000e+00, v2;
	v3 =	vmul.f32 $8.000000000e+00, v3;
	_ =	sdelay $0x1  }
0x163: {  	v3 =	vadd.f32 v3, v1;
	v1 =	vadd.f32 v2, v1  }
0x164: {  	v2 =	vld [tilespmem:s0+$0xFFFFFEF0]  }
0x165: {  	[tilespmem:s0+$0xFFFFCCE0] =	vst v3;
	v3 =	vld [tilespmem:s0+$0xFFFFCCF0]  }
0x166: {  	[tilespmem:s0+$0xFFFFFEE0] =	vst v1  }
0x167: {  	v1 =	vld [tilespmem:s10+$0xFFFFFFE0];
	_ =	sdelay $0x2  }
0x168: {  	v2 =	vmul.f32 $8.000000000e+00, v2;
	v3 =	vmul.f32 $8.000000000e+00, v3;
	_ =	sdelay $0x1  }
0x169: {  	v3 =	vadd.f32 v3, v1;
	v1 =	vadd.f32 v2, v1  }
0x16a: {  	v2 =	vld [tilespmem:s0+$0xFFFFFF00]  }
0x16b: {  	[tilespmem:s0+$0xFFFFCCF0] =	vst v3;
	v3 =	vld [tilespmem:s0+$0xFFFFCD00]  }
0x16c: {  	[tilespmem:s0+$0xFFFFFEF0] =	vst v1  }
0x16d: {  	v1 =	vld [tilespmem:s10+$0xFFFFFFF0];
	_ =	sdelay $0x2  }
0x16e: {  	v2 =	vmul.f32 $8.000000000e+00, v2;
	v3 =	vmul.f32 $8.000000000e+00, v3;
	_ =	sdelay $0x1  }
0x16f: {  	v3 =	vadd.f32 v3, v1;
	v1 =	vadd.f32 v2, v1  }
0x170: {  	v2 =	vld [tilespmem:s0+$0xFFFFFF10]  }
0x171: {  	[tilespmem:s0+$0xFFFFCD00] =	vst v3;
	v3 =	vld [tilespmem:s0+$0xFFFFCD10]  }
0x172: {  	[tilespmem:s0+$0xFFFFFF00] =	vst v1  }
0x173: {  	v1 =	vld [tilespmem:s10+$0x0];
	_ =	sdelay $0x2  }
0x174: {  	v2 =	vmul.f32 $8.000000000e+00, v2;
	v3 =	vmul.f32 $8.000000000e+00, v3;
	_ =	sdelay $0x1  }
0x175: {  	v3 =	vadd.f32 v3, v1;
	v1 =	vadd.f32 v2, v1  }
0x176: {  	v2 =	vld [tilespmem:s0+$0xFFFFFF20]  }
0x177: {  	[tilespmem:s0+$0xFFFFCD10] =	vst v3;
	v3 =	vld [tilespmem:s0+$0xFFFFCD20]  }
0x178: {  	[tilespmem:s0+$0xFFFFFF10] =	vst v1  }
0x179: {  	v1 =	vld [tilespmem:s10+$0x10];
	_ =	sdelay $0x2  }
0x17a: {  	v2 =	vmul.f32 $8.000000000e+00, v2;
	v3 =	vmul.f32 $8.000000000e+00, v3;
	_ =	sdelay $0x1  }
0x17b: {  	v3 =	vadd.f32 v3, v1;
	v1 =	vadd.f32 v2, v1  }
0x17c: {  	v2 =	vld [tilespmem:s0+$0xFFFFFF30]  }
0x17d: {  	[tilespmem:s0+$0xFFFFCD20] =	vst v3;
	v3 =	vld [tilespmem:s0+$0xFFFFCD30]  }
0x17e: {  	[tilespmem:s0+$0xFFFFFF20] =	vst v1  }
0x17f: {  	v1 =	vld [tilespmem:s10+$0x20];
	_ =	sdelay $0x2  }
0x180: {  	v2 =	vmul.f32 $8.000000000e+00, v2;
	v3 =	vmul.f32 $8.000000000e+00, v3;
	_ =	sdelay $0x1  }
0x181: {  	v3 =	vadd.f32 v3, v1;
	v1 =	vadd.f32 v2, v1  }
0x182: {  	v2 =	vld [tilespmem:s0+$0xFFFFFF40]  }
0x183: {  	[tilespmem:s0+$0xFFFFCD30] =	vst v3;
	v3 =	vld [tilespmem:s0+$0xFFFFCD40]  }
0x184: {  	[tilespmem:s0+$0xFFFFFF30] =	vst v1  }
0x185: {  	v1 =	vld [tilespmem:s10+$0x30];
	_ =	sdelay $0x2  }
0x186: {  	v2 =	vmul.f32 $8.000000000e+00, v2;
	v3 =	vmul.f32 $8.000000000e+00, v3;
	_ =	sdelay $0x1  }
0x187: {  	v3 =	vadd.f32 v3, v1;
	v1 =	vadd.f32 v2, v1  }
0x188: {  	v2 =	vld [tilespmem:s0+$0xFFFFFF50]  }
0x189: {  	[tilespmem:s0+$0xFFFFCD40] =	vst v3;
	v3 =	vld [tilespmem:s0+$0xFFFFCD50]  }
0x18a: {  	[tilespmem:s0+$0xFFFFFF40] =	vst v1  }
0x18b: {  	v1 =	vld [tilespmem:s10+$0x40];
	_ =	sdelay $0x2  }
0x18c: {  	v2 =	vmul.f32 $8.000000000e+00, v2;
	v3 =	vmul.f32 $8.000000000e+00, v3;
	_ =	sdelay $0x1  }
0x18d: {  	v3 =	vadd.f32 v3, v1;
	v1 =	vadd.f32 v2, v1  }
0x18e: {  	v2 =	vld [tilespmem:s0+$0xFFFFFF60]  }
0x18f: {  	[tilespmem:s0+$0xFFFFCD50] =	vst v3;
	v3 =	vld [tilespmem:s0+$0xFFFFCD60]  }
0x190: {  	[tilespmem:s0+$0xFFFFFF50] =	vst v1  }
0x191: {  	v1 =	vld [tilespmem:s10+$0x50];
	_ =	sdelay $0x2  }
0x192: {  	v2 =	vmul.f32 $8.000000000e+00, v2;
	v3 =	vmul.f32 $8.000000000e+00, v3;
	_ =	sdelay $0x1  }
0x193: {  	v3 =	vadd.f32 v3, v1;
	v1 =	vadd.f32 v2, v1  }
0x194: {  	v2 =	vld [tilespmem:s0+$0xFFFFFF70]  }
0x195: {  	[tilespmem:s0+$0xFFFFCD60] =	vst v3;
	v3 =	vld [tilespmem:s0+$0xFFFFCD70]  }
0x196: {  	[tilespmem:s0+$0xFFFFFF60] =	vst v1  }
0x197: {  	v1 =	vld [tilespmem:s10+$0x60];
	_ =	sdelay $0x2  }
0x198: {  	v2 =	vmul.f32 $8.000000000e+00, v2;
	v3 =	vmul.f32 $8.000000000e+00, v3;
	_ =	sdelay $0x1  }
0x199: {  	v3 =	vadd.f32 v3, v1;
	v1 =	vadd.f32 v2, v1  }
0x19a: {  	v2 =	vld [tilespmem:s0+$0xFFFFFF80]  }
0x19b: {  	[tilespmem:s0+$0xFFFFCD70] =	vst v3;
	v3 =	vld [tilespmem:s0+$0xFFFFCD80]  }
0x19c: {  	[tilespmem:s0+$0xFFFFFF70] =	vst v1  }
0x19d: {  	v1 =	vld [tilespmem:s10+$0x70];
	_ =	sdelay $0x2  }
0x19e: {  	v2 =	vmul.f32 $8.000000000e+00, v2;
	v3 =	vmul.f32 $8.000000000e+00, v3;
	_ =	sdelay $0x1  }
0x19f: {  	v3 =	vadd.f32 v3, v1;
	v1 =	vadd.f32 v2, v1  }
0x1a0: {  	v2 =	vld [tilespmem:s0+$0xFFFFFF90]  }
0x1a1: {  	[tilespmem:s0+$0xFFFFCD80] =	vst v3;
	v3 =	vld [tilespmem:s0+$0xFFFFCD90]  }
0x1a2: {  	[tilespmem:s0+$0xFFFFFF80] =	vst v1  }
0x1a3: {  	v1 =	vld [tilespmem:s10+$0x80];
	_ =	sdelay $0x2  }
0x1a4: {  	v2 =	vmul.f32 $8.000000000e+00, v2;
	v3 =	vmul.f32 $8.000000000e+00, v3;
	_ =	sdelay $0x1  }
0x1a5: {  	v3 =	vadd.f32 v3, v1;
	v1 =	vadd.f32 v2, v1  }
0x1a6: {  	v2 =	vld [tilespmem:s0+$0xFFFFFFA0]  }
0x1a7: {  	[tilespmem:s0+$0xFFFFCD90] =	vst v3;
	v3 =	vld [tilespmem:s0+$0xFFFFCDA0]  }
0x1a8: {  	[tilespmem:s0+$0xFFFFFF90] =	vst v1  }
0x1a9: {  	v1 =	vld [tilespmem:s10+$0x90];
	_ =	sdelay $0x2  }
0x1aa: {  	v2 =	vmul.f32 $8.000000000e+00, v2;
	v3 =	vmul.f32 $8.000000000e+00, v3;
	_ =	sdelay $0x1  }
0x1ab: {  	v3 =	vadd.f32 v3, v1;
	v1 =	vadd.f32 v2, v1  }
0x1ac: {  	v2 =	vld [tilespmem:s0+$0xFFFFFFB0]  }
0x1ad: {  	[tilespmem:s0+$0xFFFFCDA0] =	vst v3;
	v3 =	vld [tilespmem:s0+$0xFFFFCDB0]  }
0x1ae: {  	[tilespmem:s0+$0xFFFFFFA0] =	vst v1  }
0x1af: {  	v1 =	vld [tilespmem:s10+$0xA0];
	_ =	sdelay $0x2  }
0x1b0: {  	v2 =	vmul.f32 $8.000000000e+00, v2;
	v3 =	vmul.f32 $8.000000000e+00, v3;
	_ =	sdelay $0x1  }
0x1b1: {  	v3 =	vadd.f32 v3, v1;
	v1 =	vadd.f32 v2, v1  }
0x1b2: {  	v2 =	vld [tilespmem:s0+$0xFFFFFFC0]  }
0x1b3: {  	[tilespmem:s0+$0xFFFFCDB0] =	vst v3;
	v3 =	vld [tilespmem:s0+$0xFFFFCDC0]  }
0x1b4: {  	[tilespmem:s0+$0xFFFFFFB0] =	vst v1  }
0x1b5: {  	v1 =	vld [tilespmem:s10+$0xB0];
	_ =	sdelay $0x2  }
0x1b6: {  	v2 =	vmul.f32 $8.000000000e+00, v2;
	v3 =	vmul.f32 $8.000000000e+00, v3;
	_ =	sdelay $0x1  }
0x1b7: {  	v3 =	vadd.f32 v3, v1;
	v1 =	vadd.f32 v2, v1  }
0x1b8: {  	v4 =	vld [tilespmem:s0+$0xFFFFCDD0]  }
.Ltmp0:
0x1b9: {  	[tilespmem:s0+$0xFFFFCDC0] =	vst v3;
	v2 =	vld [tilespmem:s0+$0xFFFFFFD0];
	(pc) =	sbr.rel @p0 .LBB2_3-.Ltmp0, $3  }
0x1ba: {  	[tilespmem:s0+$0xFFFFFFC0] =	vst v1  }
0x1bb: {  	v1 =	vld [tilespmem:s10+$0xC0];
	_ =	sdelay $0x1  }
0x1bc: {  	v3 =	vmul.f32 $8.000000000e+00, v4  }
0x1bd: {  	_ = 	snop  }
0x1be: {  	v2 =	vmul.f32 $8.000000000e+00, v2  }
0x1bf: {  	v3 =	vadd.f32 v3, v1  }
0x1c0: {  	v1 =	vadd.f32 v2, v1  }
0x1c1: {  	v2 =	vld [tilespmem:s14+$0xFFFFCDE0];
	[tilespmem:s14+$0xFFFFCDD0] =	vst v3  }
0x1c2: {  	v3 =	vld [tilespmem:s14+$0xFFFFFFE0];
	[tilespmem:s14+$0xFFFFFFD0] =	vst v1  }
0x1c3: {  	v1 =	vld [tilespmem:s15+$0xD0];
	_ =	sdelay $0x2  }
0x1c4: {  	v2 =	vmul.f32 $8.000000000e+00, v2  }
0x1c5: {  	v3 =	vmul.f32 $8.000000000e+00, v3  }
0x1c6: {  	v2 =	vadd.f32 v2, v1  }
0x1c7: {  	v1 =	vadd.f32 v3, v1  }
0x1c8: {  	[tilespmem:s14+$0xFFFFCDE0] =	vst v2;
	v2 =	vld [tilespmem:s14+$0xFFFFCDF0]  }
0x1c9: {  	[tilespmem:s14+$0xFFFFFFE0] =	vst v1  }
0x1ca: {  	v1 =	vld [tilespmem:s15+$0xE0];
	_ =	sdelay $0x2  }
0x1cb: {  	v2 =	vmul.f32 $8.000000000e+00, v2  }
0x1cc: {  	v0 =	vmul.f32 $8.000000000e+00, v0  }
0x1cd: {  	v2 =	vadd.f32 v2, v1  }
0x1ce: {  	v0 =	vadd.f32 v0, v1  }
0x1cf: {  	v1 =	vld [tilespmem:s14+$0xFFFFCE00];
	[tilespmem:s14+$0xFFFFCDF0] =	vst v2  }
0x1d0: {  	v2 =	vld [tilespmem:s14+$0x0];
	[tilespmem:s14+$0xFFFFFFF0] =	vst v0  }
0x1d1: {  	v0 =	vld [tilespmem:s15+$0xF0];
	_ =	sdelay $0x2  }
0x1d2: {  	v1 =	vmul.f32 $8.000000000e+00, v1  }
0x1d3: {  	v2 =	vmul.f32 $8.000000000e+00, v2  }
0x1d4: {  	s0 =	sadd.s32 s3, s1;
	v1 =	vadd.f32 v1, v0  }
0x1d5: {  	s0 =	smul.u32 $0x640, s0;
	v0 =	vadd.f32 v2, v0  }
0x1d6: {  	[tilespmem:s14+$0xFFFFCE00] =	vst v1  }
0x1d7: {  	s0 =	sadd.s32 s2, s0;
	[tilespmem:s14+$0x0] =	vst v0  }
0x1d8: {  	[hbm4b:s0+s4] =	stream.linear.scatter [tilespmem:s12], [sflag:$0x3], $0x6400, $0x38;
	[tilespmem:$0x15E00] =	vst v63  }
0x1d9: {  	_ =	swait.ge [sflag:s24], $0x2000  }
0x1da: {  	[sflag:s24] =	ssyncset.done $0x0  }
0x1db: {  	[sflag:s24] =	ssyncadd.s32 $0xFFFFE000  }
0x1dc: {  	_ =	swait.ge [sflag:s24], $0x1200  }
0x1dd: {  	[sflag:s24] =	ssyncset.done $0x0  }
0x1de: {  	[sflag:s24] =	ssyncadd.s32 $0xFFFFEE00  }
0x1df: {  	_ =	swait.ge [sflag:s24], $0x2000  }
0x1e0: {  	[sflag:s24] =	ssyncset.done $0x0  }
0x1e1: {  	[sflag:s24] =	ssyncadd.s32 $0xFFFFE000  }
0x1e2: {  	_ =	swait.ge [sflag:s24], $0x1200  }
0x1e3: {  	[sflag:s24] =	ssyncset.done $0x0  }
0x1e4: {  	s0 =	simm.s32 $0x12DF0;
	[sflag:s24] =	ssyncadd.s32 $0xFFFFEE00  }
0x1e5: {  	v0 =	vld [tilespmem:s0+$0xFFFFCC10]  }
0x1e6: {  	s1 =	simm.s32 $0x6500;
	v1 =	vld [tilespmem:s0+$0xFFFFFE10]  }
0x1e7: {  	v2 =	vld [tilespmem:s1+$0xFFFFFF00];
	_ =	sdelay $0x2  }
0x1e8: {  	v0 =	vmul.f32 $8.000000000e+00, v0  }
0x1e9: {  	v1 =	vmul.f32 $8.000000000e+00, v1  }
0x1ea: {  	v0 =	vadd.f32 v0, v2  }
0x1eb: {  	v1 =	vadd.f32 v1, v2  }
0x1ec: {  	[tilespmem:s0+$0xFFFFCC10] =	vst v0;
	v0 =	vld [tilespmem:s0+$0xFFFFCC20]  }
0x1ed: {  	v2 =	vld [tilespmem:s0+$0xFFFFFE20];
	[tilespmem:s0+$0xFFFFFE10] =	vst v1  }
0x1ee: {  	v1 =	vld [tilespmem:s1+$0xFFFFFF10];
	_ =	sdelay $0x2  }
0x1ef: {  	v0 =	vmul.f32 $8.000000000e+00, v0  }
0x1f0: {  	v2 =	vmul.f32 $8.000000000e+00, v2  }
0x1f1: {  	v0 =	vadd.f32 v0, v1  }
0x1f2: {  	v1 =	vadd.f32 v2, v1  }
0x1f3: {  	[tilespmem:s0+$0xFFFFCC20] =	vst v0;
	v0 =	vld [tilespmem:s0+$0xFFFFCC30]  }
0x1f4: {  	v2 =	vld [tilespmem:s0+$0xFFFFFE30];
	[tilespmem:s0+$0xFFFFFE20] =	vst v1  }
0x1f5: {  	v1 =	vld [tilespmem:s1+$0xFFFFFF20];
	_ =	sdelay $0x2  }
0x1f6: {  	v0 =	vmul.f32 $8.000000000e+00, v0  }
0x1f7: {  	v2 =	vmul.f32 $8.000000000e+00, v2  }
0x1f8: {  	v0 =	vadd.f32 v0, v1  }
0x1f9: {  	v1 =	vadd.f32 v2, v1  }
0x1fa: {  	[tilespmem:s0+$0xFFFFCC30] =	vst v0;
	v0 =	vld [tilespmem:s0+$0xFFFFCC40]  }
0x1fb: {  	v2 =	vld [tilespmem:s0+$0xFFFFFE40];
	[tilespmem:s0+$0xFFFFFE30] =	vst v1  }
0x1fc: {  	v1 =	vld [tilespmem:s1+$0xFFFFFF30];
	_ =	sdelay $0x2  }
0x1fd: {  	v0 =	vmul.f32 $8.000000000e+00, v0  }
0x1fe: {  	v2 =	vmul.f32 $8.000000000e+00, v2  }
0x1ff: {  	v0 =	vadd.f32 v0, v1  }
0x200: {  	v1 =	vadd.f32 v2, v1  }
0x201: {  	[tilespmem:s0+$0xFFFFCC40] =	vst v0;
	v0 =	vld [tilespmem:s0+$0xFFFFCC50]  }
0x202: {  	v2 =	vld [tilespmem:s0+$0xFFFFFE50];
	[tilespmem:s0+$0xFFFFFE40] =	vst v1  }
0x203: {  	v1 =	vld [tilespmem:s1+$0xFFFFFF40];
	_ =	sdelay $0x2  }
0x204: {  	v0 =	vmul.f32 $8.000000000e+00, v0  }
0x205: {  	v2 =	vmul.f32 $8.000000000e+00, v2  }
0x206: {  	v0 =	vadd.f32 v0, v1  }
0x207: {  	v1 =	vadd.f32 v2, v1  }
0x208: {  	[tilespmem:s0+$0xFFFFCC50] =	vst v0;
	v0 =	vld [tilespmem:s0+$0xFFFFCC60]  }
0x209: {  	v2 =	vld [tilespmem:s0+$0xFFFFFE60];
	[tilespmem:s0+$0xFFFFFE50] =	vst v1  }
0x20a: {  	v1 =	vld [tilespmem:s1+$0xFFFFFF50];
	_ =	sdelay $0x2  }
0x20b: {  	v0 =	vmul.f32 $8.000000000e+00, v0  }
0x20c: {  	v2 =	vmul.f32 $8.000000000e+00, v2  }
0x20d: {  	v0 =	vadd.f32 v0, v1  }
0x20e: {  	v1 =	vadd.f32 v2, v1  }
0x20f: {  	[tilespmem:s0+$0xFFFFCC60] =	vst v0;
	v0 =	vld [tilespmem:s0+$0xFFFFCC70]  }
0x210: {  	v2 =	vld [tilespmem:s0+$0xFFFFFE70];
	[tilespmem:s0+$0xFFFFFE60] =	vst v1  }
0x211: {  	v1 =	vld [tilespmem:s1+$0xFFFFFF60];
	_ =	sdelay $0x2  }
0x212: {  	v0 =	vmul.f32 $8.000000000e+00, v0  }
0x213: {  	v2 =	vmul.f32 $8.000000000e+00, v2  }
0x214: {  	v0 =	vadd.f32 v0, v1  }
0x215: {  	v1 =	vadd.f32 v2, v1  }
0x216: {  	[tilespmem:s0+$0xFFFFCC70] =	vst v0;
	v0 =	vld [tilespmem:s0+$0xFFFFCC80]  }
0x217: {  	v2 =	vld [tilespmem:s0+$0xFFFFFE80];
	[tilespmem:s0+$0xFFFFFE70] =	vst v1  }
0x218: {  	v1 =	vld [tilespmem:s1+$0xFFFFFF70];
	_ =	sdelay $0x2  }
0x219: {  	v0 =	vmul.f32 $8.000000000e+00, v0  }
0x21a: {  	v2 =	vmul.f32 $8.000000000e+00, v2  }
0x21b: {  	v0 =	vadd.f32 v0, v1  }
0x21c: {  	v1 =	vadd.f32 v2, v1  }
0x21d: {  	[tilespmem:s0+$0xFFFFCC80] =	vst v0;
	v0 =	vld [tilespmem:s0+$0xFFFFCC90]  }
0x21e: {  	v2 =	vld [tilespmem:s0+$0xFFFFFE90];
	[tilespmem:s0+$0xFFFFFE80] =	vst v1  }
0x21f: {  	v1 =	vld [tilespmem:s1+$0xFFFFFF80];
	_ =	sdelay $0x2  }
0x220: {  	v0 =	vmul.f32 $8.000000000e+00, v0  }
0x221: {  	v2 =	vmul.f32 $8.000000000e+00, v2  }
0x222: {  	v0 =	vadd.f32 v0, v1  }
0x223: {  	v1 =	vadd.f32 v2, v1  }
0x224: {  	[tilespmem:s0+$0xFFFFCC90] =	vst v0;
	v0 =	vld [tilespmem:s0+$0xFFFFCCA0]  }
0x225: {  	v2 =	vld [tilespmem:s0+$0xFFFFFEA0];
	[tilespmem:s0+$0xFFFFFE90] =	vst v1  }
0x226: {  	v1 =	vld [tilespmem:s1+$0xFFFFFF90];
	_ =	sdelay $0x2  }
0x227: {  	v0 =	vmul.f32 $8.000000000e+00, v0  }
0x228: {  	v2 =	vmul.f32 $8.000000000e+00, v2  }
0x229: {  	v0 =	vadd.f32 v0, v1  }
0x22a: {  	v1 =	vadd.f32 v2, v1  }
0x22b: {  	[tilespmem:s0+$0xFFFFCCA0] =	vst v0;
	v0 =	vld [tilespmem:s0+$0xFFFFCCB0]  }
0x22c: {  	v2 =	vld [tilespmem:s0+$0xFFFFFEB0];
	[tilespmem:s0+$0xFFFFFEA0] =	vst v1  }
0x22d: {  	v1 =	vld [tilespmem:s1+$0xFFFFFFA0];
	_ =	sdelay $0x2  }
0x22e: {  	v0 =	vmul.f32 $8.000000000e+00, v0  }
0x22f: {  	v2 =	vmul.f32 $8.000000000e+00, v2  }
0x230: {  	v0 =	vadd.f32 v0, v1  }
0x231: {  	v1 =	vadd.f32 v2, v1  }
0x232: {  	[tilespmem:s0+$0xFFFFCCB0] =	vst v0;
	v0 =	vld [tilespmem:s0+$0xFFFFCCC0]  }
0x233: {  	v2 =	vld [tilespmem:s0+$0xFFFFFEC0];
	[tilespmem:s0+$0xFFFFFEB0] =	vst v1  }
0x234: {  	v1 =	vld [tilespmem:s1+$0xFFFFFFB0];
	_ =	sdelay $0x2  }
0x235: {  	v0 =	vmul.f32 $8.000000000e+00, v0  }
0x236: {  	v2 =	vmul.f32 $8.000000000e+00, v2  }
0x237: {  	v0 =	vadd.f32 v0, v1  }
0x238: {  	v1 =	vadd.f32 v2, v1  }
0x239: {  	[tilespmem:s0+$0xFFFFCCC0] =	vst v0;
	v0 =	vld [tilespmem:s0+$0xFFFFCCD0]  }
0x23a: {  	v2 =	vld [tilespmem:s0+$0xFFFFFED0];
	[tilespmem:s0+$0xFFFFFEC0] =	vst v1  }
0x23b: {  	v1 =	vld [tilespmem:s1+$0xFFFFFFC0];
	_ =	sdelay $0x2  }
0x23c: {  	v0 =	vmul.f32 $8.000000000e+00, v0  }
0x23d: {  	v2 =	vmul.f32 $8.000000000e+00, v2  }
0x23e: {  	v0 =	vadd.f32 v0, v1  }
0x23f: {  	v1 =	vadd.f32 v2, v1  }
0x240: {  	[tilespmem:s0+$0xFFFFCCD0] =	vst v0;
	v0 =	vld [tilespmem:s0+$0xFFFFCCE0]  }
0x241: {  	v2 =	vld [tilespmem:s0+$0xFFFFFEE0];
	[tilespmem:s0+$0xFFFFFED0] =	vst v1  }
0x242: {  	v1 =	vld [tilespmem:s1+$0xFFFFFFD0];
	_ =	sdelay $0x2  }
0x243: {  	v0 =	vmul.f32 $8.000000000e+00, v0  }
0x244: {  	v2 =	vmul.f32 $8.000000000e+00, v2  }
0x245: {  	v0 =	vadd.f32 v0, v1  }
0x246: {  	v1 =	vadd.f32 v2, v1  }
0x247: {  	[tilespmem:s0+$0xFFFFCCE0] =	vst v0;
	v0 =	vld [tilespmem:s0+$0xFFFFCCF0]  }
0x248: {  	v2 =	vld [tilespmem:s0+$0xFFFFFEF0];
	[tilespmem:s0+$0xFFFFFEE0] =	vst v1  }
0x249: {  	v1 =	vld [tilespmem:s1+$0xFFFFFFE0];
	_ =	sdelay $0x2  }
0x24a: {  	v0 =	vmul.f32 $8.000000000e+00, v0  }
0x24b: {  	v2 =	vmul.f32 $8.000000000e+00, v2  }
0x24c: {  	v0 =	vadd.f32 v0, v1  }
0x24d: {  	v1 =	vadd.f32 v2, v1  }
0x24e: {  	[tilespmem:s0+$0xFFFFCCF0] =	vst v0;
	v0 =	vld [tilespmem:s0+$0xFFFFCD00]  }
0x24f: {  	v2 =	vld [tilespmem:s0+$0xFFFFFF00];
	[tilespmem:s0+$0xFFFFFEF0] =	vst v1  }
0x250: {  	v1 =	vld [tilespmem:s1+$0xFFFFFFF0];
	_ =	sdelay $0x2  }
0x251: {  	v0 =	vmul.f32 $8.000000000e+00, v0  }
0x252: {  	v2 =	vmul.f32 $8.000000000e+00, v2  }
0x253: {  	v0 =	vadd.f32 v0, v1  }
0x254: {  	v1 =	vadd.f32 v2, v1  }
0x255: {  	[tilespmem:s0+$0xFFFFCD00] =	vst v0;
	v0 =	vld [tilespmem:s0+$0xFFFFCD10]  }
0x256: {  	v2 =	vld [tilespmem:s0+$0xFFFFFF10];
	[tilespmem:s0+$0xFFFFFF00] =	vst v1  }
0x257: {  	v1 =	vld [tilespmem:s1+$0x0];
	_ =	sdelay $0x2  }
0x258: {  	v0 =	vmul.f32 $8.000000000e+00, v0  }
0x259: {  	v2 =	vmul.f32 $8.000000000e+00, v2  }
0x25a: {  	v0 =	vadd.f32 v0, v1  }
0x25b: {  	v1 =	vadd.f32 v2, v1  }
0x25c: {  	[tilespmem:s0+$0xFFFFCD10] =	vst v0;
	v0 =	vld [tilespmem:s0+$0xFFFFCD20]  }
0x25d: {  	v2 =	vld [tilespmem:s0+$0xFFFFFF20];
	[tilespmem:s0+$0xFFFFFF10] =	vst v1  }
0x25e: {  	v1 =	vld [tilespmem:s1+$0x10];
	_ =	sdelay $0x2  }
0x25f: {  	v0 =	vmul.f32 $8.000000000e+00, v0  }
0x260: {  	v2 =	vmul.f32 $8.000000000e+00, v2  }
0x261: {  	v0 =	vadd.f32 v0, v1  }
0x262: {  	v1 =	vadd.f32 v2, v1  }
0x263: {  	[tilespmem:s0+$0xFFFFCD20] =	vst v0;
	v0 =	vld [tilespmem:s0+$0xFFFFCD30]  }
0x264: {  	v2 =	vld [tilespmem:s0+$0xFFFFFF30];
	[tilespmem:s0+$0xFFFFFF20] =	vst v1  }
0x265: {  	v1 =	vld [tilespmem:s1+$0x20];
	_ =	sdelay $0x2  }
0x266: {  	v0 =	vmul.f32 $8.000000000e+00, v0  }
0x267: {  	v2 =	vmul.f32 $8.000000000e+00, v2  }
0x268: {  	v0 =	vadd.f32 v0, v1  }
0x269: {  	v1 =	vadd.f32 v2, v1  }
0x26a: {  	[tilespmem:s0+$0xFFFFCD30] =	vst v0;
	v0 =	vld [tilespmem:s0+$0xFFFFCD40]  }
0x26b: {  	v2 =	vld [tilespmem:s0+$0xFFFFFF40];
	[tilespmem:s0+$0xFFFFFF30] =	vst v1  }
0x26c: {  	v1 =	vld [tilespmem:s1+$0x30];
	_ =	sdelay $0x2  }
0x26d: {  	v0 =	vmul.f32 $8.000000000e+00, v0  }
0x26e: {  	v2 =	vmul.f32 $8.000000000e+00, v2  }
0x26f: {  	v0 =	vadd.f32 v0, v1  }
0x270: {  	v1 =	vadd.f32 v2, v1  }
0x271: {  	[tilespmem:s0+$0xFFFFCD40] =	vst v0;
	v0 =	vld [tilespmem:s0+$0xFFFFCD50]  }
0x272: {  	v2 =	vld [tilespmem:s0+$0xFFFFFF50];
	[tilespmem:s0+$0xFFFFFF40] =	vst v1  }
0x273: {  	v1 =	vld [tilespmem:s1+$0x40];
	_ =	sdelay $0x2  }
0x274: {  	v0 =	vmul.f32 $8.000000000e+00, v0  }
0x275: {  	v2 =	vmul.f32 $8.000000000e+00, v2  }
0x276: {  	v0 =	vadd.f32 v0, v1  }
0x277: {  	v1 =	vadd.f32 v2, v1  }
0x278: {  	[tilespmem:s0+$0xFFFFCD50] =	vst v0;
	v0 =	vld [tilespmem:s0+$0xFFFFCD60]  }
0x279: {  	v2 =	vld [tilespmem:s0+$0xFFFFFF60];
	[tilespmem:s0+$0xFFFFFF50] =	vst v1  }
0x27a: {  	v1 =	vld [tilespmem:s1+$0x50];
	_ =	sdelay $0x2  }
0x27b: {  	v0 =	vmul.f32 $8.000000000e+00, v0  }
0x27c: {  	v2 =	vmul.f32 $8.000000000e+00, v2  }
0x27d: {  	v0 =	vadd.f32 v0, v1  }
0x27e: {  	v1 =	vadd.f32 v2, v1  }
0x27f: {  	[tilespmem:s0+$0xFFFFCD60] =	vst v0;
	v0 =	vld [tilespmem:s0+$0xFFFFCD70]  }
0x280: {  	v2 =	vld [tilespmem:s0+$0xFFFFFF70];
	[tilespmem:s0+$0xFFFFFF60] =	vst v1  }
0x281: {  	v1 =	vld [tilespmem:s1+$0x60];
	_ =	sdelay $0x2  }
0x282: {  	v0 =	vmul.f32 $8.000000000e+00, v0  }
0x283: {  	v2 =	vmul.f32 $8.000000000e+00, v2  }
0x284: {  	v0 =	vadd.f32 v0, v1  }
0x285: {  	v1 =	vadd.f32 v2, v1  }
0x286: {  	[tilespmem:s0+$0xFFFFCD70] =	vst v0;
	v0 =	vld [tilespmem:s0+$0xFFFFCD80]  }
0x287: {  	v2 =	vld [tilespmem:s0+$0xFFFFFF80];
	[tilespmem:s0+$0xFFFFFF70] =	vst v1  }
0x288: {  	v1 =	vld [tilespmem:s1+$0x70];
	_ =	sdelay $0x2  }
0x289: {  	v0 =	vmul.f32 $8.000000000e+00, v0  }
0x28a: {  	v2 =	vmul.f32 $8.000000000e+00, v2  }
0x28b: {  	v0 =	vadd.f32 v0, v1  }
0x28c: {  	v1 =	vadd.f32 v2, v1  }
0x28d: {  	[tilespmem:s0+$0xFFFFCD80] =	vst v0;
	v0 =	vld [tilespmem:s0+$0xFFFFCD90]  }
0x28e: {  	v2 =	vld [tilespmem:s0+$0xFFFFFF90];
	[tilespmem:s0+$0xFFFFFF80] =	vst v1  }
0x28f: {  	v1 =	vld [tilespmem:s1+$0x80];
	_ =	sdelay $0x2  }
0x290: {  	v0 =	vmul.f32 $8.000000000e+00, v0  }
0x291: {  	v2 =	vmul.f32 $8.000000000e+00, v2  }
0x292: {  	v0 =	vadd.f32 v0, v1  }
0x293: {  	v1 =	vadd.f32 v2, v1  }
0x294: {  	[tilespmem:s0+$0xFFFFCD90] =	vst v0;
	v0 =	vld [tilespmem:s0+$0xFFFFCDA0]  }
0x295: {  	v2 =	vld [tilespmem:s0+$0xFFFFFFA0];
	[tilespmem:s0+$0xFFFFFF90] =	vst v1  }
0x296: {  	v1 =	vld [tilespmem:s1+$0x90];
	_ =	sdelay $0x2  }
0x297: {  	v0 =	vmul.f32 $8.000000000e+00, v0  }
0x298: {  	v2 =	vmul.f32 $8.000000000e+00, v2  }
0x299: {  	v0 =	vadd.f32 v0, v1  }
0x29a: {  	v1 =	vadd.f32 v2, v1  }
0x29b: {  	[tilespmem:s0+$0xFFFFCDA0] =	vst v0;
	v0 =	vld [tilespmem:s0+$0xFFFFCDB0]  }
0x29c: {  	v2 =	vld [tilespmem:s0+$0xFFFFFFB0];
	[tilespmem:s0+$0xFFFFFFA0] =	vst v1  }
0x29d: {  	v1 =	vld [tilespmem:s1+$0xA0];
	_ =	sdelay $0x2  }
0x29e: {  	v0 =	vmul.f32 $8.000000000e+00, v0  }
0x29f: {  	v2 =	vmul.f32 $8.000000000e+00, v2  }
0x2a0: {  	v0 =	vadd.f32 v0, v1  }
0x2a1: {  	v1 =	vadd.f32 v2, v1  }
0x2a2: {  	[tilespmem:s0+$0xFFFFCDB0] =	vst v0;
	v0 =	vld [tilespmem:s0+$0xFFFFCDC0]  }
0x2a3: {  	v2 =	vld [tilespmem:s0+$0xFFFFFFC0];
	[tilespmem:s0+$0xFFFFFFB0] =	vst v1  }
0x2a4: {  	v1 =	vld [tilespmem:s1+$0xB0];
	_ =	sdelay $0x2  }
0x2a5: {  	v0 =	vmul.f32 $8.000000000e+00, v0  }
0x2a6: {  	v2 =	vmul.f32 $8.000000000e+00, v2  }
0x2a7: {  	v4 =	vadd.f32 v0, v1  }
0x2a8: {  	v3 =	vld [tilespmem:s0+$0xFFFFCDD0];
	v1 =	vadd.f32 v2, v1  }
0x2a9: {  	v2 =	vld [tilespmem:s0+$0xFFFFFFD0];
	[tilespmem:s0+$0xFFFFCDC0] =	vst v4  }
0x2aa: {  	[tilespmem:s0+$0xFFFFFFC0] =	vst v1  }
0x2ab: {  	v1 =	vld [tilespmem:s1+$0xC0];
	_ =	sdelay $0x1  }
0x2ac: {  	s10 =	simm.s32 $0x12DF0;
	s15 =	simm.s32 $0x0;
	s14 =	simm.s32 $0x6500;
	v3 =	vmul.f32 $8.000000000e+00, v3;
	v0 =	vld [tilespmem:s0+$0xFFFFFFF0]  }
.LBB2_5:
0x2ad: {  	s15 =	sadd.s32 $0x8, s15;
	v2 =	vmul.f32 $8.000000000e+00, v2;
	s0 =	sadd.s32 $0x200, s0;
	s1 =	sadd.s32 $0x200, s1  }
0x2ae: {  	v4 =	vld [tilespmem:s0+$0xFFFFFFF0];
	p0 =	slt.u32 s15, $0xC0  }
0x2af: {  	v3 =	vadd.f32 v3, v1;
	v1 =	vadd.f32 v2, v1  }
0x2b0: {  	v2 =	vld [tilespmem:s10+$0xFFFFCDE0]  }
0x2b1: {  	[tilespmem:s10+$0xFFFFCDD0] =	vst v3;
	v3 =	vld [tilespmem:s10+$0xFFFFFFE0]  }
0x2b2: {  	[tilespmem:s10+$0xFFFFFFD0] =	vst v1  }
0x2b3: {  	v1 =	vld [tilespmem:s14+$0xD0];
	_ =	sdelay $0x2  }
0x2b4: {  	v2 =	vmul.f32 $8.000000000e+00, v2;
	v3 =	vmul.f32 $8.000000000e+00, v3;
	_ =	sdelay $0x1  }
0x2b5: {  	v2 =	vadd.f32 v2, v1;
	v1 =	vadd.f32 v3, v1;
	_ =	sdelay $0x1  }
0x2b6: {  	[tilespmem:s10+$0xFFFFCDE0] =	vst v2;
	v2 =	vld [tilespmem:s10+$0xFFFFCDF0]  }
0x2b7: {  	[tilespmem:s10+$0xFFFFFFE0] =	vst v1  }
0x2b8: {  	v1 =	vld [tilespmem:s14+$0xE0];
	_ =	sdelay $0x2  }
0x2b9: {  	v3 =	vmul.f32 $8.000000000e+00, v0;
	v0 =	vmov v4;
	v2 =	vmul.f32 $8.000000000e+00, v2;
	_ =	sdelay $0x1  }
0x2ba: {  	v2 =	vadd.f32 v2, v1;
	v1 =	vadd.f32 v3, v1  }
0x2bb: {  	v3 =	vld [tilespmem:s10+$0xFFFFCE00]  }
0x2bc: {  	[tilespmem:s10+$0xFFFFCDF0] =	vst v2;
	v2 =	vld [tilespmem:s10+$0x0]  }
0x2bd: {  	[tilespmem:s10+$0xFFFFFFF0] =	vst v1  }
0x2be: {  	v1 =	vld [tilespmem:s14+$0xF0];
	s14 =	smov.u32 s1;
	_ =	sdelay $0x2  }
0x2bf: {  	v3 =	vmul.f32 $8.000000000e+00, v3;
	v2 =	vmul.f32 $8.000000000e+00, v2;
	_ =	sdelay $0x1  }
0x2c0: {  	v3 =	vadd.f32 v3, v1;
	v1 =	vadd.f32 v2, v1  }
0x2c1: {  	v2 =	vld [tilespmem:s0+$0xFFFFFE10]  }
0x2c2: {  	v4 =	vld [tilespmem:s0+$0xFFFFCC10];
	[tilespmem:s10+$0xFFFFCE00] =	vst v3  }
0x2c3: {  	[tilespmem:s10+$0x0] =	vst v1;
	s10 =	smov.u32 s0  }
0x2c4: {  	v1 =	vld [tilespmem:s1+$0xFFFFFF00];
	_ =	sdelay $0x2  }
0x2c5: {  	v2 =	vmul.f32 $8.000000000e+00, v2;
	v3 =	vmul.f32 $8.000000000e+00, v4;
	_ =	sdelay $0x1  }
0x2c6: {  	v3 =	vadd.f32 v3, v1;
	v1 =	vadd.f32 v2, v1  }
0x2c7: {  	v2 =	vld [tilespmem:s0+$0xFFFFFE20]  }
0x2c8: {  	[tilespmem:s0+$0xFFFFCC10] =	vst v3;
	v3 =	vld [tilespmem:s0+$0xFFFFCC20]  }
0x2c9: {  	[tilespmem:s0+$0xFFFFFE10] =	vst v1  }
0x2ca: {  	v1 =	vld [tilespmem:s1+$0xFFFFFF10];
	_ =	sdelay $0x2  }
0x2cb: {  	v2 =	vmul.f32 $8.000000000e+00, v2;
	v3 =	vmul.f32 $8.000000000e+00, v3;
	_ =	sdelay $0x1  }
0x2cc: {  	v3 =	vadd.f32 v3, v1;
	v1 =	vadd.f32 v2, v1  }
0x2cd: {  	v2 =	vld [tilespmem:s0+$0xFFFFFE30]  }
0x2ce: {  	[tilespmem:s0+$0xFFFFCC20] =	vst v3;
	v3 =	vld [tilespmem:s0+$0xFFFFCC30]  }
0x2cf: {  	[tilespmem:s0+$0xFFFFFE20] =	vst v1  }
0x2d0: {  	v1 =	vld [tilespmem:s1+$0xFFFFFF20];
	_ =	sdelay $0x2  }
0x2d1: {  	v2 =	vmul.f32 $8.000000000e+00, v2;
	v3 =	vmul.f32 $8.000000000e+00, v3;
	_ =	sdelay $0x1  }
0x2d2: {  	v3 =	vadd.f32 v3, v1;
	v1 =	vadd.f32 v2, v1  }
0x2d3: {  	v2 =	vld [tilespmem:s0+$0xFFFFFE40]  }
0x2d4: {  	[tilespmem:s0+$0xFFFFCC30] =	vst v3;
	v3 =	vld [tilespmem:s0+$0xFFFFCC40]  }
0x2d5: {  	[tilespmem:s0+$0xFFFFFE30] =	vst v1  }
0x2d6: {  	v1 =	vld [tilespmem:s1+$0xFFFFFF30];
	_ =	sdelay $0x2  }
0x2d7: {  	v2 =	vmul.f32 $8.000000000e+00, v2;
	v3 =	vmul.f32 $8.000000000e+00, v3;
	_ =	sdelay $0x1  }
0x2d8: {  	v3 =	vadd.f32 v3, v1;
	v1 =	vadd.f32 v2, v1  }
0x2d9: {  	v2 =	vld [tilespmem:s0+$0xFFFFFE50]  }
0x2da: {  	[tilespmem:s0+$0xFFFFCC40] =	vst v3;
	v3 =	vld [tilespmem:s0+$0xFFFFCC50]  }
0x2db: {  	[tilespmem:s0+$0xFFFFFE40] =	vst v1  }
0x2dc: {  	v1 =	vld [tilespmem:s1+$0xFFFFFF40];
	_ =	sdelay $0x2  }
0x2dd: {  	v2 =	vmul.f32 $8.000000000e+00, v2;
	v3 =	vmul.f32 $8.000000000e+00, v3;
	_ =	sdelay $0x1  }
0x2de: {  	v3 =	vadd.f32 v3, v1;
	v1 =	vadd.f32 v2, v1  }
0x2df: {  	v2 =	vld [tilespmem:s0+$0xFFFFFE60]  }
0x2e0: {  	[tilespmem:s0+$0xFFFFCC50] =	vst v3;
	v3 =	vld [tilespmem:s0+$0xFFFFCC60]  }
0x2e1: {  	[tilespmem:s0+$0xFFFFFE50] =	vst v1  }
0x2e2: {  	v1 =	vld [tilespmem:s1+$0xFFFFFF50];
	_ =	sdelay $0x2  }
0x2e3: {  	v2 =	vmul.f32 $8.000000000e+00, v2;
	v3 =	vmul.f32 $8.000000000e+00, v3;
	_ =	sdelay $0x1  }
0x2e4: {  	v3 =	vadd.f32 v3, v1;
	v1 =	vadd.f32 v2, v1  }
0x2e5: {  	v2 =	vld [tilespmem:s0+$0xFFFFFE70]  }
0x2e6: {  	[tilespmem:s0+$0xFFFFCC60] =	vst v3;
	v3 =	vld [tilespmem:s0+$0xFFFFCC70]  }
0x2e7: {  	[tilespmem:s0+$0xFFFFFE60] =	vst v1  }
0x2e8: {  	v1 =	vld [tilespmem:s1+$0xFFFFFF60];
	_ =	sdelay $0x2  }
0x2e9: {  	v2 =	vmul.f32 $8.000000000e+00, v2;
	v3 =	vmul.f32 $8.000000000e+00, v3;
	_ =	sdelay $0x1  }
0x2ea: {  	v3 =	vadd.f32 v3, v1;
	v1 =	vadd.f32 v2, v1  }
0x2eb: {  	v2 =	vld [tilespmem:s0+$0xFFFFFE80]  }
0x2ec: {  	[tilespmem:s0+$0xFFFFCC70] =	vst v3;
	v3 =	vld [tilespmem:s0+$0xFFFFCC80]  }
0x2ed: {  	[tilespmem:s0+$0xFFFFFE70] =	vst v1  }
0x2ee: {  	v1 =	vld [tilespmem:s1+$0xFFFFFF70];
	_ =	sdelay $0x2  }
0x2ef: {  	v2 =	vmul.f32 $8.000000000e+00, v2;
	v3 =	vmul.f32 $8.000000000e+00, v3;
	_ =	sdelay $0x1  }
0x2f0: {  	v3 =	vadd.f32 v3, v1;
	v1 =	vadd.f32 v2, v1  }
0x2f1: {  	v2 =	vld [tilespmem:s0+$0xFFFFFE90]  }
0x2f2: {  	[tilespmem:s0+$0xFFFFCC80] =	vst v3;
	v3 =	vld [tilespmem:s0+$0xFFFFCC90]  }
0x2f3: {  	[tilespmem:s0+$0xFFFFFE80] =	vst v1  }
0x2f4: {  	v1 =	vld [tilespmem:s1+$0xFFFFFF80];
	_ =	sdelay $0x2  }
0x2f5: {  	v2 =	vmul.f32 $8.000000000e+00, v2;
	v3 =	vmul.f32 $8.000000000e+00, v3;
	_ =	sdelay $0x1  }
0x2f6: {  	v3 =	vadd.f32 v3, v1;
	v1 =	vadd.f32 v2, v1  }
0x2f7: {  	v2 =	vld [tilespmem:s0+$0xFFFFFEA0]  }
0x2f8: {  	[tilespmem:s0+$0xFFFFCC90] =	vst v3;
	v3 =	vld [tilespmem:s0+$0xFFFFCCA0]  }
0x2f9: {  	[tilespmem:s0+$0xFFFFFE90] =	vst v1  }
0x2fa: {  	v1 =	vld [tilespmem:s1+$0xFFFFFF90];
	_ =	sdelay $0x2  }
0x2fb: {  	v2 =	vmul.f32 $8.000000000e+00, v2;
	v3 =	vmul.f32 $8.000000000e+00, v3;
	_ =	sdelay $0x1  }
0x2fc: {  	v3 =	vadd.f32 v3, v1;
	v1 =	vadd.f32 v2, v1  }
0x2fd: {  	v2 =	vld [tilespmem:s0+$0xFFFFFEB0]  }
0x2fe: {  	[tilespmem:s0+$0xFFFFCCA0] =	vst v3;
	v3 =	vld [tilespmem:s0+$0xFFFFCCB0]  }
0x2ff: {  	[tilespmem:s0+$0xFFFFFEA0] =	vst v1  }
0x300: {  	v1 =	vld [tilespmem:s1+$0xFFFFFFA0];
	_ =	sdelay $0x2  }
0x301: {  	v2 =	vmul.f32 $8.000000000e+00, v2;
	v3 =	vmul.f32 $8.000000000e+00, v3;
	_ =	sdelay $0x1  }
0x302: {  	v3 =	vadd.f32 v3, v1;
	v1 =	vadd.f32 v2, v1  }
0x303: {  	v2 =	vld [tilespmem:s0+$0xFFFFFEC0]  }
0x304: {  	[tilespmem:s0+$0xFFFFCCB0] =	vst v3;
	v3 =	vld [tilespmem:s0+$0xFFFFCCC0]  }
0x305: {  	[tilespmem:s0+$0xFFFFFEB0] =	vst v1  }
0x306: {  	v1 =	vld [tilespmem:s1+$0xFFFFFFB0];
	_ =	sdelay $0x2  }
0x307: {  	v2 =	vmul.f32 $8.000000000e+00, v2;
	v3 =	vmul.f32 $8.000000000e+00, v3;
	_ =	sdelay $0x1  }
0x308: {  	v3 =	vadd.f32 v3, v1;
	v1 =	vadd.f32 v2, v1  }
0x309: {  	v2 =	vld [tilespmem:s0+$0xFFFFFED0]  }
0x30a: {  	[tilespmem:s0+$0xFFFFCCC0] =	vst v3;
	v3 =	vld [tilespmem:s0+$0xFFFFCCD0]  }
0x30b: {  	[tilespmem:s0+$0xFFFFFEC0] =	vst v1  }
0x30c: {  	v1 =	vld [tilespmem:s1+$0xFFFFFFC0];
	_ =	sdelay $0x2  }
0x30d: {  	v2 =	vmul.f32 $8.000000000e+00, v2;
	v3 =	vmul.f32 $8.000000000e+00, v3;
	_ =	sdelay $0x1  }
0x30e: {  	v3 =	vadd.f32 v3, v1;
	v1 =	vadd.f32 v2, v1  }
0x30f: {  	v2 =	vld [tilespmem:s0+$0xFFFFFEE0]  }
0x310: {  	[tilespmem:s0+$0xFFFFCCD0] =	vst v3;
	v3 =	vld [tilespmem:s0+$0xFFFFCCE0]  }
0x311: {  	[tilespmem:s0+$0xFFFFFED0] =	vst v1  }
0x312: {  	v1 =	vld [tilespmem:s1+$0xFFFFFFD0];
	_ =	sdelay $0x2  }
0x313: {  	v2 =	vmul.f32 $8.000000000e+00, v2;
	v3 =	vmul.f32 $8.000000000e+00, v3;
	_ =	sdelay $0x1  }
0x314: {  	v3 =	vadd.f32 v3, v1;
	v1 =	vadd.f32 v2, v1  }
0x315: {  	v2 =	vld [tilespmem:s0+$0xFFFFFEF0]  }
0x316: {  	[tilespmem:s0+$0xFFFFCCE0] =	vst v3;
	v3 =	vld [tilespmem:s0+$0xFFFFCCF0]  }
0x317: {  	[tilespmem:s0+$0xFFFFFEE0] =	vst v1  }
0x318: {  	v1 =	vld [tilespmem:s1+$0xFFFFFFE0];
	_ =	sdelay $0x2  }
0x319: {  	v2 =	vmul.f32 $8.000000000e+00, v2;
	v3 =	vmul.f32 $8.000000000e+00, v3;
	_ =	sdelay $0x1  }
0x31a: {  	v3 =	vadd.f32 v3, v1;
	v1 =	vadd.f32 v2, v1  }
0x31b: {  	v2 =	vld [tilespmem:s0+$0xFFFFFF00]  }
0x31c: {  	[tilespmem:s0+$0xFFFFCCF0] =	vst v3;
	v3 =	vld [tilespmem:s0+$0xFFFFCD00]  }
0x31d: {  	[tilespmem:s0+$0xFFFFFEF0] =	vst v1  }
0x31e: {  	v1 =	vld [tilespmem:s1+$0xFFFFFFF0];
	_ =	sdelay $0x2  }
0x31f: {  	v2 =	vmul.f32 $8.000000000e+00, v2;
	v3 =	vmul.f32 $8.000000000e+00, v3;
	_ =	sdelay $0x1  }
0x320: {  	v3 =	vadd.f32 v3, v1;
	v1 =	vadd.f32 v2, v1  }
0x321: {  	v2 =	vld [tilespmem:s0+$0xFFFFFF10]  }
0x322: {  	[tilespmem:s0+$0xFFFFCD00] =	vst v3;
	v3 =	vld [tilespmem:s0+$0xFFFFCD10]  }
0x323: {  	[tilespmem:s0+$0xFFFFFF00] =	vst v1  }
0x324: {  	v1 =	vld [tilespmem:s1+$0x0];
	_ =	sdelay $0x2  }
0x325: {  	v2 =	vmul.f32 $8.000000000e+00, v2;
	v3 =	vmul.f32 $8.000000000e+00, v3;
	_ =	sdelay $0x1  }
0x326: {  	v3 =	vadd.f32 v3, v1;
	v1 =	vadd.f32 v2, v1  }
0x327: {  	v2 =	vld [tilespmem:s0+$0xFFFFFF20]  }
0x328: {  	[tilespmem:s0+$0xFFFFCD10] =	vst v3;
	v3 =	vld [tilespmem:s0+$0xFFFFCD20]  }
0x329: {  	[tilespmem:s0+$0xFFFFFF10] =	vst v1  }
0x32a: {  	v1 =	vld [tilespmem:s1+$0x10];
	_ =	sdelay $0x2  }
0x32b: {  	v2 =	vmul.f32 $8.000000000e+00, v2;
	v3 =	vmul.f32 $8.000000000e+00, v3;
	_ =	sdelay $0x1  }
0x32c: {  	v3 =	vadd.f32 v3, v1;
	v1 =	vadd.f32 v2, v1  }
0x32d: {  	v2 =	vld [tilespmem:s0+$0xFFFFFF30]  }
0x32e: {  	[tilespmem:s0+$0xFFFFCD20] =	vst v3;
	v3 =	vld [tilespmem:s0+$0xFFFFCD30]  }
0x32f: {  	[tilespmem:s0+$0xFFFFFF20] =	vst v1  }
0x330: {  	v1 =	vld [tilespmem:s1+$0x20];
	_ =	sdelay $0x2  }
0x331: {  	v2 =	vmul.f32 $8.000000000e+00, v2;
	v3 =	vmul.f32 $8.000000000e+00, v3;
	_ =	sdelay $0x1  }
0x332: {  	v3 =	vadd.f32 v3, v1;
	v1 =	vadd.f32 v2, v1  }
0x333: {  	v2 =	vld [tilespmem:s0+$0xFFFFFF40]  }
0x334: {  	[tilespmem:s0+$0xFFFFCD30] =	vst v3;
	v3 =	vld [tilespmem:s0+$0xFFFFCD40]  }
0x335: {  	[tilespmem:s0+$0xFFFFFF30] =	vst v1  }
0x336: {  	v1 =	vld [tilespmem:s1+$0x30];
	_ =	sdelay $0x2  }
0x337: {  	v2 =	vmul.f32 $8.000000000e+00, v2;
	v3 =	vmul.f32 $8.000000000e+00, v3;
	_ =	sdelay $0x1  }
0x338: {  	v3 =	vadd.f32 v3, v1;
	v1 =	vadd.f32 v2, v1  }
0x339: {  	v2 =	vld [tilespmem:s0+$0xFFFFFF50]  }
0x33a: {  	[tilespmem:s0+$0xFFFFCD40] =	vst v3;
	v3 =	vld [tilespmem:s0+$0xFFFFCD50]  }
0x33b: {  	[tilespmem:s0+$0xFFFFFF40] =	vst v1  }
0x33c: {  	v1 =	vld [tilespmem:s1+$0x40];
	_ =	sdelay $0x2  }
0x33d: {  	v2 =	vmul.f32 $8.000000000e+00, v2;
	v3 =	vmul.f32 $8.000000000e+00, v3;
	_ =	sdelay $0x1  }
0x33e: {  	v3 =	vadd.f32 v3, v1;
	v1 =	vadd.f32 v2, v1  }
0x33f: {  	v2 =	vld [tilespmem:s0+$0xFFFFFF60]  }
0x340: {  	[tilespmem:s0+$0xFFFFCD50] =	vst v3;
	v3 =	vld [tilespmem:s0+$0xFFFFCD60]  }
0x341: {  	[tilespmem:s0+$0xFFFFFF50] =	vst v1  }
0x342: {  	v1 =	vld [tilespmem:s1+$0x50];
	_ =	sdelay $0x2  }
0x343: {  	v2 =	vmul.f32 $8.000000000e+00, v2;
	v3 =	vmul.f32 $8.000000000e+00, v3;
	_ =	sdelay $0x1  }
0x344: {  	v3 =	vadd.f32 v3, v1;
	v1 =	vadd.f32 v2, v1  }
0x345: {  	v2 =	vld [tilespmem:s0+$0xFFFFFF70]  }
0x346: {  	[tilespmem:s0+$0xFFFFCD60] =	vst v3;
	v3 =	vld [tilespmem:s0+$0xFFFFCD70]  }
0x347: {  	[tilespmem:s0+$0xFFFFFF60] =	vst v1  }
0x348: {  	v1 =	vld [tilespmem:s1+$0x60];
	_ =	sdelay $0x2  }
0x349: {  	v2 =	vmul.f32 $8.000000000e+00, v2;
	v3 =	vmul.f32 $8.000000000e+00, v3;
	_ =	sdelay $0x1  }
0x34a: {  	v3 =	vadd.f32 v3, v1;
	v1 =	vadd.f32 v2, v1  }
0x34b: {  	v2 =	vld [tilespmem:s0+$0xFFFFFF80]  }
0x34c: {  	[tilespmem:s0+$0xFFFFCD70] =	vst v3;
	v3 =	vld [tilespmem:s0+$0xFFFFCD80]  }
0x34d: {  	[tilespmem:s0+$0xFFFFFF70] =	vst v1  }
0x34e: {  	v1 =	vld [tilespmem:s1+$0x70];
	_ =	sdelay $0x2  }
0x34f: {  	v2 =	vmul.f32 $8.000000000e+00, v2;
	v3 =	vmul.f32 $8.000000000e+00, v3;
	_ =	sdelay $0x1  }
0x350: {  	v3 =	vadd.f32 v3, v1;
	v1 =	vadd.f32 v2, v1  }
0x351: {  	v2 =	vld [tilespmem:s0+$0xFFFFFF90]  }
0x352: {  	[tilespmem:s0+$0xFFFFCD80] =	vst v3;
	v3 =	vld [tilespmem:s0+$0xFFFFCD90]  }
0x353: {  	[tilespmem:s0+$0xFFFFFF80] =	vst v1  }
0x354: {  	v1 =	vld [tilespmem:s1+$0x80];
	_ =	sdelay $0x2  }
0x355: {  	v2 =	vmul.f32 $8.000000000e+00, v2;
	v3 =	vmul.f32 $8.000000000e+00, v3;
	_ =	sdelay $0x1  }
0x356: {  	v3 =	vadd.f32 v3, v1;
	v1 =	vadd.f32 v2, v1  }
0x357: {  	v2 =	vld [tilespmem:s0+$0xFFFFFFA0]  }
0x358: {  	[tilespmem:s0+$0xFFFFCD90] =	vst v3;
	v3 =	vld [tilespmem:s0+$0xFFFFCDA0]  }
0x359: {  	[tilespmem:s0+$0xFFFFFF90] =	vst v1  }
0x35a: {  	v1 =	vld [tilespmem:s1+$0x90];
	_ =	sdelay $0x2  }
0x35b: {  	v2 =	vmul.f32 $8.000000000e+00, v2;
	v3 =	vmul.f32 $8.000000000e+00, v3;
	_ =	sdelay $0x1  }
0x35c: {  	v3 =	vadd.f32 v3, v1;
	v1 =	vadd.f32 v2, v1  }
0x35d: {  	v2 =	vld [tilespmem:s0+$0xFFFFFFB0]  }
0x35e: {  	[tilespmem:s0+$0xFFFFCDA0] =	vst v3;
	v3 =	vld [tilespmem:s0+$0xFFFFCDB0]  }
0x35f: {  	[tilespmem:s0+$0xFFFFFFA0] =	vst v1  }
0x360: {  	v1 =	vld [tilespmem:s1+$0xA0];
	_ =	sdelay $0x2  }
0x361: {  	v2 =	vmul.f32 $8.000000000e+00, v2;
	v3 =	vmul.f32 $8.000000000e+00, v3;
	_ =	sdelay $0x1  }
0x362: {  	v3 =	vadd.f32 v3, v1;
	v1 =	vadd.f32 v2, v1  }
0x363: {  	v2 =	vld [tilespmem:s0+$0xFFFFFFC0]  }
0x364: {  	[tilespmem:s0+$0xFFFFCDB0] =	vst v3;
	v3 =	vld [tilespmem:s0+$0xFFFFCDC0]  }
0x365: {  	[tilespmem:s0+$0xFFFFFFB0] =	vst v1  }
0x366: {  	v1 =	vld [tilespmem:s1+$0xB0];
	_ =	sdelay $0x2  }
0x367: {  	v2 =	vmul.f32 $8.000000000e+00, v2;
	v3 =	vmul.f32 $8.000000000e+00, v3;
	_ =	sdelay $0x1  }
0x368: {  	v3 =	vadd.f32 v3, v1;
	v1 =	vadd.f32 v2, v1  }
0x369: {  	v4 =	vld [tilespmem:s0+$0xFFFFCDD0]  }
.Ltmp1:
0x36a: {  	[tilespmem:s0+$0xFFFFCDC0] =	vst v3;
	v2 =	vld [tilespmem:s0+$0xFFFFFFD0];
	(pc) =	sbr.rel @p0 .LBB2_5-.Ltmp1, $3  }
0x36b: {  	[tilespmem:s0+$0xFFFFFFC0] =	vst v1  }
0x36c: {  	v1 =	vld [tilespmem:s1+$0xC0];
	_ =	sdelay $0x1  }
0x36d: {  	v3 =	vmul.f32 $8.000000000e+00, v4  }
0x36e: {  	_ = 	snop  }
0x36f: {  	v2 =	vmul.f32 $8.000000000e+00, v2  }
0x370: {  	v3 =	vadd.f32 v3, v1  }
0x371: {  	v58 =	vadd.f32 v2, v1  }
0x372: {  	v59 =	vld [tilespmem:s10+$0xFFFFCDE0];
	[tilespmem:s10+$0xFFFFCDD0] =	vst v3  }
0x373: {  	v60 =	vld [tilespmem:s10+$0xFFFFFFE0];
	[tilespmem:s10+$0xFFFFFFD0] =	vst v58  }
0x374: {  	v1 =	vld [tilespmem:s14+$0xD0];
	_ =	sdelay $0x2  }
0x375: {  	v2 =	vmul.f32 $8.000000000e+00, v59  }
0x376: {  	v3 =	vmul.f32 $8.000000000e+00, v60  }
0x377: {  	v2 =	vadd.f32 v2, v1  }
0x378: {  	v1 =	vadd.f32 v3, v1  }
0x379: {  	v61 =	vld [tilespmem:s10+$0xFFFFCDF0];
	[tilespmem:s10+$0xFFFFCDE0] =	vst v2  }
0x37a: {  	[tilespmem:s10+$0xFFFFFFE0] =	vst v1  }
0x37b: {  	v1 =	vld [tilespmem:s14+$0xE0];
	_ =	sdelay $0x2  }
0x37c: {  	v2 =	vmul.f32 $8.000000000e+00, v61  }
0x37d: {  	v0 =	vmul.f32 $8.000000000e+00, v0  }
0x37e: {  	v2 =	vadd.f32 v2, v1  }
0x37f: {  	v0 =	vadd.f32 v0, v1  }
0x380: {  	v62 =	vld [tilespmem:s10+$0xFFFFCE00];
	[tilespmem:s10+$0xFFFFCDF0] =	vst v2  }
0x381: {  	v63 =	vld [tilespmem:s10+$0x0];
	[tilespmem:s10+$0xFFFFFFF0] =	vst v0  }
0x382: {  	v0 =	vld [tilespmem:s14+$0xF0];
	_ =	sdelay $0x2  }
0x383: {  	v1 =	vmul.f32 $8.000000000e+00, v62  }
0x384: {  	v2 =	vmul.f32 $8.000000000e+00, v63  }
0x385: {  	s0 =	sadd.s32 s3, s31;
	v1 =	vadd.f32 v1, v0  }
0x386: {  	s0 =	smul.u32 $0x640, s0;
	v0 =	vadd.f32 v2, v0  }
0x387: {  	[tilespmem:s10+$0xFFFFCE00] =	vst v1  }
0x388: {  	s0 =	sadd.s32 s2, s0;
	[tilespmem:s10+$0x0] =	vst v0  }
0x389: {  	[hbm4b:s0+s4] =	stream.linear.scatter [tilespmem:s19], [sflag:$0x4], $0x6400, $0x38;
	[tilespmem:$0x15E00] =	vst v63  }
0x38a: {  	p0 =	seq.s32 s29, $0x1F;
	_ =	swait.ge [sflag:s25], $0x6400  }
0x38b: {  	s1 =	simm.s32 @!p0 $0x80;
	[sflag:s25] =	ssyncset.done $0x0  }
0x38c: {  	s10 =	simm.s32 @!p0 $0x9600;
	s0 =	sadd.s32 @!p0 $0x320, s30;
	[sflag:s25] =	ssyncadd.s32 $0xFFFF9C00  }
0x38d: {  	[tilespmem:s10], [sflag:$0x1] =	stream.indirect.gather @!p0 [hbm4b:s6+s1], $0x40, s0, s1, $0xb8;
	[tilespmem:$0x15E00] =	vst v63  }
0x38e: {  	s14 =	simm.s32 @!p0 $0xB600;
	s0 =	sadd.s32 @!p0 $0x3A0, s30;
	s10 =	simm.s32 @!p0 $0x48  }
0x38f: {  	[tilespmem:s14], [sflag:$0x1] =	stream.indirect.gather @!p0 [hbm4b:s6+s10], $0x40, s0, s10, $0xb8;
	[tilespmem:$0x15E00] =	vst v63  }
0x390: {  	s29 =	sadd.s32 @!p0 $0x1, s29;
	s0 =	sadd.s32 @!p0 $0x3E8, s30;
	s14 =	simm.s32 @!p0 $0xC800  }
0x391: {  	[tilespmem:s14], [sflag:$0x1] =	stream.indirect.gather @!p0 [hbm4b:s6+s1], $0x40, s0, s1, $0xb8;
	[tilespmem:$0x15E00] =	vst v63  }
0x392: {  	p1 =	sne.s32 @!p0 s29, $0x20;
	s0 =	sadd.s32 @!p0 $0x468, s30;
	s1 =	simm.s32 @!p0 $0xE800  }
0x393: {  	[tilespmem:s1], [sflag:$0x1] =	stream.indirect.gather @!p0 [hbm4b:s6+s10], $0x40, s0, s10, $0xb8;
	[tilespmem:$0x15E00] =	vst v63  }
0x394: {  	p0 =	por p0, !p1  }
.Ltmp2:
0x395: {  	_ = 	snop;
	(pc) =	sbr.rel @!p0 .LBB2_2-.Ltmp2, $1  }
0x396: {  	_ =	sdelay $0x3  }
0x397: {  	s28 =	sadd.s32 $0x1, s28  }
0x398: {  	p0 =	sne.s32 s28, s8  }
.Ltmp3:
0x399: {  	_ = 	snop;
	(pc) =	sbr.rel @p0 .LBB2_1-.Ltmp3, $4  }
0x39a: {  	_ = 	snop  }
0x39b: {  	_ =	swait.ge [sflag:s26], $0x6400  }
0x39c: {  	[sflag:s26] =	ssyncset.done $0x0  }
0x39d: {  	[sflag:s26] =	ssyncadd.s32 $0xFFFF9C00  }
0x39e: {  	_ =	sfence.sel $0x180000  }
0x39f: {  	[bflag:$0x0] =	sbarrier.arrive $0xFFFF  }
0x3a0: {  	_ =	strace $0x90000047  }
0x3a1: {  	s0 =	stileid.u32;
	[bflag:$0x2] =	sbarrier.arrive $0xFFFF  }
0x3a2: {  	p0 =	sne.s32 s0, $0x0;
	s0 =	rddreg [dreg:$0x2]  }
0x3a3: {  	s0 =	sadd.s32 @!p0 $0x100000, s0  }
0x3a4: {  	[sflag:s0] =	ssyncadd.tile.s32 @!p0 $0x1;
	_ =	shalt  }
.Lfunc_end2:
_tile_overlayer_lowered:
.L_overlay_start_2:
0x3a5: {  	(tag) =	ssettag $0x2  }
0x3a6: {  	s0 =	rddreg [dreg:$0x0];
	s2 =	stileid.u32  }
0x3a7: {  	s1 =	rddreg [dreg:$0x1];
	p0 =	sne.s32 s2, $0x0  }
0x3a8: {  	s3 =	rddreg [dreg:$0x2];
	[bflag:$0x3] =	sbarrier.arrive $0xFFFF;
	s2 =	simm.s32 @!p0 $0x1C05  }
0x3a9: {  	[timem:s3], [sflag:s2] =	dma.local @!p0 [hbm:s0], s1  }
0x3aa: {  	s0 =	simm.s32 @!p0 $0x5  }
0x3ab: {  	_ =	swait.ge @!p0 [sflag:s0], s1  }
0x3ac: {  	s1 =	ssub.s32 @!p0 $0x0, s1;
	[sflag:s0] =	ssyncset.done @!p0 $0x0  }
0x3ad: {  	[sflag:s0] =	ssyncadd.s32 @!p0 s1  }
0x3ae: {  	[bflag:$0x3] =	sbarrier.arrive $0xFFFF  }
0x3af: {  	_ =	shalt  }

// kernel: sparse-core-data-format-call.cloned.1.call-start
scs
called_computation_lowered:
.L_overlay_start_0:
0x0: {  	s2 =	sld [smem:$0x3FD9]  }
0x1: {  	s3 =	sld [smem:$0x3FFE];
	_ =	sdelay $0x1  }
0x2: {  	s1 =	srdreg.scid  }
0x3: {  	s0 =	sand.u32 $0x1, s1  }
0x4: {  	s18 =	sshll.u32 s0, $0xA;
	s2 =	sadd.s32 s3, s2  }
0x5: {  	s2 =	sadd.s32 s2, s18  }
0x6: {  	[smem:$0x3FC6] =	sst s2  }
0x7: {  	_ = 	snop  }
0x8: {  	s2 =	sld [smem:$0x3FD0];
	(tm) =	ssettm $0x1  }
0x9: {  	s19 =	sld [smem:$0x3FFB];
	_ =	sdelay $0x3  }
0xa: {  	_ =	strace s19  }
0xb: {  	s3 =	sld [smem:$0x3FFC];
	_ =	sdelay $0x3  }
0xc: {  	_ =	strace s3  }
0xd: {  	s3 =	sld [smem:$0x3FFD];
	_ =	sdelay $0x3  }
0xe: {  	_ =	strace s3  }
0xf: {  	_ =	strace $0x8FFFFFFF  }
0x10: {  	s20 =	sld [smem:$0x3FDB];
	_ =	sdelay $0x1  }
0x11: {  	s4 =	simm.s32 $_scs_section_size  }
0x12: {  	s5 =	simm.s32 $_size__tile_overlayer_lowered;
	s6 =	simm.s32 $_tile_overlayer_lowered  }
0x13: {  	s23 =	simm.s32 $0x1BFF;
	s22 =	sshll.u32 s6, $0x1;
	s3 =	sadd.s32 s4, s20  }
0x14: {  	s7 =	simm.s32 $0x0;
	s21 =	sshll.u32 s5, $0x1;
	s5 =	sadd.s32 s22, s3  }
0x15: {  	[timem:s7], [sflag:s23] =	dma.local [hbm:s5], s21  }
0x16: {  	_ =	swait.ge [sflag:s23], s21  }
0x17: {  	s4 =	ssub.s32 $0x0, s21;
	[sflag:s23] =	ssyncset.done $0x0  }
0x18: {  	[sflag:s23] =	ssyncadd.s32 s4;
	_ =	sdelay $0x1  }
0x19: {  	s24 =	simm.s32 $0x1B8B  }
0x1a: {  	_ =	swait.ge [sflag:s24], $0x1  }
0x1b: {  	[sflag:s24] =	ssyncset.done $0x0  }
0x1c: {  	s26 =	simm.s32 $0x1B8E;
	s25 =	sld [smem:$0x3FFE];
	[sflag:s24] =	ssyncadd.s32 $0xFFFFFFFF  }
0x1d: {  	s27 =	simm.s32 $execute0_lowered;
	[smem:$0x3FD2] =	sst s26  }
0x1e: {  	s5 =	sshll.u32 s27, $0x1;
	_ =	strace $0x80000049;
	[dreg:$0x1] =	wrdreg $0xFFFFFFFF  }
0x1f: {  	s28 =	simm.s32 $_size_execute0_lowered;
	s3 =	sadd.s32 s3, s5;
	[dreg:$0x0] =	wrdreg $0x0  }
0x20: {  	s5 =	sshll.u32 s28, $0x1;
	[dreg:$0x2] =	wrdreg s3  }
0x21: {  	[dreg:$0x3] =	wrdreg s5  }
0x22: {  	[dreg:$0x4] =	wrdreg $0xC0  }
0x23: {  	_ =	task [dreg:s7], $0x5FFFF  }
0x24: {  	[dreg:$0x1] =	wrdreg $0xFFFFFFFF  }
0x25: {  	[dreg:$0x0] =	wrdreg $0x60  }
0x26: {  	[dreg:$0x2] =	wrdreg s25  }
0x27: {  	[dreg:$0x3] =	wrdreg s2  }
0x28: {  	[dreg:$0x4] =	wrdreg $0x9  }
0x29: {  	_ =	task.clear_ibuf [dreg:s7], $0x5FFFF;
	_ =	strace $0x90000049  }
0x2a: {  	s29 =	simm.s32 $0x9;
	_ =	strace $0x8000004B  }
0x2b: {  	_ =	swait.ge [sflag:s29], $0x1  }
0x2c: {  	[sflag:s29] =	ssyncadd.s32 $0xFFFFFFFF  }
0x2d: {  	_ =	strace $0x9000004B  }
0x2e: {  	_ =	sfence  }
0x2f: {  	s30 =	sld [smem:$0x0];
	_ =	sdelay $0x2  }
0x30: {  	s31 =	sshll.u32 s1, $0xD;
	s1 =	sshrl.u32 s1, $0x2  }
0x31: {  	s3 =	sand.u32 $0x4000, s31;
	s1 =	sadd.s32 s1, s30  }
0x32: {  	s0 =	sor.u32 s3, s0;
	s1 =	sshll.u32 s1, $0x11  }
0x33: {  	s0 =	sor.u32 s1, s0  }
0x34: {  	s0 =	sadd.s32 $0x8F2B, s0  }
0x35: {  	[sflag:s0] =	ssyncadd.remote.s32 $0x1  }
0x36: {  	_ =	sfence.sel $0xFFFF  }
0x37: {  	[dreg:$0x0] =	wrdreg $0xFFFFFFFF;
	(pc) =	sbr.abs _section_cstart, $3  }
0x38: {  	[dreg:$0x1] =	wrdreg $0xFFFFFFFF  }
0x39: {  	_ =	task.clear_ibuf [dreg:s7], $0x2FFFF;
	_ =	strace $0x9FFFFFFF  }
0x3a: {  	(tm) =	ssettm $0x7FFFFFFF  }
0x3b: {  	_ =	shalt  }
tec
execute0_lowered:
.L_overlay_start_1:
0x0: {  	(tag) =	ssettag $0x1  }
0x1: {  	s0 =	srdreg.scid  }
0x2: {  	s1 =	sshll.u32 s0, $0x4  }
0x3: {  	s0 =	stileid.u32;
	s1 =	sand.u32 $0x10, s1  }
0x4: {  	s1 =	sor.u32 s0, s1  }
0x5: {  	s6 =	rddreg [dreg:$0x0];
	s4 =	simm.s32 $0x1;
	s2 =	sshll.u32 s1, $0x7  }
0x6: {  	s7 =	simm.s32 $0x2;
	s12 =	simm.s32 $0x0;
	s1 =	ssub.s32 $0x1000, s2  }
0x7: {  	s8 =	simm.s32 $0x8000;
	s13 =	simm.s32 $0x0;
	s3 =	sand.u32 $0xF80, s1  }
0x8: {  	s9 =	simm.s32 $0x0;
	s5 =	sshrl.u32 s1, $0xC;
	p0 =	sne.s32 s3, $0x0  }
.Ltmp0:
0x9: {  	s1 =	rddreg [dreg:$0x2];
	s4 =	simm.s32 @!p0 $0x0;
	(pc) =	sbr.rel .LBB1_1-.Ltmp0, $4  }
0xa: {  	s11 =	simm.s32 $0x0;
	s3 =	rddreg [dreg:$0x1];
	s5 =	sadd.s32 s4, s5  }
0xb: {  	_ =	strace $0x8000004A;
	s4 =	simm.s32 $0x1;
	s5 =	smul.u32 $0xC8, s5  }
0xc: {  	s6 =	sadd.s32 $0xC00, s6;
	s10 =	smov.u32 s2;
	[sflag:s4] =	ssyncpa.u1 $0x0  }
0xd: {  	p0 =	por $0x0, $0x0;
	[sflag:s7] =	ssyncpa.u1 $0x0;
	s7 =	sor.u32 $0x1, s5  }
.LBB1_4:
0xe: {  	s16 =	sshll.u32 s13, $0x3;
	s17 =	sand.u32 $0x78, s13  }
0xf: {  	s30 =	sand.u32 $0x7E00, s13;
	s12 =	sshll.u32 s12, $0xF;
	s16 =	sand.u32 $0xC00, s16  }
0x10: {  	[tilespmem:s15+$0x810 ss:$0x81] =	vst.msk $0xffff, v2;
	s31 =	sand.u32 $0x7, s13;
	s16 =	sor.u32 s17, s16;
	s17 =	sadd.s32 s3, s30  }
0x11: {  	[tilespmem:s15+$0x1020 ss:$0x81] =	vst.msk $0xffff, v0;
	s13 =	sshll.u32 s31, $0x12;
	s12 =	sadd.s32 s12, s17;
	s16 =	sshrl.u32 s16, $0x3  }
0x12: {  	[tilespmem:s15+$0x0 ss:$0x81] =	vst.msk $0xffff, v1;
	s13 =	sor.u32 $0x400, s13;
	s12 =	sadd.s32 s16, s12  }
0x13: {  	[hbm4b:s12+s13] =	stream.strided.scatter [tilespmem:s14], [sflag:$0x2], $0x2000, s8, s13, $0x20;
	[tilespmem:$0x8080] =	vst v63  }
.LBB1_5:
0x14: {  	s14 =	sadd.s32 $0x1, s9  }
0x15: {  	s12 =	sadd.s32 $0x1000, s10;
	s16 =	smov.u32 s10;
	p2 =	sgt.s32 s14, $0xC7  }
0x16: {  	s16 =	smov.u32 @p2 s12  }
0x17: {  	s14 =	simm.s32 @p2 $0x0;
	p2 =	sgt.s32 s16, $0xFFF  }
0x18: {  	s16 =	smov.u32 @p2 s2;
	p2 =	sne.s32 s11, s7  }
.Ltmp1:
0x19: {  	p1 =	slt.u32 s11, $0x2;
	(pc) =	sbr.rel @!p2 .LBB1_6-.Ltmp1, $4  }
0x1a: {  	s15 =	simm.s32 @!p1 $0x2  }
0x1b: {  	s13 =	smov.u32 s10;
	p0 =	por !p0, !p0;
	_ =	swait.ge @!p1 [sflag:s15], $0x2000  }
0x1c: {  	s12 =	smov.u32 s9;
	[sflag:s15] =	ssyncset.done @!p1 $0x0;
	s9 =	smov.u32 s14  }
0x1d: {  	s11 =	sadd.s32 $0x1, s11;
	[sflag:s15] =	ssyncadd.s32 @!p1 $0xFFFFE000;
	s10 =	smov.u32 s16  }
.LBB1_1:
0x1e: {  	p1 =	sge.u32 s11, s5  }
0x1f: {  	s14 =	sand.u32 @!p1 $0x1FFFFFF, s9  }
0x20: {  	s15 =	smulhi.u32 @!p1 $0x147AE15, s14;
	_ =	sdelay $0x1  }
0x21: {  	s15 =	smul.u32 @!p1 $0xC8, s15  }
0x22: {  	s16 =	sxor.u32 @!p1 $0xFFFFFFFF, s11;
	s17 =	smul.u32 @!p1 $0xC80, s10  }
0x23: {  	s31 =	sadd.s32 $0xFFFFFFFF, s11;
	s16 =	sshll.u32 @!p1 s16, $0xD;
	s14 =	ssub.s32 @!p1 s14, s15  }
0x24: {  	s15 =	sand.u32 @!p1 $0x2000, s16;
	s16 =	sadd.s32 @!p1 s6, s17;
	s14 =	sshll.u32 @!p1 s14, $0x4  }
0x25: {  	s17 =	simm.s32 @!p1 $0x6400;
	s14 =	sadd.s32 @!p1 s14, s16;
	s16 =	simm.s32 @!p1 $0x40  }
0x26: {  	[tilespmem:s15], [sflag:$0x1] =	stream.strided.gather @!p1 [hbm4b:s14+s16], $0x2000, s17, s16, $0x38;
	[tilespmem:$0x8080] =	vst v63  }
0x27: {  	p1 =	sge.u32 s31, s5  }
.Ltmp2:
0x28: {  	_ = 	snop;
	(pc) =	sbr.rel @p1 .LBB1_5-.Ltmp2, $1  }
0x29: {  	_ =	sdelay $0x3  }
0x2a: {  	s14 =	simm.s32 $0x1  }
0x2b: {  	_ =	swait.ge [sflag:s4], $0x2000;
	s14 =	simm.s32 @!p0 $0x0  }
0x2c: {  	[sflag:s4] =	ssyncset.done $0x0;
	s15 =	sshll.u32 s14, $0xD  }
0x2d: {  	[sflag:s4] =	ssyncadd.s32 $0xFFFFE000;
	s18 =	sor.u32 $0x20, s15  }
0x2e: {  	s14 =	smul.u32 $0x8100, s14;
	v3 =	vld [tilespmem:s18+$0x10]  }
0x2f: {  	s30 =	sand.u32 $0x1, s11;
	v2 =	vld [tilespmem:s18+$0xFFFFFFF0]  }
0x30: {  	s15 =	smul.u32 $0x8100, s30;
	s14 =	sshrl.u32 s14, $0x2;
	v0 =	vld [tilespmem:s18+$0x0]  }
0x31: {  	v1 =	vld [tilespmem:s18+$0xFFFFFFE0];
	s16 =	sor.u32 $0x4000, s14  }
0x32: {  	s31 =	sshrl.u32 s15, $0x2;
	s15 =	sadd.s32 $0x0, s16  }
0x33: {  	s17 =	simm.s32 $0x4;
	s18 =	sadd.s32 $0x40, s18;
	s14 =	sor.u32 $0x4000, s31;
	[tilespmem:s15+$0x1830 ss:$0x81] =	vst.msk $0xffff, v3  }
.LBB1_3:
0x34: {  	v3 =	vld [tilespmem:s18+$0x10];
	p1 =	sne.s32 s17, $0x1FC;
	[tilespmem:s15+$0x810 ss:$0x81] =	vst.msk $0xffff, v2;
	s19 =	smov.u32 s17;
	s17 =	sadd.s32 $0x4, s17  }
.Ltmp3:
0x35: {  	v2 =	vld [tilespmem:s18+$0xFFFFFFF0];
	[tilespmem:s15+$0x1020 ss:$0x81] =	vst.msk $0xffff, v0;
	(pc) =	sbr.rel @p1 .LBB1_3-.Ltmp3, $4  }
0x36: {  	v0 =	vld [tilespmem:s18+$0x0];
	[tilespmem:s15+$0x0 ss:$0x81] =	vst.msk $0xffff, v1  }
0x37: {  	s15 =	sshra.s32 s19, $0x2;
	v1 =	vld [tilespmem:s18+$0xFFFFFFE0]  }
0x38: {  	s15 =	sadd.s32 s15, s16  }
0x39: {  	s18 =	sadd.s32 $0x40, s18;
	[tilespmem:s15+$0x1830 ss:$0x81] =	vst.msk $0xffff, v3  }
.Ltmp4:
0x3a: {  	_ = 	snop;
	(pc) =	sbr.rel .LBB1_4-.Ltmp4, $1  }
0x3b: {  	_ =	sdelay $0x3  }
.LBB1_6:
0x3c: {  	_ =	sfence.sel $0x180000  }
0x3d: {  	s2 =	simm.s32 $0x1;
	[bflag:$0x0] =	sbarrier.arrive $0xFFFF  }
0x3e: {  	s31 =	simm.s32 $0x2;
	[sflag:s2] =	ssyncpa.u1 $0x1  }
0x3f: {  	[sflag:s31] =	ssyncpa.u1 $0x1  }
0x40: {  	p0 =	sne.s32 s0, $0x0;
	_ =	strace $0x9000004A  }
0x41: {  	s0 =	sadd.s32 @!p0 $0x100000, s1;
	[bflag:$0x2] =	sbarrier.arrive $0xFFFF  }
0x42: {  	[sflag:s0] =	ssyncadd.tile.s32 @!p0 $0x1;
	_ =	shalt  }
.Lfunc_end1:
_tile_overlayer_lowered:
.L_overlay_start_2:
0x43: {  	(tag) =	ssettag $0x2  }
0x44: {  	s0 =	rddreg [dreg:$0x0];
	s2 =	stileid.u32  }
0x45: {  	s1 =	rddreg [dreg:$0x1];
	p0 =	sne.s32 s2, $0x0  }
0x46: {  	s3 =	rddreg [dreg:$0x2];
	[bflag:$0x3] =	sbarrier.arrive $0xFFFF;
	s2 =	simm.s32 @!p0 $0x1C01  }
0x47: {  	[timem:s3], [sflag:s2] =	dma.local @!p0 [hbm:s0], s1  }
0x48: {  	s0 =	simm.s32 @!p0 $0x1  }
0x49: {  	_ =	swait.ge @!p0 [sflag:s0], s1  }
0x4a: {  	s1 =	ssub.s32 @!p0 $0x0, s1;
	[sflag:s0] =	ssyncset.done @!p0 $0x0  }
0x4b: {  	[sflag:s0] =	ssyncadd.s32 @!p0 s1  }
0x4c: {  	[bflag:$0x3] =	sbarrier.arrive $0xFFFF  }
0x4d: {  	_ =	shalt  }

</sc_bundles>
